<compile_context>
chip_gen: v7x
topology: tpu7x:2x2x1
jax: 0.10.2.dev20260603
libtpu: 0.0.44.dev20260713+nightly
codegen_flags: <defaults>
</compile_context>

<pallas_src>
import functools
import math

import jax
import jax.numpy as jnp
import numpy as np
from jax.experimental import pallas as pl
from jax.experimental.pallas import tpu as pltpu

EPS = 1e-5
N_POINTS = 8192


def _rup(v, m):
    return ((v + m - 1) // m) * m



def _mm_kernel(x_ref, w_ref, b_ref, o_ref):
    o_ref[...] = jnp.dot(x_ref[...], w_ref[...],
                         preferred_element_type=jnp.float32) + b_ref[...]


def pmm(x, w, b=None, block_m=512):
    M, K = x.shape
    N = w.shape[1]
    if b is None:
        b = jnp.zeros((N,), jnp.float32)
    Kp, Np = _rup(K, 128), _rup(N, 128)
    if Kp != K:
        x = jnp.pad(x, ((0, 0), (0, Kp - K)))
        w = jnp.pad(w, ((0, Kp - K), (0, 0)))
    if Np != N:
        w = jnp.pad(w, ((0, 0), (0, Np - N)))
        b = jnp.pad(b, (0, Np - N))
    bm = min(block_m, _rup(M, 8))
    out = pl.pallas_call(
        _mm_kernel,
        grid=(pl.cdiv(M, bm),),
        in_specs=[
            pl.BlockSpec((bm, Kp), lambda i: (i, 0)),
            pl.BlockSpec((Kp, Np), lambda i: (0, 0)),
            pl.BlockSpec((1, Np), lambda i: (0, 0)),
        ],
        out_specs=pl.BlockSpec((bm, Np), lambda i: (i, 0)),
        out_shape=jax.ShapeDtypeStruct((M, Np), jnp.float32),
    )(x, w, b[None, :])
    return out[:, :N] if Np != N else out



def _mms_kernel(nrows, act, x_ref, s_ref, t_ref, w_ref, b_ref,
                o_ref, sum_ref, sq_ref):
    i = pl.program_id(0)
    bm = x_ref.shape[0]
    xb = x_ref[...]
    if act:
        xb = jax.nn.relu(xb * s_ref[...] + t_ref[...])
    y = jnp.dot(xb, w_ref[...], preferred_element_type=jnp.float32) + b_ref[...]
    o_ref[...] = y
    rowid = i * bm + jax.lax.broadcasted_iota(jnp.int32, y.shape, 0)
    ym = jnp.where(rowid < nrows, y, 0.0)
    s = jnp.sum(ym, axis=0, keepdims=True)
    q = jnp.sum(ym * ym, axis=0, keepdims=True)

    @pl.when(i == 0)
    def _():
        sum_ref[...] = s
        sq_ref[...] = q

    @pl.when(i > 0)
    def _():
        sum_ref[...] += s
        sq_ref[...] += q


def pmm_stats(x, w, b, prologue=None, block_m=512):
    M, K = x.shape
    N = w.shape[1]
    act = prologue is not None
    if act:
        s, t = prologue
    else:
        s = jnp.ones((K,), jnp.float32)
        t = jnp.zeros((K,), jnp.float32)
    Kp, Np = _rup(K, 128), _rup(N, 128)
    if Kp != K:
        x = jnp.pad(x, ((0, 0), (0, Kp - K)))
        w = jnp.pad(w, ((0, Kp - K), (0, 0)))
        s = jnp.pad(s, (0, Kp - K))
        t = jnp.pad(t, (0, Kp - K))
    if Np != N:
        w = jnp.pad(w, ((0, 0), (0, Np - N)))
        b = jnp.pad(b, (0, Np - N))
    bm = min(block_m, _rup(M, 8))
    out, cs, cq = pl.pallas_call(
        functools.partial(_mms_kernel, M, act),
        grid=(pl.cdiv(M, bm),),
        in_specs=[
            pl.BlockSpec((bm, Kp), lambda i: (i, 0)),
            pl.BlockSpec((1, Kp), lambda i: (0, 0)),
            pl.BlockSpec((1, Kp), lambda i: (0, 0)),
            pl.BlockSpec((Kp, Np), lambda i: (0, 0)),
            pl.BlockSpec((1, Np), lambda i: (0, 0)),
        ],
        out_specs=[
            pl.BlockSpec((bm, Np), lambda i: (i, 0)),
            pl.BlockSpec((1, Np), lambda i: (0, 0)),
            pl.BlockSpec((1, Np), lambda i: (0, 0)),
        ],
        out_shape=[
            jax.ShapeDtypeStruct((M, Np), jnp.float32),
            jax.ShapeDtypeStruct((1, Np), jnp.float32),
            jax.ShapeDtypeStruct((1, Np), jnp.float32),
        ],
    )(x, s[None, :], t[None, :], w, b[None, :])
    if Np != N:
        out, cs, cq = out[:, :N], cs[:, :N], cq[:, :N]
    return out, cs[0], cq[0]


def _bn_affine(cs, cq, M, g, be):
    mu = cs / M
    var = cq / M - mu * mu
    scale = g / jnp.sqrt(var + EPS)
    return scale, be - mu * scale


def mlp_resblock(p, x):
    M = x.shape[0]
    n = len(p['lins'])
    y, cs, cq = pmm_stats(x, p['lins'][0]['W'], p['lins'][0]['b'])
    aff = _bn_affine(cs, cq, M, p['bns'][0]['g'], p['bns'][0]['be'])
    for i in range(1, n):
        y, cs, cq = pmm_stats(y, p['lins'][i]['W'], p['lins'][i]['b'],
                              prologue=aff)
        aff = _bn_affine(cs, cq, M, p['bns'][i]['g'], p['bns'][i]['be'])
    d = p['down']
    yd, csd, cqd = pmm_stats(x, d['W'], d['b'])
    affd = _bn_affine(csd, cqd, M, d['g'], d['be'])
    return jax.nn.relu((y * aff[0] + aff[1]) + (yd * affd[0] + affd[1]))



def _build_conv1_onehot():
    m = np.zeros((432 * 100, 27), np.float32)
    for d0 in range(2):
        for d1 in range(2):
            for pi in range(5):
                for pj in range(5):
                    oi, oj = 2 * pi + d0, 2 * pj + d1
                    s = (d0 * 2 + d1) * 25 + pi * 5 + pj
                    for c in range(3):
                        for di in range(3):
                            for dj in range(3):
                                row = c * 144 + (oi + di) * 12 + (oj + dj)
                                m[row * 100 + s, (c * 3 + di) * 3 + dj] = 1.0
    return m


def _build_conv2_onehot():
    m = np.zeros((400 * 16, 64), np.float32)
    for e0 in range(2):
        for e1 in range(2):
            for qi in range(2):
                for qj in range(2):
                    ri, rj = 2 * qi + e0, 2 * qj + e1
                    s = (e0 * 2 + e1) * 4 + qi * 2 + qj
                    for c in range(16):
                        for di in range(2):
                            for dj in range(2):
                                row = ((ri + di) * 5 + (rj + dj)) * 16 + c
                                m[row * 16 + s, (c * 2 + di) * 2 + dj] = 1.0
    return m


_C1_ONEHOT = _build_conv1_onehot()
_C2_ONEHOT = _build_conv2_onehot()
_LIN_PERMMAT = np.zeros((128, 128), np.float32)
for _qi in range(2):
    for _qj in range(2):
        for _o in range(32):
            _LIN_PERMMAT[(_qi * 2 + _qj) * 32 + _o, _o * 4 + _qi * 2 + _qj] = 1.0


def texture_module(p, atlas):
    N = atlas.shape[0]
    w1 = (_C1_ONEHOT @ p['c1']['W'].transpose(1, 2, 3, 0).reshape(27, 16)
          ).reshape(432, 1600)
    b1 = jnp.tile(p['c1']['b'], 100)
    y1 = pmm(atlas, w1, b1)
    y1g = y1.reshape(N, 100, 16)
    mu = jnp.mean(y1g, axis=(0, 1))
    var = jnp.var(y1g, axis=(0, 1))
    s = p['bn1']['g'] / jnp.sqrt(var + EPS)
    t = p['bn1']['be'] - mu * s
    z1 = jax.nn.relu(y1g * s + t).reshape(N, 4, 400)
    z1 = jnp.max(z1, axis=1)

    w2 = (_C2_ONEHOT @ p['c2']['W'].transpose(1, 2, 3, 0).reshape(64, 32)
          ).reshape(400, 512)
    b2 = jnp.tile(p['c2']['b'], 16)
    y2 = pmm(z1, w2, b2)
    y2g = y2.reshape(N, 16, 32)
    mu2 = jnp.mean(y2g, axis=(0, 1))
    var2 = jnp.var(y2g, axis=(0, 1))
    s2 = p['bn2']['g'] / jnp.sqrt(var2 + EPS)
    t2 = p['bn2']['be'] - mu2 * s2
    z2 = jax.nn.relu(y2g * s2 + t2).reshape(N, 4, 128)
    z2 = jnp.max(z2, axis=1)

    wl = _LIN_PERMMAT @ p['lin']['W']
    return pmm(z2, wl, p['lin']['b'])



def sqdist(q, s):
    return (jnp.sum(q ** 2, 1)[:, None] + jnp.sum(s ** 2, 1)[None, :]
            - 2.0 * (q @ s.T))


def _topk_neg(D, k):
    return jax.lax.top_k(-D, k)


def knn_idx(pos_src, pos_q, k):
    _, col = _topk_neg(sqdist(pos_q, pos_src), k)
    return col


def _fps_kernel(n, n_sample, px_ref, py_ref, pz_ref, o_ref, dists_ref):
    R = px_ref.shape[0]
    rows = jax.lax.broadcasted_iota(jnp.int32, (R, 128), 0)
    cols = jax.lax.broadcasted_iota(jnp.int32, (R, 128), 1)
    flat = rows * 128 + cols
    valid = flat < n
    dists_ref[...] = jnp.where(valid, jnp.inf, -jnp.inf)
    o_ref[0] = jnp.int32(0)
    px, py, pz = px_ref[...], py_ref[...], pz_ref[...]

    def body(i, last):
        onehot = flat == last
        lx = jnp.max(jnp.where(onehot, px, -jnp.inf))
        ly = jnp.max(jnp.where(onehot, py, -jnp.inf))
        lz = jnp.max(jnp.where(onehot, pz, -jnp.inf))
        d = (px - lx) ** 2 + (py - ly) ** 2 + (pz - lz) ** 2
        nd = jnp.minimum(dists_ref[...], d)
        dists_ref[...] = nd
        m = jnp.max(nd)
        nxt = jnp.min(jnp.where(nd == m, flat, jnp.int32(2 ** 30)))
        o_ref[i] = nxt
        return nxt

    jax.lax.fori_loop(1, n_sample, body, jnp.int32(0))


def fps(pos, n_sample):
    N = pos.shape[0]
    Np = _rup(N, 1024)
    R = Np // 128
    nsp = _rup(n_sample, 128)
    posp = jnp.pad(pos, ((0, Np - N), (0, 0)))
    px = posp[:, 0].reshape(R, 128)
    py = posp[:, 1].reshape(R, 128)
    pz = posp[:, 2].reshape(R, 128)
    out = pl.pallas_call(
        functools.partial(_fps_kernel, N, n_sample),
        out_shape=jax.ShapeDtypeStruct((nsp,), jnp.int32),
        out_specs=pl.BlockSpec(memory_space=pltpu.SMEM),
        scratch_shapes=[pltpu.VMEM((R, 128), jnp.float32)],
    )(px, py, pz)
    return out[:n_sample]


def point_conv(mlp_p, x, pos_src, pos_q, col, k_eff):
    n_sample = pos_q.shape[0]
    src = col.reshape(-1)
    dst = jnp.repeat(jnp.arange(n_sample), k_eff)
    msg = jnp.concatenate([x[src], pos_src[src] - pos_q[dst]], axis=1)
    msg = mlp_resblock(mlp_p, msg)
    return jnp.max(msg.reshape(n_sample, k_eff, -1), axis=1)


def sa_msg_module(convs, x, pos, ratio, rlist, nsamplelist, key):
    n_sample = int(math.ceil(ratio * pos.shape[0]))
    idx = fps(pos, n_sample)
    pos_q = pos[idx]
    kmax = max(K * dil for K, dil in zip(nsamplelist, rlist))
    col_all = knn_idx(pos, pos_q, kmax)
    outs = []
    for i, dil in enumerate(rlist):
        K = nsamplelist[i]
        col = col_all[:, :K * dil]
        k_eff = K * dil
        if dil > 1:
            sel = jax.random.randint(jax.random.fold_in(key, i),
                                     (n_sample, K), 0, K * dil)
            col = jnp.take_along_axis(col, sel, axis=1)
            k_eff = K
        outs.append(point_conv(convs[i], x, pos, pos_q, col, k_eff))
    return jnp.concatenate(outs, axis=1), pos_q


def knn_interpolate(x, pos_src, pos_dst, k):
    k = min(k, pos_src.shape[0])
    d = sqdist(pos_dst, pos_src)
    neg_d, col = _topk_neg(d, k)
    w = 1.0 / jnp.maximum(-neg_d, 1e-16)
    return (jnp.sum(x[col] * w[:, :, None], axis=1)
            / jnp.sum(w, axis=1, keepdims=True))



def kernel(atlas, x, pos, batch, params):
    key = jax.random.key(42)
    tex = texture_module(params['tex'], atlas)
    x0 = jnp.concatenate([tex, x], axis=1)
    x1, pos1 = sa_msg_module(params['sa1'], x0, pos, 0.15, [3, 6], [16, 32],
                             jax.random.fold_in(key, 1))
    x2, pos2 = sa_msg_module(params['sa2'], x1, pos1, 0.15, [3, 6], [16, 32],
                             jax.random.fold_in(key, 2))
    x3 = mlp_resblock(params['sa3'], jnp.concatenate([x2, pos2], axis=1))
    x3 = jnp.max(x3, axis=0, keepdims=True)
    xf3 = jnp.broadcast_to(x3, (pos2.shape[0], x3.shape[1]))
    xf3 = mlp_resblock(params['fp3'], jnp.concatenate([xf3, x2], axis=1))
    xf2 = knn_interpolate(xf3, pos2, pos1, 3)
    xf2 = mlp_resblock(params['fp2'], jnp.concatenate([xf2, x1], axis=1))
    xf1 = knn_interpolate(xf2, pos1, pos, 3)
    xf1 = mlp_resblock(params['fp1'], jnp.concatenate([xf1, x0], axis=1))
    h = jax.nn.relu(pmm(xf1, params['lin1']['W'], params['lin1']['b']))
    h = pmm(h, params['lin2']['W'], params['lin2']['b'])
    h = pmm(h, params['lin3']['W'], params['lin3']['b'])
    return jax.nn.log_softmax(h, axis=-1)

# --- scband reference (transcript-rebuilt; emitter-appended) ---
"""Pipeline reference for scband-texure-point-net-20950850469947 (READ-ONLY COPY).

The authoritative reference and input builder live on the scoring server;
editing this copy changes nothing except your own understanding.
"""

import math
import jax, jax.numpy as jnp
import numpy as np

EPS = 1e-5
N_POINTS = 8192
NUM_CLASSES = 13

def make_lin(key, cin, cout):
    W = jax.random.normal(key, (cin, cout), jnp.float32) / np.float32(np.sqrt(cin))
    return {'W': W, 'b': jnp.zeros((cout,), jnp.float32)}

def make_conv(key, cin, cout, k):
    W = jax.random.normal(key, (cout, cin, k, k), jnp.float32) / np.float32(np.sqrt(cin * k * k))
    return {'W': W, 'b': jnp.zeros((cout,), jnp.float32)}

def make_mlp_resblock(key, channels):
    keys = jax.random.split(key, len(channels) + 1)
    lins, bns = [], []
    for i in range(1, len(channels)):
        lins.append(make_lin(keys[i], channels[i - 1], channels[i]))
        bns.append({'g': jnp.ones((channels[i],), jnp.float32), 'be': jnp.zeros((channels[i],), jnp.float32)})
    down = make_lin(keys[0], channels[0], channels[-1])
    down['g'] = jnp.ones((channels[-1],), jnp.float32)
    down['be'] = jnp.zeros((channels[-1],), jnp.float32)
    return {'lins': lins, 'bns': bns, 'down': down}

def bn1d(x, g, be):
    mu = jnp.mean(x, axis=0, keepdims=True)
    var = jnp.var(x, axis=0, keepdims=True)
    return (x - mu) / jnp.sqrt(var + EPS) * g + be

def mlp_resblock(p, x):
    identity = x
    n = len(p['lins'])
    for i in range(n):
        x = bn1d(x @ p['lins'][i]['W'] + p['lins'][i]['b'], p['bns'][i]['g'], p['bns'][i]['be'])
        if i < n - 1:
            x = jax.nn.relu(x)
    d = p['down']
    idn = bn1d(identity @ d['W'] + d['b'], d['g'], d['be'])
    return jax.nn.relu(x + idn)

def conv2d(x, W, b):
    out = jax.lax.conv_general_dilated(x, W, (1, 1), 'VALID', dimension_numbers=('NCHW', 'OIHW', 'NCHW'))
    return out + b[None, :, None, None]

def bn2d(x, g, be):
    mu = jnp.mean(x, axis=(0, 2, 3), keepdims=True)
    var = jnp.var(x, axis=(0, 2, 3), keepdims=True)
    return (x - mu) / jnp.sqrt(var + EPS) * g[None, :, None, None] + be[None, :, None, None]

def maxpool2(x):
    return jax.lax.reduce_window(x, -jnp.inf, jax.lax.max, (1, 1, 2, 2), (1, 1, 2, 2), 'VALID')

def texture_module(p, atlas):
    x = atlas.reshape(atlas.shape[0], 3, 12, 12)
    x = maxpool2(jax.nn.relu(bn2d(conv2d(x, p['c1']['W'], p['c1']['b']), p['bn1']['g'], p['bn1']['be'])))
    x = maxpool2(jax.nn.relu(bn2d(conv2d(x, p['c2']['W'], p['c2']['b']), p['bn2']['g'], p['bn2']['be'])))
    x = x.reshape(-1, 32 * 4)
    return x @ p['lin']['W'] + p['lin']['b']

def sqdist(q, s):
    return jnp.sum(q ** 2, 1)[:, None] + jnp.sum(s ** 2, 1)[None, :] - 2.0 * (q @ s.T)

def knn_idx(pos_src, pos_q, k):
    _, col = jax.lax.top_k(-sqdist(pos_q, pos_src), k)
    return col

def fps(pos, n_sample):
    N = pos.shape[0]
    def body(i, state):
        idx, dists = state
        last = idx[i - 1]
        d = jnp.sum((pos - pos[last]) ** 2, axis=1)
        dists = jnp.minimum(dists, d)
        idx = idx.at[i].set(jnp.argmax(dists).astype(jnp.int32))
        return idx, dists
    idx0 = jnp.zeros((n_sample,), jnp.int32)
    d0 = jnp.full((N,), jnp.inf, jnp.float32)
    idx, _ = jax.lax.fori_loop(1, n_sample, body, (idx0, d0))
    return idx

def point_conv(mlp_p, x, pos_src, pos_q, src, dst, M):
    msg = jnp.concatenate([x[src], pos_src[src] - pos_q[dst]], axis=1)
    msg = mlp_resblock(mlp_p, msg)
    return jax.ops.segment_max(msg, dst, num_segments=M)

def sa_msg_module(convs, x, pos, ratio, rlist, nsamplelist, key):
    n_sample = int(math.ceil(ratio * pos.shape[0]))
    idx = fps(pos, n_sample)
    pos_q = pos[idx]
    outs = []
    for i, dil in enumerate(rlist):
        K = nsamplelist[i]
        col = knn_idx(pos, pos_q, K * dil)
        k_eff = K * dil
        if dil > 1:
            sel = jax.random.randint(jax.random.fold_in(key, i), (n_sample, K), 0, K * dil)
            col = jnp.take_along_axis(col, sel, axis=1)
            k_eff = K
        src = col.reshape(-1)
        dst = jnp.repeat(jnp.arange(n_sample), k_eff)
        outs.append(point_conv(convs[i], x, pos, pos_q, src, dst, n_sample))
    return jnp.concatenate(outs, axis=1), pos_q

def knn_interpolate(x, pos_src, pos_dst, k):
    k = min(k, pos_src.shape[0])
    d = sqdist(pos_dst, pos_src)
    neg_d, col = jax.lax.top_k(-d, k)
    w = 1.0 / jnp.maximum(-neg_d, 1e-16)
    return jnp.sum(x[col] * w[:, :, None], axis=1) / jnp.sum(w, axis=1, keepdims=True)

def forward(params, atlas, x_feat, pos):
    key = jax.random.key(42)
    tex = texture_module(params['tex'], atlas)
    x0 = jnp.concatenate([tex, x_feat], axis=1)
    x1, pos1 = sa_msg_module(params['sa1'], x0, pos, 0.15, [3, 6], [16, 32], jax.random.fold_in(key, 1))
    x2, pos2 = sa_msg_module(params['sa2'], x1, pos1, 0.15, [3, 6], [16, 32], jax.random.fold_in(key, 2))
    x3 = mlp_resblock(params['sa3'], jnp.concatenate([x2, pos2], axis=1))
    x3 = jnp.max(x3, axis=0, keepdims=True)
    pos3 = jnp.zeros((1, 3), jnp.float32)
    xf3 = knn_interpolate(x3, pos3, pos2, 1)
    xf3 = mlp_resblock(params['fp3'], jnp.concatenate([xf3, x2], axis=1))
    xf2 = knn_interpolate(xf3, pos2, pos1, 3)
    xf2 = mlp_resblock(params['fp2'], jnp.concatenate([xf2, x1], axis=1))
    xf1 = knn_interpolate(xf2, pos1, pos, 3)
    xf1 = mlp_resblock(params['fp1'], jnp.concatenate([xf1, x0], axis=1))
    h = jax.nn.relu(xf1 @ params['lin1']['W'] + params['lin1']['b'])
    h = h @ params['lin2']['W'] + params['lin2']['b']
    h = h @ params['lin3']['W'] + params['lin3']['b']
    return jax.nn.log_softmax(h, axis=-1)

def init_params(key):
    ks = jax.random.split(key, 16)
    tex = {'c1': make_conv(ks[0], 3, 16, 3), 'bn1': {'g': jnp.ones((16,), jnp.float32), 'be': jnp.zeros((16,), jnp.float32)},
           'c2': make_conv(ks[1], 16, 32, 2), 'bn2': {'g': jnp.ones((32,), jnp.float32), 'be': jnp.zeros((32,), jnp.float32)},
           'lin': make_lin(ks[2], 128, 32)}
    return {'tex': tex,
            'sa1': [make_mlp_resblock(ks[3], [84, 64, 64]), make_mlp_resblock(ks[4], [84, 64, 64])],
            'sa2': [make_mlp_resblock(ks[5], [131, 256, 256]), make_mlp_resblock(ks[6], [131, 256, 256])],
            'sa3': make_mlp_resblock(ks[7], [515, 1024, 1024]),
            'fp3': make_mlp_resblock(ks[8], [1536, 512, 512]),
            'fp2': make_mlp_resblock(ks[9], [640, 256, 256]),
            'fp1': make_mlp_resblock(ks[10], [337, 128, 128]),
            'lin1': make_lin(ks[11], 128, 128),
            'lin2': make_lin(ks[12], 128, 128),
            'lin3': make_lin(ks[13], 128, NUM_CLASSES)}

def setup_inputs(seed: int = 0):
    key = jax.random.key(seed)
    k1, k2, k3, k4 = jax.random.split(key, 4)
    atlas = jax.random.normal(k1, (N_POINTS, 432), jnp.float32)
    x = jax.random.normal(k2, (N_POINTS, 49), jnp.float32)
    pos = jax.random.uniform(k3, (N_POINTS, 3), jnp.float32)
    batch = jnp.zeros((N_POINTS,), jnp.int32)
    params = init_params(k4)
    return {'atlas': atlas, 'x': x, 'pos': pos, 'batch': batch, 'params': params}

def reference(atlas, x, pos, batch, params):
    return forward(params, atlas, x, pos)

if __name__ == "__main__":
    import jax
    _d = setup_inputs()
    print(jax.jit(kernel)(*tuple(_d.values())))

</pallas_src>

<mosaic_0001>
module attributes {stable_mosaic.version = 14 : i64} {
  func.func @_mm_kernel(%arg0: i32, %arg1: memref<512x128xf32, #tpu.memory_space<vmem>>, %arg2: memref<128x128xf32, #tpu.memory_space<vmem>>, %arg3: memref<1x128xf32, #tpu.memory_space<vmem>>, %arg4: memref<512x128xf32, #tpu.memory_space<vmem>>) attributes {dimension_semantics = [#tpu.dimension_semantics<arbitrary>], iteration_bounds = array<i64: 16>, scalar_prefetch = 0 : i64, scratch_operands = 0 : i64, tpu.core_type = #tpu.core_type<tc>, window_params = [{transform_indices = @transform_0, window_bounds = array<i64: 512, 128>}, {pipeline_mode = #tpu.pipeline_mode<synchronous>, transform_indices = @transform_1, window_bounds = array<i64: 128, 128>}, {pipeline_mode = #tpu.pipeline_mode<synchronous>, transform_indices = @transform_2, window_bounds = array<i64: 1, 128>}, {transform_indices = @transform_3, window_bounds = array<i64: 512, 128>}]} {
    %get3A = arith.constant 0 : index
    %get3A_0 = arith.constant 0 : index
    %get3A_1 = vector.load %arg1[%get3A, %get3A_0] : memref<512x128xf32, #tpu.memory_space<vmem>>, vector<512x128xf32>
    %get3A_2 = arith.constant 0 : index
    %get3A_3 = arith.constant 0 : index
    %get3A_4 = vector.load %arg2[%get3A_2, %get3A_3] : memref<128x128xf32, #tpu.memory_space<vmem>>, vector<128x128xf32>
    %dot_general3A = arith.constant dense<0.000000e+00> : vector<512x128xf32>
    %dot_general3A_5 = tpu.matmul %get3A_1, %get3A_4, %dot_general3A {dimension_numbers = #tpu.dot_dimension_numbers<[1], [0], [0], [1], [0, 0, 1, 1], [], []>, transpose_lhs_hint = false} : vector<512x128xf32>, vector<128x128xf32>, vector<512x128xf32> -> vector<512x128xf32>
    %get3A_6 = arith.constant 0 : index
    %get3A_7 = arith.constant 0 : index
    %get3A_8 = vector.load %arg3[%get3A_6, %get3A_7] : memref<1x128xf32, #tpu.memory_space<vmem>>, vector<1x128xf32>
    %add3A = vector.broadcast %get3A_8 : vector<1x128xf32> to vector<512x128xf32>
    %add3A_9 = arith.addf %dot_general3A_5, %add3A : vector<512x128xf32>
    %swap3A = arith.constant 0 : index
    %swap3A_10 = arith.constant 0 : index
    %swap3A_11 = vector.load %arg4[%swap3A, %swap3A_10] : memref<512x128xf32, #tpu.memory_space<vmem>>, vector<512x128xf32>
    tpu.vector_store %arg4[%swap3A, %swap3A_10], %add3A_9 {strides = array<i32>} : memref<512x128xf32, #tpu.memory_space<vmem>>, vector<512x128xf32>,
    return
  }
  func.func @transform_0(%arg0: i32) -> (i32, i32) {
    %c0_i32 = arith.constant 0 : i32
    %c0_i32_0 = arith.constant 0 : i32
    return %arg0, %c0_i32 : i32, i32
  }
  func.func @transform_1(%arg0: i32) -> (i32, i32) {
    %c0_i32 = arith.constant 0 : i32
    %c0_i32_0 = arith.constant 0 : i32
    %c0_i32_1 = arith.constant 0 : i32
    return %c0_i32, %c0_i32_0 : i32, i32
  }
  func.func @transform_2(%arg0: i32) -> (i32, i32) {
    %c0_i32 = arith.constant 0 : i32
    %c0_i32_0 = arith.constant 0 : i32
    %c0_i32_1 = arith.constant 0 : i32
    return %c0_i32, %c0_i32_0 : i32, i32
  }
  func.func @transform_3(%arg0: i32) -> (i32, i32) {
    %c0_i32 = arith.constant 0 : i32
    %c0_i32_0 = arith.constant 0 : i32
    return %arg0, %c0_i32 : i32, i32
  }
}

</mosaic_0001>

<sc_bundles>
// kernel: gather_offload_async_start.1
scs
__scs_entry_jumppad:
0x0: {  	(pc) =	sbr.rel $0x88, $3  }
0x1: {  	(tag) =	ssettag $0x0;
	lr =	simm.s32 $0x1  }
0x2: {  	[smem:$0x3F2E] =	sst lr;
	_ =	strace $0xD0000000  }
0x3: {  	_ = 	snop  }
0x4: {  	_ = 	snop  }
0x5: {  	_ = 	snop  }
0x6: {  	_ = 	snop  }
0x7: {  	_ = 	snop  }
__scs_overlays_trampoline_lowered:
0x8: {  	[smem:$0x3F3D] =	sst s0  }
0x9: {  	[smem:$0x3F3E] =	sst s1  }
0xa: {  	[smem:$0x3F3F] =	sst s2  }
0xb: {  	[smem:$0x3F40] =	sst s3  }
0xc: {  	[smem:$0x3F41] =	sst s4  }
0xd: {  	[smem:$0x3F42] =	sst s5  }
0xe: {  	[smem:$0x3F43] =	sst s6  }
0xf: {  	[smem:$0x3F44] =	sst s7  }
0x10: {  	[smem:$0x3F45] =	sst s8  }
0x11: {  	[smem:$0x3F46] =	sst s9;
	s0 =	simm.s32 @!p0 $0x0  }
0x12: {  	s1 =	sld [smem:$0x3F2C];
	s0 =	simm.s32 @p0 $0x1  }
0x13: {  	[smem:$0x3F47] =	sst s0;
	s0 =	simm.s32 @!p1 $0x0  }
0x14: {  	s2 =	sld [smem:$0x3F2B];
	s0 =	simm.s32 @p1 $0x1  }
0x15: {  	[smem:$0x3F48] =	sst s0;
	s0 =	simm.s32 @!p2 $0x0  }
0x16: {  	s3 =	sld [smem:$0x3FDB];
	s0 =	simm.s32 @p2 $0x1  }
0x17: {  	s4 =	simm.s32 $0x1BF5;
	[smem:$0x3F4A] =	sst s0  }
0x18: {  	s0 =	sld [smem:$0x3F2D];
	_ =	swait.ge [sflag:s4], $0x0  }
0x19: {  	s7 =	sld [smem:$0x3F2E]  }
0x1a: {  	s8 =	sadd.s32 $0xFFFFE003, lr  }
0x1b: {  	s9 =	sadd.s32 $0xFFFFFEF7, lr;
	s5 =	simm.s32 $0xFFFFFFFF;
	p2 =	slt.u32 s8, $0xFFFFF086  }
0x1c: {  	p1 =	slt.u32 s9, $0xF7A;
	s5 =	simm.s32 @!p2 $0x0  }
0x1d: {  	s5 =	simm.s32 @p1 $0x1;
	p0 =	seq.s32 s7, s2  }
0x1e: {  	s7 =	smul.u32 @!p0 $0xF7A, s2;
	p2 =	seq.s32 @!p0 s5, $0x0  }
0x1f: {  	s9 =	smul.u32 $0xF7A, s1;
	s8 =	simm.s32 @!p0 $0x1BF5;
	p2 =	por !p2, p0  }
0x20: {  	[sflag:s8] =	ssyncset.s32 @!p0 $0xFFFFF086;
	s6 =	sadd.s32 @!p0 s3, s7;
	s7 =	simm.s32 @!p0 $0x108  }
0x21: {  	s3 =	sadd.s32 s3, s9;
	s6 =	sadd.s32 @!p0 $0x88, s6;
	s7 =	simm.s32 @p2 $0x1082  }
0x22: {  	[simem:s7], [sflag:s8] =	dma.local @!p0 [hbm:s6], $0xF7A  }
0x23: {  	s9 =	sor.u32 $0xD0000000, s2;
	s6 =	simm.s32 $0x108;
	_ =	swait.ge @!p0 [sflag:s8], $0x0  }
0x24: {  	s3 =	sadd.s32 $0x88, s3;
	s6 =	simm.s32 @!p1 $0x1082;
	[sflag:s4] =	ssyncset.s32 $0xFFFFF086  }
0x25: {  	[simem:s6], [sflag:s4] =	dma.local [hbm:s3], $0xF7A  }
0x26: {  	[smem:$0x3F2E] =	sst s1;
	(tag) =	ssettag s2;
	_ =	strace s9  }
0x27: {  	s1 =	sld [smem:$0x3F3E]  }
0x28: {  	s2 =	sld [smem:$0x3F3F]  }
0x29: {  	s4 =	sld [smem:$0x3F41]  }
0x2a: {  	p0 =	seq.s32 s5, $0x0;
	s5 =	sld [smem:$0x3F42]  }
0x2b: {  	s6 =	sld [smem:$0x3F43]  }
0x2c: {  	s7 =	sld [smem:$0x3F44]  }
0x2d: {  	s3 =	simm.s32 $0x108;
	s8 =	sld [smem:$0x3F45]  }
0x2e: {  	s3 =	simm.s32 @!p0 $0x1082;
	s9 =	sld [smem:$0x3F46]  }
0x2f: {  	lr =	sadd.s32 s0, s3;
	s0 =	sld [smem:$0x3F3D]  }
0x30: {  	s3 =	sld [smem:$0x3F40]  }
0x31: {  	[smem:$0x3F49] =	sst s10  }
0x32: {  	s10 =	sld [smem:$0x3F47];
	_ =	sdelay $0x3  }
0x33: {  	p0 =	seq.s32 s10, $0x1;
	s10 =	sld [smem:$0x3F49];
	_ =	sdelay $0x3  }
0x34: {  	[smem:$0x3F49] =	sst s10  }
0x35: {  	s10 =	sld [smem:$0x3F48];
	_ =	sdelay $0x3  }
0x36: {  	p1 =	seq.s32 s10, $0x1;
	s10 =	sld [smem:$0x3F49];
	_ =	sdelay $0x3  }
0x37: {  	[smem:$0x3F49] =	sst s10  }
0x38: {  	s10 =	sld [smem:$0x3F4A]  }
0x39: {  	_ = 	snop;
	(pc) =	sbr.ind lr, $3  }
0x3a: {  	_ = 	snop  }
0x3b: {  	_ = 	snop  }
0x3c: {  	p2 =	seq.s32 s10, $0x1;
	s10 =	sld [smem:$0x3F49]  }
0x3d: {  	_ =	shalt  }
0x3e: {  	_ =	shalt  }
0x3f: {  	_ =	shalt  }
0x40: {  	_ =	shalt  }
0x41: {  	_ =	shalt  }
0x42: {  	_ =	shalt  }
0x43: {  	_ =	shalt  }
0x44: {  	_ =	shalt  }
0x45: {  	_ =	shalt  }
0x46: {  	_ =	shalt  }
0x47: {  	_ =	shalt  }
0x48: {  	_ =	shalt  }
0x49: {  	_ =	shalt  }
0x4a: {  	_ =	shalt  }
0x4b: {  	_ =	shalt  }
0x4c: {  	_ =	shalt  }
0x4d: {  	_ =	shalt  }
0x4e: {  	_ =	shalt  }
0x4f: {  	_ =	shalt  }
0x50: {  	_ =	shalt  }
0x51: {  	_ =	shalt  }
0x52: {  	_ =	shalt  }
0x53: {  	_ =	shalt  }
0x54: {  	_ =	shalt  }
0x55: {  	_ =	shalt  }
0x56: {  	_ =	shalt  }
0x57: {  	_ =	shalt  }
0x58: {  	_ =	shalt  }
0x59: {  	_ =	shalt  }
0x5a: {  	_ =	shalt  }
0x5b: {  	_ =	shalt  }
0x5c: {  	_ =	shalt  }
0x5d: {  	_ =	shalt  }
0x5e: {  	_ =	shalt  }
0x5f: {  	_ =	shalt  }
0x60: {  	_ =	shalt  }
0x61: {  	_ =	shalt  }
0x62: {  	_ =	shalt  }
0x63: {  	_ =	shalt  }
0x64: {  	_ =	shalt  }
0x65: {  	_ =	shalt  }
0x66: {  	_ =	shalt  }
0x67: {  	_ =	shalt  }
0x68: {  	_ =	shalt  }
0x69: {  	_ =	shalt  }
0x6a: {  	_ =	shalt  }
0x6b: {  	_ =	shalt  }
0x6c: {  	_ =	shalt  }
0x6d: {  	_ =	shalt  }
0x6e: {  	_ =	shalt  }
0x6f: {  	_ =	shalt  }
0x70: {  	_ =	shalt  }
0x71: {  	_ =	shalt  }
0x72: {  	_ =	shalt  }
0x73: {  	_ =	shalt  }
0x74: {  	_ =	shalt  }
0x75: {  	_ =	shalt  }
0x76: {  	_ =	shalt  }
0x77: {  	_ =	shalt  }
0x78: {  	_ =	shalt  }
0x79: {  	_ =	shalt  }
0x7a: {  	_ =	shalt  }
0x7b: {  	_ =	shalt  }
0x7c: {  	_ =	shalt  }
0x7d: {  	_ =	shalt  }
0x7e: {  	_ =	shalt  }
0x7f: {  	_ =	shalt  }
0x80: {  	_ =	shalt  }
0x81: {  	_ =	shalt  }
0x82: {  	_ =	shalt  }
0x83: {  	_ =	shalt  }
0x84: {  	_ =	shalt  }
0x85: {  	_ =	shalt  }
0x86: {  	_ =	shalt  }
0x87: {  	_ =	shalt  }
.Lfunc_end0:
.L_simem_size_0:
called_computation.5_lowered:
.L_overlay_start_0:
0x88: {  	s2 =	sld [smem:$0x3FD9]  }
0x89: {  	s3 =	sld [smem:$0x3FFE];
	_ =	sdelay $0x1  }
0x8a: {  	s1 =	srdreg.scid  }
0x8b: {  	s0 =	sand.u32 $0x1, s1  }
0x8c: {  	s16 =	sshll.u32 s0, $0xA;
	s2 =	sadd.s32 s3, s2  }
0x8d: {  	s2 =	sadd.s32 s2, s16  }
0x8e: {  	[smem:$0x3F55] =	sst s2  }
0x8f: {  	_ = 	snop  }
0x90: {  	(tm) =	ssettm $0x1  }
0x91: {  	s17 =	sld [smem:$0x3FFB];
	_ =	sdelay $0x3  }
0x92: {  	_ =	strace s17  }
0x93: {  	s2 =	sld [smem:$0x3FFC];
	_ =	sdelay $0x3  }
0x94: {  	_ =	strace s2  }
0x95: {  	s2 =	sld [smem:$0x3FFD];
	_ =	sdelay $0x3  }
0x96: {  	_ =	strace s2  }
0x97: {  	_ =	strace $0x8FFFFFFF  }
0x98: {  	s18 =	sld [smem:$0x3FDB];
	_ =	sdelay $0x1  }
0x99: {  	s19 =	simm.s32 $_scs_section_size  }
0x9a: {  	s4 =	simm.s32 $_size__tile_overlayer_lowered;
	s5 =	simm.s32 $_tile_overlayer_lowered  }
0x9b: {  	s22 =	simm.s32 $0x1BFF;
	s21 =	sshll.u32 s5, $0x1;
	s2 =	sadd.s32 s19, s18  }
0x9c: {  	s6 =	simm.s32 $0x0;
	s20 =	sshll.u32 s4, $0x1;
	s4 =	sadd.s32 s21, s2  }
0x9d: {  	[timem:s6], [sflag:s22] =	dma.local [hbm:s4], s20  }
0x9e: {  	_ =	swait.ge [sflag:s22], s20  }
0x9f: {  	s3 =	ssub.s32 $0x0, s20;
	[sflag:s22] =	ssyncset.done $0x0  }
0xa0: {  	[sflag:s22] =	ssyncadd.s32 s3;
	_ =	sdelay $0x1  }
0xa1: {  	s23 =	simm.s32 $0x1B8B  }
0xa2: {  	_ =	swait.ge [sflag:s23], $0x1  }
0xa3: {  	[sflag:s23] =	ssyncset.done $0x0  }
0xa4: {  	s25 =	simm.s32 $0x1B8E;
	s24 =	sld [smem:$0x3FFE];
	[sflag:s23] =	ssyncadd.s32 $0xFFFFFFFF  }
0xa5: {  	s26 =	simm.s32 $execute0_lowered;
	[smem:$0x3FD2] =	sst s25  }
0xa6: {  	s4 =	sshll.u32 s26, $0x1;
	_ =	strace $0x80000049;
	[dreg:$0x1] =	wrdreg $0xFFFFFFFF  }
0xa7: {  	s28 =	simm.s32 $_size_execute0_lowered;
	s2 =	sadd.s32 s2, s4;
	[dreg:$0x0] =	wrdreg $0x0  }
0xa8: {  	s4 =	sshll.u32 s28, $0x1;
	[dreg:$0x2] =	wrdreg s2  }
0xa9: {  	[dreg:$0x3] =	wrdreg s4  }
0xaa: {  	[dreg:$0x4] =	wrdreg $0xC0  }
0xab: {  	_ =	task [dreg:s6], $0x5FFFF  }
0xac: {  	[dreg:$0x1] =	wrdreg $0xFFFFFFFF  }
0xad: {  	[dreg:$0x0] =	wrdreg $0x60  }
0xae: {  	[dreg:$0x2] =	wrdreg s24  }
0xaf: {  	[dreg:$0x3] =	wrdreg $0xC  }
0xb0: {  	_ =	task.clear_ibuf [dreg:s6], $0x4FFFF;
	_ =	strace $0x90000049  }
0xb1: {  	s29 =	simm.s32 $0xC;
	_ =	strace $0x8000004B  }
0xb2: {  	_ =	swait.ge [sflag:s29], $0x1  }
0xb3: {  	[sflag:s29] =	ssyncadd.s32 $0xFFFFFFFF  }
0xb4: {  	_ =	strace $0x9000004B  }
0xb5: {  	_ =	sfence  }
0xb6: {  	s30 =	sld [smem:$0x0];
	_ =	sdelay $0x2  }
0xb7: {  	s31 =	sshll.u32 s1, $0xD;
	s1 =	sshrl.u32 s1, $0x2  }
0xb8: {  	s3 =	sand.u32 $0x4000, s31;
	s1 =	sadd.s32 s1, s30  }
0xb9: {  	s0 =	sor.u32 s3, s0;
	s1 =	sshll.u32 s1, $0x11  }
0xba: {  	s0 =	sor.u32 s1, s0  }
0xbb: {  	s0 =	sadd.s32 $0x8F2B, s0  }
0xbc: {  	[sflag:s0] =	ssyncadd.remote.s32 $0x1  }
0xbd: {  	_ =	sfence.sel $0xFFFF  }
0xbe: {  	[dreg:$0x0] =	wrdreg $0xFFFFFFFF;
	(pc) =	sbr.abs _section_cstart, $3  }
0xbf: {  	[dreg:$0x1] =	wrdreg $0xFFFFFFFF  }
0xc0: {  	_ =	task.clear_ibuf [dreg:s6], $0x2FFFF;
	_ =	strace $0x9FFFFFFF  }
0xc1: {  	(tm) =	ssettm $0x7FFFFFFF  }
tec
execute0_lowered:
.L_overlay_start_1:
0x0: {  	(tag) =	ssettag $0x1  }
0x1: {  	s1 =	srdreg.scid;
	s0 =	stileid.u32  }
0x2: {  	s6 =	rddreg [dreg:$0x0];
	s7 =	simm.s32 $0x1;
	s1 =	sshll.u32 s1, $0x4  }
0x3: {  	s30 =	simm.s32 $0x2;
	s2 =	sshll.u32 s0, $0x5;
	s3 =	sand.u32 $0x10, s1  }
0x4: {  	s31 =	simm.s32 $0x3;
	s11 =	simm.s32 $0x0;
	s2 =	sor.u32 s2, s3  }
0x5: {  	s9 =	simm.s32 $0x0;
	s4 =	sadd.s32 $0x80600, s6;
	s5 =	ssub.s32 $0x99A0, s2  }
0x6: {  	s1 =	rddreg [dreg:$0x1];
	_ =	strace $0x8000004A;
	s8 =	sand.u32 $0x1F0, s5  }
0x7: {  	s3 =	sadd.s32 $0x26E00, s6;
	[sflag:s7] =	ssyncpa.u1 $0x0;
	p0 =	sne.s32 s8, $0x0  }
0x8: {  	s6 =	sadd.s32 $0x22000, s6;
	s5 =	sshrl.u32 s5, $0x9;
	s7 =	simm.s32 @!p0 $0x0  }
0x9: {  	[sflag:s30] =	ssyncpa.u1 $0x0;
	s10 =	smov.u32 s2;
	s5 =	sadd.s32 s7, s5  }
0xa: {  	[sflag:s31] =	ssyncpa.u1 $0x0;
	s8 =	simm.s32 $0x0;
	s7 =	sadd.s32 $0x1, s5  }
.LBB2_1:
0xb: {  	p0 =	sge.u32 s9, s5  }
0xc: {  	s31 =	sadd.s32 $0xFFFFFFFF, s9;
	s12 =	sxor.u32 @!p0 $0xFFFFFFFF, s8;
	s13 =	sshrl.u32 @!p0 s10, $0x3  }
0xd: {  	s14 =	sand.u32 @!p0 $0x7, s10;
	s12 =	sand.u32 @!p0 $0x10, s12;
	s13 =	sadd.s32 @!p0 s4, s13  }
0xe: {  	[tilespmem:s12], [sflag:$0x2] =	stream.linear.gather @!p0 [hbm4b:s13+s14], $0x10, $0x38;
	[tilespmem:$0x40] =	vst v63  }
0xf: {  	p0 =	sge.u32 s31, s5  }
0x10: {  	s12 =	simm.s32 @!p0 $0x2  }
0x11: {  	_ =	swait.ge @!p0 [sflag:s12], $0x10  }
0x12: {  	[sflag:s12] =	ssyncset.done @!p0 $0x0  }
0x13: {  	[sflag:s12] =	ssyncadd.s32 @!p0 $0xFFFFFFF0;
	s12 =	sand.u32 @!p0 $0x10, s8  }
0x14: {  	(ifvalue) =	ssetifvalue @!p0 $0x7FFFFFFF;
	v0 =	vld.msk @!p0 [tilespmem:s12+$0x0 ss:$0x1], $0xffff;
	_ =	sdelay $0x4  }
0x15: {  	v1 =	vshrl.u32 @!p0 v0, $0xB  }
0x16: {  	vm0 =	veq.s32 @!p0 v0, $0x80000000;
	v0 =	vand.u32 @!p0 $0x7FF, v0;
	v1 =	vand.u32 @!p0 $0xFF, v1  }
0x17: {  	v0 =	vsel @!p0 vm0, $0xFFFFFFFF, v0;
	v1 =	vsel @!p0 vm0, $0xFFFFFFFF, v1  }
0x18: {  	v2 =	vshll.u32 @!p0 v0, $0x8;
	v3 =	vshll.u32 @!p0 v1, $0x3  }
0x19: {  	v0 =	vshll.u32 @!p0 v0, $0x7;
	v2 =	vand.u32 @!p0 $0xFFFFF800, v2;
	v3 =	vand.u32 @!p0 $0xFFFFFC00, v3  }
0x1a: {  	v0 =	vand.u32 @!p0 $0x380, v0;
	v2 =	vadd.s32 @!p0 v2, v3  }
0x1b: {  	v1 =	vand.u32 @!p0 $0x7F, v1;
	v0 =	vor.u32 @!p0 v0, v2  }
0x1c: {  	v0 =	vor.u32 @!p0 v1, v0;
	_ =	sdelay $0x3  }
0x1d: {  	s13 =	simm.s32 @!p0 $0x0;
	s12 =	sor.u32 @!p0 $0x20, s12;
	(ifvalue) =	ssetifvalue @!p0 $0x7FFFFFFF;
	vm0 =	vmmov @!p0 $0xffff  }
0x1e: {  	[tilespmem:s12], [sflag:$0x1] =	stream.indirect_vreg.gather @!p0 [hbm4b:s3+s13], $0x1, v0, vm0, $0x4038;
	[tilespmem:$0x40] =	vst v63  }
0x1f: {  	s13 =	simm.s32 @!p0 $0x1  }
0x20: {  	_ =	swait.ge @!p0 [sflag:s13], $0x10  }
0x21: {  	s14 =	sshrl.u32 @!p0 s11, $0x3;
	[sflag:s13] =	ssyncset.done @!p0 $0x0  }
0x22: {  	s11 =	sand.u32 @!p0 $0x7, s11;
	[sflag:s13] =	ssyncadd.s32 @!p0 $0xFFFFFFF0;
	s13 =	sadd.s32 @!p0 s6, s14  }
0x23: {  	[hbm4b:s13+s11] =	stream.linear.scatter @!p0 [tilespmem:s12], [sflag:$0x3], $0x10, $0x38;
	[tilespmem:$0x40] =	vst v63  }
0x24: {  	s13 =	sadd.s32 $0x200, s10  }
0x25: {  	p1 =	sgt.s32 s13, $0x999F  }
0x26: {  	s13 =	smov.u32 @p1 s2;
	p1 =	sne.s32 s9, s7  }
.Ltmp0:
0x27: {  	p0 =	slt.u32 s9, $0x2;
	(pc) =	sbr.rel @p1 .LBB2_1-.Ltmp0, $4  }
0x28: {  	s12 =	simm.s32 @!p0 $0x3  }
0x29: {  	_ =	swait.ge @!p0 [sflag:s12], $0x10  }
0x2a: {  	s8 =	sadd.s32 $0x10, s8;
	s11 =	smov.u32 s10;
	[sflag:s12] =	ssyncset.done @!p0 $0x0  }
0x2b: {  	s9 =	sadd.s32 $0x1, s9;
	s10 =	smov.u32 s13;
	[sflag:s12] =	ssyncadd.s32 @!p0 $0xFFFFFFF0  }
0x2c: {  	_ =	sfence.sel $0x180000  }
0x2d: {  	s2 =	simm.s32 $0x2;
	[bflag:$0x0] =	sbarrier.arrive $0xFFFF  }
0x2e: {  	s30 =	simm.s32 $0x3;
	[sflag:s2] =	ssyncpa.u1 $0x1  }
0x2f: {  	s31 =	simm.s32 $0x1;
	[sflag:s30] =	ssyncpa.u1 $0x1  }
0x30: {  	[sflag:s31] =	ssyncpa.u1 $0x1  }
0x31: {  	p0 =	sne.s32 s0, $0x0;
	_ =	strace $0x9000004A  }
0x32: {  	s0 =	sadd.s32 @!p0 $0x100000, s1;
	[bflag:$0x2] =	sbarrier.arrive $0xFFFF  }
0x33: {  	[sflag:s0] =	ssyncadd.tile.s32 @!p0 $0x1;
	_ =	shalt  }
.Lfunc_end2:
_tile_overlayer_lowered:
.L_overlay_start_2:
0x34: {  	(tag) =	ssettag $0x2  }
0x35: {  	s0 =	rddreg [dreg:$0x0];
	s2 =	stileid.u32  }
0x36: {  	s1 =	rddreg [dreg:$0x1];
	p0 =	sne.s32 s2, $0x0  }
0x37: {  	s3 =	rddreg [dreg:$0x2];
	[bflag:$0x3] =	sbarrier.arrive $0xFFFF;
	s2 =	simm.s32 @!p0 $0x1C01  }
0x38: {  	[timem:s3], [sflag:s2] =	dma.local @!p0 [hbm:s0], s1  }
0x39: {  	s0 =	simm.s32 @!p0 $0x1  }
0x3a: {  	_ =	swait.ge @!p0 [sflag:s0], s1  }
0x3b: {  	s1 =	ssub.s32 @!p0 $0x0, s1;
	[sflag:s0] =	ssyncset.done @!p0 $0x0  }
0x3c: {  	[sflag:s0] =	ssyncadd.s32 @!p0 s1  }
0x3d: {  	[bflag:$0x3] =	sbarrier.arrive $0xFFFF  }
0x3e: {  	_ =	shalt  }

// kernel: gather_offload_async_start.2
scs
__scs_entry_jumppad:
0x0: {  	(pc) =	sbr.rel $0x88, $3  }
0x1: {  	(tag) =	ssettag $0x0;
	lr =	simm.s32 $0x1  }
0x2: {  	[smem:$0x3F2E] =	sst lr;
	_ =	strace $0xD0000000  }
0x3: {  	_ = 	snop  }
0x4: {  	_ = 	snop  }
0x5: {  	_ = 	snop  }
0x6: {  	_ = 	snop  }
0x7: {  	_ = 	snop  }
__scs_overlays_trampoline_lowered:
0x8: {  	[smem:$0x3F3D] =	sst s0  }
0x9: {  	[smem:$0x3F3E] =	sst s1  }
0xa: {  	[smem:$0x3F3F] =	sst s2  }
0xb: {  	[smem:$0x3F40] =	sst s3  }
0xc: {  	[smem:$0x3F41] =	sst s4  }
0xd: {  	[smem:$0x3F42] =	sst s5  }
0xe: {  	[smem:$0x3F43] =	sst s6  }
0xf: {  	[smem:$0x3F44] =	sst s7  }
0x10: {  	[smem:$0x3F45] =	sst s8  }
0x11: {  	[smem:$0x3F46] =	sst s9;
	s0 =	simm.s32 @!p0 $0x0  }
0x12: {  	s1 =	sld [smem:$0x3F2C];
	s0 =	simm.s32 @p0 $0x1  }
0x13: {  	[smem:$0x3F47] =	sst s0;
	s0 =	simm.s32 @!p1 $0x0  }
0x14: {  	s2 =	sld [smem:$0x3F2B];
	s0 =	simm.s32 @p1 $0x1  }
0x15: {  	[smem:$0x3F48] =	sst s0;
	s0 =	simm.s32 @!p2 $0x0  }
0x16: {  	s3 =	sld [smem:$0x3FDB];
	s0 =	simm.s32 @p2 $0x1  }
0x17: {  	s4 =	simm.s32 $0x1BF5;
	[smem:$0x3F4A] =	sst s0  }
0x18: {  	s0 =	sld [smem:$0x3F2D];
	_ =	swait.ge [sflag:s4], $0x0  }
0x19: {  	s7 =	sld [smem:$0x3F2E]  }
0x1a: {  	s8 =	sadd.s32 $0xFFFFE003, lr  }
0x1b: {  	s9 =	sadd.s32 $0xFFFFFEF7, lr;
	s5 =	simm.s32 $0xFFFFFFFF;
	p2 =	slt.u32 s8, $0xFFFFF086  }
0x1c: {  	p1 =	slt.u32 s9, $0xF7A;
	s5 =	simm.s32 @!p2 $0x0  }
0x1d: {  	s5 =	simm.s32 @p1 $0x1;
	p0 =	seq.s32 s7, s2  }
0x1e: {  	s7 =	smul.u32 @!p0 $0xF7A, s2;
	p2 =	seq.s32 @!p0 s5, $0x0  }
0x1f: {  	s9 =	smul.u32 $0xF7A, s1;
	s8 =	simm.s32 @!p0 $0x1BF5;
	p2 =	por !p2, p0  }
0x20: {  	[sflag:s8] =	ssyncset.s32 @!p0 $0xFFFFF086;
	s6 =	sadd.s32 @!p0 s3, s7;
	s7 =	simm.s32 @!p0 $0x108  }
0x21: {  	s3 =	sadd.s32 s3, s9;
	s6 =	sadd.s32 @!p0 $0x88, s6;
	s7 =	simm.s32 @p2 $0x1082  }
0x22: {  	[simem:s7], [sflag:s8] =	dma.local @!p0 [hbm:s6], $0xF7A  }
0x23: {  	s9 =	sor.u32 $0xD0000000, s2;
	s6 =	simm.s32 $0x108;
	_ =	swait.ge @!p0 [sflag:s8], $0x0  }
0x24: {  	s3 =	sadd.s32 $0x88, s3;
	s6 =	simm.s32 @!p1 $0x1082;
	[sflag:s4] =	ssyncset.s32 $0xFFFFF086  }
0x25: {  	[simem:s6], [sflag:s4] =	dma.local [hbm:s3], $0xF7A  }
0x26: {  	[smem:$0x3F2E] =	sst s1;
	(tag) =	ssettag s2;
	_ =	strace s9  }
0x27: {  	s1 =	sld [smem:$0x3F3E]  }
0x28: {  	s2 =	sld [smem:$0x3F3F]  }
0x29: {  	s4 =	sld [smem:$0x3F41]  }
0x2a: {  	p0 =	seq.s32 s5, $0x0;
	s5 =	sld [smem:$0x3F42]  }
0x2b: {  	s6 =	sld [smem:$0x3F43]  }
0x2c: {  	s7 =	sld [smem:$0x3F44]  }
0x2d: {  	s3 =	simm.s32 $0x108;
	s8 =	sld [smem:$0x3F45]  }
0x2e: {  	s3 =	simm.s32 @!p0 $0x1082;
	s9 =	sld [smem:$0x3F46]  }
0x2f: {  	lr =	sadd.s32 s0, s3;
	s0 =	sld [smem:$0x3F3D]  }
0x30: {  	s3 =	sld [smem:$0x3F40]  }
0x31: {  	[smem:$0x3F49] =	sst s10  }
0x32: {  	s10 =	sld [smem:$0x3F47];
	_ =	sdelay $0x3  }
0x33: {  	p0 =	seq.s32 s10, $0x1;
	s10 =	sld [smem:$0x3F49];
	_ =	sdelay $0x3  }
0x34: {  	[smem:$0x3F49] =	sst s10  }
0x35: {  	s10 =	sld [smem:$0x3F48];
	_ =	sdelay $0x3  }
0x36: {  	p1 =	seq.s32 s10, $0x1;
	s10 =	sld [smem:$0x3F49];
	_ =	sdelay $0x3  }
0x37: {  	[smem:$0x3F49] =	sst s10  }
0x38: {  	s10 =	sld [smem:$0x3F4A]  }
0x39: {  	_ = 	snop;
	(pc) =	sbr.ind lr, $3  }
0x3a: {  	_ = 	snop  }
0x3b: {  	_ = 	snop  }
0x3c: {  	p2 =	seq.s32 s10, $0x1;
	s10 =	sld [smem:$0x3F49]  }
0x3d: {  	_ =	shalt  }
0x3e: {  	_ =	shalt  }
0x3f: {  	_ =	shalt  }
0x40: {  	_ =	shalt  }
0x41: {  	_ =	shalt  }
0x42: {  	_ =	shalt  }
0x43: {  	_ =	shalt  }
0x44: {  	_ =	shalt  }
0x45: {  	_ =	shalt  }
0x46: {  	_ =	shalt  }
0x47: {  	_ =	shalt  }
0x48: {  	_ =	shalt  }
0x49: {  	_ =	shalt  }
0x4a: {  	_ =	shalt  }
0x4b: {  	_ =	shalt  }
0x4c: {  	_ =	shalt  }
0x4d: {  	_ =	shalt  }
0x4e: {  	_ =	shalt  }
0x4f: {  	_ =	shalt  }
0x50: {  	_ =	shalt  }
0x51: {  	_ =	shalt  }
0x52: {  	_ =	shalt  }
0x53: {  	_ =	shalt  }
0x54: {  	_ =	shalt  }
0x55: {  	_ =	shalt  }
0x56: {  	_ =	shalt  }
0x57: {  	_ =	shalt  }
0x58: {  	_ =	shalt  }
0x59: {  	_ =	shalt  }
0x5a: {  	_ =	shalt  }
0x5b: {  	_ =	shalt  }
0x5c: {  	_ =	shalt  }
0x5d: {  	_ =	shalt  }
0x5e: {  	_ =	shalt  }
0x5f: {  	_ =	shalt  }
0x60: {  	_ =	shalt  }
0x61: {  	_ =	shalt  }
0x62: {  	_ =	shalt  }
0x63: {  	_ =	shalt  }
0x64: {  	_ =	shalt  }
0x65: {  	_ =	shalt  }
0x66: {  	_ =	shalt  }
0x67: {  	_ =	shalt  }
0x68: {  	_ =	shalt  }
0x69: {  	_ =	shalt  }
0x6a: {  	_ =	shalt  }
0x6b: {  	_ =	shalt  }
0x6c: {  	_ =	shalt  }
0x6d: {  	_ =	shalt  }
0x6e: {  	_ =	shalt  }
0x6f: {  	_ =	shalt  }
0x70: {  	_ =	shalt  }
0x71: {  	_ =	shalt  }
0x72: {  	_ =	shalt  }
0x73: {  	_ =	shalt  }
0x74: {  	_ =	shalt  }
0x75: {  	_ =	shalt  }
0x76: {  	_ =	shalt  }
0x77: {  	_ =	shalt  }
0x78: {  	_ =	shalt  }
0x79: {  	_ =	shalt  }
0x7a: {  	_ =	shalt  }
0x7b: {  	_ =	shalt  }
0x7c: {  	_ =	shalt  }
0x7d: {  	_ =	shalt  }
0x7e: {  	_ =	shalt  }
0x7f: {  	_ =	shalt  }
0x80: {  	_ =	shalt  }
0x81: {  	_ =	shalt  }
0x82: {  	_ =	shalt  }
0x83: {  	_ =	shalt  }
0x84: {  	_ =	shalt  }
0x85: {  	_ =	shalt  }
0x86: {  	_ =	shalt  }
0x87: {  	_ =	shalt  }
.Lfunc_end0:
.L_simem_size_0:
called_computation.6_lowered:
.L_overlay_start_0:
0x88: {  	s0 =	sld [smem:$0x3FD9]  }
0x89: {  	s1 =	sld [smem:$0x3FFE];
	_ =	sdelay $0x3  }
0x8a: {  	s0 =	sadd.s32 s1, s0  }
0x8b: {  	[smem:$0x3F55] =	sst s0  }
0x8c: {  	_ = 	snop  }
0x8d: {  	(tm) =	ssettm $0x1  }
0x8e: {  	s15 =	sld [smem:$0x3FFB];
	_ =	sdelay $0x3  }
0x8f: {  	_ =	strace s15  }
0x90: {  	s0 =	sld [smem:$0x3FFC];
	_ =	sdelay $0x3  }
0x91: {  	_ =	strace s0  }
0x92: {  	s0 =	sld [smem:$0x3FFD];
	_ =	sdelay $0x3  }
0x93: {  	_ =	strace s0  }
0x94: {  	_ =	strace $0x8FFFFFFF  }
0x95: {  	s16 =	sld [smem:$0x3FDB];
	_ =	sdelay $0x1  }
0x96: {  	s17 =	simm.s32 $_scs_section_size  }
0x97: {  	s2 =	simm.s32 $_size__tile_overlayer_lowered;
	s3 =	simm.s32 $_tile_overlayer_lowered  }
0x98: {  	s20 =	simm.s32 $0x1BFF;
	s19 =	sshll.u32 s3, $0x1;
	s0 =	sadd.s32 s17, s16  }
0x99: {  	s4 =	simm.s32 $0x0;
	s18 =	sshll.u32 s2, $0x1;
	s2 =	sadd.s32 s19, s0  }
0x9a: {  	[timem:s4], [sflag:s20] =	dma.local [hbm:s2], s18  }
0x9b: {  	_ =	swait.ge [sflag:s20], s18  }
0x9c: {  	s1 =	ssub.s32 $0x0, s18;
	[sflag:s20] =	ssyncset.done $0x0  }
0x9d: {  	[sflag:s20] =	ssyncadd.s32 s1;
	_ =	sdelay $0x1  }
0x9e: {  	s21 =	simm.s32 $0x1B8B  }
0x9f: {  	_ =	swait.ge [sflag:s21], $0x1  }
0xa0: {  	[sflag:s21] =	ssyncset.done $0x0  }
0xa1: {  	s23 =	simm.s32 $0x1B8E;
	s22 =	sld [smem:$0x3FFE];
	[sflag:s21] =	ssyncadd.s32 $0xFFFFFFFF  }
0xa2: {  	s24 =	simm.s32 $execute0_lowered;
	[smem:$0x3FD2] =	sst s23  }
0xa3: {  	s2 =	sshll.u32 s24, $0x1;
	_ =	strace $0x80000052;
	[dreg:$0x1] =	wrdreg $0xFFFFFFFF  }
0xa4: {  	s25 =	simm.s32 $_size_execute0_lowered;
	s0 =	sadd.s32 s0, s2;
	[dreg:$0x0] =	wrdreg $0x0  }
0xa5: {  	s2 =	sshll.u32 s25, $0x1;
	[dreg:$0x2] =	wrdreg s0  }
0xa6: {  	[dreg:$0x3] =	wrdreg s2  }
0xa7: {  	[dreg:$0x4] =	wrdreg $0xC0  }
0xa8: {  	_ =	task [dreg:s4], $0x5FFFF  }
0xa9: {  	[dreg:$0x1] =	wrdreg $0xFFFFFFFF  }
0xaa: {  	[dreg:$0x0] =	wrdreg $0x60  }
0xab: {  	[dreg:$0x2] =	wrdreg s22  }
0xac: {  	[dreg:$0x3] =	wrdreg $0xB  }
0xad: {  	_ =	task.clear_ibuf [dreg:s4], $0x4FFFF;
	_ =	strace $0x90000052  }
0xae: {  	s26 =	simm.s32 $0xB;
	_ =	strace $0x80000054  }
0xaf: {  	_ =	swait.ge [sflag:s26], $0x1  }
0xb0: {  	[sflag:s26] =	ssyncadd.s32 $0xFFFFFFFF  }
0xb1: {  	_ =	strace $0x90000054  }
0xb2: {  	_ =	sfence  }
0xb3: {  	s28 =	sld [smem:$0x0];
	_ =	sdelay $0x1  }
0xb4: {  	s29 =	srdreg.scid  }
0xb5: {  	s30 =	sshll.u32 s29, $0xD;
	s31 =	sshrl.u32 s29, $0x2  }
0xb6: {  	s1 =	sand.u32 $0x1, s29;
	s2 =	sand.u32 $0x4000, s30;
	s0 =	sadd.s32 s31, s28  }
0xb7: {  	s1 =	sor.u32 s2, s1;
	s0 =	sshll.u32 s0, $0x11  }
0xb8: {  	s0 =	sor.u32 s0, s1  }
0xb9: {  	s0 =	sadd.s32 $0x8F2B, s0  }
0xba: {  	[sflag:s0] =	ssyncadd.remote.s32 $0x1  }
0xbb: {  	_ =	sfence.sel $0xFFFF  }
0xbc: {  	[dreg:$0x0] =	wrdreg $0xFFFFFFFF;
	(pc) =	sbr.abs _section_cstart, $3  }
0xbd: {  	[dreg:$0x1] =	wrdreg $0xFFFFFFFF  }
0xbe: {  	_ =	task.clear_ibuf [dreg:s4], $0x2FFFF;
	_ =	strace $0x9FFFFFFF  }
0xbf: {  	(tm) =	ssettm $0x7FFFFFFF  }
tec
execute0_lowered:
.L_overlay_start_1:
0x0: {  	(tag) =	ssettag $0x1  }
0x1: {  	s0 =	stileid.u32  }
0x2: {  	s2 =	smul.u32 $0x50, s0;
	_ =	sdelay $0x1  }
0x3: {  	s6 =	ssub.s32 $0xB90, s2  }
0x4: {  	s1 =	smul.u32 $0xCCD, s6  }
0x5: {  	s8 =	rddreg [dreg:$0x0];
	s5 =	simm.s32 $0x1;
	s10 =	simm.s32 $0x3  }
0x6: {  	s13 =	simm.s32 $0x0;
	s12 =	simm.s32 $0x0;
	s7 =	sshrl.u32 s1, $0x16  }
0x7: {  	s3 =	sadd.s32 $0x8EC00, s8;
	s4 =	sadd.s32 $0x30A00, s8;
	s9 =	smul.u32 $0x500, s7  }
.Ltmp0:
0x8: {  	s8 =	sadd.s32 $0x7DA00, s8;
	s1 =	rddreg [dreg:$0x1];
	(pc) =	sbr.rel .LBB2_1-.Ltmp0, $4  }
0x9: {  	_ =	strace $0x80000053;
	p0 =	sne.s32 s6, s9;
	s9 =	simm.s32 $0x1  }
0xa: {  	[sflag:s5] =	ssyncpa.u1 $0x0;
	s6 =	simm.s32 $0x2;
	s9 =	simm.s32 @!p0 $0x0  }
0xb: {  	s11 =	smov.u32 s2;
	[sflag:s6] =	ssyncpa.u1 $0x0;
	s7 =	sadd.s32 s7, s9  }
0xc: {  	vm0 =	vmmov $0xffff;
	[sflag:s10] =	ssyncpa.u1 $0x0;
	s10 =	simm.s32 $0x0;
	s9 =	sadd.s32 $0x1, s7  }
.LBB2_4:
0xd: {  	v5 =	vshrl.u32 v1, $0x8;
	v6 =	vshll.u32 v1, $0x7  }
0xe: {  	vm1 =	veq.s32 v1, $0x80000000;
	v58 =	vand.u32 $0x3F, v5;
	v59 =	vand.u32 $0x7F80, v6  }
0xf: {  	v1 =	vsel vm1, $0xFFFFFFFF, v58;
	v5 =	vsel vm1, $0xFFFFFF80, v59  }
0x10: {  	v3 =	vor.u32 v4, v3;
	v60 =	vand.u32 $0xFFFFFC00, v5;
	v61 =	vand.u32 $0xFFFFFC00, v1  }
0x11: {  	v2 =	vor.u32 v2, v3;
	v63 =	vand.u32 $0x380, v5;
	v62 =	vadd.s32 v61, v60  }
0x12: {  	v1 =	vand.u32 $0x7F, v1;
	v3 =	vor.u32 v63, v62  }
0x13: {  	v1 =	vor.u32 v1, v3  }
0x14: {  	[tilespmem:s17], [sflag:$0x1] =	stream.indirect_vreg.gather [hbm4b:s3+s10], $0x1, v0, vm0, $0x4038;
	[tilespmem:$0x140] =	vst v63  }
0x15: {  	(ifvalue) =	ssetifvalue $0x7FFFFFFF  }
0x16: {  	[tilespmem:s15], [sflag:$0x1] =	stream.indirect_vreg.gather [hbm4b:s3+s10], $0x1, v2, vm0, $0x4038;
	[tilespmem:$0x140] =	vst v63  }
0x17: {  	s29 =	sadd.s32 $0x10, s15;
	(ifvalue) =	ssetifvalue $0x7FFFFFFF  }
0x18: {  	[tilespmem:s29], [sflag:$0x1] =	stream.indirect_vreg.gather [hbm4b:s3+s10], $0x1, v1, vm0, $0x4038;
	[tilespmem:$0x140] =	vst v63  }
0x19: {  	_ =	swait.ge [sflag:s5], $0x50  }
0x1a: {  	s30 =	sshrl.u32 s13, $0x3;
	[sflag:s5] =	ssyncset.done $0x0  }
0x1b: {  	s31 =	sand.u32 $0x7, s13;
	s15 =	sadd.s32 s8, s30;
	[sflag:s5] =	ssyncadd.s32 $0xFFFFFFB0  }
0x1c: {  	[hbm4b:s15+s31] =	stream.linear.scatter [tilespmem:s14], [sflag:$0x3], $0x50, $0x38;
	[tilespmem:$0x140] =	vst v63  }
.LBB2_5:
0x1d: {  	s15 =	sadd.s32 $0x500, s11  }
0x1e: {  	p1 =	sgt.s32 s15, $0xB8F  }
0x1f: {  	s15 =	smov.u32 @p1 s2;
	p1 =	sne.s32 s12, s9  }
.Ltmp1:
0x20: {  	p0 =	slt.u32 s12, $0x2;
	(pc) =	sbr.rel @!p1 .LBB2_6-.Ltmp1, $4  }
0x21: {  	s14 =	simm.s32 @!p0 $0x3  }
0x22: {  	_ =	swait.ge @!p0 [sflag:s14], $0x50  }
0x23: {  	s16 =	sadd.s32 $0x1, s12;
	s13 =	smov.u32 s11;
	[sflag:s14] =	ssyncset.done @!p0 $0x0  }
0x24: {  	s12 =	smov.u32 s16;
	s11 =	smov.u32 s15;
	[sflag:s14] =	ssyncadd.s32 @!p0 $0xFFFFFFB0  }
.LBB2_1:
0x25: {  	p0 =	sge.u32 s12, s7  }
0x26: {  	s14 =	sxor.u32 @!p0 $0xFFFFFFFF, s12  }
0x27: {  	s14 =	sand.u32 @!p0 $0x1, s14  }
0x28: {  	s14 =	smul.u32 @!p0 $0x140, s14  }
0x29: {  	s31 =	sadd.s32 $0xFFFFFFFF, s12;
	s15 =	sshrl.u32 @!p0 s11, $0x3  }
0x2a: {  	s16 =	sand.u32 @!p0 $0x7, s11;
	s15 =	sadd.s32 @!p0 s4, s15;
	s14 =	sshrl.u32 @!p0 s14, $0x2  }
0x2b: {  	[tilespmem:s14], [sflag:$0x2] =	stream.linear.gather @!p0 [hbm4b:s15+s16], $0x50, $0x38;
	[tilespmem:$0x140] =	vst v63  }
0x2c: {  	p0 =	sge.u32 s31, s7  }
.Ltmp2:
0x2d: {  	_ = 	snop;
	(pc) =	sbr.rel @p0 .LBB2_5-.Ltmp2, $1  }
0x2e: {  	_ =	sdelay $0x3  }
0x2f: {  	s14 =	sand.u32 $0x1, s12  }
0x30: {  	_ =	swait.ge [sflag:s6], $0x50;
	p0 =	seq.s32 s14, $0x1;
	s14 =	simm.s32 $0x50  }
0x31: {  	[sflag:s6] =	ssyncset.done $0x0;
	s14 =	simm.s32 @!p0 $0x0  }
0x32: {  	[sflag:s6] =	ssyncadd.s32 $0xFFFFFFB0;
	(ifvalue) =	ssetifvalue $0x7FFFFFFF;
	v0 =	vld.msk [tilespmem:s14+$0x0 ss:$0x1], $0xffff;
	_ =	sdelay $0x4  }
0x33: {  	s15 =	sadd.s32 $0x10, s14;
	v2 =	vshrl.u32 v0, $0x8;
	v3 =	vshll.u32 v0, $0x7  }
0x34: {  	v1 =	vld.msk [tilespmem:s15+$0x0 ss:$0x1], $0xffff;
	vm1 =	veq.s32 v0, $0x80000000;
	v0 =	vand.u32 $0x3F, v2;
	v2 =	vand.u32 $0x7F80, v3  }
0x35: {  	v0 =	vsel vm1, $0xFFFFFFFF, v0;
	v2 =	vsel vm1, $0xFFFFFF80, v2  }
0x36: {  	v3 =	vand.u32 $0xFFFFFC00, v2;
	v4 =	vand.u32 $0xFFFFFC00, v0  }
0x37: {  	v2 =	vand.u32 $0x380, v2;
	v3 =	vadd.s32 v4, v3  }
0x38: {  	v0 =	vand.u32 $0x7F, v0;
	v2 =	vor.u32 v2, v3  }
0x39: {  	v5 =	vshll.u32 v1, $0x7;
	v4 =	vshrl.u32 v1, $0x8;
	v0 =	vor.u32 v0, v2  }
0x3a: {  	vm1 =	veq.s32 v1, $0x80000000;
	v1 =	vand.u32 $0x3F, v4;
	v4 =	vand.u32 $0x7F80, v5  }
0x3b: {  	s14 =	sor.u32 $0xA0, s14;
	s15 =	sadd.s32 $0x10, s15;
	v3 =	vsel vm1, $0xFFFFFFFF, v1;
	v4 =	vsel vm1, $0xFFFFFF80, v4  }
0x3c: {  	s16 =	simm.s32 $0x20;
	s17 =	smov.u32 s14;
	v1 =	vld.msk [tilespmem:s15+$0x0 ss:$0x1], $0xffff;
	v5 =	vand.u32 $0xFFFFFC00, v4;
	v6 =	vand.u32 $0xFFFFFC00, v3  }
0x3d: {  	s18 =	sadd.s32 $0x10, s15;
	(ifvalue) =	ssetifvalue $0x7FFFFFFF;
	s15 =	sadd.s32 $0x10, s14;
	v2 =	vand.u32 $0x7F, v3;
	v4 =	vand.u32 $0x380, v4;
	v3 =	vadd.s32 v6, v5  }
.LBB2_3:
0x3e: {  	[tilespmem:s17], [sflag:$0x1] =	stream.indirect_vreg.gather [hbm4b:s3+s10], $0x1, v0, vm0, $0x4038;
	[tilespmem:$0x140] =	vst v63  }
0x3f: {  	s16 =	sadd.s32 $0x10, s16  }
0x40: {  	v3 =	vor.u32 v4, v3;
	p0 =	slt.u32 s16, $0x40  }
.Ltmp3:
0x41: {  	v4 =	vshrl.u32 v1, $0x8;
	v5 =	vshll.u32 v1, $0x7;
	s17 =	smov.u32 s15;
	v0 =	vor.u32 v2, v3;
	v2 =	vmovc v1;
	v1 =	vld.msk [tilespmem:s18+$0x0 ss:$0x1], $0xffff;
	(pc) =	sbr.rel @p0 .LBB2_3-.Ltmp3, $4  }
0x42: {  	v3 =	vand.u32 $0x7F80, v5;
	vm1 =	veq.s32 v2, $0x80000000;
	v2 =	vand.u32 $0x3F, v4  }
0x43: {  	v4 =	vsel vm1, $0xFFFFFFFF, v2;
	v5 =	vsel vm1, $0xFFFFFF80, v3  }
0x44: {  	v2 =	vand.u32 $0x7F, v4;
	v3 =	vand.u32 $0xFFFFFC00, v5;
	v4 =	vand.u32 $0xFFFFFC00, v4  }
0x45: {  	s15 =	sadd.s32 $0x10, s15;
	s18 =	sadd.s32 $0x10, s18;
	v3 =	vadd.s32 v4, v3;
	v4 =	vand.u32 $0x380, v5;
	(ifvalue) =	ssetifvalue $0x7FFFFFFF  }
.Ltmp4:
0x46: {  	_ = 	snop;
	(pc) =	sbr.rel .LBB2_4-.Ltmp4, $1  }
0x47: {  	_ =	sdelay $0x3  }
.LBB2_6:
0x48: {  	_ =	sfence.sel $0x180000  }
0x49: {  	s2 =	simm.s32 $0x2;
	[bflag:$0x0] =	sbarrier.arrive $0xFFFF  }
0x4a: {  	s30 =	simm.s32 $0x3;
	[sflag:s2] =	ssyncpa.u1 $0x1  }
0x4b: {  	s31 =	simm.s32 $0x1;
	[sflag:s30] =	ssyncpa.u1 $0x1  }
0x4c: {  	[sflag:s31] =	ssyncpa.u1 $0x1  }
0x4d: {  	p0 =	sne.s32 s0, $0x0;
	_ =	strace $0x90000053  }
0x4e: {  	s0 =	sadd.s32 @!p0 $0x100000, s1;
	[bflag:$0x2] =	sbarrier.arrive $0xFFFF  }
0x4f: {  	[sflag:s0] =	ssyncadd.tile.s32 @!p0 $0x1;
	_ =	shalt  }
.Lfunc_end2:
_tile_overlayer_lowered:
.L_overlay_start_2:
0x50: {  	(tag) =	ssettag $0x2  }
0x51: {  	s0 =	rddreg [dreg:$0x0];
	s2 =	stileid.u32  }
0x52: {  	s1 =	rddreg [dreg:$0x1];
	p0 =	sne.s32 s2, $0x0  }
0x53: {  	s3 =	rddreg [dreg:$0x2];
	[bflag:$0x3] =	sbarrier.arrive $0xFFFF;
	s2 =	simm.s32 @!p0 $0x1C01  }
0x54: {  	[timem:s3], [sflag:s2] =	dma.local @!p0 [hbm:s0], s1  }
0x55: {  	s0 =	simm.s32 @!p0 $0x1  }
0x56: {  	_ =	swait.ge @!p0 [sflag:s0], s1  }
0x57: {  	s1 =	ssub.s32 @!p0 $0x0, s1;
	[sflag:s0] =	ssyncset.done @!p0 $0x0  }
0x58: {  	[sflag:s0] =	ssyncadd.s32 @!p0 s1  }
0x59: {  	[bflag:$0x3] =	sbarrier.arrive $0xFFFF  }
0x5a: {  	_ =	shalt  }

// kernel: gather_offload_async_start.3
scs
__scs_entry_jumppad:
0x0: {  	(pc) =	sbr.rel $0x88, $3  }
0x1: {  	(tag) =	ssettag $0x0;
	lr =	simm.s32 $0x1  }
0x2: {  	[smem:$0x3F2E] =	sst lr;
	_ =	strace $0xD0000000  }
0x3: {  	_ = 	snop  }
0x4: {  	_ = 	snop  }
0x5: {  	_ = 	snop  }
0x6: {  	_ = 	snop  }
0x7: {  	_ = 	snop  }
__scs_overlays_trampoline_lowered:
0x8: {  	[smem:$0x3F3D] =	sst s0  }
0x9: {  	[smem:$0x3F3E] =	sst s1  }
0xa: {  	[smem:$0x3F3F] =	sst s2  }
0xb: {  	[smem:$0x3F40] =	sst s3  }
0xc: {  	[smem:$0x3F41] =	sst s4  }
0xd: {  	[smem:$0x3F42] =	sst s5  }
0xe: {  	[smem:$0x3F43] =	sst s6  }
0xf: {  	[smem:$0x3F44] =	sst s7  }
0x10: {  	[smem:$0x3F45] =	sst s8  }
0x11: {  	[smem:$0x3F46] =	sst s9;
	s0 =	simm.s32 @!p0 $0x0  }
0x12: {  	s1 =	sld [smem:$0x3F2C];
	s0 =	simm.s32 @p0 $0x1  }
0x13: {  	[smem:$0x3F47] =	sst s0;
	s0 =	simm.s32 @!p1 $0x0  }
0x14: {  	s2 =	sld [smem:$0x3F2B];
	s0 =	simm.s32 @p1 $0x1  }
0x15: {  	[smem:$0x3F48] =	sst s0;
	s0 =	simm.s32 @!p2 $0x0  }
0x16: {  	s3 =	sld [smem:$0x3FDB];
	s0 =	simm.s32 @p2 $0x1  }
0x17: {  	s4 =	simm.s32 $0x1BF5;
	[smem:$0x3F4A] =	sst s0  }
0x18: {  	s0 =	sld [smem:$0x3F2D];
	_ =	swait.ge [sflag:s4], $0x0  }
0x19: {  	s7 =	sld [smem:$0x3F2E]  }
0x1a: {  	s8 =	sadd.s32 $0xFFFFE003, lr  }
0x1b: {  	s9 =	sadd.s32 $0xFFFFFEF7, lr;
	s5 =	simm.s32 $0xFFFFFFFF;
	p2 =	slt.u32 s8, $0xFFFFF086  }
0x1c: {  	p1 =	slt.u32 s9, $0xF7A;
	s5 =	simm.s32 @!p2 $0x0  }
0x1d: {  	s5 =	simm.s32 @p1 $0x1;
	p0 =	seq.s32 s7, s2  }
0x1e: {  	s7 =	smul.u32 @!p0 $0xF7A, s2;
	p2 =	seq.s32 @!p0 s5, $0x0  }
0x1f: {  	s9 =	smul.u32 $0xF7A, s1;
	s8 =	simm.s32 @!p0 $0x1BF5;
	p2 =	por !p2, p0  }
0x20: {  	[sflag:s8] =	ssyncset.s32 @!p0 $0xFFFFF086;
	s6 =	sadd.s32 @!p0 s3, s7;
	s7 =	simm.s32 @!p0 $0x108  }
0x21: {  	s3 =	sadd.s32 s3, s9;
	s6 =	sadd.s32 @!p0 $0x88, s6;
	s7 =	simm.s32 @p2 $0x1082  }
0x22: {  	[simem:s7], [sflag:s8] =	dma.local @!p0 [hbm:s6], $0xF7A  }
0x23: {  	s9 =	sor.u32 $0xD0000000, s2;
	s6 =	simm.s32 $0x108;
	_ =	swait.ge @!p0 [sflag:s8], $0x0  }
0x24: {  	s3 =	sadd.s32 $0x88, s3;
	s6 =	simm.s32 @!p1 $0x1082;
	[sflag:s4] =	ssyncset.s32 $0xFFFFF086  }
0x25: {  	[simem:s6], [sflag:s4] =	dma.local [hbm:s3], $0xF7A  }
0x26: {  	[smem:$0x3F2E] =	sst s1;
	(tag) =	ssettag s2;
	_ =	strace s9  }
0x27: {  	s1 =	sld [smem:$0x3F3E]  }
0x28: {  	s2 =	sld [smem:$0x3F3F]  }
0x29: {  	s4 =	sld [smem:$0x3F41]  }
0x2a: {  	p0 =	seq.s32 s5, $0x0;
	s5 =	sld [smem:$0x3F42]  }
0x2b: {  	s6 =	sld [smem:$0x3F43]  }
0x2c: {  	s7 =	sld [smem:$0x3F44]  }
0x2d: {  	s3 =	simm.s32 $0x108;
	s8 =	sld [smem:$0x3F45]  }
0x2e: {  	s3 =	simm.s32 @!p0 $0x1082;
	s9 =	sld [smem:$0x3F46]  }
0x2f: {  	lr =	sadd.s32 s0, s3;
	s0 =	sld [smem:$0x3F3D]  }
0x30: {  	s3 =	sld [smem:$0x3F40]  }
0x31: {  	[smem:$0x3F49] =	sst s10  }
0x32: {  	s10 =	sld [smem:$0x3F47];
	_ =	sdelay $0x3  }
0x33: {  	p0 =	seq.s32 s10, $0x1;
	s10 =	sld [smem:$0x3F49];
	_ =	sdelay $0x3  }
0x34: {  	[smem:$0x3F49] =	sst s10  }
0x35: {  	s10 =	sld [smem:$0x3F48];
	_ =	sdelay $0x3  }
0x36: {  	p1 =	seq.s32 s10, $0x1;
	s10 =	sld [smem:$0x3F49];
	_ =	sdelay $0x3  }
0x37: {  	[smem:$0x3F49] =	sst s10  }
0x38: {  	s10 =	sld [smem:$0x3F4A]  }
0x39: {  	_ = 	snop;
	(pc) =	sbr.ind lr, $3  }
0x3a: {  	_ = 	snop  }
0x3b: {  	_ = 	snop  }
0x3c: {  	p2 =	seq.s32 s10, $0x1;
	s10 =	sld [smem:$0x3F49]  }
0x3d: {  	_ =	shalt  }
0x3e: {  	_ =	shalt  }
0x3f: {  	_ =	shalt  }
0x40: {  	_ =	shalt  }
0x41: {  	_ =	shalt  }
0x42: {  	_ =	shalt  }
0x43: {  	_ =	shalt  }
0x44: {  	_ =	shalt  }
0x45: {  	_ =	shalt  }
0x46: {  	_ =	shalt  }
0x47: {  	_ =	shalt  }
0x48: {  	_ =	shalt  }
0x49: {  	_ =	shalt  }
0x4a: {  	_ =	shalt  }
0x4b: {  	_ =	shalt  }
0x4c: {  	_ =	shalt  }
0x4d: {  	_ =	shalt  }
0x4e: {  	_ =	shalt  }
0x4f: {  	_ =	shalt  }
0x50: {  	_ =	shalt  }
0x51: {  	_ =	shalt  }
0x52: {  	_ =	shalt  }
0x53: {  	_ =	shalt  }
0x54: {  	_ =	shalt  }
0x55: {  	_ =	shalt  }
0x56: {  	_ =	shalt  }
0x57: {  	_ =	shalt  }
0x58: {  	_ =	shalt  }
0x59: {  	_ =	shalt  }
0x5a: {  	_ =	shalt  }
0x5b: {  	_ =	shalt  }
0x5c: {  	_ =	shalt  }
0x5d: {  	_ =	shalt  }
0x5e: {  	_ =	shalt  }
0x5f: {  	_ =	shalt  }
0x60: {  	_ =	shalt  }
0x61: {  	_ =	shalt  }
0x62: {  	_ =	shalt  }
0x63: {  	_ =	shalt  }
0x64: {  	_ =	shalt  }
0x65: {  	_ =	shalt  }
0x66: {  	_ =	shalt  }
0x67: {  	_ =	shalt  }
0x68: {  	_ =	shalt  }
0x69: {  	_ =	shalt  }
0x6a: {  	_ =	shalt  }
0x6b: {  	_ =	shalt  }
0x6c: {  	_ =	shalt  }
0x6d: {  	_ =	shalt  }
0x6e: {  	_ =	shalt  }
0x6f: {  	_ =	shalt  }
0x70: {  	_ =	shalt  }
0x71: {  	_ =	shalt  }
0x72: {  	_ =	shalt  }
0x73: {  	_ =	shalt  }
0x74: {  	_ =	shalt  }
0x75: {  	_ =	shalt  }
0x76: {  	_ =	shalt  }
0x77: {  	_ =	shalt  }
0x78: {  	_ =	shalt  }
0x79: {  	_ =	shalt  }
0x7a: {  	_ =	shalt  }
0x7b: {  	_ =	shalt  }
0x7c: {  	_ =	shalt  }
0x7d: {  	_ =	shalt  }
0x7e: {  	_ =	shalt  }
0x7f: {  	_ =	shalt  }
0x80: {  	_ =	shalt  }
0x81: {  	_ =	shalt  }
0x82: {  	_ =	shalt  }
0x83: {  	_ =	shalt  }
0x84: {  	_ =	shalt  }
0x85: {  	_ =	shalt  }
0x86: {  	_ =	shalt  }
0x87: {  	_ =	shalt  }
.Lfunc_end0:
.L_simem_size_0:
called_computation.7_lowered:
.L_overlay_start_0:
0x88: {  	s2 =	sld [smem:$0x3FD9]  }
0x89: {  	s3 =	sld [smem:$0x3FFE];
	_ =	sdelay $0x1  }
0x8a: {  	s1 =	srdreg.scid  }
0x8b: {  	s0 =	sand.u32 $0x1, s1  }
0x8c: {  	s16 =	sshll.u32 s0, $0xA;
	s2 =	sadd.s32 s3, s2  }
0x8d: {  	s2 =	sadd.s32 s2, s16  }
0x8e: {  	[smem:$0x3F55] =	sst s2  }
0x8f: {  	_ = 	snop  }
0x90: {  	(tm) =	ssettm $0x1  }
0x91: {  	s17 =	sld [smem:$0x3FFB];
	_ =	sdelay $0x3  }
0x92: {  	_ =	strace s17  }
0x93: {  	s2 =	sld [smem:$0x3FFC];
	_ =	sdelay $0x3  }
0x94: {  	_ =	strace s2  }
0x95: {  	s2 =	sld [smem:$0x3FFD];
	_ =	sdelay $0x3  }
0x96: {  	_ =	strace s2  }
0x97: {  	_ =	strace $0x8FFFFFFF  }
0x98: {  	s18 =	sld [smem:$0x3FDB];
	_ =	sdelay $0x1  }
0x99: {  	s19 =	simm.s32 $_scs_section_size  }
0x9a: {  	s4 =	simm.s32 $_size__tile_overlayer_lowered;
	s5 =	simm.s32 $_tile_overlayer_lowered  }
0x9b: {  	s22 =	simm.s32 $0x1BFF;
	s21 =	sshll.u32 s5, $0x1;
	s2 =	sadd.s32 s19, s18  }
0x9c: {  	s6 =	simm.s32 $0x0;
	s20 =	sshll.u32 s4, $0x1;
	s4 =	sadd.s32 s21, s2  }
0x9d: {  	[timem:s6], [sflag:s22] =	dma.local [hbm:s4], s20  }
0x9e: {  	_ =	swait.ge [sflag:s22], s20  }
0x9f: {  	s3 =	ssub.s32 $0x0, s20;
	[sflag:s22] =	ssyncset.done $0x0  }
0xa0: {  	[sflag:s22] =	ssyncadd.s32 s3;
	_ =	sdelay $0x1  }
0xa1: {  	s23 =	simm.s32 $0x1B8B  }
0xa2: {  	_ =	swait.ge [sflag:s23], $0x1  }
0xa3: {  	[sflag:s23] =	ssyncset.done $0x0  }
0xa4: {  	s25 =	simm.s32 $0x1B8E;
	s24 =	sld [smem:$0x3FFE];
	[sflag:s23] =	ssyncadd.s32 $0xFFFFFFFF  }
0xa5: {  	s26 =	simm.s32 $execute0_lowered;
	[smem:$0x3FD2] =	sst s25  }
0xa6: {  	s4 =	sshll.u32 s26, $0x1;
	_ =	strace $0x8000005B;
	[dreg:$0x1] =	wrdreg $0xFFFFFFFF  }
0xa7: {  	s28 =	simm.s32 $_size_execute0_lowered;
	s2 =	sadd.s32 s2, s4;
	[dreg:$0x0] =	wrdreg $0x0  }
0xa8: {  	s4 =	sshll.u32 s28, $0x1;
	[dreg:$0x2] =	wrdreg s2  }
0xa9: {  	[dreg:$0x3] =	wrdreg s4  }
0xaa: {  	[dreg:$0x4] =	wrdreg $0xC0  }
0xab: {  	_ =	task [dreg:s6], $0x5FFFF  }
0xac: {  	[dreg:$0x1] =	wrdreg $0xFFFFFFFF  }
0xad: {  	[dreg:$0x0] =	wrdreg $0x60  }
0xae: {  	[dreg:$0x2] =	wrdreg s24  }
0xaf: {  	[dreg:$0x3] =	wrdreg $0xB  }
0xb0: {  	_ =	task.clear_ibuf [dreg:s6], $0x4FFFF;
	_ =	strace $0x9000005B  }
0xb1: {  	s29 =	simm.s32 $0xB;
	_ =	strace $0x8000005D  }
0xb2: {  	_ =	swait.ge [sflag:s29], $0x1  }
0xb3: {  	[sflag:s29] =	ssyncadd.s32 $0xFFFFFFFF  }
0xb4: {  	_ =	strace $0x9000005D  }
0xb5: {  	_ =	sfence  }
0xb6: {  	s30 =	sld [smem:$0x0];
	_ =	sdelay $0x2  }
0xb7: {  	s31 =	sshll.u32 s1, $0xD;
	s1 =	sshrl.u32 s1, $0x2  }
0xb8: {  	s3 =	sand.u32 $0x4000, s31;
	s1 =	sadd.s32 s1, s30  }
0xb9: {  	s0 =	sor.u32 s3, s0;
	s1 =	sshll.u32 s1, $0x11  }
0xba: {  	s0 =	sor.u32 s1, s0  }
0xbb: {  	s0 =	sadd.s32 $0x8F2B, s0  }
0xbc: {  	[sflag:s0] =	ssyncadd.remote.s32 $0x1  }
0xbd: {  	_ =	sfence.sel $0xFFFF  }
0xbe: {  	[dreg:$0x0] =	wrdreg $0xFFFFFFFF;
	(pc) =	sbr.abs _section_cstart, $3  }
0xbf: {  	[dreg:$0x1] =	wrdreg $0xFFFFFFFF  }
0xc0: {  	_ =	task.clear_ibuf [dreg:s6], $0x2FFFF;
	_ =	strace $0x9FFFFFFF  }
0xc1: {  	(tm) =	ssettm $0x7FFFFFFF  }
tec
execute0_lowered:
.L_overlay_start_1:
0x0: {  	(tag) =	ssettag $0x1  }
0x1: {  	s0 =	stileid.u32;
	s1 =	srdreg.scid  }
0x2: {  	s1 =	sand.u32 $0x1, s1;
	s2 =	sshll.u32 s0, $0x1  }
0x3: {  	s1 =	sor.u32 s2, s1  }
0x4: {  	s2 =	smul.u32 $0x50, s1;
	_ =	sdelay $0x1  }
0x5: {  	s6 =	ssub.s32 $0x1720, s2  }
0x6: {  	s31 =	smul.u32 $0xCCD, s6  }
0x7: {  	s8 =	rddreg [dreg:$0x0];
	s5 =	simm.s32 $0x1;
	s10 =	simm.s32 $0x3  }
0x8: {  	s13 =	simm.s32 $0x0;
	s12 =	simm.s32 $0x0;
	s7 =	sshrl.u32 s31, $0x17  }
0x9: {  	s3 =	sadd.s32 $0x7F000, s8;
	s4 =	sadd.s32 $0x80800, s8;
	s9 =	smul.u32 $0xA00, s7  }
.Ltmp0:
0xa: {  	s8 =	sadd.s32 $0x20400, s8;
	s1 =	rddreg [dreg:$0x1];
	(pc) =	sbr.rel .LBB2_1-.Ltmp0, $4  }
0xb: {  	_ =	strace $0x8000005C;
	p0 =	sne.s32 s6, s9;
	s9 =	simm.s32 $0x1  }
0xc: {  	[sflag:s5] =	ssyncpa.u1 $0x0;
	s6 =	simm.s32 $0x2;
	s9 =	simm.s32 @!p0 $0x0  }
0xd: {  	s11 =	smov.u32 s2;
	[sflag:s6] =	ssyncpa.u1 $0x0;
	s7 =	sadd.s32 s7, s9  }
0xe: {  	vm0 =	vmmov $0xffff;
	[sflag:s10] =	ssyncpa.u1 $0x0;
	s10 =	simm.s32 $0x0;
	s9 =	sadd.s32 $0x1, s7  }
.LBB2_4:
0xf: {  	vm1 =	veq.s32 v0, $0x80000000;
	v63 =	vand.u32 $0xFF, v0;
	v2 =	vand.u32 $0xFF, v2  }
0x10: {  	v0 =	vsel vm1, $0xFFFFFFFF, v63;
	v2 =	vsel vm1, $0xFFFFFFFF, v2  }
0x11: {  	v3 =	vshll.u32 v0, $0x8;
	v4 =	vshll.u32 v2, $0x3  }
0x12: {  	v0 =	vshll.u32 v0, $0x7;
	v3 =	vand.u32 $0xFFFFF800, v3;
	v4 =	vand.u32 $0xFFFFFC00, v4  }
0x13: {  	v0 =	vand.u32 $0x380, v0;
	v3 =	vadd.s32 v3, v4  }
0x14: {  	v2 =	vand.u32 $0x7F, v2;
	v0 =	vor.u32 v0, v3  }
0x15: {  	v0 =	vor.u32 v2, v0;
	_ =	sdelay $0x1  }
0x16: {  	(ifvalue) =	ssetifvalue $0x7FFFFFFF;
	s15 =	sadd.s32 $0x10, s15  }
0x17: {  	[tilespmem:s15], [sflag:$0x1] =	stream.indirect_vreg.gather [hbm4b:s3+s10], $0x1, v1, vm0, $0x4038;
	[tilespmem:$0x140] =	vst v63  }
0x18: {  	(ifvalue) =	ssetifvalue $0x7FFFFFFF;
	s15 =	sadd.s32 $0x10, s15  }
0x19: {  	[tilespmem:s15], [sflag:$0x1] =	stream.indirect_vreg.gather [hbm4b:s3+s10], $0x1, v0, vm0, $0x4038;
	[tilespmem:$0x140] =	vst v63  }
0x1a: {  	_ =	swait.ge [sflag:s5], $0x50  }
0x1b: {  	s30 =	sshrl.u32 s13, $0x3;
	[sflag:s5] =	ssyncset.done $0x0  }
0x1c: {  	s31 =	sand.u32 $0x7, s13;
	s15 =	sadd.s32 s8, s30;
	[sflag:s5] =	ssyncadd.s32 $0xFFFFFFB0  }
0x1d: {  	[hbm4b:s15+s31] =	stream.linear.scatter [tilespmem:s14], [sflag:$0x3], $0x50, $0x38;
	[tilespmem:$0x140] =	vst v63  }
.LBB2_5:
0x1e: {  	s15 =	sadd.s32 $0xA00, s11  }
0x1f: {  	p1 =	sgt.s32 s15, $0x171F  }
0x20: {  	s15 =	smov.u32 @p1 s2;
	p1 =	sne.s32 s12, s9  }
.Ltmp1:
0x21: {  	p0 =	slt.u32 s12, $0x2;
	(pc) =	sbr.rel @!p1 .LBB2_6-.Ltmp1, $4  }
0x22: {  	s14 =	simm.s32 @!p0 $0x3  }
0x23: {  	_ =	swait.ge @!p0 [sflag:s14], $0x50  }
0x24: {  	s16 =	sadd.s32 $0x1, s12;
	s13 =	smov.u32 s11;
	[sflag:s14] =	ssyncset.done @!p0 $0x0  }
0x25: {  	s12 =	smov.u32 s16;
	s11 =	smov.u32 s15;
	[sflag:s14] =	ssyncadd.s32 @!p0 $0xFFFFFFB0  }
.LBB2_1:
0x26: {  	p0 =	sge.u32 s12, s7  }
0x27: {  	s14 =	sxor.u32 @!p0 $0xFFFFFFFF, s12  }
0x28: {  	s14 =	sand.u32 @!p0 $0x1, s14  }
0x29: {  	s14 =	smul.u32 @!p0 $0x140, s14  }
0x2a: {  	s31 =	sadd.s32 $0xFFFFFFFF, s12;
	s15 =	sshrl.u32 @!p0 s11, $0x3  }
0x2b: {  	s16 =	sand.u32 @!p0 $0x7, s11;
	s15 =	sadd.s32 @!p0 s4, s15;
	s14 =	sshrl.u32 @!p0 s14, $0x2  }
0x2c: {  	[tilespmem:s14], [sflag:$0x2] =	stream.linear.gather @!p0 [hbm4b:s15+s16], $0x50, $0x38;
	[tilespmem:$0x140] =	vst v63  }
0x2d: {  	p0 =	sge.u32 s31, s7  }
.Ltmp2:
0x2e: {  	_ = 	snop;
	(pc) =	sbr.rel @p0 .LBB2_5-.Ltmp2, $1  }
0x2f: {  	_ =	sdelay $0x3  }
0x30: {  	s14 =	sand.u32 $0x1, s12  }
0x31: {  	_ =	swait.ge [sflag:s6], $0x50;
	p0 =	seq.s32 s14, $0x1;
	s14 =	simm.s32 $0x50  }
0x32: {  	[sflag:s6] =	ssyncset.done $0x0;
	s14 =	simm.s32 @!p0 $0x0  }
0x33: {  	[sflag:s6] =	ssyncadd.s32 $0xFFFFFFB0;
	(ifvalue) =	ssetifvalue $0x7FFFFFFF;
	v0 =	vld.msk [tilespmem:s14+$0x0 ss:$0x1], $0xffff;
	_ =	sdelay $0x3  }
0x34: {  	s15 =	sadd.s32 $0x10, s14  }
0x35: {  	v2 =	vld.msk [tilespmem:s15+$0x0 ss:$0x1], $0xffff;
	v1 =	vshrl.u32 v0, $0x8  }
0x36: {  	vm1 =	veq.s32 v0, $0x80000000;
	v0 =	vand.u32 $0xFF, v0;
	v1 =	vand.u32 $0xFF, v1  }
0x37: {  	v0 =	vsel vm1, $0xFFFFFFFF, v0;
	v1 =	vsel vm1, $0xFFFFFFFF, v1  }
0x38: {  	v3 =	vshll.u32 v0, $0x8;
	v4 =	vshll.u32 v1, $0x3  }
0x39: {  	v0 =	vshll.u32 v0, $0x7;
	v3 =	vand.u32 $0xFFFFF800, v3;
	v4 =	vand.u32 $0xFFFFFC00, v4  }
0x3a: {  	vm1 =	veq.s32 v2, $0x80000000;
	v0 =	vand.u32 $0x380, v0;
	v3 =	vadd.s32 v3, v4  }
0x3b: {  	v1 =	vand.u32 $0x7F, v1;
	v0 =	vor.u32 v0, v3;
	v3 =	vshrl.u32 v2, $0x8  }
0x3c: {  	s15 =	sadd.s32 $0x10, s15;
	v2 =	vand.u32 $0xFF, v2;
	v1 =	vor.u32 v1, v0;
	v3 =	vand.u32 $0xFF, v3  }
0x3d: {  	v0 =	vld.msk [tilespmem:s15+$0x0 ss:$0x1], $0xffff;
	v2 =	vsel vm1, $0xFFFFFFFF, v2;
	v3 =	vsel vm1, $0xFFFFFFFF, v3  }
0x3e: {  	v63 =	vshll.u32 v2, $0x8;
	v5 =	vshll.u32 v3, $0x3  }
0x3f: {  	v2 =	vshll.u32 v2, $0x7;
	v4 =	vand.u32 $0xFFFFF800, v63;
	v5 =	vand.u32 $0xFFFFFC00, v5  }
0x40: {  	s14 =	sor.u32 $0xA0, s14;
	(ifvalue) =	ssetifvalue $0x7FFFFFFF;
	v2 =	vand.u32 $0x380, v2;
	v4 =	vadd.s32 v4, v5  }
0x41: {  	[tilespmem:s14], [sflag:$0x1] =	stream.indirect_vreg.gather [hbm4b:s3+s10], $0x1, v1, vm0, $0x4038;
	v1 =	vand.u32 $0x7F, v3;
	v3 =	vor.u32 v2, v4;
	[tilespmem:$0x140] =	vst v63  }
0x42: {  	s16 =	simm.s32 $0x20;
	s17 =	sadd.s32 $0x10, s15;
	s15 =	smov.u32 s14;
	v2 =	vshrl.u32 v0, $0x8;
	v1 =	vor.u32 v1, v3  }
.LBB2_3:
0x43: {  	s16 =	sadd.s32 $0x10, s16;
	vm1 =	veq.s32 v0, $0x80000000;
	v3 =	vand.u32 $0xFF, v0;
	v0 =	vld.msk [tilespmem:s17+$0x0 ss:$0x1], $0xffff;
	v2 =	vand.u32 $0xFF, v2  }
0x44: {  	p0 =	slt.u32 s16, $0x40;
	v3 =	vsel vm1, $0xFFFFFFFF, v3;
	v2 =	vsel vm1, $0xFFFFFFFF, v2  }
.Ltmp3:
0x45: {  	v4 =	vshll.u32 v3, $0x8;
	v5 =	vshll.u32 v2, $0x3;
	(pc) =	sbr.rel @p0 .LBB2_3-.Ltmp3, $4  }
0x46: {  	s15 =	sadd.s32 $0x10, s15;
	v3 =	vshll.u32 v3, $0x7;
	v4 =	vand.u32 $0xFFFFF800, v4;
	v5 =	vand.u32 $0xFFFFFC00, v5;
	(ifvalue) =	ssetifvalue $0x7FFFFFFF  }
0x47: {  	v3 =	vand.u32 $0x380, v3;
	v4 =	vadd.s32 v4, v5;
	[tilespmem:s15], [sflag:$0x1] =	stream.indirect_vreg.gather [hbm4b:s3+s10], $0x1, v1, vm0, $0x4038;
	[tilespmem:$0x140] =	vst v63  }
0x48: {  	v1 =	vand.u32 $0x7F, v2;
	v3 =	vor.u32 v3, v4  }
0x49: {  	s17 =	sadd.s32 $0x10, s17;
	v2 =	vshrl.u32 v0, $0x8;
	v1 =	vor.u32 v1, v3  }
.Ltmp4:
0x4a: {  	_ = 	snop;
	(pc) =	sbr.rel .LBB2_4-.Ltmp4, $1  }
0x4b: {  	_ =	sdelay $0x3  }
.LBB2_6:
0x4c: {  	_ =	sfence.sel $0x180000  }
0x4d: {  	s2 =	simm.s32 $0x2;
	[bflag:$0x0] =	sbarrier.arrive $0xFFFF  }
0x4e: {  	s30 =	simm.s32 $0x3;
	[sflag:s2] =	ssyncpa.u1 $0x1  }
0x4f: {  	s31 =	simm.s32 $0x1;
	[sflag:s30] =	ssyncpa.u1 $0x1  }
0x50: {  	[sflag:s31] =	ssyncpa.u1 $0x1  }
0x51: {  	p0 =	sne.s32 s0, $0x0;
	_ =	strace $0x9000005C  }
0x52: {  	s0 =	sadd.s32 @!p0 $0x100000, s1;
	[bflag:$0x2] =	sbarrier.arrive $0xFFFF  }
0x53: {  	[sflag:s0] =	ssyncadd.tile.s32 @!p0 $0x1;
	_ =	shalt  }
.Lfunc_end2:
_tile_overlayer_lowered:
.L_overlay_start_2:
0x54: {  	(tag) =	ssettag $0x2  }
0x55: {  	s0 =	rddreg [dreg:$0x0];
	s2 =	stileid.u32  }
0x56: {  	s1 =	rddreg [dreg:$0x1];
	p0 =	sne.s32 s2, $0x0  }
0x57: {  	s3 =	rddreg [dreg:$0x2];
	[bflag:$0x3] =	sbarrier.arrive $0xFFFF;
	s2 =	simm.s32 @!p0 $0x1C01  }
0x58: {  	[timem:s3], [sflag:s2] =	dma.local @!p0 [hbm:s0], s1  }
0x59: {  	s0 =	simm.s32 @!p0 $0x1  }
0x5a: {  	_ =	swait.ge @!p0 [sflag:s0], s1  }
0x5b: {  	s1 =	ssub.s32 @!p0 $0x0, s1;
	[sflag:s0] =	ssyncset.done @!p0 $0x0  }
0x5c: {  	[sflag:s0] =	ssyncadd.s32 @!p0 s1  }
0x5d: {  	[bflag:$0x3] =	sbarrier.arrive $0xFFFF  }
0x5e: {  	_ =	shalt  }

// kernel: gather_offload_async_start
scs
__scs_entry_jumppad:
0x0: {  	(pc) =	sbr.rel $0x88, $3  }
0x1: {  	(tag) =	ssettag $0x0;
	lr =	simm.s32 $0x1  }
0x2: {  	[smem:$0x3F2E] =	sst lr;
	_ =	strace $0xD0000000  }
0x3: {  	_ = 	snop  }
0x4: {  	_ = 	snop  }
0x5: {  	_ = 	snop  }
0x6: {  	_ = 	snop  }
0x7: {  	_ = 	snop  }
__scs_overlays_trampoline_lowered:
0x8: {  	[smem:$0x3F3D] =	sst s0  }
0x9: {  	[smem:$0x3F3E] =	sst s1  }
0xa: {  	[smem:$0x3F3F] =	sst s2  }
0xb: {  	[smem:$0x3F40] =	sst s3  }
0xc: {  	[smem:$0x3F41] =	sst s4  }
0xd: {  	[smem:$0x3F42] =	sst s5  }
0xe: {  	[smem:$0x3F43] =	sst s6  }
0xf: {  	[smem:$0x3F44] =	sst s7  }
0x10: {  	[smem:$0x3F45] =	sst s8  }
0x11: {  	[smem:$0x3F46] =	sst s9;
	s0 =	simm.s32 @!p0 $0x0  }
0x12: {  	s1 =	sld [smem:$0x3F2C];
	s0 =	simm.s32 @p0 $0x1  }
0x13: {  	[smem:$0x3F47] =	sst s0;
	s0 =	simm.s32 @!p1 $0x0  }
0x14: {  	s2 =	sld [smem:$0x3F2B];
	s0 =	simm.s32 @p1 $0x1  }
0x15: {  	[smem:$0x3F48] =	sst s0;
	s0 =	simm.s32 @!p2 $0x0  }
0x16: {  	s3 =	sld [smem:$0x3FDB];
	s0 =	simm.s32 @p2 $0x1  }
0x17: {  	s4 =	simm.s32 $0x1BF5;
	[smem:$0x3F4A] =	sst s0  }
0x18: {  	s0 =	sld [smem:$0x3F2D];
	_ =	swait.ge [sflag:s4], $0x0  }
0x19: {  	s7 =	sld [smem:$0x3F2E]  }
0x1a: {  	s8 =	sadd.s32 $0xFFFFE003, lr  }
0x1b: {  	s9 =	sadd.s32 $0xFFFFFEF7, lr;
	s5 =	simm.s32 $0xFFFFFFFF;
	p2 =	slt.u32 s8, $0xFFFFF086  }
0x1c: {  	p1 =	slt.u32 s9, $0xF7A;
	s5 =	simm.s32 @!p2 $0x0  }
0x1d: {  	s5 =	simm.s32 @p1 $0x1;
	p0 =	seq.s32 s7, s2  }
0x1e: {  	s7 =	smul.u32 @!p0 $0xF7A, s2;
	p2 =	seq.s32 @!p0 s5, $0x0  }
0x1f: {  	s9 =	smul.u32 $0xF7A, s1;
	s8 =	simm.s32 @!p0 $0x1BF5;
	p2 =	por !p2, p0  }
0x20: {  	[sflag:s8] =	ssyncset.s32 @!p0 $0xFFFFF086;
	s6 =	sadd.s32 @!p0 s3, s7;
	s7 =	simm.s32 @!p0 $0x108  }
0x21: {  	s3 =	sadd.s32 s3, s9;
	s6 =	sadd.s32 @!p0 $0x88, s6;
	s7 =	simm.s32 @p2 $0x1082  }
0x22: {  	[simem:s7], [sflag:s8] =	dma.local @!p0 [hbm:s6], $0xF7A  }
0x23: {  	s9 =	sor.u32 $0xD0000000, s2;
	s6 =	simm.s32 $0x108;
	_ =	swait.ge @!p0 [sflag:s8], $0x0  }
0x24: {  	s3 =	sadd.s32 $0x88, s3;
	s6 =	simm.s32 @!p1 $0x1082;
	[sflag:s4] =	ssyncset.s32 $0xFFFFF086  }
0x25: {  	[simem:s6], [sflag:s4] =	dma.local [hbm:s3], $0xF7A  }
0x26: {  	[smem:$0x3F2E] =	sst s1;
	(tag) =	ssettag s2;
	_ =	strace s9  }
0x27: {  	s1 =	sld [smem:$0x3F3E]  }
0x28: {  	s2 =	sld [smem:$0x3F3F]  }
0x29: {  	s4 =	sld [smem:$0x3F41]  }
0x2a: {  	p0 =	seq.s32 s5, $0x0;
	s5 =	sld [smem:$0x3F42]  }
0x2b: {  	s6 =	sld [smem:$0x3F43]  }
0x2c: {  	s7 =	sld [smem:$0x3F44]  }
0x2d: {  	s3 =	simm.s32 $0x108;
	s8 =	sld [smem:$0x3F45]  }
0x2e: {  	s3 =	simm.s32 @!p0 $0x1082;
	s9 =	sld [smem:$0x3F46]  }
0x2f: {  	lr =	sadd.s32 s0, s3;
	s0 =	sld [smem:$0x3F3D]  }
0x30: {  	s3 =	sld [smem:$0x3F40]  }
0x31: {  	[smem:$0x3F49] =	sst s10  }
0x32: {  	s10 =	sld [smem:$0x3F47];
	_ =	sdelay $0x3  }
0x33: {  	p0 =	seq.s32 s10, $0x1;
	s10 =	sld [smem:$0x3F49];
	_ =	sdelay $0x3  }
0x34: {  	[smem:$0x3F49] =	sst s10  }
0x35: {  	s10 =	sld [smem:$0x3F48];
	_ =	sdelay $0x3  }
0x36: {  	p1 =	seq.s32 s10, $0x1;
	s10 =	sld [smem:$0x3F49];
	_ =	sdelay $0x3  }
0x37: {  	[smem:$0x3F49] =	sst s10  }
0x38: {  	s10 =	sld [smem:$0x3F4A]  }
0x39: {  	_ = 	snop;
	(pc) =	sbr.ind lr, $3  }
0x3a: {  	_ = 	snop  }
0x3b: {  	_ = 	snop  }
0x3c: {  	p2 =	seq.s32 s10, $0x1;
	s10 =	sld [smem:$0x3F49]  }
0x3d: {  	_ =	shalt  }
0x3e: {  	_ =	shalt  }
0x3f: {  	_ =	shalt  }
0x40: {  	_ =	shalt  }
0x41: {  	_ =	shalt  }
0x42: {  	_ =	shalt  }
0x43: {  	_ =	shalt  }
0x44: {  	_ =	shalt  }
0x45: {  	_ =	shalt  }
0x46: {  	_ =	shalt  }
0x47: {  	_ =	shalt  }
0x48: {  	_ =	shalt  }
0x49: {  	_ =	shalt  }
0x4a: {  	_ =	shalt  }
0x4b: {  	_ =	shalt  }
0x4c: {  	_ =	shalt  }
0x4d: {  	_ =	shalt  }
0x4e: {  	_ =	shalt  }
0x4f: {  	_ =	shalt  }
0x50: {  	_ =	shalt  }
0x51: {  	_ =	shalt  }
0x52: {  	_ =	shalt  }
0x53: {  	_ =	shalt  }
0x54: {  	_ =	shalt  }
0x55: {  	_ =	shalt  }
0x56: {  	_ =	shalt  }
0x57: {  	_ =	shalt  }
0x58: {  	_ =	shalt  }
0x59: {  	_ =	shalt  }
0x5a: {  	_ =	shalt  }
0x5b: {  	_ =	shalt  }
0x5c: {  	_ =	shalt  }
0x5d: {  	_ =	shalt  }
0x5e: {  	_ =	shalt  }
0x5f: {  	_ =	shalt  }
0x60: {  	_ =	shalt  }
0x61: {  	_ =	shalt  }
0x62: {  	_ =	shalt  }
0x63: {  	_ =	shalt  }
0x64: {  	_ =	shalt  }
0x65: {  	_ =	shalt  }
0x66: {  	_ =	shalt  }
0x67: {  	_ =	shalt  }
0x68: {  	_ =	shalt  }
0x69: {  	_ =	shalt  }
0x6a: {  	_ =	shalt  }
0x6b: {  	_ =	shalt  }
0x6c: {  	_ =	shalt  }
0x6d: {  	_ =	shalt  }
0x6e: {  	_ =	shalt  }
0x6f: {  	_ =	shalt  }
0x70: {  	_ =	shalt  }
0x71: {  	_ =	shalt  }
0x72: {  	_ =	shalt  }
0x73: {  	_ =	shalt  }
0x74: {  	_ =	shalt  }
0x75: {  	_ =	shalt  }
0x76: {  	_ =	shalt  }
0x77: {  	_ =	shalt  }
0x78: {  	_ =	shalt  }
0x79: {  	_ =	shalt  }
0x7a: {  	_ =	shalt  }
0x7b: {  	_ =	shalt  }
0x7c: {  	_ =	shalt  }
0x7d: {  	_ =	shalt  }
0x7e: {  	_ =	shalt  }
0x7f: {  	_ =	shalt  }
0x80: {  	_ =	shalt  }
0x81: {  	_ =	shalt  }
0x82: {  	_ =	shalt  }
0x83: {  	_ =	shalt  }
0x84: {  	_ =	shalt  }
0x85: {  	_ =	shalt  }
0x86: {  	_ =	shalt  }
0x87: {  	_ =	shalt  }
.Lfunc_end0:
.L_simem_size_0:
called_computation.4_lowered:
.L_overlay_start_0:
0x88: {  	s0 =	sld [smem:$0x3FD9]  }
0x89: {  	s1 =	sld [smem:$0x3FFE];
	_ =	sdelay $0x3  }
0x8a: {  	s0 =	sadd.s32 s1, s0  }
0x8b: {  	[smem:$0x3F55] =	sst s0  }
0x8c: {  	_ = 	snop  }
0x8d: {  	(tm) =	ssettm $0x1  }
0x8e: {  	s15 =	sld [smem:$0x3FFB];
	_ =	sdelay $0x3  }
0x8f: {  	_ =	strace s15  }
0x90: {  	s0 =	sld [smem:$0x3FFC];
	_ =	sdelay $0x3  }
0x91: {  	_ =	strace s0  }
0x92: {  	s0 =	sld [smem:$0x3FFD];
	_ =	sdelay $0x3  }
0x93: {  	_ =	strace s0  }
0x94: {  	_ =	strace $0x8FFFFFFF  }
0x95: {  	s16 =	sld [smem:$0x3FDB];
	_ =	sdelay $0x1  }
0x96: {  	s17 =	simm.s32 $_scs_section_size  }
0x97: {  	s2 =	simm.s32 $_size__tile_overlayer_lowered;
	s3 =	simm.s32 $_tile_overlayer_lowered  }
0x98: {  	s20 =	simm.s32 $0x1BFF;
	s19 =	sshll.u32 s3, $0x1;
	s0 =	sadd.s32 s17, s16  }
0x99: {  	s4 =	simm.s32 $0x0;
	s18 =	sshll.u32 s2, $0x1;
	s2 =	sadd.s32 s19, s0  }
0x9a: {  	[timem:s4], [sflag:s20] =	dma.local [hbm:s2], s18  }
0x9b: {  	_ =	swait.ge [sflag:s20], s18  }
0x9c: {  	s1 =	ssub.s32 $0x0, s18;
	[sflag:s20] =	ssyncset.done $0x0  }
0x9d: {  	[sflag:s20] =	ssyncadd.s32 s1;
	_ =	sdelay $0x1  }
0x9e: {  	s21 =	simm.s32 $0x1B8B  }
0x9f: {  	_ =	swait.ge [sflag:s21], $0x1  }
0xa0: {  	[sflag:s21] =	ssyncset.done $0x0  }
0xa1: {  	s23 =	simm.s32 $0x1B8E;
	s22 =	sld [smem:$0x3FFE];
	[sflag:s21] =	ssyncadd.s32 $0xFFFFFFFF  }
0xa2: {  	s24 =	simm.s32 $execute0_lowered;
	[smem:$0x3FD2] =	sst s23  }
0xa3: {  	s2 =	sshll.u32 s24, $0x1;
	_ =	strace $0x80000046;
	[dreg:$0x1] =	wrdreg $0xFFFFFFFF  }
0xa4: {  	s25 =	simm.s32 $_size_execute0_lowered;
	s0 =	sadd.s32 s0, s2;
	[dreg:$0x0] =	wrdreg $0x0  }
0xa5: {  	s2 =	sshll.u32 s25, $0x1;
	[dreg:$0x2] =	wrdreg s0  }
0xa6: {  	[dreg:$0x3] =	wrdreg s2  }
0xa7: {  	[dreg:$0x4] =	wrdreg $0xC0  }
0xa8: {  	_ =	task [dreg:s4], $0x5FFFF  }
0xa9: {  	[dreg:$0x1] =	wrdreg $0xFFFFFFFF  }
0xaa: {  	[dreg:$0x0] =	wrdreg $0x60  }
0xab: {  	[dreg:$0x2] =	wrdreg s22  }
0xac: {  	[dreg:$0x3] =	wrdreg $0x9  }
0xad: {  	_ =	task.clear_ibuf [dreg:s4], $0x4FFFF;
	_ =	strace $0x90000046  }
0xae: {  	s26 =	simm.s32 $0x9;
	_ =	strace $0x80000048  }
0xaf: {  	_ =	swait.ge [sflag:s26], $0x1  }
0xb0: {  	[sflag:s26] =	ssyncadd.s32 $0xFFFFFFFF  }
0xb1: {  	_ =	strace $0x90000048  }
0xb2: {  	_ =	sfence  }
0xb3: {  	s28 =	sld [smem:$0x0];
	_ =	sdelay $0x1  }
0xb4: {  	s29 =	srdreg.scid  }
0xb5: {  	s30 =	sshll.u32 s29, $0xD;
	s31 =	sshrl.u32 s29, $0x2  }
0xb6: {  	s1 =	sand.u32 $0x1, s29;
	s2 =	sand.u32 $0x4000, s30;
	s0 =	sadd.s32 s31, s28  }
0xb7: {  	s1 =	sor.u32 s2, s1;
	s0 =	sshll.u32 s0, $0x11  }
0xb8: {  	s0 =	sor.u32 s0, s1  }
0xb9: {  	s0 =	sadd.s32 $0x8F2B, s0  }
0xba: {  	[sflag:s0] =	ssyncadd.remote.s32 $0x1  }
0xbb: {  	_ =	sfence.sel $0xFFFF  }
0xbc: {  	[dreg:$0x0] =	wrdreg $0xFFFFFFFF;
	(pc) =	sbr.abs _section_cstart, $3  }
0xbd: {  	[dreg:$0x1] =	wrdreg $0xFFFFFFFF  }
0xbe: {  	_ =	task.clear_ibuf [dreg:s4], $0x2FFFF;
	_ =	strace $0x9FFFFFFF  }
0xbf: {  	(tm) =	ssettm $0x7FFFFFFF  }
tec
execute0_lowered:
.L_overlay_start_1:
0x0: {  	(tag) =	ssettag $0x1  }
0x1: {  	s6 =	rddreg [dreg:$0x0]  }
0x2: {  	s1 =	stileid.u32;
	s0 =	rddreg [dreg:$0x1];
	_ =	strace $0x80000047  }
0x3: {  	s7 =	simm.s32 $0x1;
	s30 =	simm.s32 $0x2;
	s2 =	sshll.u32 s1, $0x4  }
0x4: {  	s31 =	simm.s32 $0x3;
	s11 =	simm.s32 $0x0;
	s5 =	ssub.s32 $0x4CD0, s2  }
0x5: {  	s9 =	simm.s32 $0x0;
	s3 =	sadd.s32 $0x22000, s6;
	s8 =	sand.u32 $0xF0, s5  }
0x6: {  	s4 =	sadd.s32 $0x31A00, s6;
	[sflag:s7] =	ssyncpa.u1 $0x0;
	p0 =	sne.s32 s8, $0x0  }
0x7: {  	s6 =	sadd.s32 $0x9F800, s6;
	s5 =	sshrl.u32 s5, $0x8;
	s7 =	simm.s32 @!p0 $0x0  }
0x8: {  	[sflag:s30] =	ssyncpa.u1 $0x0;
	s10 =	smov.u32 s2;
	s5 =	sadd.s32 s7, s5  }
0x9: {  	[sflag:s31] =	ssyncpa.u1 $0x0;
	s8 =	simm.s32 $0x0;
	s7 =	sadd.s32 $0x1, s5  }
.LBB2_1:
0xa: {  	p0 =	sge.u32 s9, s5  }
0xb: {  	s31 =	sadd.s32 $0xFFFFFFFF, s9;
	s12 =	sxor.u32 @!p0 $0xFFFFFFFF, s8;
	s13 =	sshrl.u32 @!p0 s10, $0x3  }
0xc: {  	s14 =	sand.u32 @!p0 $0x7, s10;
	s12 =	sand.u32 @!p0 $0x10, s12;
	s13 =	sadd.s32 @!p0 s4, s13  }
0xd: {  	[tilespmem:s12], [sflag:$0x2] =	stream.linear.gather @!p0 [hbm4b:s13+s14], $0x10, $0x38;
	[tilespmem:$0x40] =	vst v63  }
0xe: {  	p0 =	sge.u32 s31, s5  }
0xf: {  	s12 =	simm.s32 @!p0 $0x2  }
0x10: {  	_ =	swait.ge @!p0 [sflag:s12], $0x10  }
0x11: {  	[sflag:s12] =	ssyncset.done @!p0 $0x0  }
0x12: {  	[sflag:s12] =	ssyncadd.s32 @!p0 $0xFFFFFFF0;
	s12 =	sand.u32 @!p0 $0x10, s8  }
0x13: {  	(ifvalue) =	ssetifvalue @!p0 $0x7FFFFFFF;
	v0 =	vld.msk @!p0 [tilespmem:s12+$0x0 ss:$0x1], $0xffff;
	_ =	sdelay $0x4  }
0x14: {  	v1 =	vshrl.u32 @!p0 v0, $0xB;
	v2 =	vshll.u32 @!p0 v0, $0x7  }
0x15: {  	vm0 =	veq.s32 @!p0 v0, $0x80000000;
	v0 =	vand.u32 @!p0 $0x3F, v1;
	v1 =	vand.u32 @!p0 $0x3FF80, v2  }
0x16: {  	v0 =	vsel @!p0 vm0, $0xFFFFFFFF, v0;
	v1 =	vsel @!p0 vm0, $0xFFFFFF80, v1  }
0x17: {  	v2 =	vand.u32 @!p0 $0xFFFFFC00, v1;
	v3 =	vand.u32 @!p0 $0xFFFFFC00, v0  }
0x18: {  	v1 =	vand.u32 @!p0 $0x380, v1;
	v2 =	vadd.s32 @!p0 v3, v2  }
0x19: {  	v0 =	vand.u32 @!p0 $0x7F, v0;
	v1 =	vor.u32 @!p0 v1, v2  }
0x1a: {  	v0 =	vor.u32 @!p0 v0, v1;
	_ =	sdelay $0x3  }
0x1b: {  	s13 =	simm.s32 @!p0 $0x0;
	s12 =	sor.u32 @!p0 $0x20, s12;
	(ifvalue) =	ssetifvalue @!p0 $0x7FFFFFFF;
	vm0 =	vmmov @!p0 $0xffff  }
0x1c: {  	[tilespmem:s12], [sflag:$0x1] =	stream.indirect_vreg.gather @!p0 [hbm4b:s3+s13], $0x1, v0, vm0, $0x4038;
	[tilespmem:$0x40] =	vst v63  }
0x1d: {  	s13 =	simm.s32 @!p0 $0x1  }
0x1e: {  	_ =	swait.ge @!p0 [sflag:s13], $0x10  }
0x1f: {  	s14 =	sshrl.u32 @!p0 s11, $0x3;
	[sflag:s13] =	ssyncset.done @!p0 $0x0  }
0x20: {  	s11 =	sand.u32 @!p0 $0x7, s11;
	[sflag:s13] =	ssyncadd.s32 @!p0 $0xFFFFFFF0;
	s13 =	sadd.s32 @!p0 s6, s14  }
0x21: {  	[hbm4b:s13+s11] =	stream.linear.scatter @!p0 [tilespmem:s12], [sflag:$0x3], $0x10, $0x38;
	[tilespmem:$0x40] =	vst v63  }
0x22: {  	s13 =	sadd.s32 $0x100, s10  }
0x23: {  	p1 =	sgt.s32 s13, $0x4CCF  }
0x24: {  	s13 =	smov.u32 @p1 s2;
	p1 =	sne.s32 s9, s7  }
.Ltmp0:
0x25: {  	p0 =	slt.u32 s9, $0x2;
	(pc) =	sbr.rel @p1 .LBB2_1-.Ltmp0, $4  }
0x26: {  	s12 =	simm.s32 @!p0 $0x3  }
0x27: {  	_ =	swait.ge @!p0 [sflag:s12], $0x10  }
0x28: {  	s8 =	sadd.s32 $0x10, s8;
	s11 =	smov.u32 s10;
	[sflag:s12] =	ssyncset.done @!p0 $0x0  }
0x29: {  	s9 =	sadd.s32 $0x1, s9;
	s10 =	smov.u32 s13;
	[sflag:s12] =	ssyncadd.s32 @!p0 $0xFFFFFFF0  }
0x2a: {  	_ =	sfence.sel $0x180000  }
0x2b: {  	s2 =	simm.s32 $0x2;
	[bflag:$0x0] =	sbarrier.arrive $0xFFFF  }
0x2c: {  	s30 =	simm.s32 $0x3;
	[sflag:s2] =	ssyncpa.u1 $0x1  }
0x2d: {  	s31 =	simm.s32 $0x1;
	[sflag:s30] =	ssyncpa.u1 $0x1  }
0x2e: {  	[sflag:s31] =	ssyncpa.u1 $0x1  }
0x2f: {  	p0 =	sne.s32 s1, $0x0;
	_ =	strace $0x90000047  }
0x30: {  	s0 =	sadd.s32 @!p0 $0x100000, s0;
	[bflag:$0x2] =	sbarrier.arrive $0xFFFF  }
0x31: {  	[sflag:s0] =	ssyncadd.tile.s32 @!p0 $0x1;
	_ =	shalt  }
.Lfunc_end2:
_tile_overlayer_lowered:
.L_overlay_start_2:
0x32: {  	(tag) =	ssettag $0x2  }
0x33: {  	s0 =	rddreg [dreg:$0x0];
	s2 =	stileid.u32  }
0x34: {  	s1 =	rddreg [dreg:$0x1];
	p0 =	sne.s32 s2, $0x0  }
0x35: {  	s3 =	rddreg [dreg:$0x2];
	[bflag:$0x3] =	sbarrier.arrive $0xFFFF;
	s2 =	simm.s32 @!p0 $0x1C01  }
0x36: {  	[timem:s3], [sflag:s2] =	dma.local @!p0 [hbm:s0], s1  }
0x37: {  	s0 =	simm.s32 @!p0 $0x1  }
0x38: {  	_ =	swait.ge @!p0 [sflag:s0], s1  }
0x39: {  	s1 =	ssub.s32 @!p0 $0x0, s1;
	[sflag:s0] =	ssyncset.done @!p0 $0x0  }
0x3a: {  	[sflag:s0] =	ssyncadd.s32 @!p0 s1  }
0x3b: {  	[bflag:$0x3] =	sbarrier.arrive $0xFFFF  }
0x3c: {  	_ =	shalt  }

// kernel: scatter_offload_async_start.1
scs
__scs_entry_jumppad:
0x0: {  	(pc) =	sbr.rel $0x88, $3  }
0x1: {  	(tag) =	ssettag $0x0;
	lr =	simm.s32 $0x1  }
0x2: {  	[smem:$0x3F2E] =	sst lr;
	_ =	strace $0xD0000000  }
0x3: {  	_ = 	snop  }
0x4: {  	_ = 	snop  }
0x5: {  	_ = 	snop  }
0x6: {  	_ = 	snop  }
0x7: {  	_ = 	snop  }
__scs_overlays_trampoline_lowered:
0x8: {  	[smem:$0x3F3D] =	sst s0  }
0x9: {  	[smem:$0x3F3E] =	sst s1  }
0xa: {  	[smem:$0x3F3F] =	sst s2  }
0xb: {  	[smem:$0x3F40] =	sst s3  }
0xc: {  	[smem:$0x3F41] =	sst s4  }
0xd: {  	[smem:$0x3F42] =	sst s5  }
0xe: {  	[smem:$0x3F43] =	sst s6  }
0xf: {  	[smem:$0x3F44] =	sst s7  }
0x10: {  	[smem:$0x3F45] =	sst s8  }
0x11: {  	[smem:$0x3F46] =	sst s9;
	s0 =	simm.s32 @!p0 $0x0  }
0x12: {  	s1 =	sld [smem:$0x3F2C];
	s0 =	simm.s32 @p0 $0x1  }
0x13: {  	[smem:$0x3F47] =	sst s0;
	s0 =	simm.s32 @!p1 $0x0  }
0x14: {  	s2 =	sld [smem:$0x3F2B];
	s0 =	simm.s32 @p1 $0x1  }
0x15: {  	[smem:$0x3F48] =	sst s0;
	s0 =	simm.s32 @!p2 $0x0  }
0x16: {  	s3 =	sld [smem:$0x3FDB];
	s0 =	simm.s32 @p2 $0x1  }
0x17: {  	s4 =	simm.s32 $0x1BF5;
	[smem:$0x3F4A] =	sst s0  }
0x18: {  	s0 =	sld [smem:$0x3F2D];
	_ =	swait.ge [sflag:s4], $0x0  }
0x19: {  	s7 =	sld [smem:$0x3F2E]  }
0x1a: {  	s8 =	sadd.s32 $0xFFFFE003, lr  }
0x1b: {  	s9 =	sadd.s32 $0xFFFFFEF7, lr;
	s5 =	simm.s32 $0xFFFFFFFF;
	p2 =	slt.u32 s8, $0xFFFFF086  }
0x1c: {  	p1 =	slt.u32 s9, $0xF7A;
	s5 =	simm.s32 @!p2 $0x0  }
0x1d: {  	s5 =	simm.s32 @p1 $0x1;
	p0 =	seq.s32 s7, s2  }
0x1e: {  	s7 =	smul.u32 @!p0 $0xF7A, s2;
	p2 =	seq.s32 @!p0 s5, $0x0  }
0x1f: {  	s9 =	smul.u32 $0xF7A, s1;
	s8 =	simm.s32 @!p0 $0x1BF5;
	p2 =	por !p2, p0  }
0x20: {  	[sflag:s8] =	ssyncset.s32 @!p0 $0xFFFFF086;
	s6 =	sadd.s32 @!p0 s3, s7;
	s7 =	simm.s32 @!p0 $0x108  }
0x21: {  	s3 =	sadd.s32 s3, s9;
	s6 =	sadd.s32 @!p0 $0x88, s6;
	s7 =	simm.s32 @p2 $0x1082  }
0x22: {  	[simem:s7], [sflag:s8] =	dma.local @!p0 [hbm:s6], $0xF7A  }
0x23: {  	s9 =	sor.u32 $0xD0000000, s2;
	s6 =	simm.s32 $0x108;
	_ =	swait.ge @!p0 [sflag:s8], $0x0  }
0x24: {  	s3 =	sadd.s32 $0x88, s3;
	s6 =	simm.s32 @!p1 $0x1082;
	[sflag:s4] =	ssyncset.s32 $0xFFFFF086  }
0x25: {  	[simem:s6], [sflag:s4] =	dma.local [hbm:s3], $0xF7A  }
0x26: {  	[smem:$0x3F2E] =	sst s1;
	(tag) =	ssettag s2;
	_ =	strace s9  }
0x27: {  	s1 =	sld [smem:$0x3F3E]  }
0x28: {  	s2 =	sld [smem:$0x3F3F]  }
0x29: {  	s4 =	sld [smem:$0x3F41]  }
0x2a: {  	p0 =	seq.s32 s5, $0x0;
	s5 =	sld [smem:$0x3F42]  }
0x2b: {  	s6 =	sld [smem:$0x3F43]  }
0x2c: {  	s7 =	sld [smem:$0x3F44]  }
0x2d: {  	s3 =	simm.s32 $0x108;
	s8 =	sld [smem:$0x3F45]  }
0x2e: {  	s3 =	simm.s32 @!p0 $0x1082;
	s9 =	sld [smem:$0x3F46]  }
0x2f: {  	lr =	sadd.s32 s0, s3;
	s0 =	sld [smem:$0x3F3D]  }
0x30: {  	s3 =	sld [smem:$0x3F40]  }
0x31: {  	[smem:$0x3F49] =	sst s10  }
0x32: {  	s10 =	sld [smem:$0x3F47];
	_ =	sdelay $0x3  }
0x33: {  	p0 =	seq.s32 s10, $0x1;
	s10 =	sld [smem:$0x3F49];
	_ =	sdelay $0x3  }
0x34: {  	[smem:$0x3F49] =	sst s10  }
0x35: {  	s10 =	sld [smem:$0x3F48];
	_ =	sdelay $0x3  }
0x36: {  	p1 =	seq.s32 s10, $0x1;
	s10 =	sld [smem:$0x3F49];
	_ =	sdelay $0x3  }
0x37: {  	[smem:$0x3F49] =	sst s10  }
0x38: {  	s10 =	sld [smem:$0x3F4A]  }
0x39: {  	_ = 	snop;
	(pc) =	sbr.ind lr, $3  }
0x3a: {  	_ = 	snop  }
0x3b: {  	_ = 	snop  }
0x3c: {  	p2 =	seq.s32 s10, $0x1;
	s10 =	sld [smem:$0x3F49]  }
0x3d: {  	_ =	shalt  }
0x3e: {  	_ =	shalt  }
0x3f: {  	_ =	shalt  }
0x40: {  	_ =	shalt  }
0x41: {  	_ =	shalt  }
0x42: {  	_ =	shalt  }
0x43: {  	_ =	shalt  }
0x44: {  	_ =	shalt  }
0x45: {  	_ =	shalt  }
0x46: {  	_ =	shalt  }
0x47: {  	_ =	shalt  }
0x48: {  	_ =	shalt  }
0x49: {  	_ =	shalt  }
0x4a: {  	_ =	shalt  }
0x4b: {  	_ =	shalt  }
0x4c: {  	_ =	shalt  }
0x4d: {  	_ =	shalt  }
0x4e: {  	_ =	shalt  }
0x4f: {  	_ =	shalt  }
0x50: {  	_ =	shalt  }
0x51: {  	_ =	shalt  }
0x52: {  	_ =	shalt  }
0x53: {  	_ =	shalt  }
0x54: {  	_ =	shalt  }
0x55: {  	_ =	shalt  }
0x56: {  	_ =	shalt  }
0x57: {  	_ =	shalt  }
0x58: {  	_ =	shalt  }
0x59: {  	_ =	shalt  }
0x5a: {  	_ =	shalt  }
0x5b: {  	_ =	shalt  }
0x5c: {  	_ =	shalt  }
0x5d: {  	_ =	shalt  }
0x5e: {  	_ =	shalt  }
0x5f: {  	_ =	shalt  }
0x60: {  	_ =	shalt  }
0x61: {  	_ =	shalt  }
0x62: {  	_ =	shalt  }
0x63: {  	_ =	shalt  }
0x64: {  	_ =	shalt  }
0x65: {  	_ =	shalt  }
0x66: {  	_ =	shalt  }
0x67: {  	_ =	shalt  }
0x68: {  	_ =	shalt  }
0x69: {  	_ =	shalt  }
0x6a: {  	_ =	shalt  }
0x6b: {  	_ =	shalt  }
0x6c: {  	_ =	shalt  }
0x6d: {  	_ =	shalt  }
0x6e: {  	_ =	shalt  }
0x6f: {  	_ =	shalt  }
0x70: {  	_ =	shalt  }
0x71: {  	_ =	shalt  }
0x72: {  	_ =	shalt  }
0x73: {  	_ =	shalt  }
0x74: {  	_ =	shalt  }
0x75: {  	_ =	shalt  }
0x76: {  	_ =	shalt  }
0x77: {  	_ =	shalt  }
0x78: {  	_ =	shalt  }
0x79: {  	_ =	shalt  }
0x7a: {  	_ =	shalt  }
0x7b: {  	_ =	shalt  }
0x7c: {  	_ =	shalt  }
0x7d: {  	_ =	shalt  }
0x7e: {  	_ =	shalt  }
0x7f: {  	_ =	shalt  }
0x80: {  	_ =	shalt  }
0x81: {  	_ =	shalt  }
0x82: {  	_ =	shalt  }
0x83: {  	_ =	shalt  }
0x84: {  	_ =	shalt  }
0x85: {  	_ =	shalt  }
0x86: {  	_ =	shalt  }
0x87: {  	_ =	shalt  }
.Lfunc_end0:
.L_simem_size_0:
called_computation.1_lowered:
.L_overlay_start_0:
0x88: {  	s2 =	sld [smem:$0x3FD9]  }
0x89: {  	s3 =	sld [smem:$0x3FFE];
	_ =	sdelay $0x1  }
0x8a: {  	s1 =	srdreg.scid  }
0x8b: {  	s0 =	sand.u32 $0x1, s1  }
0x8c: {  	s12 =	sshll.u32 s0, $0xA;
	s2 =	sadd.s32 s3, s2  }
0x8d: {  	s2 =	sadd.s32 s2, s12  }
0x8e: {  	[smem:$0x3F55] =	sst s2  }
0x8f: {  	_ = 	snop  }
0x90: {  	(tm) =	ssettm $0x1  }
0x91: {  	s13 =	sld [smem:$0x3FFB];
	_ =	sdelay $0x3  }
0x92: {  	_ =	strace s13  }
0x93: {  	s2 =	sld [smem:$0x3FFC];
	_ =	sdelay $0x3  }
0x94: {  	_ =	strace s2  }
0x95: {  	s2 =	sld [smem:$0x3FFD];
	_ =	sdelay $0x3  }
0x96: {  	_ =	strace s2  }
0x97: {  	_ =	strace $0x8FFFFFFF  }
0x98: {  	s14 =	sld [smem:$0x3FDB];
	_ =	sdelay $0x1  }
0x99: {  	s15 =	simm.s32 $_scs_section_size  }
0x9a: {  	s4 =	simm.s32 $_size__tile_overlayer_lowered;
	s5 =	simm.s32 $_tile_overlayer_lowered  }
0x9b: {  	s19 =	simm.s32 $0x1BFF;
	s17 =	sshll.u32 s5, $0x1;
	s6 =	sadd.s32 s15, s14  }
0x9c: {  	s20 =	simm.s32 $0x0;
	s16 =	sshll.u32 s4, $0x1;
	s18 =	sadd.s32 s17, s6  }
0x9d: {  	[timem:s20], [sflag:s19] =	dma.local [hbm:s18], s16  }
0x9e: {  	_ =	swait.ge [sflag:s19], s16  }
0x9f: {  	s3 =	ssub.s32 $0x0, s16;
	[sflag:s19] =	ssyncset.done $0x0  }
0xa0: {  	[sflag:s19] =	ssyncadd.s32 s3;
	_ =	sdelay $0x1  }
0xa1: {  	s21 =	simm.s32 $0x1B8B  }
0xa2: {  	_ =	swait.ge [sflag:s21], $0x1  }
0xa3: {  	[sflag:s21] =	ssyncset.done $0x0  }
0xa4: {  	[sflag:s21] =	ssyncadd.s32 $0xFFFFFFFF  }
0xa5: {  	s3 =	sld [smem:$0x0]  }
0xa6: {  	s4 =	sand.u32 $0xFFFFFFFE, s1  }
0xa7: {  	p0 =	sne.s32 s1, s4  }
0xa8: {  	s4 =	sshll.u32 @p0 s4, $0xE  }
0xa9: {  	s5 =	sadd.s32 @p0 $0x11B8D, s4;
	s7 =	sshll.u32 @p0 s3, $0x11  }
0xaa: {  	s5 =	sor.u32 @p0 s7, s5  }
0xab: {  	[sflag:s5] =	ssyncadd.remote.s32 @p0 $0x1;
	_ =	sdelay $0x1  }
0xac: {  	s5 =	simm.s32 @p0 $0x1B8D  }
0xad: {  	_ =	swait.eq @p0 [sflag:s5], $0x1  }
0xae: {  	[sflag:s5] =	ssyncadd.s32 @p0 $0xFFFFFFFF  }
0xaf: {  	s7 =	sshll.u32 @!p0 s1, $0xE  }
0xb0: {  	s7 =	sor.u32 @!p0 $0x4000, s7;
	s5 =	simm.s32 @!p0 $0x1B8D  }
0xb1: {  	s9 =	sshll.u32 @!p0 s3, $0x11;
	s8 =	sadd.s32 @!p0 $0x11B8D, s7;
	_ =	swait.eq @!p0 [sflag:s5], $0x1  }
0xb2: {  	[sflag:s5] =	ssyncadd.s32 @!p0 $0xFFFFFFFF;
	s5 =	sor.u32 @!p0 s9, s8  }
0xb3: {  	s23 =	simm.s32 $0x1B8E;
	s22 =	sld [smem:$0x3FFE];
	[sflag:s5] =	ssyncadd.remote.s32 @!p0 $0x1  }
0xb4: {  	s24 =	simm.s32 $execute0_lowered;
	[smem:$0x3FD2] =	sst s23  }
0xb5: {  	s8 =	sshll.u32 s24, $0x1;
	_ =	strace $0x80000055;
	[dreg:$0x1] =	wrdreg $0xFFFFFFFF  }
0xb6: {  	s25 =	simm.s32 $_size_execute0_lowered;
	s8 =	sadd.s32 s6, s8;
	[dreg:$0x0] =	wrdreg $0x0  }
0xb7: {  	s9 =	sshll.u32 s25, $0x1;
	[dreg:$0x2] =	wrdreg s8  }
0xb8: {  	[dreg:$0x3] =	wrdreg s9  }
0xb9: {  	[dreg:$0x4] =	wrdreg $0xC0  }
0xba: {  	s26 =	simm.s32 $execute1_lowered;
	_ =	task [dreg:s20], $0x5FFFF  }
0xbb: {  	s8 =	sshll.u32 s26, $0x1;
	[dreg:$0x1] =	wrdreg $0xFFFFFFFF  }
0xbc: {  	s6 =	sadd.s32 s6, s8;
	[dreg:$0x0] =	wrdreg $0x60  }
0xbd: {  	[dreg:$0x2] =	wrdreg s6  }
0xbe: {  	[dreg:$0x3] =	wrdreg s22  }
0xbf: {  	[dreg:$0x4] =	wrdreg $0xC  }
0xc0: {  	_ =	task.clear_ibuf [dreg:s20], $0x5FFFF;
	_ =	strace $0x90000055  }
0xc1: {  	s28 =	simm.s32 $0xC;
	_ =	strace $0x80000057  }
0xc2: {  	_ =	swait.ge [sflag:s28], $0x1  }
0xc3: {  	[sflag:s28] =	ssyncadd.s32 $0xFFFFFFFF  }
0xc4: {  	_ =	strace $0x90000057  }
0xc5: {  	s6 =	sld [smem:$0x0];
	_ =	sdelay $0x3  }
0xc6: {  	s4 =	sadd.s32 @p0 $0x11BF3, s4;
	s8 =	sshll.u32 @p0 s6, $0x11  }
0xc7: {  	s4 =	sor.u32 @p0 s8, s4  }
0xc8: {  	[sflag:s4] =	ssyncadd.remote.s32 @p0 $0x1;
	_ =	sdelay $0x1  }
0xc9: {  	s4 =	simm.s32 @p0 $0x1BF3  }
0xca: {  	_ =	swait.eq @p0 [sflag:s4], $0x1  }
0xcb: {  	[sflag:s4] =	ssyncadd.s32 @p0 $0xFFFFFFFF;
	_ =	sdelay $0x1  }
0xcc: {  	s4 =	simm.s32 @!p0 $0x1BF3  }
0xcd: {  	s7 =	sadd.s32 @!p0 $0x11BF3, s7;
	s6 =	sshll.u32 @!p0 s6, $0x11;
	_ =	swait.eq @!p0 [sflag:s4], $0x1  }
0xce: {  	[sflag:s4] =	ssyncadd.s32 @!p0 $0xFFFFFFFF;
	s4 =	sor.u32 @!p0 s6, s7  }
0xcf: {  	[sflag:s4] =	ssyncadd.remote.s32 @!p0 $0x1  }
0xd0: {  	_ =	strace $0x80000058;
	[dreg:$0x1] =	wrdreg $0xFFFFFFFF  }
0xd1: {  	[dreg:$0x0] =	wrdreg $0x2030  }
0xd2: {  	[dreg:$0x2] =	wrdreg s22  }
0xd3: {  	[dreg:$0x3] =	wrdreg s1  }
0xd4: {  	[dreg:$0x4] =	wrdreg s3  }
0xd5: {  	[dreg:$0x5] =	wrdreg $0xD  }
0xd6: {  	_ =	task.clear_ibuf [dreg:s20], $0x6FFFF;
	_ =	strace $0x90000058  }
0xd7: {  	s29 =	simm.s32 $0xD;
	_ =	strace $0x8000005A  }
0xd8: {  	_ =	swait.ge [sflag:s29], $0x1  }
0xd9: {  	[sflag:s29] =	ssyncadd.s32 $0xFFFFFFFF  }
0xda: {  	_ =	strace $0x9000005A  }
0xdb: {  	_ =	sfence  }
0xdc: {  	s30 =	sld [smem:$0x0];
	_ =	sdelay $0x2  }
0xdd: {  	s31 =	sshll.u32 s1, $0xD;
	s1 =	sshrl.u32 s1, $0x2  }
0xde: {  	s4 =	sand.u32 $0x4000, s31;
	s1 =	sadd.s32 s1, s30  }
0xdf: {  	s0 =	sor.u32 s4, s0;
	s1 =	sshll.u32 s1, $0x11  }
0xe0: {  	s0 =	sor.u32 s1, s0  }
0xe1: {  	s0 =	sadd.s32 $0x8F2B, s0  }
0xe2: {  	[sflag:s0] =	ssyncadd.remote.s32 $0x1  }
0xe3: {  	_ =	sfence.sel $0xFFFF  }
0xe4: {  	[dreg:$0x0] =	wrdreg $0xFFFFFFFF;
	(pc) =	sbr.abs _section_cstart, $3  }
0xe5: {  	[dreg:$0x1] =	wrdreg $0xFFFFFFFF  }
0xe6: {  	_ =	task.clear_ibuf [dreg:s20], $0x2FFFF;
	_ =	strace $0x9FFFFFFF  }
0xe7: {  	(tm) =	ssettm $0x7FFFFFFF  }
tec
execute0_lowered:
.L_overlay_start_1:
0x0: {  	(tag) =	ssettag $0x1  }
0x1: {  	s2 =	rddreg [dreg:$0x0]  }
0x2: {  	s7 =	rddreg [dreg:$0x1]  }
0x3: {  	s0 =	rddreg [dreg:$0x2]  }
0x4: {  	s3 =	stileid.u32;
	[bflag:$0x3] =	sbarrier.arrive $0xFFFF;
	s1 =	simm.s32 $_size_execute1_lowered  }
0x5: {  	s29 =	srdreg.scid;
	s9 =	simm.s32 $0x2;
	p0 =	sne.s32 s3, $0x0  }
0x6: {  	s1 =	sshll.u32 s1, $0x1;
	s4 =	simm.s32 @!p0 $0x1C3F;
	s5 =	simm.s32 @!p0 $0x4060  }
0x7: {  	[timem:s5], [sflag:s4] =	dma.local @!p0 [hbm:s2], s1  }
0x8: {  	s13 =	simm.s32 $0x0;
	s10 =	simm.s32 $0x80;
	s2 =	sshll.u32 s29, $0x6  }
0x9: {  	s12 =	simm.s32 $0x0;
	s3 =	sshll.u32 s3, $0x7;
	s2 =	sand.u32 $0x40, s2  }
0xa: {  	s11 =	simm.s32 $0x0;
	_ =	strace $0x80000056;
	s2 =	sor.u32 s3, s2  }
0xb: {  	s3 =	sshll.u32 s2, $0x4;
	p1 =	slt.u32 s2, $0x4D0;
	s31 =	smax.u32 s2, $0x490  }
0xc: {  	s5 =	ssub.s32 $0x4CD, s2;
	s4 =	sadd.s32 $0xFFFFB300, s3;
	s6 =	sshll.u32 s31, $0x8  }
0xd: {  	s4 =	smov.u32 @p1 s3;
	s3 =	simm.s32 $0x1;
	p1 =	sgt.s32 s5, $0x0  }
0xe: {  	s6 =	ssub.s32 $0x4D000, s6;
	s8 =	sadd.s32 s4, s7;
	[sflag:s3] =	ssyncpa.u1 $0x0  }
.Ltmp0:
0xf: {  	s5 =	simm.s32 @!p1 $0x0;
	s4 =	simm.s32 $0x1;
	(pc) =	sbr.rel .LBB2_1-.Ltmp0, $4  }
0x10: {  	s6 =	sshrl.u32 s6, $0x2;
	s7 =	sadd.s32 $0x24800, s7;
	s30 =	sand.u32 $0x7CD, s5  }
0x11: {  	s5 =	simm.s32 $0x3;
	[sflag:s9] =	ssyncpa.u1 $0x0;
	p1 =	sne.s32 s30, $0x0  }
0x12: {  	s4 =	simm.s32 @!p1 $0x0;
	s5 =	simm.s32 @!p1 $0x2;
	p1 =	sgt.u32 s2, $0x4CF  }
0x13: {  	s8 =	sadd.s32 $0x9F800, s8;
	s9 =	simm.s32 $0x40;
	s6 =	simm.s32 @p1 $0x0  }
.LBB2_5:
0x14: {  	_ =	sdelay $0x3  }
0x15: {  	[tilespmem:v3+s18+$0x0 ss:$0x1] =	vst.idx.msk $0xffff, v1  }
0x16: {  	[tilespmem:v3+s16+$0x0 ss:$0x1] =	vst.idx.msk $0xffff, v2  }
0x17: {  	[tilespmem:v3+s17+$0x0 ss:$0x1] =	vst.idx.msk $0xffff, v4  }
0x18: {  	[tilespmem:v3+s19+$0x0 ss:$0x1] =	vst.idx.msk $0xffff, v5  }
.LBB2_6:
0x19: {  	s16 =	smulhi.u32 $0x3531DEC1, s12;
	_ =	sdelay $0x1  }
0x1a: {  	s16 =	sshrl.u32 s16, $0x8  }
0x1b: {  	s16 =	smul.u32 $0x4D0, s16;
	_ =	sdelay $0x1  }
0x1c: {  	s16 =	ssub.s32 s12, s16  }
0x1d: {  	s16 =	sshll.u32 s16, $0x4  }
0x1e: {  	s16 =	sadd.s32 s7, s16  }
0x1f: {  	[hbm4b:s16+s9] =	stream.strided.scatter [tilespmem:s15], [sflag:$0x2], s14, s10, s9, $0x38;
	[tilespmem:$0x4000] =	vst v63  }
.LBB2_7:
0x20: {  	p1 =	slt.u32 s11, $0x2  }
0x21: {  	p2 =	sgt.s32 @!p1 s13, $0x490  }
0x22: {  	p2 =	por !p2, p1  }
0x23: {  	p3 =	sgt.s32 @!p1 s13, $0x4CF;
	s13 =	simm.s32 @p2 $0x490  }
0x24: {  	s13 =	sshll.u32 @!p1 s13, $0x8  }
0x25: {  	s13 =	ssub.s32 @!p1 $0x4D000, s13  }
0x26: {  	s11 =	sadd.s32 $0x1, s11;
	p2 =	por !p3, p1;
	s13 =	sshrl.u32 @!p1 s13, $0x2  }
0x27: {  	s13 =	simm.s32 @!p2 $0x0;
	p2 =	sne.s32 s11, s5  }
.Ltmp1:
0x28: {  	_ = 	snop;
	(pc) =	sbr.rel @!p2 .LBB2_8-.Ltmp1, $4  }
0x29: {  	s14 =	simm.s32 @!p1 $0x2  }
0x2a: {  	_ =	swait.ge @!p1 [sflag:s14], s13  }
0x2b: {  	s15 =	ssub.s32 @!p1 $0x0, s13;
	[sflag:s14] =	ssyncset.done @!p1 $0x0  }
0x2c: {  	s13 =	smov.u32 s12;
	s12 =	smov.u32 s2;
	[sflag:s14] =	ssyncadd.s32 @!p1 s15  }
.LBB2_1:
0x2d: {  	p1 =	sge.u32 s11, s4;
	s31 =	sadd.s32 $0xFFFFFFFF, s11  }
0x2e: {  	s14 =	simm.s32 @!p1 $0x40;
	s15 =	simm.s32 @!p1 $0x80;
	s16 =	simm.s32 @!p1 $0x1000  }
0x2f: {  	[tilespmem:s16], [sflag:$0x1] =	stream.strided.gather @!p1 [hbm4b:s8+s14], s6, s15, s14, $0x38;
	[tilespmem:$0x4000] =	vst v63  }
0x30: {  	p1 =	sge.u32 s31, s4  }
.Ltmp2:
0x31: {  	_ = 	snop;
	(pc) =	sbr.rel @p1 .LBB2_7-.Ltmp2, $1  }
0x32: {  	_ =	sdelay $0x3  }
0x33: {  	p1 =	sgt.s32 s12, $0x490;
	s14 =	smov.u32 s12  }
0x34: {  	s14 =	simm.s32 @!p1 $0x490  }
0x35: {  	s14 =	sshll.u32 s14, $0x8  }
0x36: {  	s14 =	ssub.s32 $0x4D000, s14  }
0x37: {  	p1 =	sgt.u32 s12, $0x4CF;
	s14 =	sshrl.u32 s14, $0x2  }
0x38: {  	s15 =	smov.u32 s12;
	s14 =	simm.s32 @p1 $0x0;
	p1 =	slt.s32 s12, $0x48D  }
0x39: {  	s15 =	simm.s32 @!p1 $0x48D  }
0x3a: {  	s17 =	ssub.s32 s15, s12  }
0x3b: {  	p1 =	slt.s32 s17, $0xFFFFFFC1  }
.Ltmp3:
0x3c: {  	_ = 	snop;
	(pc) =	sbr.rel @p1 .LBB2_6-.Ltmp3, $4  }
0x3d: {  	_ = 	snop  }
0x3e: {  	s16 =	sshll.u32 s11, $0xC;
	_ =	swait.ge [sflag:s3], s14  }
0x3f: {  	s16 =	sand.u32 $0x1000, s16;
	s18 =	ssub.s32 $0x0, s14;
	[sflag:s3] =	ssyncset.done $0x0  }
0x40: {  	s15 =	sor.u32 $0x2000, s16;
	[sflag:s3] =	ssyncadd.s32 s18  }
0x41: {  	v0 =	vmov s16;
	_ =	sdelay $0x1  }
0x42: {  	s20 =	sadd.s32 $0x40, s17  }
0x43: {  	s31 =	simm.s32 $0x0;
	p1 =	sne.s32 s20, $0x1  }
.Ltmp4:
0x44: {  	s18 =	sand.u32 $0xFC0, s31;
	(pc) =	sbr.rel @!p1 .LBB2_5-.Ltmp4, $4  }
0x45: {  	s16 =	sor.u32 $0x30, s18;
	v1 =	vld.idx.msk [tilespmem:v0+s18+$0x0 ss:$0x1], $0xffff  }
0x46: {  	v3 =	vmov s15;
	s17 =	sor.u32 $0x10, s18;
	v2 =	vld.idx.msk [tilespmem:v0+s16+$0x0 ss:$0x1], $0xffff  }
0x47: {  	s19 =	sor.u32 $0x20, s18;
	v4 =	vld.idx.msk [tilespmem:v0+s17+$0x0 ss:$0x1], $0xffff  }
0x48: {  	s21 =	simm.s32 $0x40;
	s20 =	sadd.s32 $0xFFFFFFFF, s20;
	v5 =	vld.idx.msk [tilespmem:v0+s19+$0x0 ss:$0x1], $0xffff  }
.LBB2_4:
0x49: {  	s22 =	sand.u32 $0xFC0, s21  }
0x4a: {  	p1 =	sne.s32 s20, $0x1;
	s20 =	sadd.s32 $0xFFFFFFFF, s20;
	s23 =	sor.u32 $0x10, s22  }
.Ltmp5:
0x4b: {  	s24 =	sor.u32 $0x20, s22;
	s25 =	sor.u32 $0x30, s22;
	[tilespmem:v3+s18+$0x0 ss:$0x1] =	vst.idx.msk $0xffff, v1;
	v1 =	vld.idx.msk [tilespmem:v0+s22+$0x0 ss:$0x1], $0xffff;
	(pc) =	sbr.rel @p1 .LBB2_4-.Ltmp5, $4  }
0x4c: {  	s18 =	smov.u32 s22;
	[tilespmem:v3+s16+$0x0 ss:$0x1] =	vst.idx.msk $0xffff, v2;
	v2 =	vld.idx.msk [tilespmem:v0+s25+$0x0 ss:$0x1], $0xffff;
	s16 =	smov.u32 s25  }
0x4d: {  	[tilespmem:v3+s17+$0x0 ss:$0x1] =	vst.idx.msk $0xffff, v4;
	v4 =	vld.idx.msk [tilespmem:v0+s23+$0x0 ss:$0x1], $0xffff;
	s17 =	smov.u32 s23  }
0x4e: {  	[tilespmem:v3+s19+$0x0 ss:$0x1] =	vst.idx.msk $0xffff, v5;
	v5 =	vld.idx.msk [tilespmem:v0+s24+$0x0 ss:$0x1], $0xffff;
	s19 =	smov.u32 s24  }
0x4f: {  	s21 =	sadd.s32 $0x40, s21  }
.Ltmp6:
0x50: {  	_ = 	snop;
	(pc) =	sbr.rel .LBB2_5-.Ltmp6, $1  }
0x51: {  	_ =	sdelay $0x3  }
.LBB2_8:
0x52: {  	_ =	sfence.sel $0x180000  }
0x53: {  	s2 =	simm.s32 $0x1;
	[bflag:$0x0] =	sbarrier.arrive $0xFFFF  }
0x54: {  	s31 =	simm.s32 $0x2;
	[sflag:s2] =	ssyncpa.u1 $0x1  }
0x55: {  	[sflag:s31] =	ssyncpa.u1 $0x1  }
0x56: {  	_ =	strace $0x90000056  }
0x57: {  	s0 =	sadd.s32 @!p0 $0x100000, s0;
	[bflag:$0x2] =	sbarrier.arrive $0xFFFF  }
0x58: {  	[sflag:s0] =	ssyncadd.tile.s32 @!p0 $0x1;
	s0 =	simm.s32 @!p0 $0x3F  }
0x59: {  	_ =	swait.ge @!p0 [sflag:s0], s1  }
0x5a: {  	s1 =	ssub.s32 @!p0 $0x0, s1;
	[sflag:s0] =	ssyncset.done @!p0 $0x0  }
0x5b: {  	[sflag:s0] =	ssyncadd.s32 @!p0 s1  }
0x5c: {  	[bflag:$0x3] =	sbarrier.arrive $0xFFFF  }
0x5d: {  	_ =	shalt  }
.Lfunc_end2:
execute1_lowered:
.L_overlay_start_2:
0x5e: {  	(tag) =	ssettag $0x2  }
0x5f: {  	s2 =	rddreg [dreg:$0x0]  }
0x60: {  	s3 =	rddreg [dreg:$0x1];
	_ =	strace $0x80000059;
	s0 =	simm.s32 $0x1  }
0x61: {  	s4 =	simm.s32 $0x88;
	v0 =	vimm.s32 $0x0;
	[sflag:s0] =	ssyncpa.u1 $0x0  }
0x62: {  	[tilespmem:s4+$0x30] =	vst v0  }
0x63: {  	s1 =	sadd.s32 $0x24800, s2;
	s0 =	sadd.s32 $0x7DC00, s2;
	s6 =	sadd.s32 $0xA9400, s2;
	[tilespmem:s4+$0x20] =	vst v0  }
0x64: {  	s14 =	sadd.s32 $0x23400, s2;
	s9 =	sand.u32 $0x1, s3;
	s2 =	simm.s32 $0x40;
	[tilespmem:s4+$0x10] =	vst v0  }
.LBB3_1:
0x65: {  	s2 =	sadd.s32 $0x40, s2  }
0x66: {  	[tilespmem:s4+$0x0] =	vst v0;
	s4 =	sadd.s32 $0x40, s4;
	p0 =	slt.u32 s2, $0x5040  }
.Ltmp7:
0x67: {  	(pc) =	sbr.rel @p0 .LBB3_1-.Ltmp7, $4  }
0x68: {  	_ = 	snop  }
0x69: {  	[tilespmem:s4+$0x30] =	vst v0  }
0x6a: {  	[tilespmem:s4+$0x20] =	vst v0  }
0x6b: {  	[tilespmem:s4+$0x10] =	vst v0  }
0x6c: {  	s10 =	stileid.u32  }
0x6d: {  	s2 =	smul.u32 $0x3, s10  }
0x6e: {  	s3 =	smin.u32 s10, $0xE  }
0x6f: {  	s2 =	sadd.s32 s3, s2  }
0x70: {  	p0 =	slt.u32 s10, $0xE;
	s7 =	smul.u32 $0x140, s2;
	s2 =	simm.s32 $0x500  }
0x71: {  	s2 =	simm.s32 @!p0 $0x3C0  }
0x72: {  	s2 =	sadd.s32 s2, s7  }
0x73: {  	s8 =	smin.u32 s2, $0x4CD0  }
0x74: {  	s2 =	ssub.s32 s8, s7  }
0x75: {  	s26 =	simm.s32 $0x2;
	s29 =	simm.s32 $0x9;
	p0 =	sgt.s32 s2, $0x0  }
0x76: {  	s30 =	simm.s32 $0xA;
	s31 =	smul.u32 $0x99A, s9;
	s2 =	simm.s32 @!p0 $0x0  }
0x77: {  	s11 =	simm.s32 $0xB;
	[dreg:$0x4] =	wrdreg s9;
	s28 =	smul.u32 $0xCCCD, s2  }
0x78: {  	s12 =	simm.s32 $0x1;
	s18 =	simm.s32 $0x0;
	p1 =	por $0x0, $0x0  }
0x79: {  	s19 =	simm.s32 $0xC;
	s23 =	simm.s32 $0x0;
	s3 =	sshrl.u32 s28, $0x18  }
0x7a: {  	s20 =	simm.s32 $0x0;
	s22 =	simm.s32 $0x0;
	s5 =	smul.u32 $0x140, s3  }
.Ltmp8:
0x7b: {  	[tilespmem:s4+$0x0] =	vst v0;
	v0 =	vimm.s32 $0xFFFFFFFF;
	[sflag:s26] =	ssyncpa.u1 $0x0;
	s16 =	sshll.u32 s10, $0x7;
	(pc) =	sbr.rel .LBB3_3-.Ltmp8, $4  }
0x7c: {  	[tilespmem:$0xA108] =	vst v0;
	[sflag:s29] =	ssyncpa.u1 $0x0;
	p0 =	sne.s32 s2, s5;
	s2 =	simm.s32 $0x1  }
0x7d: {  	s14 =	sadd.s32 s31, s14;
	[sflag:s30] =	ssyncpa.u1 $0x0;
	s2 =	simm.s32 @!p0 $0x0  }
0x7e: {  	s15 =	sadd.s32 s31, s0;
	[sflag:s11] =	ssyncpa.u1 $0x0;
	s13 =	sadd.s32 s3, s2  }
0x7f: {  	v0 =	vlaneseq.u32;
	s21 =	smov.u32 s7;
	p0 =	por $0x1, $0x1;
	s17 =	sadd.s32 $0x1, s13  }
.LBB3_24:
0x80: {  	s0 =	sshrl.u32 s0, $0x2  }
.LBB3_26:
0x81: {  	_ =	swait.ge [sflag:s19], s0  }
0x82: {  	s30 =	ssub.s32 $0x0, s0;
	v1 =	vmov s25;
	vm0 =	veq.s32 v0, $0x0;
	[sflag:s19] =	ssyncset.done $0x0  }
0x83: {  	vm15 =	veq.s32 v0, $0x2;
	v1 =	vsel vm0, s31, v1;
	[sflag:s19] =	ssyncadd.s32 s30  }
0x84: {  	v1 =	vsel vm15, s23, v1;
	[sflag:s19] =	ssyncpa.u1 $0x1  }
0x85: {  	[tilespmem:$0xA108] =	vst v1  }
.LBB3_27:
0x86: {  	s0 =	sadd.s32 $0x140, s21  }
0x87: {  	s2 =	smov.u32 s7;
	p2 =	slt.s32 s0, s8  }
0x88: {  	s2 =	smov.u32 @p2 s0;
	p2 =	sne.s32 s22, s17  }
.Ltmp9:
0x89: {  	_ = 	snop;
	(pc) =	sbr.rel @!p2 .LBB3_28-.Ltmp9, $4  }
0x8a: {  	_ = 	snop  }
0x8b: {  	s23 =	smov.u32 s20  }
0x8c: {  	s31 =	sadd.s32 $0x1, s22;
	s20 =	smov.u32 s21;
	p0 =	por !p0, !p0  }
0x8d: {  	p1 =	por !p1, !p1;
	s22 =	smov.u32 s31;
	s21 =	smov.u32 s2  }
.LBB3_3:
0x8e: {  	p2 =	sge.u32 s22, s13  }
0x8f: {  	s0 =	smulhi.u32 @!p2 $0xAAAAAAAB, s22  }
0x90: {  	s2 =	smov.u32 s21;
	p3 =	sgt.s32 @!p2 s21, $0x4B90  }
0x91: {  	s3 =	sshra.s32 @!p2 s21, $0x1F;
	p3 =	por !p3, p2;
	s0 =	sshrl.u32 @!p2 s0, $0x1  }
0x92: {  	s3 =	sand.u32 @!p2 s3, s21;
	s2 =	simm.s32 @p3 $0x4B90;
	s0 =	smul.u32 @!p2 $0x3, s0  }
0x93: {  	s2 =	ssub.s32 @!p2 s2, s3  }
0x94: {  	s2 =	sadd.s32 @!p2 $0xFFFFB470, s2;
	s0 =	ssub.s32 @!p2 s22, s0  }
0x95: {  	s3 =	sshll.u32 @!p2 s2, $0x2;
	p3 =	sgt.s32 @!p2 s2, $0x13F;
	s0 =	smul.u32 @!p2 $0x500, s0  }
0x96: {  	s4 =	sand.u32 @!p2 $0x7, s21;
	s2 =	ssub.s32 @!p2 $0x500, s3;
	p3 =	por !p3, p2  }
0x97: {  	s3 =	sshrl.u32 @!p2 s21, $0x3;
	s2 =	sshrl.u32 @!p2 s2, $0x2;
	s0 =	sshrl.u32 @!p2 s0, $0x2  }
0x98: {  	s3 =	sadd.s32 @!p2 s3, s14;
	s2 =	simm.s32 @!p3 $0x0;
	s0 =	sadd.s32 @!p2 $0xA948, s0  }
0x99: {  	[tilespmem:s0], [sflag:$0xA] =	stream.linear.gather @!p2 [hbm4b:s3+s4], s2, $0x38;
	[tilespmem:$0x1EF88] =	vst v63  }
0x9a: {  	s4 =	sadd.s32 $0xFFFFFFFF, s22  }
0x9b: {  	p2 =	sge.u32 s4, s13  }
0x9c: {  	p3 =	sgt.s32 @!p2 s20, $0x4B90  }
0x9d: {  	s0 =	smov.u32 s20;
	s2 =	sshra.s32 @!p2 s20, $0x1F;
	p3 =	por !p3, p2  }
0x9e: {  	s2 =	sand.u32 @!p2 s2, s20;
	s0 =	simm.s32 @p3 $0x4B90  }
0x9f: {  	s0 =	ssub.s32 @!p2 s0, s2  }
0xa0: {  	s0 =	sadd.s32 @!p2 $0xFFFFB470, s0  }
0xa1: {  	s2 =	sshll.u32 @!p2 s0, $0x2  }
0xa2: {  	p3 =	sgt.s32 @!p2 s0, $0x13F;
	s0 =	ssub.s32 @!p2 $0x500, s2  }
0xa3: {  	p3 =	por !p3, p2;
	s0 =	sshrl.u32 @!p2 s0, $0x2  }
0xa4: {  	s3 =	simm.s32 @!p2 $0xA;
	s2 =	sand.u32 @!p2 $0x1, s4;
	s0 =	simm.s32 @!p3 $0x0  }
0xa5: {  	s2 =	smul.u32 @!p2 $0x500, s2;
	_ =	swait.ge @!p2 [sflag:s3], s0  }
0xa6: {  	s5 =	ssub.s32 @!p2 $0x0, s0;
	[sflag:s3] =	ssyncset.done @!p2 $0x0  }
0xa7: {  	s2 =	sshrl.u32 @!p2 s2, $0x2;
	[sflag:s3] =	ssyncadd.s32 @!p2 s5;
	s3 =	sshrl.u32 @!p2 s20, $0x3  }
0xa8: {  	s2 =	sadd.s32 @!p2 $0xAD08, s2;
	s5 =	sand.u32 @!p2 $0x7, s20;
	s3 =	sadd.s32 @!p2 s3, s15  }
0xa9: {  	[tilespmem:s2], [sflag:$0xB] =	stream.linear.gather @!p2 [hbm4b:s3+s5], s0, $0x38;
	[tilespmem:$0x1EF88] =	vst v63  }
0xaa: {  	s0 =	ssub.s32 @!p2 $0x4CD0, s20  }
0xab: {  	p3 =	slt.s32 @!p2 s0, $0x1  }
0xac: {  	p3 =	por p2, p3  }
.Ltmp10:
0xad: {  	_ = 	snop;
	(pc) =	sbr.rel @p3 .LBB3_9-.Ltmp10, $1  }
0xae: {  	_ =	sdelay $0x3  }
0xaf: {  	s2 =	smulhi.u32 $0xAAAAAAAB, s4;
	_ =	sdelay $0x1  }
0xb0: {  	s2 =	sshrl.u32 s2, $0x1  }
0xb1: {  	s2 =	smul.u32 $0x3, s2;
	_ =	sdelay $0x1  }
0xb2: {  	s2 =	ssub.s32 s4, s2  }
0xb3: {  	s3 =	simm.s32 $0x1;
	s2 =	smul.u32 $0x500, s2  }
.Ltmp11:
0xb4: {  	s3 =	simm.s32 @!p0 $0x0;
	(pc) =	sbr.rel .LBB3_6-.Ltmp11, $4  }
0xb5: {  	s3 =	smul.u32 $0x28000, s3  }
0xb6: {  	p3 =	slt.s32 @!p2 s0, $0x140;
	s2 =	sshrl.u32 s2, $0x2  }
0xb7: {  	p2 =	por !p3, p2;
	s3 =	sshrl.u32 s3, $0x2;
	s2 =	sadd.s32 $0xA948, s2  }
0xb8: {  	s24 =	simm.s32 $0x0;
	s0 =	simm.s32 @p2 $0x140;
	s4 =	sadd.s32 $0xAF88, s3;
	v1 =	vmov s2  }
.LBB3_5:
0xb9: {  	p2 =	sge.s32 s24, s0  }
.Ltmp12:
0xba: {  	_ = 	snop;
	(pc) =	sbr.rel @p2 .LBB3_9-.Ltmp12, $2  }
0xbb: {  	_ =	sdelay $0x2  }
0xbc: {  	s4 =	sadd.s32 $0x800, s4  }
.LBB3_6:
0xbd: {  	p2 =	sle.s32 s0, s24  }
.Ltmp13:
0xbe: {  	_ = 	snop;
	(pc) =	sbr.rel @p2 .LBB3_5-.Ltmp13, $2  }
0xbf: {  	_ =	sdelay $0x2  }
0xc0: {  	s5 =	smov.u32 s24;
	s24 =	sadd.s32 $0x10, s24  }
0xc1: {  	s2 =	ssub.s32 s0, s5  }
0xc2: {  	p2 =	slt.s32 s2, $0x10  }
0xc3: {  	s2 =	simm.s32 @!p2 $0x10  }
0xc4: {  	v2 =	vmov s2  }
0xc5: {  	vm0 =	vgt.s32 v2, v0;
	_ =	sdelay $0x5  }
0xc6: {  	v2 =	vld.idx.msk [tilespmem:v1+s5+$0x0 ss:$0x1], vm0;
	_ =	sdelay $0x2  }
0xc7: {  	p2 =	slt.s32 s24, s0;
	s2 =	smov.u32 s0  }
0xc8: {  	s3 =	smov.u32 s4;
	s25 =	simm.s32 $0x0;
	s2 =	smov.u32 @p2 s24  }
.LBB3_8:
0xc9: {  	(v2sf) =	vpush v2, s25;
	_ =	sdelay $0xc  }
0xca: {  	s25 =	sadd.s32 $0x1, s25  }
0xcb: {  	s31 =	sadd.s32 s25, s5  }
0xcc: {  	p2 =	slt.s32 s31, s2;
	s9 =	spop (v2sf)  }
.Ltmp14:
0xcd: {  	s9 =	sshll.u32 s9, $0x4;
	(pc) =	sbr.rel @p2 .LBB3_8-.Ltmp14, $4  }
0xce: {  	s9 =	sand.u32 $0x1FFFFFF0, s9  }
0xcf: {  	s9 =	sadd.s32 s6, s9  }
0xd0: {  	[tilespmem:s3], [sflag:$0x9] =	stream.linear.gather [hbm4b:s9+s18], $0x40, $0x38;
	[tilespmem:$0x1EF88] =	vst v63  }
0xd1: {  	s3 =	sadd.s32 $0x80, s3  }
.Ltmp15:
0xd2: {  	_ = 	snop;
	(pc) =	sbr.rel .LBB3_5-.Ltmp15, $1  }
0xd3: {  	_ =	sdelay $0x3  }
.LBB3_9:
0xd4: {  	p2 =	slt.u32 s22, $0x2  }
.Ltmp16:
0xd5: {  	_ = 	snop;
	(pc) =	sbr.rel @p2 .LBB3_27-.Ltmp16, $1  }
0xd6: {  	_ =	sdelay $0x3  }
0xd7: {  	p2 =	sgt.s32 s23, $0x4B90  }
0xd8: {  	s0 =	smov.u32 s23;
	s2 =	sshra.s32 s23, $0x1F;
	s3 =	ssub.s32 $0x4CD0, s23  }
0xd9: {  	s0 =	simm.s32 @!p2 $0x4B90;
	s2 =	sand.u32 s2, s23;
	p2 =	slt.s32 s3, $0x140  }
0xda: {  	s0 =	ssub.s32 s0, s2;
	s3 =	simm.s32 @!p2 $0x140  }
0xdb: {  	s0 =	sadd.s32 $0xFFFFB470, s0;
	s10 =	sshll.u32 s3, $0x6  }
0xdc: {  	s26 =	simm.s32 $0x9;
	s24 =	sshll.u32 s0, $0x2;
	s2 =	sand.u32 $0x3FFFFFC0, s10  }
0xdd: {  	p2 =	sgt.s32 s0, $0x13F;
	s25 =	ssub.s32 $0x500, s24;
	_ =	swait.ge [sflag:s26], s2  }
0xde: {  	s2 =	ssub.s32 $0x0, s2;
	[sflag:s26] =	ssyncset.done $0x0;
	s0 =	sshrl.u32 s25, $0x2  }
0xdf: {  	[sflag:s26] =	ssyncadd.s32 s2;
	s0 =	simm.s32 @p2 $0x0  }
0xe0: {  	_ =	swait.ge [sflag:s11], s0  }
0xe1: {  	s0 =	ssub.s32 $0x0, s0;
	[sflag:s11] =	ssyncset.done $0x0  }
0xe2: {  	[sflag:s11] =	ssyncadd.s32 s0  }
0xe3: {  	v1 =	vld [tilespmem:$0xA108];
	_ =	sdelay $0x4  }
0xe4: {  	(v2sf) =	vpush v1, $0x0  }
0xe5: {  	(v2sf) =	vpush v1, $0x1  }
0xe6: {  	(v2sf) =	vpush v1, $0x2;
	_ =	sdelay $0x3  }
0xe7: {  	s0 =	sadd.s32 $0x140, s23  }
0xe8: {  	s2 =	ssub.s32 $0x99A0, s23;
	p2 =	slt.s32 s8, s0  }
0xe9: {  	s0 =	smov.u32 @p2 s8;
	p2 =	sgt.s32 s2, $0x0  }
0xea: {  	s0 =	ssub.s32 s0, s23;
	s2 =	simm.s32 @!p2 $0x0  }
0xeb: {  	p2 =	slt.s32 s2, s0  }
0xec: {  	s0 =	smov.u32 @p2 s2  }
0xed: {  	s26 =	simm.s32 $0x1;
	p2 =	slt.s32 s0, $0x1  }
.Ltmp17:
0xee: {  	s26 =	simm.s32 @!p1 $0x0;
	(pc) =	sbr.rel @p2 .LBB3_14-.Ltmp17, $4  }
0xef: {  	s30 =	smul.u32 $0x500, s26  }
0xf0: {  	s28 =	spop (v2sf)  }
0xf1: {  	s31 =	sshrl.u32 s30, $0x2;
	s29 =	spop (v2sf)  }
0xf2: {  	s24 =	sadd.s32 $0xAD08, s31;
	s23 =	spop (v2sf)  }
0xf3: {  	s2 =	smin.u32 s0, $0x10  }
0xf4: {  	v1 =	vmov s2  }
0xf5: {  	p3 =	sgt.s32 s0, $0x10;
	vm1 =	vgt.u32 v1, v0  }
.Ltmp18:
0xf6: {  	_ = 	snop;
	(pc) =	sbr.rel @!p3 .LBB3_13-.Ltmp18, $2  }
0xf7: {  	_ =	sdelay $0x2  }
0xf8: {  	s5 =	simm.s32 $0x10;
	s25 =	sadd.s32 $0xFFFFFFF0, s0;
	s4 =	smov.u32 s24;
	vm0 =	vmmov vm1  }
.LBB3_12:
0xf9: {  	s2 =	smin.u32 s25, $0x10;
	s5 =	sadd.s32 $0x10, s5;
	v1 =	vld.msk [tilespmem:s4+$0x0 ss:$0x1], vm1  }
0xfa: {  	v2 =	vmov s2;
	p3 =	slt.s32 s5, s0  }
0xfb: {  	vm1 =	vgt.u32 v2, v0  }
.Ltmp19:
0xfc: {  	(pc) =	sbr.rel @p3 .LBB3_12-.Ltmp19, $3  }
0xfd: {  	_ =	sdelay $0x1  }
0xfe: {  	v1 =	vshll.u32 v1, $0x4  }
0xff: {  	s25 =	sadd.s32 $0xFFFFFFF0, s25;
	[tilespmem:s4+$0x0] =	vst.msk vm0, v1;
	s4 =	sadd.s32 $0x10, s4;
	vm0 =	vmmov vm1  }
.LBB3_13:
0x100: {  	_ =	sdelay $0x4  }
0x101: {  	v1 =	vld.msk [tilespmem:s4+$0x0 ss:$0x1], vm1;
	_ =	sdelay $0x4  }
0x102: {  	v1 =	vshll.u32 v1, $0x4  }
0x103: {  	[tilespmem:s4+$0x0] =	vst.msk vm0, v1  }
.LBB3_14:
0x104: {  	s2 =	sand.u32 $0x1, s22  }
0x105: {  	s3 =	smul.u32 $0xA000, s2  }
0x106: {  	p3 =	sne.s32 s29, $0xFFFFFFFF;
	s2 =	smul.u32 $0x140, s2  }
0x107: {  	v1 =	vld @!p3 [tilespmem:s3+$0xAF88]  }
0x108: {  	v2 =	vld.msk @!p3 [tilespmem:s2+$0xAD08], $0x1;
	_ =	sdelay $0x3  }
0x109: {  	[tilespmem:$0x88] =	vst @!p3 v1  }
0x10a: {  	(v2sf) =	vpush @!p3 v2, $0x0;
	v1 =	vld @!p3 [tilespmem:s3+$0xAF98];
	_ =	sdelay $0x4  }
0x10b: {  	[tilespmem:$0x98] =	vst @!p3 v1  }
0x10c: {  	v1 =	vld @!p3 [tilespmem:s3+$0xAFA8];
	_ =	sdelay $0x4  }
0x10d: {  	[tilespmem:$0xA8] =	vst @!p3 v1  }
0x10e: {  	v1 =	vld @!p3 [tilespmem:s3+$0xAFB8]  }
.Ltmp20:
0x10f: {  	_ = 	snop;
	(pc) =	sbr.rel @p2 .LBB3_25-.Ltmp20, $4  }
0x110: {  	_ = 	snop  }
0x111: {  	s30 =	spop @!p3 (v2sf)  }
0x112: {  	s23 =	simm.s32 @!p3 $0x0;
	s25 =	smov.u32 s30  }
0x113: {  	s30 =	smov.u32 @p3 s28;
	s25 =	smov.u32 @p3 s29;
	[tilespmem:$0xB8] =	vst @!p3 v1;
	[sflag:s19] =	ssyncpa.u1 $0x0  }
0x114: {  	v1 =	vld.msk [tilespmem:s24+$0x0], $0x1;
	_ =	sdelay $0x4  }
0x115: {  	(v2sf) =	vpush v1, $0x0;
	_ =	sdelay $0xe  }
0x116: {  	s2 =	smul.u32 $0x28000, s26;
	s4 =	spop (v2sf)  }
0x117: {  	s28 =	ssub.s32 $0x0, s0;
	p2 =	seq.s32 s30, s4  }
0x118: {  	s0 =	sadd.s32 $0x1, s28;
	s2 =	sshrl.u32 s2, $0x2;
	p3 =	sgt.s32 @!p2 s30, $0x0  }
0x119: {  	s26 =	sadd.s32 $0xAFA8, s2;
	s2 =	smov.u32 s30;
	p3 =	por !p3, p2  }
0x11a: {  	s2 =	simm.s32 @p3 $0x0;
	p3 =	seq.s32 s0, $0x0  }
.Ltmp21:
0x11b: {  	_ = 	snop;
	(pc) =	sbr.rel @p3 .LBB3_17-.Ltmp21, $4  }
0x11c: {  	_ = 	snop  }
0x11d: {  	s29 =	simm.s32 $0x0;
	s5 =	simm.s32 @!p2 $0x1;
	s3 =	smin.u32 @!p2 s2, $0x4CF8  }
0x11e: {  	s31 =	sadd.s32 $0x1, s24;
	s5 =	smov.u32 @p2 s29;
	s9 =	sand.u32 @!p2 $0x7FF8, s3  }
0x11f: {  	s2 =	simm.s32 @!p2 $0x50C8;
	s3 =	sand.u32 @!p2 $0x7, s3;
	s9 =	sadd.s32 @!p2 s1, s9  }
.LBB3_16:
0x120: {  	s10 =	smov.u32 s5  }
0x121: {  	[tilespmem:s2], [sflag:$0x2] =	stream.linear.gather @!p2 [hbm4b:s9+s3], $0x40, $0x38;
	[tilespmem:$0x1EF88] =	vst v63  }
0x122: {  	s0 =	sadd.s32 $0x1, s0;
	s3 =	smov.u32 s4;
	v1 =	vld.msk [tilespmem:s31+$0x0], $0x1  }
0x123: {  	p3 =	seq.s32 s0, $0x0;
	_ =	sdelay $0x3  }
0x124: {  	(v2sf) =	vpush v1, $0x0;
	_ =	sdelay $0xe  }
0x125: {  	s4 =	spop (v2sf)  }
0x126: {  	p2 =	seq.s32 s3, s4  }
0x127: {  	p4 =	sgt.s32 @!p2 s3, $0x0;
	s2 =	sshll.u32 @!p2 s5, $0x8;
	s5 =	sadd.s32 @!p2 $0x1, s5  }
.Ltmp22:
0x128: {  	p4 =	por !p4, p2;
	s2 =	sshra.s32 @!p2 s2, $0x2;
	(pc) =	sbr.rel @!p3 .LBB3_16-.Ltmp22, $4  }
0x129: {  	s5 =	smov.u32 @p2 s10;
	s3 =	simm.s32 @p4 $0x0;
	s2 =	sadd.s32 @!p2 $0x50C8, s2  }
0x12a: {  	s3 =	smin.u32 @!p2 s3, $0x4CF8  }
0x12b: {  	s9 =	sand.u32 @!p2 $0x7FF8, s3;
	s3 =	sand.u32 @!p2 $0x7, s3  }
0x12c: {  	s31 =	sadd.s32 $0x1, s31;
	s9 =	sadd.s32 @!p2 s1, s9  }
.LBB3_17:
0x12d: {  	[tilespmem:s2], [sflag:$0x2] =	stream.linear.gather @!p2 [hbm4b:s9+s3], $0x40, $0x38;
	[tilespmem:$0x1EF88] =	vst v63  }
.Ltmp23:
0x12e: {  	s0 =	sshll.u32 s5, $0x6;
	(pc) =	sbr.rel .LBB3_18-.Ltmp23, $4  }
0x12f: {  	s31 =	simm.s32 $0x2;
	s0 =	sand.u32 $0x3FFFFFC0, s0  }
0x130: {  	_ =	swait.ge [sflag:s31], s0  }
0x131: {  	s0 =	ssub.s32 $0x0, s0;
	[sflag:s31] =	ssyncset.done $0x0  }
0x132: {  	[sflag:s31] =	ssyncadd.s32 s0;
	s0 =	simm.s32 $0x0  }
.LBB3_19:
0x133: {  	v1 =	vld [tilespmem:s26+$0xFFFFFFE0]  }
0x134: {  	v2 =	vld [tilespmem:s4+$0x88];
	_ =	sdelay $0x4  }
0x135: {  	v1 =	vmax.f32 v1, v2  }
0x136: {  	v2 =	vld [tilespmem:s4+$0x98];
	[tilespmem:s4+$0x88] =	vst v1  }
0x137: {  	v1 =	vld [tilespmem:s26+$0xFFFFFFF0];
	_ =	sdelay $0x4  }
0x138: {  	v1 =	vmax.f32 v1, v2  }
0x139: {  	v2 =	vld [tilespmem:s4+$0xA8];
	[tilespmem:s4+$0x98] =	vst v1  }
0x13a: {  	v1 =	vld [tilespmem:s26+$0x0];
	_ =	sdelay $0x4  }
0x13b: {  	v1 =	vmax.f32 v1, v2  }
0x13c: {  	v2 =	vld [tilespmem:s4+$0xB8];
	[tilespmem:s4+$0xA8] =	vst v1  }
0x13d: {  	v1 =	vld [tilespmem:s26+$0x10];
	_ =	sdelay $0x4  }
0x13e: {  	v1 =	vmax.f32 v1, v2  }
0x13f: {  	[tilespmem:s4+$0xB8] =	vst v1  }
.LBB3_23:
0x140: {  	s28 =	sadd.s32 $0x1, s28  }
0x141: {  	p2 =	seq.s32 s28, $0x0  }
.Ltmp24:
0x142: {  	_ = 	snop;
	(pc) =	sbr.rel @p2 .LBB3_24-.Ltmp24, $2  }
0x143: {  	_ =	sdelay $0x2  }
0x144: {  	s26 =	sadd.s32 $0x80, s26;
	s24 =	sadd.s32 $0x1, s24;
	s30 =	smov.u32 s31  }
.LBB3_18:
0x145: {  	v1 =	vld.msk [tilespmem:s24+$0x0], $0x1;
	_ =	sdelay $0x4  }
0x146: {  	(v2sf) =	vpush v1, $0x0;
	_ =	sdelay $0xe  }
0x147: {  	s31 =	spop (v2sf)  }
0x148: {  	p2 =	sne.s32 s30, s31  }
.Ltmp25:
0x149: {  	_ = 	snop;
	(pc) =	sbr.rel @!p2 .LBB3_19-.Ltmp25, $3  }
0x14a: {  	_ =	sdelay $0x1  }
0x14b: {  	s2 =	sshll.u32 s23, $0x8  }
0x14c: {  	s4 =	sshra.s32 s2, $0x2  }
0x14d: {  	p2 =	seq.s32 s30, s25  }
.Ltmp26:
0x14e: {  	_ = 	snop;
	(pc) =	sbr.rel @!p2 .LBB3_21-.Ltmp26, $1  }
0x14f: {  	_ =	sdelay $0x3  }
.Ltmp27:
0x150: {  	s2 =	sadd.s32 $0x88, s4;
	(pc) =	sbr.rel .LBB3_22-.Ltmp27, $4  }
0x151: {  	[spmem:s16] =	stream.linear.scatter [tilespmem:s2], [sflag:$0x1], $0x40, $0x38;
	[tilespmem:$0x1EF88] =	vst v63  }
0x152: {  	_ =	swait.ge [sflag:s12], $0x40  }
0x153: {  	[sflag:s12] =	ssyncset.done $0x0  }
0x154: {  	[sflag:s12] =	ssyncadd.s32 $0xFFFFFFC0  }
.LBB3_21:
0x155: {  	s2 =	sshll.u32 s29, $0x8  }
0x156: {  	v2 =	vld [tilespmem:s4+$0x88];
	s2 =	sshra.s32 s2, $0x2  }
0x157: {  	v1 =	vld [tilespmem:s2+$0x50C8];
	_ =	sdelay $0x4  }
0x158: {  	v1 =	vmax.f32 v1, v2  }
0x159: {  	v2 =	vld [tilespmem:s4+$0x98];
	[tilespmem:s4+$0x88] =	vst v1  }
0x15a: {  	v1 =	vld [tilespmem:s2+$0x50D8];
	_ =	sdelay $0x4  }
0x15b: {  	v1 =	vmax.f32 v1, v2  }
0x15c: {  	v2 =	vld [tilespmem:s4+$0xA8];
	[tilespmem:s4+$0x98] =	vst v1  }
0x15d: {  	v1 =	vld [tilespmem:s2+$0x50E8];
	_ =	sdelay $0x4  }
0x15e: {  	v1 =	vmax.f32 v1, v2  }
0x15f: {  	v2 =	vld [tilespmem:s4+$0xB8];
	[tilespmem:s4+$0xA8] =	vst v1  }
0x160: {  	v1 =	vld [tilespmem:s2+$0x50F8];
	_ =	sdelay $0x3  }
0x161: {  	p2 =	sgt.u32 s30, $0x4CF8  }
0x162: {  	s2 =	sand.u32 @!p2 $0x7FF8, s30;
	v1 =	vmax.f32 v1, v2  }
0x163: {  	s3 =	sadd.s32 $0x88, s4;
	s2 =	sadd.s32 @!p2 s1, s2;
	[tilespmem:s4+$0xB8] =	vst v1;
	s4 =	sand.u32 @!p2 $0x7, s30  }
0x164: {  	[hbm4b:s2+s4] =	stream.linear.scatter @!p2 [tilespmem:s3], [sflag:$0xC], $0x40, $0x38;
	[tilespmem:$0x1EF88] =	vst v63  }
0x165: {  	s2 =	simm.s32 $0x0  }
0x166: {  	s2 =	simm.s32 @!p2 $0x100  }
0x167: {  	s0 =	sadd.s32 s2, s0  }
.LBB3_22:
0x168: {  	s2 =	sadd.s32 $0x1, s23  }
0x169: {  	s3 =	smulhi.u32 $0xCCCCCCCD, s2;
	_ =	sdelay $0x1  }
0x16a: {  	v1 =	vld [tilespmem:s26+$0xFFFFFFE0];
	s3 =	sshrl.u32 s3, $0x8  }
0x16b: {  	s3 =	smul.u32 $0x140, s3;
	_ =	sdelay $0x1  }
0x16c: {  	s23 =	ssub.s32 s2, s3  }
0x16d: {  	s2 =	sshll.u32 s23, $0x6  }
0x16e: {  	[tilespmem:s2+$0x88] =	vst v1  }
0x16f: {  	v1 =	vld [tilespmem:s26+$0xFFFFFFF0];
	_ =	sdelay $0x4  }
0x170: {  	[tilespmem:s2+$0x98] =	vst v1  }
0x171: {  	v1 =	vld [tilespmem:s26+$0x0];
	_ =	sdelay $0x4  }
0x172: {  	[tilespmem:s2+$0xA8] =	vst v1  }
0x173: {  	v1 =	vld [tilespmem:s26+$0x10]  }
.Ltmp28:
0x174: {  	_ = 	snop;
	(pc) =	sbr.rel .LBB3_23-.Ltmp28, $2  }
0x175: {  	_ =	sdelay $0x2  }
0x176: {  	s29 =	sadd.s32 $0x1, s29;
	[tilespmem:s2+$0xB8] =	vst v1  }
.LBB3_25:
.Ltmp29:
0x177: {  	(pc) =	sbr.rel .LBB3_26-.Ltmp29, $4  }
0x178: {  	_ = 	snop  }
0x179: {  	s0 =	simm.s32 $0x2  }
0x17a: {  	_ =	swait.ge [sflag:s0], $0x0  }
0x17b: {  	s31 =	smov.u32 s30;
	[sflag:s0] =	ssyncset.done $0x0;
	s0 =	simm.s32 $0x0  }
.LBB3_28:
0x17c: {  	_ =	sfence.sel $0x180000  }
0x17d: {  	s0 =	simm.s32 $0x9;
	[bflag:$0x0] =	sbarrier.arrive $0xFFFF  }
0x17e: {  	s24 =	simm.s32 $0xA;
	[sflag:s0] =	ssyncpa.u1 $0x1  }
0x17f: {  	s25 =	simm.s32 $0xB;
	[sflag:s24] =	ssyncpa.u1 $0x1  }
0x180: {  	s26 =	simm.s32 $0x2;
	[sflag:s25] =	ssyncpa.u1 $0x1  }
0x181: {  	[sflag:s26] =	ssyncpa.u1 $0x1  }
0x182: {  	v0 =	vld [tilespmem:$0xA108];
	_ =	sdelay $0x4  }
0x183: {  	(v2sf) =	vpush v0, $0x0  }
0x184: {  	(v2sf) =	vpush v0, $0x1;
	_ =	sdelay $0x1  }
0x185: {  	(v2sf) =	vpush v0, $0x2;
	_ =	sdelay $0xb  }
0x186: {  	s0 =	spop (v2sf)  }
0x187: {  	s2 =	spop (v2sf)  }
0x188: {  	s3 =	smov.u32 s0;
	p0 =	sne.s32 s0, s2  }
0x189: {  	s4 =	spop (v2sf);
	s3 =	simm.s32 @!p0 $0xFFFFFFFF  }
0x18a: {  	v2 =	vimm.s32 $0x1;
	v3 =	vlaneseq.u32;
	p0 =	seq.s32 s4, $0xFFFFFFFF;
	v1 =	vmov s3  }
0x18b: {  	s15 =	stileid.u32;
	v0 =	vperm.xlane v0, v2;
	p1 =	sne.s32 @!p0 s0, s2;
	v1 =	vperm.xlane v1, v3  }
0x18c: {  	vm0 =	vcmask $0x3F04;
	s6 =	simm.s32 $0xA108;
	s0 =	simm.s32 @!p0 $0x1;
	p1 =	por !p1, p0  }
0x18d: {  	s3 =	sshll.u32 s15, $0x1;
	s2 =	sshll.u32 @!p0 s4, $0x8;
	s0 =	simm.s32 @p1 $0x0;
	v0 =	vsel vm0, v1, v0  }
0x18e: {  	s5 =	sor.u32 $0x800, s3;
	s2 =	sshra.s32 @!p0 s2, $0x2;
	s0 =	sor.u32 @!p0 s0, s3;
	[tilespmem:$0xA108] =	vst v0  }
0x18f: {  	[spmem:s5] =	stream.linear.scatter [tilespmem:s6], [sflag:$0x1], $0x2, $0x38;
	[tilespmem:$0x1EF88] =	vst v63  }
0x190: {  	s2 =	sadd.s32 @!p0 $0x88, s2;
	s0 =	sshll.u32 @!p0 s0, $0x6  }
0x191: {  	[spmem:s0] =	stream.linear.scatter @!p0 [tilespmem:s2], [sflag:$0x1], $0x40, $0x38;
	[tilespmem:$0x1EF88] =	vst v63  }
0x192: {  	s0 =	simm.s32 @!p0 $0x42  }
0x193: {  	s28 =	simm.s32 $0x1;
	s0 =	simm.s32 @p0 $0x2  }
0x194: {  	_ =	swait.ge [sflag:s28], s0  }
0x195: {  	s0 =	ssub.s32 $0x0, s0;
	[sflag:s28] =	ssyncset.done $0x0  }
0x196: {  	p0 =	sne.s32 s15, $0x0;
	[sflag:s28] =	ssyncadd.s32 s0  }
.Ltmp30:
0x197: {  	_ =	sfence.stream.spmem;
	(pc) =	sbr.rel @p0 .LBB3_45-.Ltmp30, $4  }
0x198: {  	s29 =	simm.s32 $0x3;
	[bflag:$0x0] =	sbarrier.arrive $0xFFFF  }
0x199: {  	s30 =	simm.s32 $0x4;
	[sflag:s29] =	ssyncpa.u1 $0x1  }
0x19a: {  	s31 =	simm.s32 $0x3C;
	[sflag:s30] =	ssyncpa.u1 $0x1  }
0x19b: {  	s14 =	rddreg [dreg:$0x4];
	[sflag:s31] =	ssyncpa.u1 $0x1  }
0x19c: {  	_ =	sfence.stream.spmem;
	s0 =	simm.s32 $0x5  }
0x19d: {  	s2 =	simm.s32 $0x800;
	s3 =	simm.s32 $0xA118;
	[sflag:s0] =	ssyncpa.u1 $0x0  }
0x19e: {  	[tilespmem:s3], [sflag:$0x5] =	stream.linear.gather [spmem:s2], $0x20, $0x38;
	[tilespmem:$0x1EF88] =	vst v63  }
0x19f: {  	s26 =	simm.s32 $0x0;
	s28 =	simm.s32 $0xA138  }
0x1a0: {  	[tilespmem:s28], [sflag:$0x5] =	stream.linear.gather [spmem:s26], $0x800, $0x38;
	[tilespmem:$0x1EF88] =	vst v63  }
0x1a1: {  	_ =	swait.ge [sflag:s0], $0x820  }
0x1a2: {  	[sflag:s0] =	ssyncset.done $0x0  }
0x1a3: {  	s29 =	simm.s32 $0x0;
	[sflag:s0] =	ssyncadd.s32 $0xFFFFF7E0  }
0x1a4: {  	v0 =	vld.msk [tilespmem:s29+$0xA118], $0x1;
	_ =	sdelay $0x1  }
0x1a5: {  	s30 =	simm.s32 $0x1  }
0x1a6: {  	v1 =	vld.msk [tilespmem:s30+$0xA118], $0x1;
	_ =	sdelay $0x1  }
0x1a7: {  	(v2sf) =	vpush v0, $0x0;
	_ =	sdelay $0x2  }
0x1a8: {  	(v2sf) =	vpush v1, $0x0;
	_ =	sdelay $0x2  }
0x1a9: {  	s31 =	simm.s32 $0x2  }
0x1aa: {  	v0 =	vld.msk [tilespmem:s31+$0xA118], $0x1;
	_ =	sdelay $0x2  }
0x1ab: {  	s4 =	simm.s32 $0xFFFFFFFF;
	s2 =	simm.s32 $0xFFFFFFFF;
	s0 =	simm.s32 $0xC  }
.LBB3_30:
0x1ac: {  	s3 =	smov.u32 s4;
	s5 =	smov.u32 s2  }
0x1ad: {  	s2 =	sshra.s32 s0, $0x2;
	p1 =	sne.s32 s0, $0x7C;
	s0 =	sadd.s32 $0x4, s0;
	(v2sf) =	vpush v0, $0x0  }
0x1ae: {  	v0 =	vld.msk [tilespmem:s2+$0xA118], $0x1  }
.Ltmp31:
0x1af: {  	(pc) =	sbr.rel @p1 .LBB3_30-.Ltmp31, $4  }
0x1b0: {  	s4 =	spop (v2sf)  }
0x1b1: {  	p2 =	sne.s32 s5, $0xFFFFFFFF;
	s2 =	smov.u32 s4  }
0x1b2: {  	p3 =	seq.s32 s4, $0xFFFFFFFF;
	s2 =	smov.u32 @p2 s5  }
0x1b3: {  	s4 =	smov.u32 @p3 s3;
	s2 =	smov.u32 @p3 s5  }
0x1b4: {  	(v2sf) =	vpush v0, $0x0;
	_ =	sdelay $0x8  }
0x1b5: {  	s0 =	spop (v2sf)  }
0x1b6: {  	p1 =	sne.s32 s2, $0xFFFFFFFF;
	s3 =	smov.u32 s0  }
0x1b7: {  	s9 =	simm.s32 $0x6;
	p2 =	seq.s32 s0, $0xFFFFFFFF;
	s3 =	smov.u32 @p1 s2  }
0x1b8: {  	s6 =	simm.s32 $0x0;
	s3 =	smov.u32 @p2 s2;
	s2 =	spop (v2sf)  }
0x1b9: {  	s0 =	smov.u32 @p2 s4;
	p1 =	sne.s32 s3, $0xFFFFFFFF;
	s5 =	smov.u32 s2  }
.Ltmp32:
0x1ba: {  	p2 =	seq.s32 s2, $0xFFFFFFFF;
	s5 =	smov.u32 @p1 s3;
	(pc) =	sbr.rel .LBB3_32-.Ltmp32, $4  }
0x1bb: {  	s10 =	simm.s32 $0xA0C8;
	s5 =	smov.u32 @p2 s3;
	s7 =	spop (v2sf)  }
0x1bc: {  	s11 =	simm.s32 $0x0;
	p1 =	sne.s32 s5, $0xFFFFFFFF;
	s8 =	smov.u32 s7  }
0x1bd: {  	s2 =	smov.u32 @p2 s0;
	p2 =	seq.s32 s7, $0xFFFFFFFF;
	s8 =	smov.u32 @p1 s5  }
0x1be: {  	[sflag:s9] =	ssyncpa.u1 $0x0;
	s7 =	smov.u32 @p2 s2;
	s8 =	smov.u32 @p2 s5  }
.LBB3_38:
0x1bf: {  	p1 =	sgt.u32 s0, $0x4CF8  }
0x1c0: {  	p2 =	seq.s32 @!p1 s0, s8  }
0x1c1: {  	p1 =	por p1, p2  }
0x1c2: {  	p2 =	sne.s32 @!p1 s0, s7  }
0x1c3: {  	p1 =	por p1, !p2  }
0x1c4: {  	s0 =	sshll.u32 @p1 s11, $0x8  }
0x1c5: {  	s2 =	sand.u32 @!p1 $0x7FF8, s0  }
0x1c6: {  	s0 =	sand.u32 @!p1 $0x7, s0;
	s2 =	sadd.s32 @!p1 s1, s2  }
0x1c7: {  	[tilespmem:s10], [sflag:$0x6] =	stream.linear.gather @!p1 [hbm4b:s2+s0], $0x40, $0x38;
	[tilespmem:$0x1EF88] =	vst v63  }
0x1c8: {  	_ =	swait.ge @!p1 [sflag:s9], $0x40  }
0x1c9: {  	[sflag:s9] =	ssyncset.done @!p1 $0x0  }
0x1ca: {  	s0 =	sshll.u32 @!p1 s11, $0x8;
	[sflag:s9] =	ssyncadd.s32 @!p1 $0xFFFFFFC0  }
0x1cb: {  	s2 =	sshrl.u32 @!p1 s0, $0x2;
	v1 =	vld @!p1 [tilespmem:$0xA0C8]  }
0x1cc: {  	v2 =	vld @!p1 [tilespmem:s2+$0xA138];
	_ =	sdelay $0x4  }
0x1cd: {  	v1 =	vmax.f32 @!p1 v1, v2  }
0x1ce: {  	v2 =	vld @!p1 [tilespmem:s2+$0xA148];
	[tilespmem:s2+$0xA138] =	vst @!p1 v1  }
0x1cf: {  	v1 =	vld @!p1 [tilespmem:$0xA0D8];
	_ =	sdelay $0x4  }
0x1d0: {  	v1 =	vmax.f32 @!p1 v1, v2  }
0x1d1: {  	v2 =	vld @!p1 [tilespmem:s2+$0xA158];
	[tilespmem:s2+$0xA148] =	vst @!p1 v1  }
0x1d2: {  	v1 =	vld @!p1 [tilespmem:$0xA0E8];
	_ =	sdelay $0x4  }
0x1d3: {  	v1 =	vmax.f32 @!p1 v1, v2  }
0x1d4: {  	v2 =	vld @!p1 [tilespmem:s2+$0xA168];
	[tilespmem:s2+$0xA158] =	vst @!p1 v1  }
0x1d5: {  	v1 =	vld @!p1 [tilespmem:$0xA0F8];
	_ =	sdelay $0x4  }
0x1d6: {  	v1 =	vmax.f32 @!p1 v1, v2  }
0x1d7: {  	[tilespmem:s2+$0xA168] =	vst @!p1 v1  }
0x1d8: {  	s0 =	sshrl.u32 s0, $0x2;
	[tilespmem:s6+$0xA118] =	vst.msk $0x1, v0  }
0x1d9: {  	v0 =	vld [tilespmem:s0+$0xA138];
	_ =	sdelay $0x2  }
0x1da: {  	s31 =	sshll.u32 s6, $0x8  }
0x1db: {  	s2 =	sshra.s32 s31, $0x2  }
0x1dc: {  	[tilespmem:s2+$0xA138] =	vst v0  }
0x1dd: {  	v0 =	vld [tilespmem:s0+$0xA148];
	_ =	sdelay $0x4  }
0x1de: {  	[tilespmem:s2+$0xA148] =	vst v0  }
0x1df: {  	v0 =	vld [tilespmem:s0+$0xA158];
	_ =	sdelay $0x4  }
0x1e0: {  	[tilespmem:s2+$0xA158] =	vst v0  }
0x1e1: {  	v0 =	vld [tilespmem:s0+$0xA168];
	_ =	sdelay $0x4  }
0x1e2: {  	s6 =	sadd.s32 $0x1, s6;
	[tilespmem:s2+$0xA168] =	vst v0  }
.LBB3_39:
0x1e3: {  	s11 =	sadd.s32 $0x1, s11  }
0x1e4: {  	p1 =	sne.s32 s11, $0x20  }
.Ltmp33:
0x1e5: {  	_ = 	snop;
	(pc) =	sbr.rel @!p1 .LBB3_40-.Ltmp33, $1  }
0x1e6: {  	_ =	sdelay $0x3  }
.LBB3_32:
0x1e7: {  	v0 =	vld.msk [tilespmem:s11+$0xA118], $0x1;
	_ =	sdelay $0x4  }
0x1e8: {  	(v2sf) =	vpush v0, $0x0;
	_ =	sdelay $0xe  }
0x1e9: {  	s0 =	spop (v2sf)  }
0x1ea: {  	p1 =	seq.s32 s0, $0xFFFFFFFF  }
.Ltmp34:
0x1eb: {  	_ = 	snop;
	(pc) =	sbr.rel @p1 .LBB3_39-.Ltmp34, $1  }
0x1ec: {  	_ =	sdelay $0x3  }
0x1ed: {  	p1 =	slt.s32 s6, $0x1  }
.Ltmp35:
0x1ee: {  	_ = 	snop;
	(pc) =	sbr.rel @p1 .LBB3_38-.Ltmp35, $1  }
0x1ef: {  	_ =	sdelay $0x3  }
0x1f0: {  	s12 =	simm.s32 $0xA118;
	p1 =	por $0x0, $0x0  }
0x1f1: {  	v1 =	vld.msk @!p1 [tilespmem:s12+$0x0], $0x1;
	_ =	sdelay $0x4  }
0x1f2: {  	(v2sf) =	vpush @!p1 v1, $0x0;
	_ =	sdelay $0xd  }
0x1f3: {  	p3 =	sne.s32 s6, $0x1  }
.Ltmp36:
0x1f4: {  	s2 =	spop @!p1 (v2sf);
	(pc) =	sbr.rel @!p3 .LBB3_36-.Ltmp36, $4  }
0x1f5: {  	p2 =	seq.s32 @!p1 s0, s2  }
0x1f6: {  	s13 =	simm.s32 $0x0;
	p2 =	por !p2, p1  }
0x1f7: {  	s2 =	simm.s32 $0xFFFFFFFF;
	s13 =	simm.s32 @p2 $0xFFFFFFFF  }
0x1f8: {  	s4 =	simm.s32 $0x1;
	s13 =	smov.u32 @p1 s2  }
.LBB3_35:
0x1f9: {  	s2 =	smov.u32 s13;
	p1 =	sne.s32 s13, $0xFFFFFFFF  }
0x1fa: {  	s12 =	sadd.s32 $0x1, s12;
	s13 =	smov.u32 s4;
	s4 =	sadd.s32 $0x1, s4  }
0x1fb: {  	p2 =	sne.s32 s6, s4;
	v1 =	vld.msk @!p1 [tilespmem:s12+$0x0], $0x1;
	_ =	sdelay $0x4  }
0x1fc: {  	(v2sf) =	vpush @!p1 v1, $0x0;
	_ =	sdelay $0xe  }
.Ltmp37:
0x1fd: {  	s3 =	spop @!p1 (v2sf);
	(pc) =	sbr.rel @p2 .LBB3_35-.Ltmp37, $4  }
0x1fe: {  	p3 =	seq.s32 @!p1 s0, s3  }
0x1ff: {  	p3 =	por !p3, p1  }
0x200: {  	s13 =	simm.s32 @p3 $0xFFFFFFFF  }
0x201: {  	s13 =	smov.u32 @p1 s2  }
.LBB3_36:
0x202: {  	p1 =	seq.s32 s13, $0xFFFFFFFF  }
.Ltmp38:
0x203: {  	_ = 	snop;
	(pc) =	sbr.rel @p1 .LBB3_38-.Ltmp38, $1  }
0x204: {  	_ =	sdelay $0x3  }
0x205: {  	s0 =	sshll.u32 s11, $0x6  }
0x206: {  	s2 =	sshll.u32 s13, $0x8;
	s0 =	sand.u32 $0x3FFFFFC0, s0  }
0x207: {  	s2 =	sshra.s32 s2, $0x2;
	v0 =	vld [tilespmem:s0+$0xA138]  }
0x208: {  	v1 =	vld [tilespmem:s2+$0xA138];
	_ =	sdelay $0x4  }
0x209: {  	v0 =	vmax.f32 v0, v1  }
0x20a: {  	v61 =	vld [tilespmem:s2+$0xA148];
	[tilespmem:s2+$0xA138] =	vst v0  }
0x20b: {  	v0 =	vld [tilespmem:s0+$0xA148];
	_ =	sdelay $0x4  }
0x20c: {  	v0 =	vmax.f32 v0, v61  }
0x20d: {  	v62 =	vld [tilespmem:s2+$0xA158];
	[tilespmem:s2+$0xA148] =	vst v0  }
0x20e: {  	v0 =	vld [tilespmem:s0+$0xA158];
	_ =	sdelay $0x4  }
0x20f: {  	v0 =	vmax.f32 v0, v62  }
0x210: {  	v63 =	vld [tilespmem:s2+$0xA168];
	[tilespmem:s2+$0xA158] =	vst v0  }
0x211: {  	v0 =	vld [tilespmem:s0+$0xA168];
	_ =	sdelay $0x1  }
.Ltmp39:
0x212: {  	_ = 	snop;
	(pc) =	sbr.rel .LBB3_39-.Ltmp39, $3  }
0x213: {  	_ =	sdelay $0x1  }
0x214: {  	v0 =	vmax.f32 v0, v63  }
0x215: {  	[tilespmem:s2+$0xA168] =	vst v0  }
.LBB3_40:
0x216: {  	s0 =	simm.s32 $0x6;
	p1 =	seq.s32 s6, $0x0  }
0x217: {  	[sflag:s0] =	ssyncpa.u1 $0x1;
	v0 =	vimm.s32 @p1 $0xFFFFFFFF  }
0x218: {  	s0 =	sadd.s32 $0xFFFFFFFF, s6;
	[tilespmem:$0xA938] =	vst @p1 v0  }
0x219: {  	v0 =	vld.msk @!p1 [tilespmem:s0+$0xA118], $0x1;
	_ =	sdelay $0x1  }
0x21a: {  	v1 =	vld.msk @!p1 [tilespmem:$0xA118], $0x1;
	_ =	sdelay $0x2  }
0x21b: {  	p2 =	seq.s32 @!p1 s0, $0x0;
	v0 =	vbroadcast @!p1 v0, $0x0  }
0x21c: {  	vm0 =	vmmov @!p1 $0x1;
	p2 =	por !p2, p1  }
0x21d: {  	v1 =	vnsel @!p1 vm0, $0xFFFFFFFF, v1;
	vm0 =	vcmask @!p1 $0x308;
	v0 =	vpsel !p2, $0xFFFFFFFF, v0  }
0x21e: {  	p2 =	sne.s32 @!p1 s8, s7;
	v0 =	vsel @!p1 vm0, v1, v0  }
0x21f: {  	s2 =	simm.s32 @!p1 $0xA138;
	s3 =	simm.s32 @!p1 $0x0;
	p3 =	por !p2, p1;
	[tilespmem:$0xA938] =	vst @!p1 v0  }
0x220: {  	[spmem:s3] =	stream.linear.scatter @!p1 [tilespmem:s2], [sflag:$0x1], $0x40, $0x38;
	[tilespmem:$0x1EF88] =	vst v63  }
0x221: {  	s2 =	sshll.u32 @!p3 s0, $0x8  }
0x222: {  	s2 =	sshra.s32 @!p3 s2, $0x2  }
0x223: {  	s3 =	simm.s32 @!p3 $0x40;
	s2 =	sadd.s32 @!p3 $0xA138, s2  }
0x224: {  	[spmem:s3] =	stream.linear.scatter @!p3 [tilespmem:s2], [sflag:$0x1], $0x40, $0x38;
	[tilespmem:$0x1EF88] =	vst v63  }
0x225: {  	s2 =	simm.s32 @!p3 $0x1  }
0x226: {  	_ =	swait.ge @!p3 [sflag:s2], $0x80  }
0x227: {  	p1 =	por p2, p1;
	[sflag:s2] =	ssyncset.done @!p3 $0x0  }
0x228: {  	[sflag:s2] =	ssyncadd.s32 @!p3 $0xFFFFFF80;
	s2 =	simm.s32 @!p1 $0x1  }
0x229: {  	_ =	swait.ge @!p1 [sflag:s2], $0x40  }
0x22a: {  	s29 =	simm.s32 $0xA938;
	[sflag:s2] =	ssyncset.done @!p1 $0x0  }
0x22b: {  	s30 =	simm.s32 $0x800;
	s31 =	simm.s32 $0x1;
	[sflag:s2] =	ssyncadd.s32 @!p1 $0xFFFFFFC0  }
0x22c: {  	[spmem:s30] =	stream.linear.scatter [tilespmem:s29], [sflag:$0x1], $0x10, $0x38;
	[tilespmem:$0x1EF88] =	vst v63  }
0x22d: {  	_ =	swait.ge [sflag:s31], $0x10  }
0x22e: {  	[sflag:s31] =	ssyncset.done $0x0  }
0x22f: {  	p1 =	seq.s32 s14, $0x0;
	s9 =	rddreg [dreg:$0x1];
	[sflag:s31] =	ssyncadd.s32 $0xFFFFFFF0  }
0x230: {  	s3 =	sshll.u32 @p1 s9, $0xE;
	s8 =	rddreg [dreg:$0x2]  }
0x231: {  	s2 =	sadd.s32 @p1 $0x15C3C, s3;
	s3 =	sshll.u32 @p1 s8, $0x11  }
0x232: {  	_ =	sfence.stream.spmem;
	s2 =	sor.u32 @p1 s3, s2  }
0x233: {  	[sflag:s2] =	ssyncadd.remote.s32 @p1 $0x1;
	s2 =	simm.s32 @p1 $0x4  }
0x234: {  	s4 =	simm.s32 @!p1 $0x3C;
	s3 =	sand.u32 $0xFFFFFFFE, s9;
	_ =	swait.ge @p1 [sflag:s2], $0x12  }
0x235: {  	s5 =	simm.s32 @!p1 $0x0;
	s3 =	sadd.s32 @!p1 $0x4, s3;
	[sflag:s2] =	ssyncset.done @p1 $0x0  }
0x236: {  	s7 =	simm.s32 @!p1 $0x80;
	[sflag:s2] =	ssyncadd.s32 @p1 $0xFFFFFFEE;
	s2 =	sshll.u32 @!p1 s3, $0x1A  }
0x237: {  	s3 =	sshll.u32 @!p1 s3, $0xD;
	s2 =	sor.u32 @!p1 s2, s8;
	_ =	swait.eq @!p1 [sflag:s4], $0x1  }
0x238: {  	s3 =	sor.u32 @!p1 $0x1C04, s3;
	s4 =	simm.s32 @!p1 $0x1C03;
	s2 =	sor.u32 @!p1 $0x80004000, s2  }
0x239: {  	[spmem:s7], [sflag:s3] =	dma.general @!p1 [spmem:s5], [sflag:s4], length:$0x10, [dreg:$0x0], stride_count:$0x0, ici_dest:s2, dma_misc:DstOpCode:WRITE  }
0x23a: {  	p2 =	slt.s32 s0, $0x2;
	s5 =	simm.s32 @!p1 $0x100;
	s7 =	simm.s32 @!p1 $0x102  }
0x23b: {  	[spmem:s7], [sflag:s3] =	dma.general @!p1 [spmem:s5], [sflag:s4], length:$0x2, [dreg:$0x0], stride_count:$0x0, ici_dest:s2, dma_misc:DstOpCode:WRITE  }
.Ltmp40:
0x23c: {  	s2 =	simm.s32 @!p1 $0x3;
	(pc) =	sbr.rel @p2 .LBB3_44-.Ltmp40, $4  }
0x23d: {  	s3 =	sshll.u32 @!p1 s9, $0xE;
	_ =	swait.ge @!p1 [sflag:s2], $0x12  }
0x23e: {  	s4 =	sshll.u32 @!p1 s8, $0x11;
	s3 =	sadd.s32 @!p1 $0x11C3C, s3;
	[sflag:s2] =	ssyncset.done @!p1 $0x0  }
0x23f: {  	[sflag:s2] =	ssyncadd.s32 @!p1 $0xFFFFFFEE;
	s2 =	sor.u32 @!p1 s4, s3  }
0x240: {  	s0 =	simm.s32 $0x0;
	[sflag:s2] =	ssyncadd.remote.s32 @!p1 $0xFFFFFFFF  }
0x241: {  	s0 =	simm.s32 $0xA119  }
0x242: {  	v0 =	vld.msk [tilespmem:s0+$0x0], $0x1;
	_ =	sdelay $0x4  }
0x243: {  	(v2sf) =	vpush v0, $0x0;
	_ =	sdelay $0xd  }
0x244: {  	s3 =	sadd.s32 $0xFFFFFFFE, s6  }
0x245: {  	s4 =	sadd.s32 $0xFFFFFFFF, s3;
	s2 =	spop (v2sf)  }
0x246: {  	p2 =	sne.s32 s4, $0x0;
	p1 =	sgt.u32 s2, $0x4CF8  }
.Ltmp41:
0x247: {  	s5 =	sand.u32 @!p1 $0x7FF8, s2;
	(pc) =	sbr.rel @!p2 .LBB3_43-.Ltmp41, $4  }
0x248: {  	s0 =	simm.s32 $0xA178;
	s2 =	sand.u32 @!p1 $0x7, s2;
	s3 =	sadd.s32 @!p1 s1, s5  }
0x249: {  	[hbm4b:s3+s2] =	stream.linear.scatter @!p1 [tilespmem:s0], [sflag:$0x5], $0x40, $0x38;
	[tilespmem:$0x1EF88] =	vst v63  }
0x24a: {  	s2 =	simm.s32 $0x0  }
0x24b: {  	s6 =	simm.s32 $0xA11A;
	s5 =	simm.s32 $0x0;
	s2 =	simm.s32 @!p1 $0x100  }
.LBB3_42:
0x24c: {  	v0 =	vld.msk [tilespmem:s6+$0x0], $0x1;
	s4 =	sadd.s32 $0xFFFFFFFF, s4;
	s5 =	sadd.s32 s5, s2  }
0x24d: {  	p1 =	sne.s32 s4, $0x0;
	_ =	sdelay $0x3  }
0x24e: {  	(v2sf) =	vpush v0, $0x0;
	_ =	sdelay $0xe  }
.Ltmp42:
0x24f: {  	s3 =	spop (v2sf);
	(pc) =	sbr.rel @p1 .LBB3_42-.Ltmp42, $4  }
0x250: {  	s2 =	simm.s32 $0x0;
	p2 =	sgt.u32 s3, $0x4CF8  }
0x251: {  	s0 =	sadd.s32 $0x40, s0;
	s2 =	simm.s32 @!p2 $0x100;
	s7 =	sand.u32 @!p2 $0x7FF8, s3  }
0x252: {  	s6 =	sadd.s32 $0x1, s6;
	s3 =	sand.u32 @!p2 $0x7, s3;
	s7 =	sadd.s32 @!p2 s1, s7  }
0x253: {  	[hbm4b:s7+s3] =	stream.linear.scatter @!p2 [tilespmem:s0], [sflag:$0x5], $0x40, $0x38;
	[tilespmem:$0x1EF88] =	vst v63  }
.LBB3_43:
0x254: {  	s0 =	sadd.s32 s5, s2  }
0x255: {  	s0 =	sshrl.u32 s0, $0x2  }
.LBB3_44:
0x256: {  	s2 =	simm.s32 $0x5  }
0x257: {  	_ =	swait.ge [sflag:s2], s0  }
0x258: {  	s31 =	ssub.s32 $0x0, s0;
	[sflag:s2] =	ssyncset.done $0x0  }
0x259: {  	[sflag:s2] =	ssyncadd.s32 s31  }
0x25a: {  	[sflag:s2] =	ssyncpa.u1 $0x1  }
.LBB3_45:
0x25b: {  	s0 =	sor.u32 s14, s15  }
0x25c: {  	p1 =	sne.s32 s0, $0x0  }
.Ltmp43:
0x25d: {  	_ = 	snop;
	(pc) =	sbr.rel @p1 .LBB3_60-.Ltmp43, $3  }
0x25e: {  	_ =	sdelay $0x1  }
0x25f: {  	[bflag:$0x0] =	sbarrier.arrive $0xFFFF  }
0x260: {  	_ =	sfence  }
0x261: {  	s0 =	simm.s32 $0x7  }
0x262: {  	s2 =	simm.s32 $0x800;
	s3 =	simm.s32 $0xA118;
	[sflag:s0] =	ssyncpa.u1 $0x0  }
0x263: {  	[tilespmem:s3], [sflag:$0x7] =	stream.linear.gather [spmem:s2], $0x20, $0x38;
	[tilespmem:$0x1EF88] =	vst v63  }
0x264: {  	s30 =	simm.s32 $0xA138;
	s2 =	simm.s32 $0x0  }
0x265: {  	[tilespmem:s30], [sflag:$0x7] =	stream.linear.gather [spmem:s2], $0x800, $0x38;
	[tilespmem:$0x1EF88] =	vst v63  }
.Ltmp44:
0x266: {  	_ = 	snop;
	(pc) =	sbr.rel .LBB3_47-.Ltmp44, $4  }
0x267: {  	_ =	swait.ge [sflag:s0], $0x820  }
0x268: {  	[sflag:s0] =	ssyncset.done $0x0  }
0x269: {  	s31 =	simm.s32 $0x8;
	[sflag:s0] =	ssyncadd.s32 $0xFFFFF7E0  }
0x26a: {  	s3 =	simm.s32 $0x0;
	[sflag:s31] =	ssyncpa.u1 $0x0  }
.LBB3_53:
0x26b: {  	p1 =	slt.u32 s0, $0x4CF9  }
0x26c: {  	s4 =	sand.u32 @p1 $0x7FF8, s0  }
0x26d: {  	s0 =	sand.u32 @p1 $0x7, s0;
	s5 =	simm.s32 @p1 $0xA0C8;
	s4 =	sadd.s32 @p1 s1, s4  }
0x26e: {  	[tilespmem:s5], [sflag:$0x8] =	stream.linear.gather @p1 [hbm4b:s4+s0], $0x40, $0x38;
	[tilespmem:$0x1EF88] =	vst v63  }
0x26f: {  	s0 =	simm.s32 @p1 $0x8  }
0x270: {  	_ =	swait.ge @p1 [sflag:s0], $0x40  }
0x271: {  	[sflag:s0] =	ssyncset.done @p1 $0x0  }
0x272: {  	[sflag:s0] =	ssyncadd.s32 @p1 $0xFFFFFFC0;
	s0 =	sshll.u32 @p1 s3, $0x8  }
0x273: {  	s4 =	sshrl.u32 @p1 s0, $0x2;
	v1 =	vld @p1 [tilespmem:$0xA0C8]  }
0x274: {  	v2 =	vld @p1 [tilespmem:s4+$0xA138];
	_ =	sdelay $0x4  }
0x275: {  	v1 =	vmax.f32 @p1 v1, v2  }
0x276: {  	v2 =	vld @p1 [tilespmem:s4+$0xA148];
	[tilespmem:s4+$0xA138] =	vst @p1 v1  }
0x277: {  	v1 =	vld @p1 [tilespmem:$0xA0D8];
	_ =	sdelay $0x4  }
0x278: {  	v1 =	vmax.f32 @p1 v1, v2  }
0x279: {  	v2 =	vld @p1 [tilespmem:s4+$0xA158];
	[tilespmem:s4+$0xA148] =	vst @p1 v1  }
0x27a: {  	v1 =	vld @p1 [tilespmem:$0xA0E8];
	_ =	sdelay $0x4  }
0x27b: {  	v1 =	vmax.f32 @p1 v1, v2  }
0x27c: {  	v2 =	vld @p1 [tilespmem:s4+$0xA168];
	[tilespmem:s4+$0xA158] =	vst @p1 v1  }
0x27d: {  	v1 =	vld @p1 [tilespmem:$0xA0F8];
	_ =	sdelay $0x4  }
0x27e: {  	s5 =	sshll.u32 @!p1 s3, $0x8;
	v1 =	vmax.f32 @p1 v1, v2  }
0x27f: {  	s5 =	smov.u32 @p1 s0;
	[tilespmem:s4+$0xA168] =	vst @p1 v1  }
0x280: {  	s0 =	sshrl.u32 s5, $0x2;
	[tilespmem:s2+$0xA118] =	vst.msk $0x1, v0  }
0x281: {  	v0 =	vld [tilespmem:s0+$0xA138];
	_ =	sdelay $0x2  }
0x282: {  	s31 =	sshll.u32 s2, $0x8  }
0x283: {  	s4 =	sshra.s32 s31, $0x2  }
0x284: {  	[tilespmem:s4+$0xA138] =	vst v0  }
0x285: {  	v0 =	vld [tilespmem:s0+$0xA148];
	_ =	sdelay $0x4  }
0x286: {  	[tilespmem:s4+$0xA148] =	vst v0  }
0x287: {  	v0 =	vld [tilespmem:s0+$0xA158];
	_ =	sdelay $0x4  }
0x288: {  	[tilespmem:s4+$0xA158] =	vst v0  }
0x289: {  	v0 =	vld [tilespmem:s0+$0xA168];
	_ =	sdelay $0x4  }
0x28a: {  	s2 =	sadd.s32 $0x1, s2;
	[tilespmem:s4+$0xA168] =	vst v0  }
.LBB3_54:
0x28b: {  	s3 =	sadd.s32 $0x1, s3  }
0x28c: {  	p1 =	sne.s32 s3, $0x20  }
.Ltmp45:
0x28d: {  	_ = 	snop;
	(pc) =	sbr.rel @!p1 .LBB3_55-.Ltmp45, $1  }
0x28e: {  	_ =	sdelay $0x3  }
.LBB3_47:
0x28f: {  	v0 =	vld.msk [tilespmem:s3+$0xA118], $0x1;
	_ =	sdelay $0x4  }
0x290: {  	(v2sf) =	vpush v0, $0x0;
	_ =	sdelay $0xe  }
0x291: {  	s0 =	spop (v2sf)  }
0x292: {  	p1 =	seq.s32 s0, $0xFFFFFFFF  }
.Ltmp46:
0x293: {  	_ = 	snop;
	(pc) =	sbr.rel @p1 .LBB3_54-.Ltmp46, $1  }
0x294: {  	_ =	sdelay $0x3  }
0x295: {  	p1 =	slt.s32 s2, $0x1  }
.Ltmp47:
0x296: {  	_ = 	snop;
	(pc) =	sbr.rel @p1 .LBB3_53-.Ltmp47, $1  }
0x297: {  	_ =	sdelay $0x3  }
0x298: {  	s4 =	simm.s32 $0xA118;
	p1 =	por $0x0, $0x0  }
0x299: {  	v1 =	vld.msk @!p1 [tilespmem:s4+$0x0], $0x1;
	_ =	sdelay $0x4  }
0x29a: {  	(v2sf) =	vpush @!p1 v1, $0x0;
	_ =	sdelay $0xd  }
0x29b: {  	p3 =	sne.s32 s2, $0x1  }
.Ltmp48:
0x29c: {  	s5 =	spop @!p1 (v2sf);
	(pc) =	sbr.rel @!p3 .LBB3_51-.Ltmp48, $4  }
0x29d: {  	p2 =	seq.s32 @!p1 s0, s5  }
0x29e: {  	s5 =	simm.s32 $0x0;
	p2 =	por !p2, p1  }
0x29f: {  	s7 =	simm.s32 $0xFFFFFFFF;
	s5 =	simm.s32 @p2 $0xFFFFFFFF  }
0x2a0: {  	s6 =	simm.s32 $0x1;
	s5 =	smov.u32 @p1 s7  }
.LBB3_50:
0x2a1: {  	s7 =	smov.u32 s5;
	p1 =	sne.s32 s5, $0xFFFFFFFF  }
0x2a2: {  	s4 =	sadd.s32 $0x1, s4;
	s5 =	smov.u32 s6;
	s6 =	sadd.s32 $0x1, s6  }
0x2a3: {  	p2 =	sne.s32 s2, s6;
	v1 =	vld.msk @!p1 [tilespmem:s4+$0x0], $0x1;
	_ =	sdelay $0x4  }
0x2a4: {  	(v2sf) =	vpush @!p1 v1, $0x0;
	_ =	sdelay $0xe  }
.Ltmp49:
0x2a5: {  	s8 =	spop @!p1 (v2sf);
	(pc) =	sbr.rel @p2 .LBB3_50-.Ltmp49, $4  }
0x2a6: {  	p3 =	seq.s32 @!p1 s0, s8  }
0x2a7: {  	p3 =	por !p3, p1  }
0x2a8: {  	s5 =	simm.s32 @p3 $0xFFFFFFFF  }
0x2a9: {  	s5 =	smov.u32 @p1 s7  }
.LBB3_51:
0x2aa: {  	p1 =	seq.s32 s5, $0xFFFFFFFF  }
.Ltmp50:
0x2ab: {  	_ = 	snop;
	(pc) =	sbr.rel @p1 .LBB3_53-.Ltmp50, $1  }
0x2ac: {  	_ =	sdelay $0x3  }
0x2ad: {  	s0 =	sshll.u32 s3, $0x6  }
0x2ae: {  	s4 =	sshll.u32 s5, $0x8;
	s0 =	sand.u32 $0x3FFFFFC0, s0  }
0x2af: {  	s4 =	sshra.s32 s4, $0x2;
	v0 =	vld [tilespmem:s0+$0xA138]  }
0x2b0: {  	v1 =	vld [tilespmem:s4+$0xA138];
	_ =	sdelay $0x4  }
0x2b1: {  	v0 =	vmax.f32 v0, v1  }
0x2b2: {  	v61 =	vld [tilespmem:s4+$0xA148];
	[tilespmem:s4+$0xA138] =	vst v0  }
0x2b3: {  	v0 =	vld [tilespmem:s0+$0xA148];
	_ =	sdelay $0x4  }
0x2b4: {  	v0 =	vmax.f32 v0, v61  }
0x2b5: {  	v62 =	vld [tilespmem:s4+$0xA158];
	[tilespmem:s4+$0xA148] =	vst v0  }
0x2b6: {  	v0 =	vld [tilespmem:s0+$0xA158];
	_ =	sdelay $0x4  }
0x2b7: {  	v0 =	vmax.f32 v0, v62  }
0x2b8: {  	v63 =	vld [tilespmem:s4+$0xA168];
	[tilespmem:s4+$0xA158] =	vst v0  }
0x2b9: {  	v0 =	vld [tilespmem:s0+$0xA168];
	_ =	sdelay $0x1  }
.Ltmp51:
0x2ba: {  	_ = 	snop;
	(pc) =	sbr.rel .LBB3_54-.Ltmp51, $3  }
0x2bb: {  	_ =	sdelay $0x1  }
0x2bc: {  	v0 =	vmax.f32 v0, v63  }
0x2bd: {  	[tilespmem:s4+$0xA168] =	vst v0  }
.LBB3_55:
0x2be: {  	p1 =	slt.s32 s2, $0x1  }
.Ltmp52:
0x2bf: {  	_ = 	snop;
	(pc) =	sbr.rel @p1 .LBB3_59-.Ltmp52, $3  }
0x2c0: {  	_ =	sdelay $0x1  }
0x2c1: {  	s0 =	simm.s32 $0x8  }
0x2c2: {  	[sflag:s0] =	ssyncpa.u1 $0x1;
	s0 =	simm.s32 $0x0  }
0x2c3: {  	s3 =	simm.s32 $0xA118  }
0x2c4: {  	v0 =	vld.msk [tilespmem:s3+$0x0], $0x1;
	_ =	sdelay $0x4  }
0x2c5: {  	(v2sf) =	vpush v0, $0x0;
	_ =	sdelay $0xe  }
0x2c6: {  	s2 =	sadd.s32 $0xFFFFFFFF, s2;
	s4 =	spop (v2sf)  }
0x2c7: {  	p2 =	sne.s32 s2, $0x0;
	p1 =	sgt.u32 s4, $0x4CF8  }
.Ltmp53:
0x2c8: {  	s5 =	sand.u32 @!p1 $0x7FF8, s4;
	(pc) =	sbr.rel @!p2 .LBB3_58-.Ltmp53, $4  }
0x2c9: {  	s3 =	simm.s32 $0xA138;
	s4 =	sand.u32 @!p1 $0x7, s4;
	s5 =	sadd.s32 @!p1 s1, s5  }
0x2ca: {  	[hbm4b:s5+s4] =	stream.linear.scatter @!p1 [tilespmem:s3], [sflag:$0x7], $0x40, $0x38;
	[tilespmem:$0x1EF88] =	vst v63  }
0x2cb: {  	s5 =	simm.s32 $0x0  }
0x2cc: {  	s4 =	simm.s32 $0xA119;
	s5 =	simm.s32 @!p1 $0x100  }
.LBB3_57:
0x2cd: {  	v0 =	vld.msk [tilespmem:s4+$0x0], $0x1;
	s2 =	sadd.s32 $0xFFFFFFFF, s2;
	s0 =	sadd.s32 s0, s5  }
0x2ce: {  	p1 =	sne.s32 s2, $0x0;
	_ =	sdelay $0x3  }
0x2cf: {  	(v2sf) =	vpush v0, $0x0;
	_ =	sdelay $0xe  }
.Ltmp54:
0x2d0: {  	s6 =	spop (v2sf);
	(pc) =	sbr.rel @p1 .LBB3_57-.Ltmp54, $4  }
0x2d1: {  	s5 =	simm.s32 $0x0;
	p2 =	sgt.u32 s6, $0x4CF8  }
0x2d2: {  	s3 =	sadd.s32 $0x40, s3;
	s5 =	simm.s32 @!p2 $0x100;
	s7 =	sand.u32 @!p2 $0x7FF8, s6  }
0x2d3: {  	s4 =	sadd.s32 $0x1, s4;
	s6 =	sand.u32 @!p2 $0x7, s6;
	s7 =	sadd.s32 @!p2 s1, s7  }
0x2d4: {  	[hbm4b:s7+s6] =	stream.linear.scatter @!p2 [tilespmem:s3], [sflag:$0x7], $0x40, $0x38;
	[tilespmem:$0x1EF88] =	vst v63  }
.LBB3_58:
0x2d5: {  	s0 =	sadd.s32 s0, s5  }
0x2d6: {  	s0 =	sshrl.u32 s0, $0x2  }
.LBB3_59:
0x2d7: {  	s1 =	simm.s32 $0x7  }
0x2d8: {  	_ =	swait.ge [sflag:s1], s0  }
0x2d9: {  	s31 =	ssub.s32 $0x0, s0;
	[sflag:s1] =	ssyncset.done $0x0  }
0x2da: {  	[sflag:s1] =	ssyncadd.s32 s31  }
0x2db: {  	[sflag:s1] =	ssyncpa.u1 $0x1  }
.LBB3_60:
0x2dc: {  	_ =	sfence;
	s0 =	simm.s32 $0x1  }
0x2dd: {  	[sflag:s0] =	ssyncpa.u1 $0x1  }
0x2de: {  	_ =	strace $0x90000059  }
0x2df: {  	[bflag:$0x2] =	sbarrier.arrive $0xFFFF  }
0x2e0: {  	s0 =	rddreg [dreg:$0x3]  }
0x2e1: {  	s0 =	sadd.s32 @!p0 $0x100000, s0  }
0x2e2: {  	[sflag:s0] =	ssyncadd.tile.s32 @!p0 $0x1;
	_ =	shalt  }
.Lfunc_end3:
_tile_overlayer_lowered:
.L_overlay_start_3:
0x2e3: {  	(tag) =	ssettag $0x3  }
0x2e4: {  	s0 =	rddreg [dreg:$0x0];
	s2 =	stileid.u32  }
0x2e5: {  	s1 =	rddreg [dreg:$0x1];
	p0 =	sne.s32 s2, $0x0  }
0x2e6: {  	s3 =	rddreg [dreg:$0x2];
	[bflag:$0x3] =	sbarrier.arrive $0xFFFF;
	s2 =	simm.s32 @!p0 $0x1C01  }
0x2e7: {  	[timem:s3], [sflag:s2] =	dma.local @!p0 [hbm:s0], s1  }
0x2e8: {  	s0 =	simm.s32 @!p0 $0x1  }
0x2e9: {  	_ =	swait.ge @!p0 [sflag:s0], s1  }
0x2ea: {  	s1 =	ssub.s32 @!p0 $0x0, s1;
	[sflag:s0] =	ssyncset.done @!p0 $0x0  }
0x2eb: {  	[sflag:s0] =	ssyncadd.s32 @!p0 s1  }
0x2ec: {  	[bflag:$0x3] =	sbarrier.arrive $0xFFFF  }
0x2ed: {  	_ =	shalt  }

// kernel: scatter_offload_async_start.2
scs
__scs_entry_jumppad:
0x0: {  	(pc) =	sbr.rel $0x88, $3  }
0x1: {  	(tag) =	ssettag $0x0;
	lr =	simm.s32 $0x1  }
0x2: {  	[smem:$0x3F2E] =	sst lr;
	_ =	strace $0xD0000000  }
0x3: {  	_ = 	snop  }
0x4: {  	_ = 	snop  }
0x5: {  	_ = 	snop  }
0x6: {  	_ = 	snop  }
0x7: {  	_ = 	snop  }
__scs_overlays_trampoline_lowered:
0x8: {  	[smem:$0x3F3D] =	sst s0  }
0x9: {  	[smem:$0x3F3E] =	sst s1  }
0xa: {  	[smem:$0x3F3F] =	sst s2  }
0xb: {  	[smem:$0x3F40] =	sst s3  }
0xc: {  	[smem:$0x3F41] =	sst s4  }
0xd: {  	[smem:$0x3F42] =	sst s5  }
0xe: {  	[smem:$0x3F43] =	sst s6  }
0xf: {  	[smem:$0x3F44] =	sst s7  }
0x10: {  	[smem:$0x3F45] =	sst s8  }
0x11: {  	[smem:$0x3F46] =	sst s9;
	s0 =	simm.s32 @!p0 $0x0  }
0x12: {  	s1 =	sld [smem:$0x3F2C];
	s0 =	simm.s32 @p0 $0x1  }
0x13: {  	[smem:$0x3F47] =	sst s0;
	s0 =	simm.s32 @!p1 $0x0  }
0x14: {  	s2 =	sld [smem:$0x3F2B];
	s0 =	simm.s32 @p1 $0x1  }
0x15: {  	[smem:$0x3F48] =	sst s0;
	s0 =	simm.s32 @!p2 $0x0  }
0x16: {  	s3 =	sld [smem:$0x3FDB];
	s0 =	simm.s32 @p2 $0x1  }
0x17: {  	s4 =	simm.s32 $0x1BF5;
	[smem:$0x3F4A] =	sst s0  }
0x18: {  	s0 =	sld [smem:$0x3F2D];
	_ =	swait.ge [sflag:s4], $0x0  }
0x19: {  	s7 =	sld [smem:$0x3F2E]  }
0x1a: {  	s8 =	sadd.s32 $0xFFFFE003, lr  }
0x1b: {  	s9 =	sadd.s32 $0xFFFFFEF7, lr;
	s5 =	simm.s32 $0xFFFFFFFF;
	p2 =	slt.u32 s8, $0xFFFFF086  }
0x1c: {  	p1 =	slt.u32 s9, $0xF7A;
	s5 =	simm.s32 @!p2 $0x0  }
0x1d: {  	s5 =	simm.s32 @p1 $0x1;
	p0 =	seq.s32 s7, s2  }
0x1e: {  	s7 =	smul.u32 @!p0 $0xF7A, s2;
	p2 =	seq.s32 @!p0 s5, $0x0  }
0x1f: {  	s9 =	smul.u32 $0xF7A, s1;
	s8 =	simm.s32 @!p0 $0x1BF5;
	p2 =	por !p2, p0  }
0x20: {  	[sflag:s8] =	ssyncset.s32 @!p0 $0xFFFFF086;
	s6 =	sadd.s32 @!p0 s3, s7;
	s7 =	simm.s32 @!p0 $0x108  }
0x21: {  	s3 =	sadd.s32 s3, s9;
	s6 =	sadd.s32 @!p0 $0x88, s6;
	s7 =	simm.s32 @p2 $0x1082  }
0x22: {  	[simem:s7], [sflag:s8] =	dma.local @!p0 [hbm:s6], $0xF7A  }
0x23: {  	s9 =	sor.u32 $0xD0000000, s2;
	s6 =	simm.s32 $0x108;
	_ =	swait.ge @!p0 [sflag:s8], $0x0  }
0x24: {  	s3 =	sadd.s32 $0x88, s3;
	s6 =	simm.s32 @!p1 $0x1082;
	[sflag:s4] =	ssyncset.s32 $0xFFFFF086  }
0x25: {  	[simem:s6], [sflag:s4] =	dma.local [hbm:s3], $0xF7A  }
0x26: {  	[smem:$0x3F2E] =	sst s1;
	(tag) =	ssettag s2;
	_ =	strace s9  }
0x27: {  	s1 =	sld [smem:$0x3F3E]  }
0x28: {  	s2 =	sld [smem:$0x3F3F]  }
0x29: {  	s4 =	sld [smem:$0x3F41]  }
0x2a: {  	p0 =	seq.s32 s5, $0x0;
	s5 =	sld [smem:$0x3F42]  }
0x2b: {  	s6 =	sld [smem:$0x3F43]  }
0x2c: {  	s7 =	sld [smem:$0x3F44]  }
0x2d: {  	s3 =	simm.s32 $0x108;
	s8 =	sld [smem:$0x3F45]  }
0x2e: {  	s3 =	simm.s32 @!p0 $0x1082;
	s9 =	sld [smem:$0x3F46]  }
0x2f: {  	lr =	sadd.s32 s0, s3;
	s0 =	sld [smem:$0x3F3D]  }
0x30: {  	s3 =	sld [smem:$0x3F40]  }
0x31: {  	[smem:$0x3F49] =	sst s10  }
0x32: {  	s10 =	sld [smem:$0x3F47];
	_ =	sdelay $0x3  }
0x33: {  	p0 =	seq.s32 s10, $0x1;
	s10 =	sld [smem:$0x3F49];
	_ =	sdelay $0x3  }
0x34: {  	[smem:$0x3F49] =	sst s10  }
0x35: {  	s10 =	sld [smem:$0x3F48];
	_ =	sdelay $0x3  }
0x36: {  	p1 =	seq.s32 s10, $0x1;
	s10 =	sld [smem:$0x3F49];
	_ =	sdelay $0x3  }
0x37: {  	[smem:$0x3F49] =	sst s10  }
0x38: {  	s10 =	sld [smem:$0x3F4A]  }
0x39: {  	_ = 	snop;
	(pc) =	sbr.ind lr, $3  }
0x3a: {  	_ = 	snop  }
0x3b: {  	_ = 	snop  }
0x3c: {  	p2 =	seq.s32 s10, $0x1;
	s10 =	sld [smem:$0x3F49]  }
0x3d: {  	_ =	shalt  }
0x3e: {  	_ =	shalt  }
0x3f: {  	_ =	shalt  }
0x40: {  	_ =	shalt  }
0x41: {  	_ =	shalt  }
0x42: {  	_ =	shalt  }
0x43: {  	_ =	shalt  }
0x44: {  	_ =	shalt  }
0x45: {  	_ =	shalt  }
0x46: {  	_ =	shalt  }
0x47: {  	_ =	shalt  }
0x48: {  	_ =	shalt  }
0x49: {  	_ =	shalt  }
0x4a: {  	_ =	shalt  }
0x4b: {  	_ =	shalt  }
0x4c: {  	_ =	shalt  }
0x4d: {  	_ =	shalt  }
0x4e: {  	_ =	shalt  }
0x4f: {  	_ =	shalt  }
0x50: {  	_ =	shalt  }
0x51: {  	_ =	shalt  }
0x52: {  	_ =	shalt  }
0x53: {  	_ =	shalt  }
0x54: {  	_ =	shalt  }
0x55: {  	_ =	shalt  }
0x56: {  	_ =	shalt  }
0x57: {  	_ =	shalt  }
0x58: {  	_ =	shalt  }
0x59: {  	_ =	shalt  }
0x5a: {  	_ =	shalt  }
0x5b: {  	_ =	shalt  }
0x5c: {  	_ =	shalt  }
0x5d: {  	_ =	shalt  }
0x5e: {  	_ =	shalt  }
0x5f: {  	_ =	shalt  }
0x60: {  	_ =	shalt  }
0x61: {  	_ =	shalt  }
0x62: {  	_ =	shalt  }
0x63: {  	_ =	shalt  }
0x64: {  	_ =	shalt  }
0x65: {  	_ =	shalt  }
0x66: {  	_ =	shalt  }
0x67: {  	_ =	shalt  }
0x68: {  	_ =	shalt  }
0x69: {  	_ =	shalt  }
0x6a: {  	_ =	shalt  }
0x6b: {  	_ =	shalt  }
0x6c: {  	_ =	shalt  }
0x6d: {  	_ =	shalt  }
0x6e: {  	_ =	shalt  }
0x6f: {  	_ =	shalt  }
0x70: {  	_ =	shalt  }
0x71: {  	_ =	shalt  }
0x72: {  	_ =	shalt  }
0x73: {  	_ =	shalt  }
0x74: {  	_ =	shalt  }
0x75: {  	_ =	shalt  }
0x76: {  	_ =	shalt  }
0x77: {  	_ =	shalt  }
0x78: {  	_ =	shalt  }
0x79: {  	_ =	shalt  }
0x7a: {  	_ =	shalt  }
0x7b: {  	_ =	shalt  }
0x7c: {  	_ =	shalt  }
0x7d: {  	_ =	shalt  }
0x7e: {  	_ =	shalt  }
0x7f: {  	_ =	shalt  }
0x80: {  	_ =	shalt  }
0x81: {  	_ =	shalt  }
0x82: {  	_ =	shalt  }
0x83: {  	_ =	shalt  }
0x84: {  	_ =	shalt  }
0x85: {  	_ =	shalt  }
0x86: {  	_ =	shalt  }
0x87: {  	_ =	shalt  }
.Lfunc_end0:
.L_simem_size_0:
called_computation.2_lowered:
.L_overlay_start_0:
0x88: {  	s0 =	sld [smem:$0x3FD9]  }
0x89: {  	s1 =	sld [smem:$0x3FFE];
	_ =	sdelay $0x3  }
0x8a: {  	s0 =	sadd.s32 s1, s0  }
0x8b: {  	[smem:$0x3F55] =	sst s0  }
0x8c: {  	_ = 	snop  }
0x8d: {  	(tm) =	ssettm $0x1  }
0x8e: {  	s14 =	sld [smem:$0x3FFB];
	_ =	sdelay $0x3  }
0x8f: {  	_ =	strace s14  }
0x90: {  	s0 =	sld [smem:$0x3FFC];
	_ =	sdelay $0x3  }
0x91: {  	_ =	strace s0  }
0x92: {  	s0 =	sld [smem:$0x3FFD];
	_ =	sdelay $0x3  }
0x93: {  	_ =	strace s0  }
0x94: {  	_ =	strace $0x8FFFFFFF  }
0x95: {  	s15 =	sld [smem:$0x3FDB];
	_ =	sdelay $0x1  }
0x96: {  	s16 =	simm.s32 $_scs_section_size  }
0x97: {  	s2 =	simm.s32 $_size__tile_overlayer_lowered;
	s3 =	simm.s32 $_tile_overlayer_lowered  }
0x98: {  	s4 =	simm.s32 $0x1BFF;
	s17 =	sshll.u32 s3, $0x1;
	s1 =	sadd.s32 s16, s15  }
0x99: {  	s18 =	simm.s32 $0x0;
	s2 =	sshll.u32 s2, $0x1;
	s3 =	sadd.s32 s17, s1  }
0x9a: {  	[timem:s18], [sflag:s4] =	dma.local [hbm:s3], s2  }
0x9b: {  	_ =	swait.ge [sflag:s4], s2  }
0x9c: {  	s2 =	ssub.s32 $0x0, s2;
	[sflag:s4] =	ssyncset.done $0x0  }
0x9d: {  	[sflag:s4] =	ssyncadd.s32 s2;
	_ =	sdelay $0x1  }
0x9e: {  	s19 =	simm.s32 $0x1B8B  }
0x9f: {  	_ =	swait.ge [sflag:s19], $0x1  }
0xa0: {  	[sflag:s19] =	ssyncset.done $0x0  }
0xa1: {  	s21 =	simm.s32 $0x1B8E;
	s20 =	sld [smem:$0x3FFE];
	[sflag:s19] =	ssyncadd.s32 $0xFFFFFFFF  }
0xa2: {  	s22 =	simm.s32 $execute0_lowered;
	[smem:$0x3FD2] =	sst s21  }
0xa3: {  	s3 =	sshll.u32 s22, $0x1;
	_ =	strace $0x8000005E;
	[dreg:$0x1] =	wrdreg $0xFFFFFFFF  }
0xa4: {  	s23 =	simm.s32 $_size_execute0_lowered;
	s3 =	sadd.s32 s1, s3;
	[dreg:$0x0] =	wrdreg $0x0  }
0xa5: {  	s4 =	sshll.u32 s23, $0x1;
	[dreg:$0x2] =	wrdreg s3  }
0xa6: {  	[dreg:$0x3] =	wrdreg s4  }
0xa7: {  	[dreg:$0x4] =	wrdreg $0xC0  }
0xa8: {  	s24 =	simm.s32 $execute1_lowered;
	_ =	task [dreg:s18], $0x5FFFF  }
0xa9: {  	s3 =	sshll.u32 s24, $0x1;
	[dreg:$0x1] =	wrdreg $0xFFFFFFFF  }
0xaa: {  	s1 =	sadd.s32 s1, s3;
	[dreg:$0x0] =	wrdreg $0x60  }
0xab: {  	[dreg:$0x2] =	wrdreg s1  }
0xac: {  	[dreg:$0x3] =	wrdreg s20  }
0xad: {  	[dreg:$0x4] =	wrdreg $0x9  }
0xae: {  	_ =	task.clear_ibuf [dreg:s18], $0x5FFFF;
	_ =	strace $0x9000005E  }
0xaf: {  	s25 =	simm.s32 $0x9;
	_ =	strace $0x80000060  }
0xb0: {  	_ =	swait.ge [sflag:s25], $0x1  }
0xb1: {  	[sflag:s25] =	ssyncadd.s32 $0xFFFFFFFF  }
0xb2: {  	_ =	strace $0x90000060  }
0xb3: {  	_ =	strace $0x80000061;
	[dreg:$0x1] =	wrdreg $0xFFFFFFFF  }
0xb4: {  	[dreg:$0x0] =	wrdreg $0x2030  }
0xb5: {  	[dreg:$0x2] =	wrdreg s20  }
0xb6: {  	[dreg:$0x3] =	wrdreg $0xA  }
0xb7: {  	_ =	task.clear_ibuf [dreg:s18], $0x4FFFF;
	_ =	strace $0x90000061  }
0xb8: {  	s26 =	simm.s32 $0xA;
	_ =	strace $0x80000063  }
0xb9: {  	_ =	swait.ge [sflag:s26], $0x1  }
0xba: {  	[sflag:s26] =	ssyncadd.s32 $0xFFFFFFFF  }
0xbb: {  	_ =	strace $0x90000063  }
0xbc: {  	_ =	sfence  }
0xbd: {  	s28 =	sld [smem:$0x0];
	_ =	sdelay $0x1  }
0xbe: {  	s29 =	srdreg.scid  }
0xbf: {  	s30 =	sshll.u32 s29, $0xD;
	s31 =	sshrl.u32 s29, $0x2  }
0xc0: {  	s2 =	sand.u32 $0x1, s29;
	s3 =	sand.u32 $0x4000, s30;
	s1 =	sadd.s32 s31, s28  }
0xc1: {  	s2 =	sor.u32 s3, s2;
	s1 =	sshll.u32 s1, $0x11  }
0xc2: {  	s1 =	sor.u32 s1, s2  }
0xc3: {  	s1 =	sadd.s32 $0x8F2B, s1  }
0xc4: {  	[sflag:s1] =	ssyncadd.remote.s32 $0x1  }
0xc5: {  	_ =	sfence.sel $0xFFFF  }
0xc6: {  	[dreg:$0x0] =	wrdreg $0xFFFFFFFF;
	(pc) =	sbr.abs _section_cstart, $3  }
0xc7: {  	[dreg:$0x1] =	wrdreg $0xFFFFFFFF  }
0xc8: {  	_ =	task.clear_ibuf [dreg:s18], $0x2FFFF;
	_ =	strace $0x9FFFFFFF  }
0xc9: {  	(tm) =	ssettm $0x7FFFFFFF  }
tec
execute0_lowered:
.L_overlay_start_1:
0x0: {  	(tag) =	ssettag $0x1  }
0x1: {  	s2 =	rddreg [dreg:$0x0]  }
0x2: {  	s4 =	rddreg [dreg:$0x1]  }
0x3: {  	s0 =	rddreg [dreg:$0x2]  }
0x4: {  	s3 =	stileid.u32;
	[bflag:$0x3] =	sbarrier.arrive $0xFFFF;
	s1 =	simm.s32 $_size_execute1_lowered  }
0x5: {  	s7 =	simm.s32 $0x2;
	s8 =	simm.s32 $0x0;
	s9 =	simm.s32 $0x0  }
0x6: {  	s12 =	simm.s32 $0x0;
	s11 =	simm.s32 $0x0;
	p0 =	sne.s32 s3, $0x0  }
0x7: {  	s1 =	sshll.u32 s1, $0x1;
	s3 =	sshll.u32 s3, $0x3;
	s5 =	simm.s32 @!p0 $0x1C3F  }
.Ltmp0:
0x8: {  	s6 =	simm.s32 @!p0 $0x4060;
	s31 =	ssub.s32 $0xB8, s3;
	(pc) =	sbr.rel .LBB2_1-.Ltmp0, $4  }
0x9: {  	[timem:s6], [sflag:s5] =	dma.local @!p0 [hbm:s2], s1  }
0xa: {  	s10 =	smov.u32 s3;
	s5 =	simm.s32 $0x1;
	_ =	strace $0x8000005F  }
0xb: {  	s2 =	sadd.s32 $0x22000, s4;
	s6 =	sshrl.u32 s31, $0x7;
	[sflag:s5] =	ssyncpa.u1 $0x0  }
0xc: {  	s4 =	sadd.s32 $0x17200, s4;
	[sflag:s7] =	ssyncpa.u1 $0x0;
	s7 =	sor.u32 $0x2, s6  }
.LBB2_5:
0xd: {  	s14 =	sadd.s32 $0x80, s10  }
0xe: {  	p2 =	sgt.s32 s14, $0xB8  }
0xf: {  	s14 =	smov.u32 @p2 s3;
	p2 =	sne.s32 s11, s7  }
.Ltmp1:
0x10: {  	p1 =	slt.u32 s11, $0x2;
	(pc) =	sbr.rel @!p2 .LBB2_6-.Ltmp1, $4  }
0x11: {  	s13 =	simm.s32 @!p1 $0x2  }
0x12: {  	s15 =	sadd.s32 $0x1, s11;
	_ =	swait.ge @!p1 [sflag:s13], $0x800  }
0x13: {  	s12 =	smov.u32 s10;
	s9 =	sadd.s32 $0x800, s9;
	[sflag:s13] =	ssyncset.done @!p1 $0x0  }
0x14: {  	s11 =	smov.u32 s15;
	s10 =	smov.u32 s14;
	[sflag:s13] =	ssyncadd.s32 @!p1 $0xFFFFF800  }
.LBB2_1:
0x15: {  	p1 =	sgt.u32 s11, s6  }
0x16: {  	s13 =	sshll.u32 @!p1 s10, $0x8;
	s14 =	sshll.u32 @!p1 s10, $0x7  }
0x17: {  	s13 =	sand.u32 @!p1 $0xFFFFF800, s13;
	s14 =	sand.u32 @!p1 $0x300, s14  }
0x18: {  	s13 =	sor.u32 @!p1 s14, s13  }
0x19: {  	s13 =	sshrl.u32 @!p1 s13, $0x8  }
0x1a: {  	s14 =	smulhi.u32 @!p1 $0x1555556, s13;
	_ =	sdelay $0x1  }
0x1b: {  	s14 =	smul.u32 @!p1 $0xC0, s14  }
0x1c: {  	s15 =	sshll.u32 @!p1 s10, $0x4  }
0x1d: {  	s15 =	sand.u32 @!p1 $0x10, s15;
	s13 =	ssub.s32 @!p1 s13, s14;
	s14 =	sxor.u32 @!p1 $0xFFFFFFFF, s11  }
0x1e: {  	s15 =	sadd.s32 @!p1 s2, s15;
	s14 =	sshll.u32 @!p1 s14, $0xB;
	s13 =	sshll.u32 @!p1 s13, $0x5  }
0x1f: {  	s14 =	sand.u32 @!p1 $0x800, s14;
	s13 =	sadd.s32 @!p1 s13, s15;
	s15 =	simm.s32 @!p1 $0x0  }
0x20: {  	[tilespmem:s14], [sflag:$0x1] =	stream.linear.gather @!p1 [hbm4b:s13+s15], $0x800, $0x38;
	[tilespmem:$0x2000] =	vst v63  }
0x21: {  	p1 =	seq.s32 s11, $0x0  }
0x22: {  	p2 =	sge.u32 @!p1 s11, s7  }
0x23: {  	p1 =	por p1, p2  }
.Ltmp2:
0x24: {  	_ = 	snop;
	(pc) =	sbr.rel @p1 .LBB2_5-.Ltmp2, $1  }
0x25: {  	_ =	sdelay $0x3  }
0x26: {  	s13 =	sand.u32 $0x800, s9  }
0x27: {  	s14 =	sor.u32 $0x400, s13  }
0x28: {  	v1 =	vmov s14;
	_ =	sdelay $0x1  }
0x29: {  	_ =	swait.ge [sflag:s5], $0x800  }
0x2a: {  	[sflag:s5] =	ssyncset.done $0x0  }
0x2b: {  	[sflag:s5] =	ssyncadd.s32 $0xFFFFF800;
	s14 =	simm.s32 $0x40  }
0x2c: {  	s13 =	sor.u32 $0x1400, s13;
	v2 =	vld.idx.msk [tilespmem:v1+s14+$0x30 ss:$0x1], $0xffff  }
0x2d: {  	v0 =	vmov s13;
	v3 =	vld.idx.msk [tilespmem:v1+s14+$0xFFFFFBC0 ss:$0x1], $0xffff  }
0x2e: {  	v4 =	vld.idx.msk [tilespmem:v1+s14+$0xFFFFFBD0 ss:$0x1], $0xffff  }
0x2f: {  	v5 =	vld.idx.msk [tilespmem:v1+s14+$0xFFFFFBE0 ss:$0x1], $0xffff  }
0x30: {  	v6 =	vld.idx.msk [tilespmem:v1+s14+$0xFFFFFBF0 ss:$0x1], $0xffff  }
0x31: {  	v7 =	vld.idx.msk [tilespmem:v1+s14+$0xFFFFFC00 ss:$0x1], $0xffff  }
0x32: {  	v8 =	vld.idx.msk [tilespmem:v1+s14+$0xFFFFFC10 ss:$0x1], $0xffff;
	[tilespmem:v0+s14+$0x30 ss:$0x1] =	vst.idx.msk $0xffff, v2  }
0x33: {  	v9 =	vld.idx.msk [tilespmem:v1+s14+$0xFFFFFC20 ss:$0x1], $0xffff;
	[tilespmem:v0+s14+$0xFFFFFBC0 ss:$0x1] =	vst.idx.msk $0xffff, v3  }
0x34: {  	v10 =	vld.idx.msk [tilespmem:v1+s14+$0xFFFFFC30 ss:$0x1], $0xffff;
	[tilespmem:v0+s14+$0xFFFFFBD0 ss:$0x1] =	vst.idx.msk $0xffff, v4  }
0x35: {  	v11 =	vld.idx.msk [tilespmem:v1+s14+$0xFFFFFFC0 ss:$0x1], $0xffff;
	[tilespmem:v0+s14+$0xFFFFFBE0 ss:$0x1] =	vst.idx.msk $0xffff, v5  }
0x36: {  	[tilespmem:v0+s14+$0xFFFFFBF0 ss:$0x1] =	vst.idx.msk $0xffff, v6;
	v2 =	vld.idx.msk [tilespmem:v1+s14+$0xFFFFFFD0 ss:$0x1], $0xffff  }
0x37: {  	[tilespmem:v0+s14+$0xFFFFFC00 ss:$0x1] =	vst.idx.msk $0xffff, v7;
	v3 =	vld.idx.msk [tilespmem:v1+s14+$0xFFFFFFE0 ss:$0x1], $0xffff  }
0x38: {  	[tilespmem:v0+s14+$0xFFFFFC10 ss:$0x1] =	vst.idx.msk $0xffff, v8;
	v4 =	vld.idx.msk [tilespmem:v1+s14+$0xFFFFFFF0 ss:$0x1], $0xffff  }
0x39: {  	s31 =	sshll.u32 s11, $0xB;
	[tilespmem:v0+s14+$0xFFFFFC20 ss:$0x1] =	vst.idx.msk $0xffff, v9;
	v5 =	vld.idx.msk [tilespmem:v1+s14+$0x0 ss:$0x1], $0xffff  }
0x3a: {  	s13 =	sand.u32 $0x800, s31;
	[tilespmem:v0+s14+$0xFFFFFC30 ss:$0x1] =	vst.idx.msk $0xffff, v10;
	v6 =	vld.idx.msk [tilespmem:v1+s14+$0x10 ss:$0x1], $0xffff  }
0x3b: {  	s15 =	simm.s32 $0xC0;
	s16 =	simm.s32 $0x500;
	s13 =	sor.u32 $0x1000, s13;
	[tilespmem:v0+s14+$0xFFFFFFC0 ss:$0x1] =	vst.idx.msk $0xffff, v11;
	v7 =	vld.idx.msk [tilespmem:v1+s14+$0x20 ss:$0x1], $0xffff  }
.LBB2_3:
0x3c: {  	p1 =	sne.s32 s16, $0xF00;
	v8 =	vld.idx.msk [tilespmem:v1+s15+$0x30 ss:$0x1], $0xffff;
	[tilespmem:v0+s14+$0xFFFFFFD0 ss:$0x1] =	vst.idx.msk $0xffff, v2  }
0x3d: {  	v2 =	vld.idx.msk [tilespmem:v1+s15+$0xFFFFFBC0 ss:$0x1], $0xffff;
	[tilespmem:v0+s14+$0xFFFFFFE0 ss:$0x1] =	vst.idx.msk $0xffff, v3  }
0x3e: {  	v3 =	vld.idx.msk [tilespmem:v1+s15+$0xFFFFFBD0 ss:$0x1], $0xffff;
	[tilespmem:v0+s14+$0xFFFFFFF0 ss:$0x1] =	vst.idx.msk $0xffff, v4  }
0x3f: {  	v4 =	vld.idx.msk [tilespmem:v1+s15+$0xFFFFFBE0 ss:$0x1], $0xffff;
	[tilespmem:v0+s14+$0x0 ss:$0x1] =	vst.idx.msk $0xffff, v5  }
0x40: {  	v5 =	vld.idx.msk [tilespmem:v1+s15+$0xFFFFFBF0 ss:$0x1], $0xffff;
	[tilespmem:v0+s14+$0x10 ss:$0x1] =	vst.idx.msk $0xffff, v6  }
0x41: {  	v6 =	vld.idx.msk [tilespmem:v1+s15+$0xFFFFFC00 ss:$0x1], $0xffff;
	[tilespmem:v0+s14+$0x20 ss:$0x1] =	vst.idx.msk $0xffff, v7;
	s14 =	smov.u32 s15  }
0x42: {  	v7 =	vld.idx.msk [tilespmem:v1+s14+$0xFFFFFC10 ss:$0x1], $0xffff;
	[tilespmem:v0+s14+$0x30 ss:$0x1] =	vst.idx.msk $0xffff, v8  }
0x43: {  	[tilespmem:v0+s14+$0xFFFFFBC0 ss:$0x1] =	vst.idx.msk $0xffff, v2;
	v8 =	vld.idx.msk [tilespmem:v1+s14+$0xFFFFFC20 ss:$0x1], $0xffff  }
0x44: {  	[tilespmem:v0+s14+$0xFFFFFBD0 ss:$0x1] =	vst.idx.msk $0xffff, v3;
	v9 =	vld.idx.msk [tilespmem:v1+s14+$0xFFFFFC30 ss:$0x1], $0xffff  }
0x45: {  	[tilespmem:v0+s14+$0xFFFFFBE0 ss:$0x1] =	vst.idx.msk $0xffff, v4;
	v10 =	vld.idx.msk [tilespmem:v1+s14+$0xFFFFFFC0 ss:$0x1], $0xffff  }
0x46: {  	[tilespmem:v0+s14+$0xFFFFFBF0 ss:$0x1] =	vst.idx.msk $0xffff, v5;
	v2 =	vld.idx.msk [tilespmem:v1+s14+$0xFFFFFFD0 ss:$0x1], $0xffff  }
.Ltmp3:
0x47: {  	[tilespmem:v0+s14+$0xFFFFFC00 ss:$0x1] =	vst.idx.msk $0xffff, v6;
	v3 =	vld.idx.msk [tilespmem:v1+s14+$0xFFFFFFE0 ss:$0x1], $0xffff;
	(pc) =	sbr.rel @p1 .LBB2_3-.Ltmp3, $4  }
0x48: {  	[tilespmem:v0+s14+$0xFFFFFC10 ss:$0x1] =	vst.idx.msk $0xffff, v7;
	v4 =	vld.idx.msk [tilespmem:v1+s14+$0xFFFFFFF0 ss:$0x1], $0xffff  }
0x49: {  	[tilespmem:v0+s14+$0xFFFFFC20 ss:$0x1] =	vst.idx.msk $0xffff, v8;
	v5 =	vld.idx.msk [tilespmem:v1+s14+$0x0 ss:$0x1], $0xffff  }
0x4a: {  	[tilespmem:v0+s14+$0xFFFFFC30 ss:$0x1] =	vst.idx.msk $0xffff, v9;
	v6 =	vld.idx.msk [tilespmem:v1+s14+$0x10 ss:$0x1], $0xffff  }
0x4b: {  	s15 =	sshra.s32 s16, $0x2;
	s16 =	sadd.s32 $0x200, s16;
	[tilespmem:v0+s14+$0xFFFFFFC0 ss:$0x1] =	vst.idx.msk $0xffff, v10;
	v7 =	vld.idx.msk [tilespmem:v1+s14+$0x20 ss:$0x1], $0xffff  }
0x4c: {  	_ =	sdelay $0x3  }
0x4d: {  	[tilespmem:v0+s14+$0xFFFFFFD0 ss:$0x1] =	vst.idx.msk $0xffff, v2  }
0x4e: {  	v48 =	vld.idx.msk [tilespmem:v1+s15+$0x30 ss:$0x1], $0xffff;
	[tilespmem:v0+s14+$0xFFFFFFE0 ss:$0x1] =	vst.idx.msk $0xffff, v3  }
0x4f: {  	v49 =	vld.idx.msk [tilespmem:v1+s15+$0xFFFFFBC0 ss:$0x1], $0xffff;
	[tilespmem:v0+s14+$0xFFFFFFF0 ss:$0x1] =	vst.idx.msk $0xffff, v4  }
0x50: {  	v50 =	vld.idx.msk [tilespmem:v1+s15+$0xFFFFFBD0 ss:$0x1], $0xffff;
	[tilespmem:v0+s14+$0x0 ss:$0x1] =	vst.idx.msk $0xffff, v5  }
0x51: {  	v51 =	vld.idx.msk [tilespmem:v1+s15+$0xFFFFFBE0 ss:$0x1], $0xffff;
	[tilespmem:v0+s14+$0x10 ss:$0x1] =	vst.idx.msk $0xffff, v6  }
0x52: {  	v52 =	vld.idx.msk [tilespmem:v1+s15+$0xFFFFFBF0 ss:$0x1], $0xffff;
	[tilespmem:v0+s14+$0x20 ss:$0x1] =	vst.idx.msk $0xffff, v7  }
0x53: {  	v53 =	vld.idx.msk [tilespmem:v1+s15+$0xFFFFFC00 ss:$0x1], $0xffff;
	[tilespmem:v0+s15+$0x30 ss:$0x1] =	vst.idx.msk $0xffff, v48  }
0x54: {  	v54 =	vld.idx.msk [tilespmem:v1+s15+$0xFFFFFC10 ss:$0x1], $0xffff;
	[tilespmem:v0+s15+$0xFFFFFBC0 ss:$0x1] =	vst.idx.msk $0xffff, v49  }
0x55: {  	v55 =	vld.idx.msk [tilespmem:v1+s15+$0xFFFFFC20 ss:$0x1], $0xffff;
	[tilespmem:v0+s15+$0xFFFFFBD0 ss:$0x1] =	vst.idx.msk $0xffff, v50  }
0x56: {  	v56 =	vld.idx.msk [tilespmem:v1+s15+$0xFFFFFC30 ss:$0x1], $0xffff;
	[tilespmem:v0+s15+$0xFFFFFBE0 ss:$0x1] =	vst.idx.msk $0xffff, v51  }
0x57: {  	v57 =	vld.idx.msk [tilespmem:v1+s15+$0xFFFFFFC0 ss:$0x1], $0xffff;
	[tilespmem:v0+s15+$0xFFFFFBF0 ss:$0x1] =	vst.idx.msk $0xffff, v52  }
0x58: {  	v58 =	vld.idx.msk [tilespmem:v1+s15+$0xFFFFFFD0 ss:$0x1], $0xffff;
	s29 =	sshll.u32 s12, $0x8;
	s16 =	sshll.u32 s12, $0x7;
	[tilespmem:v0+s15+$0xFFFFFC00 ss:$0x1] =	vst.idx.msk $0xffff, v53  }
0x59: {  	v59 =	vld.idx.msk [tilespmem:v1+s15+$0xFFFFFFE0 ss:$0x1], $0xffff;
	s16 =	sand.u32 $0x300, s16;
	s14 =	sand.u32 $0xFFFFF800, s29;
	[tilespmem:v0+s15+$0xFFFFFC10 ss:$0x1] =	vst.idx.msk $0xffff, v54  }
0x5a: {  	v60 =	vld.idx.msk [tilespmem:v1+s15+$0xFFFFFFF0 ss:$0x1], $0xffff;
	[tilespmem:v0+s15+$0xFFFFFC20 ss:$0x1] =	vst.idx.msk $0xffff, v55;
	s14 =	sor.u32 s16, s14  }
0x5b: {  	v61 =	vld.idx.msk [tilespmem:v1+s15+$0x0 ss:$0x1], $0xffff;
	[tilespmem:v0+s15+$0xFFFFFC30 ss:$0x1] =	vst.idx.msk $0xffff, v56;
	s14 =	sshrl.u32 s14, $0x8  }
0x5c: {  	v62 =	vld.idx.msk [tilespmem:v1+s15+$0x10 ss:$0x1], $0xffff;
	[tilespmem:v0+s15+$0xFFFFFFC0 ss:$0x1] =	vst.idx.msk $0xffff, v57;
	s30 =	smulhi.u32 $0x1555556, s14  }
0x5d: {  	v63 =	vld.idx.msk [tilespmem:v1+s15+$0x20 ss:$0x1], $0xffff;
	[tilespmem:v0+s15+$0xFFFFFFD0 ss:$0x1] =	vst.idx.msk $0xffff, v58  }
0x5e: {  	[tilespmem:v0+s15+$0xFFFFFFE0 ss:$0x1] =	vst.idx.msk $0xffff, v59;
	s16 =	smul.u32 $0xC0, s30  }
.Ltmp4:
0x5f: {  	s31 =	sshll.u32 s12, $0x4;
	[tilespmem:v0+s15+$0xFFFFFFF0 ss:$0x1] =	vst.idx.msk $0xffff, v60;
	(pc) =	sbr.rel .LBB2_5-.Ltmp4, $4  }
0x60: {  	s12 =	sand.u32 $0x10, s31;
	[tilespmem:v0+s15+$0x0 ss:$0x1] =	vst.idx.msk $0xffff, v61;
	s14 =	ssub.s32 s14, s16  }
0x61: {  	s12 =	sadd.s32 s4, s12;
	[tilespmem:v0+s15+$0x10 ss:$0x1] =	vst.idx.msk $0xffff, v62;
	s14 =	sshll.u32 s14, $0x5  }
0x62: {  	[tilespmem:v0+s15+$0x20 ss:$0x1] =	vst.idx.msk $0xffff, v63;
	s12 =	sadd.s32 s14, s12  }
0x63: {  	[hbm4b:s12+s8] =	stream.linear.scatter [tilespmem:s13], [sflag:$0x2], $0x800, $0x38;
	[tilespmem:$0x2000] =	vst v63  }
.LBB2_6:
0x64: {  	_ =	sfence.sel $0x180000  }
0x65: {  	s2 =	simm.s32 $0x1;
	[bflag:$0x0] =	sbarrier.arrive $0xFFFF  }
0x66: {  	s31 =	simm.s32 $0x2;
	[sflag:s2] =	ssyncpa.u1 $0x1  }
0x67: {  	[sflag:s31] =	ssyncpa.u1 $0x1  }
0x68: {  	_ =	strace $0x9000005F  }
0x69: {  	s0 =	sadd.s32 @!p0 $0x100000, s0;
	[bflag:$0x2] =	sbarrier.arrive $0xFFFF  }
0x6a: {  	[sflag:s0] =	ssyncadd.tile.s32 @!p0 $0x1;
	s0 =	simm.s32 @!p0 $0x3F  }
0x6b: {  	_ =	swait.ge @!p0 [sflag:s0], s1  }
0x6c: {  	s1 =	ssub.s32 @!p0 $0x0, s1;
	[sflag:s0] =	ssyncset.done @!p0 $0x0  }
0x6d: {  	[sflag:s0] =	ssyncadd.s32 @!p0 s1  }
0x6e: {  	[bflag:$0x3] =	sbarrier.arrive $0xFFFF  }
0x6f: {  	_ =	shalt  }
.Lfunc_end2:
execute1_lowered:
.L_overlay_start_2:
0x70: {  	(tag) =	ssettag $0x2  }
0x71: {  	s3 =	rddreg [dreg:$0x0];
	_ =	strace $0x80000062;
	s0 =	simm.s32 $0x1  }
0x72: {  	s8 =	simm.s32 $0x208;
	v0 =	vimm.s32 $0x0;
	[sflag:s0] =	ssyncpa.u1 $0x0  }
0x73: {  	[tilespmem:s8+$0x70] =	vst v0  }
0x74: {  	[tilespmem:s8+$0x60] =	vst v0  }
0x75: {  	[tilespmem:s8+$0x50] =	vst v0  }
0x76: {  	[tilespmem:s8+$0x40] =	vst v0  }
0x77: {  	[tilespmem:s8+$0x30] =	vst v0  }
0x78: {  	s1 =	sadd.s32 $0x17200, s3;
	[tilespmem:s8+$0x20] =	vst v0  }
0x79: {  	s10 =	sadd.s32 $0x80C00, s3;
	s5 =	sadd.s32 $0x80E00, s3;
	s0 =	simm.s32 $0x40;
	[tilespmem:s8+$0x10] =	vst v0  }
.LBB3_1:
0x7a: {  	s0 =	sadd.s32 $0x40, s0;
	[tilespmem:s8+$0x0] =	vst v0;
	s8 =	sadd.s32 $0x80, s8  }
0x7b: {  	p0 =	slt.u32 s0, $0x3880;
	[tilespmem:s8+$0x70] =	vst v0  }
0x7c: {  	[tilespmem:s8+$0x60] =	vst v0  }
.Ltmp5:
0x7d: {  	[tilespmem:s8+$0x50] =	vst v0;
	(pc) =	sbr.rel @p0 .LBB3_1-.Ltmp5, $4  }
0x7e: {  	[tilespmem:s8+$0x40] =	vst v0  }
0x7f: {  	[tilespmem:s8+$0x30] =	vst v0  }
0x80: {  	[tilespmem:s8+$0x20] =	vst v0  }
0x81: {  	[tilespmem:s8+$0x10] =	vst v0  }
0x82: {  	s4 =	stileid.u32  }
0x83: {  	s0 =	smin.u32 s4, $0xB  }
0x84: {  	s0 =	sadd.s32 s4, s0  }
0x85: {  	p0 =	slt.u32 s4, $0xB;
	s6 =	smul.u32 $0x70, s0;
	s0 =	simm.s32 $0xE0  }
0x86: {  	s0 =	simm.s32 @!p0 $0x70  }
0x87: {  	s0 =	sadd.s32 s0, s6  }
0x88: {  	s7 =	smin.u32 s0, $0xB90  }
0x89: {  	s0 =	ssub.s32 s7, s6  }
0x8a: {  	p0 =	sgt.s32 s0, $0x0  }
0x8b: {  	s0 =	simm.s32 @!p0 $0x0  }
0x8c: {  	s2 =	sand.u32 $0xFFF0, s0  }
0x8d: {  	s28 =	simm.s32 $0x2;
	s2 =	sshrl.u32 s2, $0x4  }
0x8e: {  	s29 =	simm.s32 $0x7;
	s30 =	simm.s32 $0x8;
	s2 =	smul.u32 $0x2493, s2  }
0x8f: {  	s31 =	simm.s32 $0x9;
	s11 =	simm.s32 $0x1;
	s21 =	simm.s32 $0x0  }
0x90: {  	p1 =	por $0x0, $0x0;
	s15 =	simm.s32 $0x80;
	s2 =	sshrl.u32 s2, $0x10  }
0x91: {  	s16 =	simm.s32 $0x400;
	s17 =	simm.s32 $0xA;
	s9 =	smul.u32 $0x70, s2  }
.Ltmp6:
0x92: {  	[tilespmem:s8+$0x0] =	vst v0;
	v0 =	vimm.s32 $0xFFFFFFFF;
	s18 =	simm.s32 $0x0;
	[sflag:s28] =	ssyncpa.u1 $0x0;
	(pc) =	sbr.rel .LBB3_3-.Ltmp6, $4  }
0x93: {  	[tilespmem:$0xE408] =	vst v0;
	[sflag:s29] =	ssyncpa.u1 $0x0;
	p0 =	sne.s32 s0, s9;
	s0 =	simm.s32 $0x1  }
0x94: {  	s20 =	simm.s32 $0x0;
	[sflag:s30] =	ssyncpa.u1 $0x0;
	s0 =	simm.s32 @!p0 $0x0  }
0x95: {  	s13 =	sshll.u32 s4, $0x9;
	[sflag:s31] =	ssyncpa.u1 $0x0;
	s12 =	sadd.s32 s2, s0  }
0x96: {  	v0 =	vlaneseq.u32;
	s19 =	smov.u32 s6;
	p0 =	por $0x1, $0x1;
	s14 =	sadd.s32 $0x1, s12  }
.LBB3_24:
0x97: {  	s0 =	sshrl.u32 s29, $0x2  }
.LBB3_26:
0x98: {  	_ =	swait.ge [sflag:s17], s0  }
0x99: {  	s31 =	ssub.s32 $0x0, s0;
	v1 =	vmov s24;
	vm0 =	veq.s32 v0, $0x0;
	[sflag:s17] =	ssyncset.done $0x0  }
0x9a: {  	vm15 =	veq.s32 v0, $0x2;
	v1 =	vsel vm0, s28, v1;
	[sflag:s17] =	ssyncadd.s32 s31  }
0x9b: {  	v1 =	vsel vm15, s21, v1;
	[sflag:s17] =	ssyncpa.u1 $0x1  }
0x9c: {  	[tilespmem:$0xE408] =	vst v1  }
.LBB3_27:
0x9d: {  	s0 =	sadd.s32 $0x70, s19  }
0x9e: {  	s2 =	smov.u32 s6;
	p2 =	slt.s32 s0, s7  }
0x9f: {  	s2 =	smov.u32 @p2 s0;
	p2 =	sne.s32 s20, s14  }
.Ltmp7:
0xa0: {  	_ = 	snop;
	(pc) =	sbr.rel @!p2 .LBB3_28-.Ltmp7, $4  }
0xa1: {  	_ = 	snop  }
0xa2: {  	s21 =	smov.u32 s18  }
0xa3: {  	s31 =	sadd.s32 $0x1, s20;
	s18 =	smov.u32 s19;
	p0 =	por !p0, !p0  }
0xa4: {  	p1 =	por !p1, !p1;
	s20 =	smov.u32 s31;
	s19 =	smov.u32 s2  }
.LBB3_3:
0xa5: {  	p2 =	sge.u32 s20, s12  }
0xa6: {  	s0 =	smulhi.u32 @!p2 $0xAAAAAAAB, s20  }
0xa7: {  	s2 =	smov.u32 s19;
	p3 =	sgt.s32 @!p2 s19, $0xB20  }
0xa8: {  	s8 =	sshra.s32 @!p2 s19, $0x1F;
	p3 =	por !p3, p2;
	s0 =	sshrl.u32 @!p2 s0, $0x1  }
0xa9: {  	s8 =	sand.u32 @!p2 s8, s19;
	s2 =	simm.s32 @p3 $0xB20;
	s0 =	smul.u32 @!p2 $0x3, s0  }
0xaa: {  	s2 =	ssub.s32 @!p2 s2, s8  }
0xab: {  	s2 =	sadd.s32 @!p2 $0xFFFFF4E0, s2;
	s0 =	ssub.s32 @!p2 s20, s0  }
0xac: {  	s8 =	sshll.u32 @!p2 s2, $0x2;
	p3 =	sgt.s32 @!p2 s2, $0x6F;
	s0 =	smul.u32 @!p2 $0x1C0, s0  }
0xad: {  	s9 =	sand.u32 @!p2 $0x7, s19;
	s2 =	ssub.s32 @!p2 $0x1C0, s8;
	p3 =	por !p3, p2  }
0xae: {  	s8 =	sshrl.u32 @!p2 s19, $0x3;
	s2 =	sshrl.u32 @!p2 s2, $0x2;
	s0 =	sshrl.u32 @!p2 s0, $0x2  }
0xaf: {  	s8 =	sadd.s32 @!p2 s5, s8;
	s2 =	simm.s32 @!p3 $0x0;
	s0 =	sadd.s32 @!p2 $0x10438, s0  }
0xb0: {  	[tilespmem:s0], [sflag:$0x8] =	stream.linear.gather @!p2 [hbm4b:s8+s9], s2, $0x38;
	[tilespmem:$0x1E668] =	vst v63  }
0xb1: {  	s0 =	sadd.s32 $0xFFFFFFFF, s20  }
0xb2: {  	p2 =	sge.u32 s0, s12  }
0xb3: {  	p3 =	sgt.s32 @!p2 s18, $0xB20  }
0xb4: {  	s2 =	smov.u32 s18;
	s8 =	sshra.s32 @!p2 s18, $0x1F;
	p3 =	por !p3, p2  }
0xb5: {  	s8 =	sand.u32 @!p2 s8, s18;
	s2 =	simm.s32 @p3 $0xB20  }
0xb6: {  	s2 =	ssub.s32 @!p2 s2, s8  }
0xb7: {  	s2 =	sadd.s32 @!p2 $0xFFFFF4E0, s2  }
0xb8: {  	s8 =	sshll.u32 @!p2 s2, $0x2  }
0xb9: {  	p3 =	sgt.s32 @!p2 s2, $0x6F;
	s2 =	ssub.s32 @!p2 $0x1C0, s8  }
0xba: {  	p3 =	por !p3, p2;
	s2 =	sshrl.u32 @!p2 s2, $0x2  }
0xbb: {  	s9 =	simm.s32 @!p2 $0x8;
	s8 =	sand.u32 @!p2 $0x1, s0;
	s2 =	simm.s32 @!p3 $0x0  }
0xbc: {  	s8 =	smul.u32 @!p2 $0x1C0, s8;
	_ =	swait.ge @!p2 [sflag:s9], s2  }
0xbd: {  	s22 =	ssub.s32 @!p2 $0x0, s2;
	[sflag:s9] =	ssyncset.done @!p2 $0x0  }
0xbe: {  	s8 =	sshrl.u32 @!p2 s8, $0x2;
	[sflag:s9] =	ssyncadd.s32 @!p2 s22;
	s9 =	sshrl.u32 @!p2 s18, $0x3  }
0xbf: {  	s8 =	sor.u32 @!p2 $0x10588, s8;
	s22 =	sand.u32 @!p2 $0x7, s18;
	s9 =	sadd.s32 @!p2 s10, s9  }
0xc0: {  	[tilespmem:s8], [sflag:$0x9] =	stream.linear.gather @!p2 [hbm4b:s9+s22], s2, $0x38;
	[tilespmem:$0x1E668] =	vst v63  }
0xc1: {  	s22 =	ssub.s32 @!p2 $0xB90, s18  }
0xc2: {  	p3 =	slt.s32 @!p2 s22, $0x1  }
0xc3: {  	p3 =	por p2, p3  }
.Ltmp8:
0xc4: {  	_ = 	snop;
	(pc) =	sbr.rel @p3 .LBB3_9-.Ltmp8, $1  }
0xc5: {  	_ =	sdelay $0x3  }
0xc6: {  	s2 =	smulhi.u32 $0xAAAAAAAB, s0;
	_ =	sdelay $0x1  }
0xc7: {  	s2 =	sshrl.u32 s2, $0x1  }
0xc8: {  	s2 =	smul.u32 $0x3, s2;
	_ =	sdelay $0x1  }
0xc9: {  	s29 =	ssub.s32 s0, s2  }
0xca: {  	s8 =	simm.s32 $0x1;
	s0 =	smul.u32 $0x1C0, s29  }
.Ltmp9:
0xcb: {  	s8 =	simm.s32 @!p0 $0x0;
	(pc) =	sbr.rel .LBB3_6-.Ltmp9, $4  }
0xcc: {  	s30 =	smul.u32 $0x1C000, s8  }
0xcd: {  	p3 =	slt.s32 @!p2 s22, $0x70;
	s0 =	sshrl.u32 s0, $0x2  }
0xce: {  	p2 =	por !p3, p2;
	s2 =	sshrl.u32 s30, $0x2;
	s31 =	sadd.s32 $0x10438, s0  }
0xcf: {  	s22 =	simm.s32 @p2 $0x70;
	s23 =	sor.u32 $0x10668, s2;
	s0 =	simm.s32 $0x0;
	v1 =	vmov s31  }
.LBB3_5:
0xd0: {  	p2 =	sge.s32 s0, s22  }
.Ltmp10:
0xd1: {  	_ = 	snop;
	(pc) =	sbr.rel @p2 .LBB3_9-.Ltmp10, $2  }
0xd2: {  	_ =	sdelay $0x2  }
0xd3: {  	s23 =	sadd.s32 $0x1000, s23  }
.LBB3_6:
0xd4: {  	p2 =	sle.s32 s22, s0  }
.Ltmp11:
0xd5: {  	_ = 	snop;
	(pc) =	sbr.rel @p2 .LBB3_5-.Ltmp11, $2  }
0xd6: {  	_ =	sdelay $0x2  }
0xd7: {  	s24 =	smov.u32 s0;
	s0 =	sadd.s32 $0x10, s0  }
0xd8: {  	s2 =	ssub.s32 s22, s24  }
0xd9: {  	p2 =	slt.s32 s2, $0x10  }
0xda: {  	s2 =	simm.s32 @!p2 $0x10  }
0xdb: {  	v2 =	vmov s2  }
0xdc: {  	vm0 =	vgt.s32 v2, v0;
	_ =	sdelay $0x5  }
0xdd: {  	v2 =	vld.idx.msk [tilespmem:v1+s24+$0x0 ss:$0x1], vm0;
	_ =	sdelay $0x2  }
0xde: {  	p2 =	slt.s32 s0, s22;
	s2 =	smov.u32 s22  }
0xdf: {  	s8 =	smov.u32 s23;
	s25 =	simm.s32 $0x0;
	s2 =	smov.u32 @p2 s0  }
.LBB3_8:
0xe0: {  	(v2sf) =	vpush v2, s25;
	_ =	sdelay $0xe  }
0xe1: {  	s25 =	sadd.s32 $0x1, s25;
	s9 =	spop (v2sf)  }
0xe2: {  	s31 =	sadd.s32 s25, s24;
	s26 =	sshll.u32 s9, $0x8;
	s9 =	sshll.u32 s9, $0x7  }
0xe3: {  	p2 =	slt.s32 s31, s2;
	s26 =	sand.u32 $0xFFFFF800, s26;
	s9 =	sand.u32 $0x380, s9  }
.Ltmp12:
0xe4: {  	s9 =	sor.u32 s9, s26;
	(pc) =	sbr.rel @p2 .LBB3_8-.Ltmp12, $4  }
0xe5: {  	s9 =	sshrl.u32 s9, $0x3  }
0xe6: {  	s9 =	sadd.s32 s3, s9  }
0xe7: {  	[tilespmem:s8], [sflag:$0x7] =	stream.strided.gather [hbm4b:s9+s15], $0x100, s16, s15, $0x38;
	[tilespmem:$0x1E668] =	vst v63  }
0xe8: {  	s8 =	sadd.s32 $0x100, s8  }
.Ltmp13:
0xe9: {  	_ = 	snop;
	(pc) =	sbr.rel .LBB3_5-.Ltmp13, $1  }
0xea: {  	_ =	sdelay $0x3  }
.LBB3_9:
0xeb: {  	p2 =	slt.u32 s20, $0x2  }
.Ltmp14:
0xec: {  	_ = 	snop;
	(pc) =	sbr.rel @p2 .LBB3_27-.Ltmp14, $1  }
0xed: {  	_ =	sdelay $0x3  }
0xee: {  	p2 =	sgt.s32 s21, $0xB20;
	s0 =	smov.u32 s21  }
0xef: {  	s2 =	sshra.s32 s21, $0x1F;
	s8 =	ssub.s32 $0xB90, s21;
	s0 =	simm.s32 @!p2 $0xB20  }
0xf0: {  	s2 =	sand.u32 s2, s21;
	p2 =	slt.s32 s8, $0x70;
	s9 =	smov.u32 s8  }
0xf1: {  	s0 =	ssub.s32 s0, s2;
	s9 =	simm.s32 @!p2 $0x70  }
0xf2: {  	s0 =	sadd.s32 $0xFFFFF4E0, s0;
	s25 =	sshll.u32 s9, $0x8  }
0xf3: {  	s4 =	simm.s32 $0x7;
	s26 =	sshll.u32 s0, $0x2;
	s2 =	sand.u32 $0x3FFFFF00, s25  }
0xf4: {  	p2 =	sgt.s32 s0, $0x6F;
	s29 =	ssub.s32 $0x1C0, s26;
	_ =	swait.ge [sflag:s4], s2  }
0xf5: {  	s2 =	ssub.s32 $0x0, s2;
	[sflag:s4] =	ssyncset.done $0x0;
	s0 =	sshrl.u32 s29, $0x2  }
0xf6: {  	s30 =	simm.s32 $0x9;
	[sflag:s4] =	ssyncadd.s32 s2;
	s0 =	simm.s32 @p2 $0x0  }
0xf7: {  	_ =	swait.ge [sflag:s30], s0  }
0xf8: {  	s0 =	ssub.s32 $0x0, s0;
	[sflag:s30] =	ssyncset.done $0x0  }
0xf9: {  	[sflag:s30] =	ssyncadd.s32 s0  }
0xfa: {  	v1 =	vld [tilespmem:$0xE408];
	_ =	sdelay $0x4  }
0xfb: {  	(v2sf) =	vpush v1, $0x0  }
0xfc: {  	(v2sf) =	vpush v1, $0x1  }
0xfd: {  	(v2sf) =	vpush v1, $0x2;
	_ =	sdelay $0x3  }
0xfe: {  	s0 =	sadd.s32 $0x70, s21  }
0xff: {  	p2 =	slt.s32 s7, s0  }
0x100: {  	s0 =	smov.u32 @p2 s7;
	p2 =	sgt.s32 s8, $0x0  }
0x101: {  	s22 =	ssub.s32 s0, s21;
	s8 =	simm.s32 @!p2 $0x0  }
0x102: {  	p2 =	slt.s32 s8, s22  }
0x103: {  	s22 =	smov.u32 @p2 s8  }
0x104: {  	s25 =	simm.s32 $0x1;
	p2 =	slt.s32 s22, $0x1  }
.Ltmp15:
0x105: {  	s25 =	simm.s32 @!p1 $0x0;
	(pc) =	sbr.rel @p2 .LBB3_14-.Ltmp15, $4  }
0x106: {  	s31 =	smul.u32 $0x1C0, s25  }
0x107: {  	s26 =	spop (v2sf)  }
0x108: {  	s0 =	sshrl.u32 s31, $0x2;
	s28 =	spop (v2sf)  }
0x109: {  	s23 =	sor.u32 $0x10588, s0;
	s21 =	spop (v2sf)  }
0x10a: {  	s0 =	smin.u32 s22, $0x10  }
0x10b: {  	v1 =	vmov s0  }
0x10c: {  	vm1 =	vgt.u32 v1, v0  }
0x10d: {  	p3 =	sgt.s32 s22, $0x10  }
.Ltmp16:
0x10e: {  	_ = 	snop;
	(pc) =	sbr.rel @!p3 .LBB3_13-.Ltmp16, $2  }
0x10f: {  	_ =	sdelay $0x2  }
0x110: {  	s24 =	simm.s32 $0x10;
	s29 =	sadd.s32 $0xFFFFFFF0, s22;
	s0 =	smov.u32 s23;
	vm0 =	vmmov vm1;
	v1 =	vld.msk [tilespmem:s23+$0x0 ss:$0x1], vm1  }
.LBB3_12:
0x111: {  	s2 =	smin.u32 s29, $0x10;
	s24 =	sadd.s32 $0x10, s24  }
0x112: {  	v2 =	vmov s2;
	p3 =	slt.s32 s24, s22  }
0x113: {  	vm1 =	vgt.u32 v2, v0;
	_ =	sdelay $0x1  }
0x114: {  	v2 =	vshll.u32 v1, $0x5;
	v1 =	vshll.u32 v1, $0x4  }
.Ltmp17:
0x115: {  	v2 =	vand.u32 $0xFFFFFF00, v2;
	v1 =	vand.u32 $0x70, v1;
	(pc) =	sbr.rel @p3 .LBB3_12-.Ltmp17, $4  }
0x116: {  	v1 =	vor.u32 v1, v2  }
0x117: {  	[tilespmem:s0+$0x0] =	vst.msk vm0, v1;
	s0 =	sadd.s32 $0x10, s0;
	vm0 =	vmmov vm1  }
0x118: {  	v1 =	vld.msk [tilespmem:s0+$0x0 ss:$0x1], vm1  }
0x119: {  	s29 =	sadd.s32 $0xFFFFFFF0, s29  }
.LBB3_13:
0x11a: {  	_ =	sdelay $0x3  }
0x11b: {  	v2 =	vshll.u32 v1, $0x5;
	v1 =	vshll.u32 v1, $0x4  }
0x11c: {  	v2 =	vand.u32 $0xFFFFFF00, v2;
	v1 =	vand.u32 $0x70, v1  }
0x11d: {  	v1 =	vor.u32 v1, v2  }
0x11e: {  	[tilespmem:s0+$0x0] =	vst.msk vm0, v1  }
.LBB3_14:
0x11f: {  	s0 =	sand.u32 $0x1, s20  }
0x120: {  	s2 =	smul.u32 $0x7000, s0  }
0x121: {  	p3 =	sne.s32 s28, $0xFFFFFFFF  }
0x122: {  	v1 =	vld @!p3 [tilespmem:s2+$0x10668];
	_ =	sdelay $0x2  }
0x123: {  	s0 =	smul.u32 $0x70, s0;
	_ =	sdelay $0x1  }
0x124: {  	v2 =	vld.msk @!p3 [tilespmem:s0+$0x10588], $0x1;
	[tilespmem:$0x208] =	vst @!p3 v1  }
0x125: {  	v1 =	vld @!p3 [tilespmem:s2+$0x10678];
	_ =	sdelay $0x4  }
0x126: {  	[tilespmem:$0x218] =	vst @!p3 v1  }
0x127: {  	v1 =	vld @!p3 [tilespmem:s2+$0x10688];
	_ =	sdelay $0x4  }
0x128: {  	[tilespmem:$0x228] =	vst @!p3 v1  }
0x129: {  	v1 =	vld @!p3 [tilespmem:s2+$0x10698];
	_ =	sdelay $0x4  }
0x12a: {  	[tilespmem:$0x238] =	vst @!p3 v1  }
0x12b: {  	v1 =	vld @!p3 [tilespmem:s2+$0x106A8];
	_ =	sdelay $0x4  }
0x12c: {  	[tilespmem:$0x248] =	vst @!p3 v1  }
0x12d: {  	v1 =	vld @!p3 [tilespmem:s2+$0x106B8];
	_ =	sdelay $0x4  }
0x12e: {  	[tilespmem:$0x258] =	vst @!p3 v1  }
0x12f: {  	v1 =	vld @!p3 [tilespmem:s2+$0x106C8];
	_ =	sdelay $0x4  }
0x130: {  	[tilespmem:$0x268] =	vst @!p3 v1  }
0x131: {  	v1 =	vld @!p3 [tilespmem:s2+$0x106D8];
	_ =	sdelay $0x4  }
0x132: {  	[tilespmem:$0x278] =	vst @!p3 v1  }
0x133: {  	v1 =	vld @!p3 [tilespmem:s2+$0x106E8];
	_ =	sdelay $0x4  }
0x134: {  	[tilespmem:$0x288] =	vst @!p3 v1  }
0x135: {  	v1 =	vld @!p3 [tilespmem:s2+$0x106F8];
	_ =	sdelay $0x4  }
0x136: {  	[tilespmem:$0x298] =	vst @!p3 v1  }
0x137: {  	v1 =	vld @!p3 [tilespmem:s2+$0x10708];
	_ =	sdelay $0x4  }
0x138: {  	[tilespmem:$0x2A8] =	vst @!p3 v1  }
0x139: {  	v1 =	vld @!p3 [tilespmem:s2+$0x10718];
	_ =	sdelay $0x4  }
0x13a: {  	[tilespmem:$0x2B8] =	vst @!p3 v1  }
0x13b: {  	v1 =	vld @!p3 [tilespmem:s2+$0x10728];
	_ =	sdelay $0x4  }
0x13c: {  	[tilespmem:$0x2C8] =	vst @!p3 v1  }
0x13d: {  	(v2sf) =	vpush @!p3 v2, $0x0;
	v1 =	vld @!p3 [tilespmem:s2+$0x10738];
	_ =	sdelay $0x4  }
0x13e: {  	[tilespmem:$0x2D8] =	vst @!p3 v1  }
0x13f: {  	v1 =	vld @!p3 [tilespmem:s2+$0x10748];
	_ =	sdelay $0x4  }
0x140: {  	[tilespmem:$0x2E8] =	vst @!p3 v1  }
0x141: {  	v1 =	vld @!p3 [tilespmem:s2+$0x10758]  }
.Ltmp18:
0x142: {  	_ = 	snop;
	(pc) =	sbr.rel @p2 .LBB3_25-.Ltmp18, $4  }
0x143: {  	_ = 	snop  }
0x144: {  	s30 =	spop @!p3 (v2sf)  }
0x145: {  	s21 =	simm.s32 @!p3 $0x0;
	s24 =	smov.u32 s30  }
0x146: {  	s30 =	smov.u32 @p3 s26;
	s24 =	smov.u32 @p3 s28;
	[tilespmem:$0x2F8] =	vst @!p3 v1;
	[sflag:s17] =	ssyncpa.u1 $0x0  }
0x147: {  	v1 =	vld.msk [tilespmem:s23+$0x0], $0x1;
	_ =	sdelay $0x4  }
0x148: {  	(v2sf) =	vpush v1, $0x0;
	_ =	sdelay $0xe  }
0x149: {  	s17 =	smov.u32 s6;
	s6 =	smov.u32 s14;
	s29 =	spop (v2sf)  }
0x14a: {  	s14 =	smov.u32 s5;
	s0 =	smul.u32 $0x1C000, s25;
	p2 =	seq.s32 s30, s29  }
0x14b: {  	s5 =	smov.u32 s10;
	s2 =	smov.u32 s30;
	p3 =	sgt.s32 @!p2 s30, $0x0  }
0x14c: {  	s26 =	simm.s32 $0x0;
	s0 =	sshrl.u32 s0, $0x2;
	p3 =	por !p3, p2  }
0x14d: {  	s28 =	sadd.s32 $0xFFFFFFFF, s22;
	s25 =	sor.u32 $0x106E8, s0;
	s2 =	simm.s32 @p3 $0x0  }
0x14e: {  	s0 =	simm.s32 @!p2 $0x1;
	p3 =	sne.s32 s28, $0x0;
	s2 =	smin.u32 @!p2 s2, $0x1770  }
.Ltmp19:
0x14f: {  	s9 =	simm.s32 @!p2 $0x7308;
	s8 =	sand.u32 @!p2 $0x1FF8, s2;
	(pc) =	sbr.rel @!p3 .LBB3_17-.Ltmp19, $4  }
0x150: {  	s31 =	sadd.s32 @!p2 $0x80, s2;
	s10 =	sadd.s32 @!p2 s1, s8;
	s8 =	sand.u32 @!p2 $0x7, s2  }
0x151: {  	[tilespmem:s9], [sflag:$0x2] =	stream.linear.gather @!p2 [hbm4b:s10+s8], $0x80, $0x38;
	[tilespmem:$0x1E668] =	vst v63  }
0x152: {  	s0 =	smov.u32 @p2 s26;
	s9 =	sand.u32 @!p2 $0x3FF8, s31  }
0x153: {  	s2 =	simm.s32 @!p2 $0x7388;
	s31 =	sadd.s32 $0x1, s23;
	s9 =	sadd.s32 @!p2 s1, s9  }
.LBB3_16:
0x154: {  	s10 =	smov.u32 s0  }
0x155: {  	[tilespmem:s2], [sflag:$0x2] =	stream.linear.gather @!p2 [hbm4b:s9+s8], $0x80, $0x38;
	[tilespmem:$0x1E668] =	vst v63  }
0x156: {  	s28 =	sadd.s32 $0xFFFFFFFF, s28;
	s8 =	smov.u32 s29;
	v1 =	vld.msk [tilespmem:s31+$0x0], $0x1  }
0x157: {  	p3 =	sne.s32 s28, $0x0;
	_ =	sdelay $0x3  }
0x158: {  	(v2sf) =	vpush v1, $0x0;
	_ =	sdelay $0xe  }
0x159: {  	s29 =	spop (v2sf)  }
0x15a: {  	p2 =	seq.s32 s8, s29  }
0x15b: {  	p4 =	sgt.s32 @!p2 s8, $0x0;
	s2 =	sshll.u32 @!p2 s0, $0xA;
	s0 =	sadd.s32 @!p2 $0x1, s0  }
0x15c: {  	p4 =	por !p4, p2;
	s2 =	sshra.s32 @!p2 s2, $0x2;
	s0 =	smov.u32 @p2 s10  }
0x15d: {  	s8 =	simm.s32 @p4 $0x0;
	s9 =	sadd.s32 @!p2 $0x7308, s2;
	s2 =	sadd.s32 @!p2 $0x7388, s2  }
.Ltmp20:
0x15e: {  	s8 =	smin.u32 @!p2 s8, $0x1770;
	(pc) =	sbr.rel @p3 .LBB3_16-.Ltmp20, $4  }
0x15f: {  	s10 =	sand.u32 @!p2 $0x1FF8, s8;
	s4 =	sadd.s32 @!p2 $0x80, s8  }
0x160: {  	s8 =	sand.u32 @!p2 $0x7, s8;
	s10 =	sadd.s32 @!p2 s1, s10;
	s4 =	sand.u32 @!p2 $0x3FF8, s4  }
0x161: {  	[tilespmem:s9], [sflag:$0x2] =	stream.linear.gather @!p2 [hbm4b:s10+s8], $0x80, $0x38;
	[tilespmem:$0x1E668] =	vst v63  }
0x162: {  	s31 =	sadd.s32 $0x1, s31;
	s9 =	sadd.s32 @!p2 s1, s4  }
.LBB3_17:
0x163: {  	[tilespmem:s2], [sflag:$0x2] =	stream.linear.gather @!p2 [hbm4b:s9+s8], $0x80, $0x38;
	[tilespmem:$0x1E668] =	vst v63  }
.Ltmp21:
0x164: {  	s0 =	sshll.u32 s0, $0x8;
	(pc) =	sbr.rel .LBB3_18-.Ltmp21, $4  }
0x165: {  	s31 =	simm.s32 $0x2;
	s29 =	simm.s32 $0x0;
	s0 =	sand.u32 $0x3FFFFF00, s0  }
0x166: {  	s10 =	smov.u32 s5;
	s5 =	smov.u32 s14;
	_ =	swait.ge [sflag:s31], s0  }
0x167: {  	s14 =	smov.u32 s6;
	s0 =	ssub.s32 $0x0, s0;
	[sflag:s31] =	ssyncset.done $0x0  }
0x168: {  	s6 =	smov.u32 s17;
	s17 =	simm.s32 $0xA;
	[sflag:s31] =	ssyncadd.s32 s0  }
.LBB3_19:
0x169: {  	v1 =	vld [tilespmem:s25+$0xFFFFFF80]  }
0x16a: {  	v2 =	vld [tilespmem:s31+$0x208];
	_ =	sdelay $0x4  }
0x16b: {  	v1 =	vmax.f32 v1, v2  }
0x16c: {  	v2 =	vld [tilespmem:s31+$0x218];
	[tilespmem:s31+$0x208] =	vst v1  }
0x16d: {  	v1 =	vld [tilespmem:s25+$0xFFFFFF90];
	_ =	sdelay $0x4  }
0x16e: {  	v1 =	vmax.f32 v1, v2  }
0x16f: {  	v2 =	vld [tilespmem:s31+$0x228];
	[tilespmem:s31+$0x218] =	vst v1  }
0x170: {  	v1 =	vld [tilespmem:s25+$0xFFFFFFA0];
	_ =	sdelay $0x4  }
0x171: {  	v1 =	vmax.f32 v1, v2  }
0x172: {  	v2 =	vld [tilespmem:s31+$0x238];
	[tilespmem:s31+$0x228] =	vst v1  }
0x173: {  	v1 =	vld [tilespmem:s25+$0xFFFFFFB0];
	_ =	sdelay $0x4  }
0x174: {  	v1 =	vmax.f32 v1, v2  }
0x175: {  	v2 =	vld [tilespmem:s31+$0x248];
	[tilespmem:s31+$0x238] =	vst v1  }
0x176: {  	v1 =	vld [tilespmem:s25+$0xFFFFFFC0];
	_ =	sdelay $0x4  }
0x177: {  	v1 =	vmax.f32 v1, v2  }
0x178: {  	v2 =	vld [tilespmem:s31+$0x258];
	[tilespmem:s31+$0x248] =	vst v1  }
0x179: {  	v1 =	vld [tilespmem:s25+$0xFFFFFFD0];
	_ =	sdelay $0x4  }
0x17a: {  	v1 =	vmax.f32 v1, v2  }
0x17b: {  	v2 =	vld [tilespmem:s31+$0x268];
	[tilespmem:s31+$0x258] =	vst v1  }
0x17c: {  	v1 =	vld [tilespmem:s25+$0xFFFFFFE0];
	_ =	sdelay $0x4  }
0x17d: {  	v1 =	vmax.f32 v1, v2  }
0x17e: {  	v2 =	vld [tilespmem:s31+$0x278];
	[tilespmem:s31+$0x268] =	vst v1  }
0x17f: {  	v1 =	vld [tilespmem:s25+$0xFFFFFFF0];
	_ =	sdelay $0x4  }
0x180: {  	v1 =	vmax.f32 v1, v2  }
0x181: {  	v2 =	vld [tilespmem:s31+$0x288];
	[tilespmem:s31+$0x278] =	vst v1  }
0x182: {  	v1 =	vld [tilespmem:s25+$0x0];
	_ =	sdelay $0x4  }
0x183: {  	v1 =	vmax.f32 v1, v2  }
0x184: {  	v2 =	vld [tilespmem:s31+$0x298];
	[tilespmem:s31+$0x288] =	vst v1  }
0x185: {  	v1 =	vld [tilespmem:s25+$0x10];
	_ =	sdelay $0x4  }
0x186: {  	v1 =	vmax.f32 v1, v2  }
0x187: {  	v2 =	vld [tilespmem:s31+$0x2A8];
	[tilespmem:s31+$0x298] =	vst v1  }
0x188: {  	v1 =	vld [tilespmem:s25+$0x20];
	_ =	sdelay $0x4  }
0x189: {  	v1 =	vmax.f32 v1, v2  }
0x18a: {  	v2 =	vld [tilespmem:s31+$0x2B8];
	[tilespmem:s31+$0x2A8] =	vst v1  }
0x18b: {  	v1 =	vld [tilespmem:s25+$0x30];
	_ =	sdelay $0x4  }
0x18c: {  	v1 =	vmax.f32 v1, v2  }
0x18d: {  	v2 =	vld [tilespmem:s31+$0x2C8];
	[tilespmem:s31+$0x2B8] =	vst v1  }
0x18e: {  	v1 =	vld [tilespmem:s25+$0x40];
	_ =	sdelay $0x4  }
0x18f: {  	v1 =	vmax.f32 v1, v2  }
0x190: {  	v2 =	vld [tilespmem:s31+$0x2D8];
	[tilespmem:s31+$0x2C8] =	vst v1  }
0x191: {  	v1 =	vld [tilespmem:s25+$0x50];
	_ =	sdelay $0x4  }
0x192: {  	v1 =	vmax.f32 v1, v2  }
0x193: {  	v2 =	vld [tilespmem:s31+$0x2E8];
	[tilespmem:s31+$0x2D8] =	vst v1  }
0x194: {  	v1 =	vld [tilespmem:s25+$0x60];
	_ =	sdelay $0x4  }
0x195: {  	v1 =	vmax.f32 v1, v2  }
0x196: {  	v2 =	vld [tilespmem:s31+$0x2F8];
	[tilespmem:s31+$0x2E8] =	vst v1  }
0x197: {  	v1 =	vld [tilespmem:s25+$0x70];
	_ =	sdelay $0x4  }
0x198: {  	v1 =	vmax.f32 v1, v2  }
0x199: {  	[tilespmem:s31+$0x2F8] =	vst v1  }
.LBB3_23:
0x19a: {  	s22 =	sadd.s32 $0xFFFFFFFF, s22  }
0x19b: {  	p2 =	sne.s32 s22, $0x0  }
.Ltmp22:
0x19c: {  	_ = 	snop;
	(pc) =	sbr.rel @!p2 .LBB3_24-.Ltmp22, $2  }
0x19d: {  	_ =	sdelay $0x2  }
0x19e: {  	s23 =	sadd.s32 $0x1, s23;
	s25 =	sadd.s32 $0x100, s25;
	s30 =	smov.u32 s28  }
.LBB3_18:
0x19f: {  	v1 =	vld.msk [tilespmem:s23+$0x0], $0x1;
	_ =	sdelay $0x4  }
0x1a0: {  	(v2sf) =	vpush v1, $0x0;
	_ =	sdelay $0xe  }
0x1a1: {  	s28 =	spop (v2sf)  }
0x1a2: {  	p2 =	sne.s32 s30, s28  }
.Ltmp23:
0x1a3: {  	_ = 	snop;
	(pc) =	sbr.rel @!p2 .LBB3_19-.Ltmp23, $3  }
0x1a4: {  	_ =	sdelay $0x1  }
0x1a5: {  	s0 =	sshll.u32 s21, $0xA  }
0x1a6: {  	s31 =	sshra.s32 s0, $0x2  }
0x1a7: {  	p2 =	seq.s32 s30, s24  }
.Ltmp24:
0x1a8: {  	_ = 	snop;
	(pc) =	sbr.rel @!p2 .LBB3_21-.Ltmp24, $1  }
0x1a9: {  	_ =	sdelay $0x3  }
.Ltmp25:
0x1aa: {  	s0 =	sadd.s32 $0x208, s31;
	(pc) =	sbr.rel .LBB3_22-.Ltmp25, $4  }
0x1ab: {  	[spmem:s13] =	stream.linear.scatter [tilespmem:s0], [sflag:$0x1], $0x100, $0x38;
	[tilespmem:$0x1E668] =	vst v63  }
0x1ac: {  	_ =	swait.ge [sflag:s11], $0x100  }
0x1ad: {  	[sflag:s11] =	ssyncset.done $0x0  }
0x1ae: {  	[sflag:s11] =	ssyncadd.s32 $0xFFFFFF00  }
.LBB3_21:
0x1af: {  	s0 =	sshll.u32 s26, $0xA  }
0x1b0: {  	v2 =	vld [tilespmem:s31+$0x208];
	s0 =	sshra.s32 s0, $0x2  }
0x1b1: {  	v1 =	vld [tilespmem:s0+$0x7308];
	_ =	sdelay $0x4  }
0x1b2: {  	v1 =	vmax.f32 v1, v2  }
0x1b3: {  	v2 =	vld [tilespmem:s31+$0x218];
	[tilespmem:s31+$0x208] =	vst v1  }
0x1b4: {  	v1 =	vld [tilespmem:s0+$0x7318];
	_ =	sdelay $0x4  }
0x1b5: {  	v1 =	vmax.f32 v1, v2  }
0x1b6: {  	v2 =	vld [tilespmem:s31+$0x228];
	[tilespmem:s31+$0x218] =	vst v1  }
0x1b7: {  	v1 =	vld [tilespmem:s0+$0x7328];
	_ =	sdelay $0x4  }
0x1b8: {  	v1 =	vmax.f32 v1, v2  }
0x1b9: {  	v2 =	vld [tilespmem:s31+$0x238];
	[tilespmem:s31+$0x228] =	vst v1  }
0x1ba: {  	v1 =	vld [tilespmem:s0+$0x7338];
	_ =	sdelay $0x4  }
0x1bb: {  	v1 =	vmax.f32 v1, v2  }
0x1bc: {  	v2 =	vld [tilespmem:s31+$0x248];
	[tilespmem:s31+$0x238] =	vst v1  }
0x1bd: {  	v1 =	vld [tilespmem:s0+$0x7348];
	_ =	sdelay $0x4  }
0x1be: {  	v1 =	vmax.f32 v1, v2  }
0x1bf: {  	v2 =	vld [tilespmem:s31+$0x258];
	[tilespmem:s31+$0x248] =	vst v1  }
0x1c0: {  	v1 =	vld [tilespmem:s0+$0x7358];
	_ =	sdelay $0x4  }
0x1c1: {  	v1 =	vmax.f32 v1, v2  }
0x1c2: {  	v2 =	vld [tilespmem:s31+$0x268];
	[tilespmem:s31+$0x258] =	vst v1  }
0x1c3: {  	v1 =	vld [tilespmem:s0+$0x7368];
	_ =	sdelay $0x4  }
0x1c4: {  	v1 =	vmax.f32 v1, v2  }
0x1c5: {  	v2 =	vld [tilespmem:s31+$0x278];
	[tilespmem:s31+$0x268] =	vst v1  }
0x1c6: {  	v1 =	vld [tilespmem:s0+$0x7378];
	_ =	sdelay $0x4  }
0x1c7: {  	v1 =	vmax.f32 v1, v2  }
0x1c8: {  	v2 =	vld [tilespmem:s31+$0x288];
	[tilespmem:s31+$0x278] =	vst v1  }
0x1c9: {  	v1 =	vld [tilespmem:s0+$0x7388];
	_ =	sdelay $0x4  }
0x1ca: {  	v1 =	vmax.f32 v1, v2  }
0x1cb: {  	v2 =	vld [tilespmem:s31+$0x298];
	[tilespmem:s31+$0x288] =	vst v1  }
0x1cc: {  	v1 =	vld [tilespmem:s0+$0x7398];
	_ =	sdelay $0x4  }
0x1cd: {  	v1 =	vmax.f32 v1, v2  }
0x1ce: {  	v2 =	vld [tilespmem:s31+$0x2A8];
	[tilespmem:s31+$0x298] =	vst v1  }
0x1cf: {  	v1 =	vld [tilespmem:s0+$0x73A8];
	_ =	sdelay $0x4  }
0x1d0: {  	v1 =	vmax.f32 v1, v2  }
0x1d1: {  	v2 =	vld [tilespmem:s31+$0x2B8];
	[tilespmem:s31+$0x2A8] =	vst v1  }
0x1d2: {  	v1 =	vld [tilespmem:s0+$0x73B8];
	_ =	sdelay $0x4  }
0x1d3: {  	v1 =	vmax.f32 v1, v2  }
0x1d4: {  	v2 =	vld [tilespmem:s31+$0x2C8];
	[tilespmem:s31+$0x2B8] =	vst v1  }
0x1d5: {  	v1 =	vld [tilespmem:s0+$0x73C8];
	_ =	sdelay $0x4  }
0x1d6: {  	v1 =	vmax.f32 v1, v2  }
0x1d7: {  	v2 =	vld [tilespmem:s31+$0x2D8];
	[tilespmem:s31+$0x2C8] =	vst v1  }
0x1d8: {  	v1 =	vld [tilespmem:s0+$0x73D8];
	_ =	sdelay $0x4  }
0x1d9: {  	v1 =	vmax.f32 v1, v2  }
0x1da: {  	v2 =	vld [tilespmem:s31+$0x2E8];
	[tilespmem:s31+$0x2D8] =	vst v1  }
0x1db: {  	v1 =	vld [tilespmem:s0+$0x73E8];
	_ =	sdelay $0x4  }
0x1dc: {  	v1 =	vmax.f32 v1, v2  }
0x1dd: {  	v2 =	vld [tilespmem:s31+$0x2F8];
	[tilespmem:s31+$0x2E8] =	vst v1  }
0x1de: {  	v1 =	vld [tilespmem:s0+$0x73F8];
	_ =	sdelay $0x3  }
0x1df: {  	p2 =	sgt.u32 s30, $0x1770  }
0x1e0: {  	s0 =	sand.u32 @!p2 $0x1FF8, s30;
	v1 =	vmax.f32 v1, v2  }
0x1e1: {  	s2 =	sadd.s32 $0x208, s31;
	s4 =	sand.u32 @!p2 $0x7, s30;
	s0 =	sadd.s32 @!p2 s1, s0;
	[tilespmem:s31+$0x2F8] =	vst v1  }
0x1e2: {  	[hbm4b:s0+s4] =	stream.linear.scatter @!p2 [tilespmem:s2], [sflag:$0xA], $0x80, $0x38;
	[tilespmem:$0x1E668] =	vst v63  }
0x1e3: {  	s0 =	sadd.s32 @!p2 $0x80, s30  }
0x1e4: {  	s0 =	sand.u32 @!p2 $0x3FF8, s0  }
0x1e5: {  	s2 =	sadd.s32 $0x288, s31;
	s0 =	sadd.s32 @!p2 s1, s0  }
0x1e6: {  	[hbm4b:s0+s4] =	stream.linear.scatter @!p2 [tilespmem:s2], [sflag:$0xA], $0x80, $0x38;
	[tilespmem:$0x1E668] =	vst v63  }
0x1e7: {  	s0 =	simm.s32 $0x0  }
0x1e8: {  	s0 =	simm.s32 @!p2 $0x400  }
0x1e9: {  	s29 =	sadd.s32 s0, s29  }
.LBB3_22:
0x1ea: {  	s0 =	sadd.s32 $0x1, s21  }
0x1eb: {  	s2 =	sshrl.u32 s0, $0x4  }
0x1ec: {  	s2 =	smulhi.u32 $0x24924925, s2  }
0x1ed: {  	v1 =	vld [tilespmem:s25+$0xFFFFFF80]  }
0x1ee: {  	s2 =	smul.u32 $0x70, s2;
	_ =	sdelay $0x1  }
0x1ef: {  	s21 =	ssub.s32 s0, s2  }
0x1f0: {  	s0 =	sshll.u32 s21, $0x8  }
0x1f1: {  	[tilespmem:s0+$0x208] =	vst v1  }
0x1f2: {  	v1 =	vld [tilespmem:s25+$0xFFFFFF90];
	_ =	sdelay $0x4  }
0x1f3: {  	[tilespmem:s0+$0x218] =	vst v1  }
0x1f4: {  	v1 =	vld [tilespmem:s25+$0xFFFFFFA0];
	_ =	sdelay $0x4  }
0x1f5: {  	[tilespmem:s0+$0x228] =	vst v1  }
0x1f6: {  	v1 =	vld [tilespmem:s25+$0xFFFFFFB0];
	_ =	sdelay $0x4  }
0x1f7: {  	[tilespmem:s0+$0x238] =	vst v1  }
0x1f8: {  	v1 =	vld [tilespmem:s25+$0xFFFFFFC0];
	_ =	sdelay $0x4  }
0x1f9: {  	[tilespmem:s0+$0x248] =	vst v1  }
0x1fa: {  	v1 =	vld [tilespmem:s25+$0xFFFFFFD0];
	_ =	sdelay $0x4  }
0x1fb: {  	[tilespmem:s0+$0x258] =	vst v1  }
0x1fc: {  	v1 =	vld [tilespmem:s25+$0xFFFFFFE0];
	_ =	sdelay $0x4  }
0x1fd: {  	[tilespmem:s0+$0x268] =	vst v1  }
0x1fe: {  	v1 =	vld [tilespmem:s25+$0xFFFFFFF0];
	_ =	sdelay $0x4  }
0x1ff: {  	[tilespmem:s0+$0x278] =	vst v1  }
0x200: {  	v1 =	vld [tilespmem:s25+$0x0];
	_ =	sdelay $0x4  }
0x201: {  	[tilespmem:s0+$0x288] =	vst v1  }
0x202: {  	v1 =	vld [tilespmem:s25+$0x10];
	_ =	sdelay $0x4  }
0x203: {  	[tilespmem:s0+$0x298] =	vst v1  }
0x204: {  	v1 =	vld [tilespmem:s25+$0x20];
	_ =	sdelay $0x4  }
0x205: {  	[tilespmem:s0+$0x2A8] =	vst v1  }
0x206: {  	v1 =	vld [tilespmem:s25+$0x30];
	_ =	sdelay $0x4  }
0x207: {  	[tilespmem:s0+$0x2B8] =	vst v1  }
0x208: {  	v1 =	vld [tilespmem:s25+$0x40];
	_ =	sdelay $0x4  }
0x209: {  	[tilespmem:s0+$0x2C8] =	vst v1  }
0x20a: {  	v1 =	vld [tilespmem:s25+$0x50];
	_ =	sdelay $0x4  }
0x20b: {  	[tilespmem:s0+$0x2D8] =	vst v1  }
0x20c: {  	v1 =	vld [tilespmem:s25+$0x60];
	_ =	sdelay $0x4  }
0x20d: {  	[tilespmem:s0+$0x2E8] =	vst v1  }
0x20e: {  	v1 =	vld [tilespmem:s25+$0x70]  }
.Ltmp26:
0x20f: {  	_ = 	snop;
	(pc) =	sbr.rel .LBB3_23-.Ltmp26, $2  }
0x210: {  	_ =	sdelay $0x2  }
0x211: {  	s26 =	sadd.s32 $0x1, s26;
	[tilespmem:s0+$0x2F8] =	vst v1  }
.LBB3_25:
.Ltmp27:
0x212: {  	(pc) =	sbr.rel .LBB3_26-.Ltmp27, $4  }
0x213: {  	_ = 	snop  }
0x214: {  	s0 =	simm.s32 $0x2  }
0x215: {  	_ =	swait.ge [sflag:s0], $0x0  }
0x216: {  	s28 =	smov.u32 s30;
	[sflag:s0] =	ssyncset.done $0x0;
	s0 =	simm.s32 $0x0  }
.LBB3_28:
0x217: {  	_ =	sfence.sel $0x180000  }
0x218: {  	s0 =	simm.s32 $0x7;
	[bflag:$0x0] =	sbarrier.arrive $0xFFFF  }
0x219: {  	s25 =	simm.s32 $0x8;
	[sflag:s0] =	ssyncpa.u1 $0x1  }
0x21a: {  	s26 =	simm.s32 $0x9;
	[sflag:s25] =	ssyncpa.u1 $0x1  }
0x21b: {  	s28 =	simm.s32 $0x2;
	[sflag:s26] =	ssyncpa.u1 $0x1  }
0x21c: {  	[sflag:s28] =	ssyncpa.u1 $0x1  }
0x21d: {  	v0 =	vld [tilespmem:$0xE408];
	_ =	sdelay $0x4  }
0x21e: {  	(v2sf) =	vpush v0, $0x0  }
0x21f: {  	(v2sf) =	vpush v0, $0x1;
	_ =	sdelay $0x1  }
0x220: {  	(v2sf) =	vpush v0, $0x2;
	_ =	sdelay $0xb  }
0x221: {  	s0 =	spop (v2sf)  }
0x222: {  	s2 =	spop (v2sf)  }
0x223: {  	s3 =	smov.u32 s0;
	p0 =	sne.s32 s0, s2  }
0x224: {  	s4 =	spop (v2sf);
	s3 =	simm.s32 @!p0 $0xFFFFFFFF  }
0x225: {  	v2 =	vimm.s32 $0x1;
	v3 =	vlaneseq.u32;
	p0 =	seq.s32 s4, $0xFFFFFFFF;
	v1 =	vmov s3  }
0x226: {  	s7 =	stileid.u32;
	v0 =	vperm.xlane v0, v2;
	p1 =	sne.s32 @!p0 s0, s2;
	v1 =	vperm.xlane v1, v3  }
0x227: {  	vm0 =	vcmask $0x3F04;
	s6 =	simm.s32 $0xE408;
	s0 =	simm.s32 @!p0 $0x1;
	p1 =	por !p1, p0  }
0x228: {  	s3 =	sshll.u32 s7, $0x1;
	s2 =	sshll.u32 @!p0 s4, $0xA;
	s0 =	simm.s32 @p1 $0x0;
	v0 =	vsel vm0, v1, v0  }
0x229: {  	s5 =	sor.u32 $0x2000, s3;
	s2 =	sshra.s32 @!p0 s2, $0x2;
	s0 =	sor.u32 @!p0 s0, s3;
	[tilespmem:$0xE408] =	vst v0  }
0x22a: {  	[spmem:s5] =	stream.linear.scatter [tilespmem:s6], [sflag:$0x1], $0x2, $0x38;
	[tilespmem:$0x1E668] =	vst v63  }
0x22b: {  	s2 =	sadd.s32 @!p0 $0x208, s2;
	s0 =	sshll.u32 @!p0 s0, $0x8  }
0x22c: {  	[spmem:s0] =	stream.linear.scatter @!p0 [tilespmem:s2], [sflag:$0x1], $0x100, $0x38;
	[tilespmem:$0x1E668] =	vst v63  }
0x22d: {  	s2 =	simm.s32 @!p0 $0x102  }
0x22e: {  	s0 =	simm.s32 $0x1;
	s2 =	simm.s32 @p0 $0x2  }
0x22f: {  	_ =	swait.ge [sflag:s0], s2  }
0x230: {  	s2 =	ssub.s32 $0x0, s2;
	[sflag:s0] =	ssyncset.done $0x0  }
0x231: {  	[sflag:s0] =	ssyncadd.s32 s2  }
0x232: {  	_ =	sfence.stream.spmem  }
0x233: {  	s29 =	simm.s32 $0x3;
	[bflag:$0x0] =	sbarrier.arrive $0xFFFF  }
0x234: {  	s30 =	simm.s32 $0x4;
	[sflag:s29] =	ssyncpa.u1 $0x1  }
0x235: {  	s31 =	simm.s32 $0x3C;
	[sflag:s30] =	ssyncpa.u1 $0x1  }
0x236: {  	p0 =	sne.s32 s7, $0x0;
	[sflag:s31] =	ssyncpa.u1 $0x1  }
0x237: {  	_ =	sfence @p0  }
0x238: {  	[sflag:s0] =	ssyncpa.u1 @p0 $0x1  }
0x239: {  	_ =	strace @p0 $0x90000062  }
0x23a: {  	[bflag:$0x2] =	sbarrier.arrive @p0 $0xFFFF  }
0x23b: {  	_ =	shalt @p0  }
.LBB3_29:
0x23c: {  	_ =	sfence.stream.spmem;
	s0 =	simm.s32 $0x5  }
0x23d: {  	s2 =	simm.s32 $0x2000;
	s3 =	simm.s32 $0xE418;
	[sflag:s0] =	ssyncpa.u1 $0x0  }
0x23e: {  	[tilespmem:s3], [sflag:$0x5] =	stream.linear.gather [spmem:s2], $0x20, $0x38;
	[tilespmem:$0x1E668] =	vst v63  }
0x23f: {  	s31 =	simm.s32 $0xE438;
	s2 =	simm.s32 $0x0  }
0x240: {  	[tilespmem:s31], [sflag:$0x5] =	stream.linear.gather [spmem:s2], $0x2000, $0x38;
	[tilespmem:$0x1E668] =	vst v63  }
.Ltmp28:
0x241: {  	_ = 	snop;
	(pc) =	sbr.rel .LBB3_30-.Ltmp28, $4  }
0x242: {  	_ =	swait.ge [sflag:s0], $0x2020  }
0x243: {  	[sflag:s0] =	ssyncset.done $0x0  }
0x244: {  	s4 =	simm.s32 $0xE308;
	s3 =	simm.s32 $0x6;
	[sflag:s0] =	ssyncadd.s32 $0xFFFFDFE0  }
0x245: {  	s5 =	simm.s32 $0xE388;
	s6 =	simm.s32 $0x0;
	[sflag:s3] =	ssyncpa.u1 $0x0  }
.LBB3_38:
0x246: {  	s0 =	sand.u32 $0x1FF8, s7  }
0x247: {  	s8 =	sand.u32 $0x7, s7;
	s30 =	sadd.s32 $0x80, s7;
	s0 =	sadd.s32 s1, s0  }
0x248: {  	[tilespmem:s4], [sflag:$0x6] =	stream.linear.gather [hbm4b:s0+s8], $0x80, $0x38;
	[tilespmem:$0x1E668] =	vst v63  }
0x249: {  	s0 =	sand.u32 $0x3FF8, s30  }
0x24a: {  	s0 =	sadd.s32 s1, s0  }
0x24b: {  	[tilespmem:s5], [sflag:$0x6] =	stream.linear.gather [hbm4b:s0+s8], $0x80, $0x38;
	[tilespmem:$0x1E668] =	vst v63  }
0x24c: {  	_ =	swait.ge [sflag:s3], $0x100  }
0x24d: {  	[sflag:s3] =	ssyncset.done $0x0  }
0x24e: {  	s7 =	sshll.u32 s6, $0xA;
	[sflag:s3] =	ssyncadd.s32 $0xFFFFFF00  }
0x24f: {  	s31 =	sshrl.u32 s7, $0x2;
	v1 =	vld [tilespmem:$0xE308]  }
0x250: {  	v2 =	vld [tilespmem:s31+$0xE438];
	_ =	sdelay $0x4  }
0x251: {  	v1 =	vmax.f32 v1, v2  }
0x252: {  	v2 =	vld [tilespmem:s31+$0xE448];
	[tilespmem:s31+$0xE438] =	vst v1  }
0x253: {  	v1 =	vld [tilespmem:$0xE318];
	_ =	sdelay $0x4  }
0x254: {  	v1 =	vmax.f32 v1, v2  }
0x255: {  	v2 =	vld [tilespmem:s31+$0xE458];
	[tilespmem:s31+$0xE448] =	vst v1  }
0x256: {  	v1 =	vld [tilespmem:$0xE328];
	_ =	sdelay $0x4  }
0x257: {  	v1 =	vmax.f32 v1, v2  }
0x258: {  	v2 =	vld [tilespmem:s31+$0xE468];
	[tilespmem:s31+$0xE458] =	vst v1  }
0x259: {  	v1 =	vld [tilespmem:$0xE338];
	_ =	sdelay $0x4  }
0x25a: {  	v1 =	vmax.f32 v1, v2  }
0x25b: {  	v2 =	vld [tilespmem:s31+$0xE478];
	[tilespmem:s31+$0xE468] =	vst v1  }
0x25c: {  	v1 =	vld [tilespmem:$0xE348];
	_ =	sdelay $0x4  }
0x25d: {  	v1 =	vmax.f32 v1, v2  }
0x25e: {  	v2 =	vld [tilespmem:s31+$0xE488];
	[tilespmem:s31+$0xE478] =	vst v1  }
0x25f: {  	v1 =	vld [tilespmem:$0xE358];
	_ =	sdelay $0x4  }
0x260: {  	v1 =	vmax.f32 v1, v2  }
0x261: {  	v2 =	vld [tilespmem:s31+$0xE498];
	[tilespmem:s31+$0xE488] =	vst v1  }
0x262: {  	v1 =	vld [tilespmem:$0xE368];
	_ =	sdelay $0x4  }
0x263: {  	v1 =	vmax.f32 v1, v2  }
0x264: {  	v2 =	vld [tilespmem:s31+$0xE4A8];
	[tilespmem:s31+$0xE498] =	vst v1  }
0x265: {  	v1 =	vld [tilespmem:$0xE378];
	_ =	sdelay $0x4  }
0x266: {  	v1 =	vmax.f32 v1, v2  }
0x267: {  	v2 =	vld [tilespmem:s31+$0xE4B8];
	[tilespmem:s31+$0xE4A8] =	vst v1  }
0x268: {  	v1 =	vld [tilespmem:$0xE388];
	_ =	sdelay $0x4  }
0x269: {  	v1 =	vmax.f32 v1, v2  }
0x26a: {  	v2 =	vld [tilespmem:s31+$0xE4C8];
	[tilespmem:s31+$0xE4B8] =	vst v1  }
0x26b: {  	v1 =	vld [tilespmem:$0xE398];
	_ =	sdelay $0x4  }
0x26c: {  	v1 =	vmax.f32 v1, v2  }
0x26d: {  	v2 =	vld [tilespmem:s31+$0xE4D8];
	[tilespmem:s31+$0xE4C8] =	vst v1  }
0x26e: {  	v1 =	vld [tilespmem:$0xE3A8];
	_ =	sdelay $0x4  }
0x26f: {  	v1 =	vmax.f32 v1, v2  }
0x270: {  	v2 =	vld [tilespmem:s31+$0xE4E8];
	[tilespmem:s31+$0xE4D8] =	vst v1  }
0x271: {  	v1 =	vld [tilespmem:$0xE3B8];
	_ =	sdelay $0x4  }
0x272: {  	v1 =	vmax.f32 v1, v2  }
0x273: {  	v2 =	vld [tilespmem:s31+$0xE4F8];
	[tilespmem:s31+$0xE4E8] =	vst v1  }
0x274: {  	v1 =	vld [tilespmem:$0xE3C8];
	_ =	sdelay $0x4  }
0x275: {  	v1 =	vmax.f32 v1, v2  }
0x276: {  	v2 =	vld [tilespmem:s31+$0xE508];
	[tilespmem:s31+$0xE4F8] =	vst v1  }
0x277: {  	v1 =	vld [tilespmem:$0xE3D8];
	_ =	sdelay $0x4  }
0x278: {  	v1 =	vmax.f32 v1, v2  }
0x279: {  	v2 =	vld [tilespmem:s31+$0xE518];
	[tilespmem:s31+$0xE508] =	vst v1  }
0x27a: {  	v1 =	vld [tilespmem:$0xE3E8];
	_ =	sdelay $0x4  }
0x27b: {  	v1 =	vmax.f32 v1, v2  }
0x27c: {  	v2 =	vld [tilespmem:s31+$0xE528];
	[tilespmem:s31+$0xE518] =	vst v1  }
0x27d: {  	v1 =	vld [tilespmem:$0xE3F8];
	_ =	sdelay $0x4  }
0x27e: {  	v1 =	vmax.f32 v1, v2  }
0x27f: {  	[tilespmem:s31+$0xE528] =	vst v1  }
.LBB3_39:
0x280: {  	[tilespmem:s2+$0xE418] =	vst.msk $0x1, v0;
	s0 =	sshrl.u32 s7, $0x2  }
0x281: {  	v0 =	vld [tilespmem:s0+$0xE438];
	_ =	sdelay $0x2  }
0x282: {  	s31 =	sshll.u32 s2, $0xA  }
0x283: {  	s7 =	sshra.s32 s31, $0x2  }
0x284: {  	[tilespmem:s7+$0xE438] =	vst v0  }
0x285: {  	v0 =	vld [tilespmem:s0+$0xE448];
	_ =	sdelay $0x4  }
0x286: {  	[tilespmem:s7+$0xE448] =	vst v0  }
0x287: {  	v0 =	vld [tilespmem:s0+$0xE458];
	_ =	sdelay $0x4  }
0x288: {  	[tilespmem:s7+$0xE458] =	vst v0  }
0x289: {  	v0 =	vld [tilespmem:s0+$0xE468];
	_ =	sdelay $0x4  }
0x28a: {  	[tilespmem:s7+$0xE468] =	vst v0  }
0x28b: {  	v0 =	vld [tilespmem:s0+$0xE478];
	_ =	sdelay $0x4  }
0x28c: {  	[tilespmem:s7+$0xE478] =	vst v0  }
0x28d: {  	v0 =	vld [tilespmem:s0+$0xE488];
	_ =	sdelay $0x4  }
0x28e: {  	[tilespmem:s7+$0xE488] =	vst v0  }
0x28f: {  	v0 =	vld [tilespmem:s0+$0xE498];
	_ =	sdelay $0x4  }
0x290: {  	[tilespmem:s7+$0xE498] =	vst v0  }
0x291: {  	v0 =	vld [tilespmem:s0+$0xE4A8];
	_ =	sdelay $0x4  }
0x292: {  	[tilespmem:s7+$0xE4A8] =	vst v0  }
0x293: {  	v0 =	vld [tilespmem:s0+$0xE4B8];
	_ =	sdelay $0x4  }
0x294: {  	[tilespmem:s7+$0xE4B8] =	vst v0  }
0x295: {  	v0 =	vld [tilespmem:s0+$0xE4C8];
	_ =	sdelay $0x4  }
0x296: {  	[tilespmem:s7+$0xE4C8] =	vst v0  }
0x297: {  	v0 =	vld [tilespmem:s0+$0xE4D8];
	_ =	sdelay $0x4  }
0x298: {  	[tilespmem:s7+$0xE4D8] =	vst v0  }
0x299: {  	v0 =	vld [tilespmem:s0+$0xE4E8];
	_ =	sdelay $0x4  }
0x29a: {  	[tilespmem:s7+$0xE4E8] =	vst v0  }
0x29b: {  	v0 =	vld [tilespmem:s0+$0xE4F8];
	_ =	sdelay $0x4  }
0x29c: {  	[tilespmem:s7+$0xE4F8] =	vst v0  }
0x29d: {  	v0 =	vld [tilespmem:s0+$0xE508];
	_ =	sdelay $0x4  }
0x29e: {  	[tilespmem:s7+$0xE508] =	vst v0  }
0x29f: {  	v0 =	vld [tilespmem:s0+$0xE518];
	_ =	sdelay $0x4  }
0x2a0: {  	[tilespmem:s7+$0xE518] =	vst v0  }
0x2a1: {  	v0 =	vld [tilespmem:s0+$0xE528];
	_ =	sdelay $0x4  }
0x2a2: {  	s2 =	sadd.s32 $0x1, s2;
	[tilespmem:s7+$0xE528] =	vst v0  }
.LBB3_40:
0x2a3: {  	s6 =	sadd.s32 $0x1, s6  }
0x2a4: {  	p0 =	sne.s32 s6, $0x20  }
.Ltmp29:
0x2a5: {  	_ = 	snop;
	(pc) =	sbr.rel @!p0 .LBB3_41-.Ltmp29, $1  }
0x2a6: {  	_ =	sdelay $0x3  }
.LBB3_30:
0x2a7: {  	v0 =	vld.msk [tilespmem:s6+$0xE418], $0x1;
	_ =	sdelay $0x4  }
0x2a8: {  	(v2sf) =	vpush v0, $0x0;
	_ =	sdelay $0xe  }
0x2a9: {  	s7 =	spop (v2sf)  }
0x2aa: {  	p0 =	seq.s32 s7, $0xFFFFFFFF  }
.Ltmp30:
0x2ab: {  	_ = 	snop;
	(pc) =	sbr.rel @p0 .LBB3_40-.Ltmp30, $1  }
0x2ac: {  	_ =	sdelay $0x3  }
0x2ad: {  	p0 =	slt.s32 s2, $0x1  }
.Ltmp31:
0x2ae: {  	_ = 	snop;
	(pc) =	sbr.rel @p0 .LBB3_36-.Ltmp31, $1  }
0x2af: {  	_ =	sdelay $0x3  }
0x2b0: {  	s8 =	simm.s32 $0xE418;
	p0 =	por $0x0, $0x0  }
0x2b1: {  	v1 =	vld.msk @!p0 [tilespmem:s8+$0x0], $0x1;
	_ =	sdelay $0x4  }
0x2b2: {  	(v2sf) =	vpush @!p0 v1, $0x0;
	_ =	sdelay $0xd  }
0x2b3: {  	p2 =	sne.s32 s2, $0x1  }
.Ltmp32:
0x2b4: {  	s0 =	spop @!p0 (v2sf);
	(pc) =	sbr.rel @!p2 .LBB3_34-.Ltmp32, $4  }
0x2b5: {  	p1 =	seq.s32 @!p0 s7, s0  }
0x2b6: {  	s9 =	simm.s32 $0x0;
	p1 =	por !p1, p0  }
0x2b7: {  	s0 =	simm.s32 $0xFFFFFFFF;
	s9 =	simm.s32 @p1 $0xFFFFFFFF  }
0x2b8: {  	s10 =	simm.s32 $0x1;
	s9 =	smov.u32 @p0 s0  }
.LBB3_33:
0x2b9: {  	s0 =	smov.u32 s9;
	p0 =	sne.s32 s9, $0xFFFFFFFF  }
0x2ba: {  	s8 =	sadd.s32 $0x1, s8;
	s9 =	smov.u32 s10;
	s10 =	sadd.s32 $0x1, s10  }
0x2bb: {  	p1 =	sne.s32 s2, s10;
	v1 =	vld.msk @!p0 [tilespmem:s8+$0x0], $0x1;
	_ =	sdelay $0x4  }
0x2bc: {  	(v2sf) =	vpush @!p0 v1, $0x0;
	_ =	sdelay $0xe  }
.Ltmp33:
0x2bd: {  	s11 =	spop @!p0 (v2sf);
	(pc) =	sbr.rel @p1 .LBB3_33-.Ltmp33, $4  }
0x2be: {  	p2 =	seq.s32 @!p0 s7, s11  }
0x2bf: {  	p2 =	por !p2, p0  }
0x2c0: {  	s9 =	simm.s32 @p2 $0xFFFFFFFF  }
0x2c1: {  	s9 =	smov.u32 @p0 s0  }
.LBB3_34:
0x2c2: {  	p0 =	seq.s32 s9, $0xFFFFFFFF  }
.Ltmp34:
0x2c3: {  	_ = 	snop;
	(pc) =	sbr.rel @p0 .LBB3_36-.Ltmp34, $1  }
0x2c4: {  	_ =	sdelay $0x3  }
0x2c5: {  	s0 =	sshll.u32 s6, $0x8  }
0x2c6: {  	s31 =	sshll.u32 s9, $0xA;
	s8 =	sand.u32 $0x3FFFFF00, s0  }
0x2c7: {  	s7 =	sshra.s32 s31, $0x2;
	v0 =	vld [tilespmem:s8+$0xE438]  }
0x2c8: {  	v1 =	vld [tilespmem:s7+$0xE438];
	_ =	sdelay $0x4  }
0x2c9: {  	v0 =	vmax.f32 v0, v1  }
0x2ca: {  	v49 =	vld [tilespmem:s7+$0xE448];
	[tilespmem:s7+$0xE438] =	vst v0  }
0x2cb: {  	v0 =	vld [tilespmem:s8+$0xE448];
	_ =	sdelay $0x4  }
0x2cc: {  	v0 =	vmax.f32 v0, v49  }
0x2cd: {  	v50 =	vld [tilespmem:s7+$0xE458];
	[tilespmem:s7+$0xE448] =	vst v0  }
0x2ce: {  	v0 =	vld [tilespmem:s8+$0xE458];
	_ =	sdelay $0x4  }
0x2cf: {  	v0 =	vmax.f32 v0, v50  }
0x2d0: {  	v51 =	vld [tilespmem:s7+$0xE468];
	[tilespmem:s7+$0xE458] =	vst v0  }
0x2d1: {  	v0 =	vld [tilespmem:s8+$0xE468];
	_ =	sdelay $0x4  }
0x2d2: {  	v0 =	vmax.f32 v0, v51  }
0x2d3: {  	v52 =	vld [tilespmem:s7+$0xE478];
	[tilespmem:s7+$0xE468] =	vst v0  }
0x2d4: {  	v0 =	vld [tilespmem:s8+$0xE478];
	_ =	sdelay $0x4  }
0x2d5: {  	v0 =	vmax.f32 v0, v52  }
0x2d6: {  	v53 =	vld [tilespmem:s7+$0xE488];
	[tilespmem:s7+$0xE478] =	vst v0  }
0x2d7: {  	v0 =	vld [tilespmem:s8+$0xE488];
	_ =	sdelay $0x4  }
0x2d8: {  	v0 =	vmax.f32 v0, v53  }
0x2d9: {  	v54 =	vld [tilespmem:s7+$0xE498];
	[tilespmem:s7+$0xE488] =	vst v0  }
0x2da: {  	v0 =	vld [tilespmem:s8+$0xE498];
	_ =	sdelay $0x4  }
0x2db: {  	v0 =	vmax.f32 v0, v54  }
0x2dc: {  	v55 =	vld [tilespmem:s7+$0xE4A8];
	[tilespmem:s7+$0xE498] =	vst v0  }
0x2dd: {  	v0 =	vld [tilespmem:s8+$0xE4A8];
	_ =	sdelay $0x4  }
0x2de: {  	v0 =	vmax.f32 v0, v55  }
0x2df: {  	v56 =	vld [tilespmem:s7+$0xE4B8];
	[tilespmem:s7+$0xE4A8] =	vst v0  }
0x2e0: {  	v0 =	vld [tilespmem:s8+$0xE4B8];
	_ =	sdelay $0x4  }
0x2e1: {  	v0 =	vmax.f32 v0, v56  }
0x2e2: {  	v57 =	vld [tilespmem:s7+$0xE4C8];
	[tilespmem:s7+$0xE4B8] =	vst v0  }
0x2e3: {  	v0 =	vld [tilespmem:s8+$0xE4C8];
	_ =	sdelay $0x4  }
0x2e4: {  	v0 =	vmax.f32 v0, v57  }
0x2e5: {  	v58 =	vld [tilespmem:s7+$0xE4D8];
	[tilespmem:s7+$0xE4C8] =	vst v0  }
0x2e6: {  	v0 =	vld [tilespmem:s8+$0xE4D8];
	_ =	sdelay $0x4  }
0x2e7: {  	v0 =	vmax.f32 v0, v58  }
0x2e8: {  	v59 =	vld [tilespmem:s7+$0xE4E8];
	[tilespmem:s7+$0xE4D8] =	vst v0  }
0x2e9: {  	v0 =	vld [tilespmem:s8+$0xE4E8];
	_ =	sdelay $0x4  }
0x2ea: {  	v0 =	vmax.f32 v0, v59  }
0x2eb: {  	v60 =	vld [tilespmem:s7+$0xE4F8];
	[tilespmem:s7+$0xE4E8] =	vst v0  }
0x2ec: {  	v0 =	vld [tilespmem:s8+$0xE4F8];
	_ =	sdelay $0x4  }
0x2ed: {  	v0 =	vmax.f32 v0, v60  }
0x2ee: {  	v61 =	vld [tilespmem:s7+$0xE508];
	[tilespmem:s7+$0xE4F8] =	vst v0  }
0x2ef: {  	v0 =	vld [tilespmem:s8+$0xE508];
	_ =	sdelay $0x4  }
0x2f0: {  	v0 =	vmax.f32 v0, v61  }
0x2f1: {  	v62 =	vld [tilespmem:s7+$0xE518];
	[tilespmem:s7+$0xE508] =	vst v0  }
0x2f2: {  	v0 =	vld [tilespmem:s8+$0xE518];
	_ =	sdelay $0x4  }
0x2f3: {  	v0 =	vmax.f32 v0, v62  }
0x2f4: {  	v63 =	vld [tilespmem:s7+$0xE528];
	[tilespmem:s7+$0xE518] =	vst v0  }
0x2f5: {  	v0 =	vld [tilespmem:s8+$0xE528];
	_ =	sdelay $0x1  }
.Ltmp35:
0x2f6: {  	_ = 	snop;
	(pc) =	sbr.rel .LBB3_40-.Ltmp35, $3  }
0x2f7: {  	_ =	sdelay $0x1  }
0x2f8: {  	v0 =	vmax.f32 v0, v63  }
0x2f9: {  	[tilespmem:s7+$0xE528] =	vst v0  }
.LBB3_36:
0x2fa: {  	p0 =	slt.u32 s7, $0x1771  }
.Ltmp36:
0x2fb: {  	_ = 	snop;
	(pc) =	sbr.rel @p0 .LBB3_38-.Ltmp36, $1  }
0x2fc: {  	_ =	sdelay $0x3  }
.Ltmp37:
0x2fd: {  	(pc) =	sbr.rel .LBB3_39-.Ltmp37, $2  }
0x2fe: {  	_ =	sdelay $0x2  }
0x2ff: {  	s7 =	sshll.u32 s6, $0xA  }
.LBB3_41:
0x300: {  	p0 =	slt.s32 s2, $0x1  }
.Ltmp38:
0x301: {  	_ = 	snop;
	(pc) =	sbr.rel @p0 .LBB3_45-.Ltmp38, $3  }
0x302: {  	_ =	sdelay $0x1  }
0x303: {  	s0 =	simm.s32 $0x6  }
0x304: {  	[sflag:s0] =	ssyncpa.u1 $0x1;
	s0 =	simm.s32 $0x0  }
0x305: {  	s3 =	simm.s32 $0xE418  }
0x306: {  	v0 =	vld.msk [tilespmem:s3+$0x0], $0x1;
	_ =	sdelay $0x4  }
0x307: {  	(v2sf) =	vpush v0, $0x0;
	_ =	sdelay $0xe  }
0x308: {  	s2 =	sadd.s32 $0xFFFFFFFF, s2;
	s4 =	spop (v2sf)  }
0x309: {  	s5 =	simm.s32 $0xE438;
	p0 =	sne.s32 s2, $0x0;
	p1 =	sgt.u32 s4, $0x1770  }
.Ltmp39:
0x30a: {  	s3 =	simm.s32 $0xE538;
	s6 =	sand.u32 @!p1 $0x1FF8, s4;
	(pc) =	sbr.rel @!p0 .LBB3_44-.Ltmp39, $4  }
0x30b: {  	s7 =	sadd.s32 @!p1 $0x80, s4;
	s8 =	sadd.s32 @!p1 s1, s6;
	s6 =	sand.u32 @!p1 $0x7, s4  }
0x30c: {  	[hbm4b:s8+s6] =	stream.linear.scatter @!p1 [tilespmem:s5], [sflag:$0x5], $0x80, $0x38;
	[tilespmem:$0x1E668] =	vst v63  }
0x30d: {  	s0 =	simm.s32 @!p1 $0x400;
	s4 =	simm.s32 $0xE419;
	s5 =	sand.u32 @!p1 $0x3FF8, s7  }
0x30e: {  	s7 =	simm.s32 @!p1 $0xE4B8;
	s8 =	sadd.s32 @!p1 s1, s5;
	s5 =	sadd.s32 $0x0, s0  }
.LBB3_43:
0x30f: {  	[hbm4b:s8+s6] =	stream.linear.scatter @!p1 [tilespmem:s7], [sflag:$0x5], $0x80, $0x38;
	[tilespmem:$0x1E668] =	vst v63  }
0x310: {  	s2 =	sadd.s32 $0xFFFFFFFF, s2;
	s0 =	smov.u32 s3;
	v0 =	vld.msk [tilespmem:s4+$0x0], $0x1  }
0x311: {  	p0 =	sne.s32 s2, $0x0;
	_ =	sdelay $0x3  }
0x312: {  	(v2sf) =	vpush v0, $0x0;
	_ =	sdelay $0xe  }
0x313: {  	s3 =	sadd.s32 $0x100, s3;
	s9 =	simm.s32 $0x0;
	s6 =	spop (v2sf)  }
.Ltmp40:
0x314: {  	s4 =	sadd.s32 $0x1, s4;
	p1 =	sgt.u32 s6, $0x1770;
	(pc) =	sbr.rel @p0 .LBB3_43-.Ltmp40, $4  }
0x315: {  	s9 =	simm.s32 @!p1 $0x400;
	s7 =	sand.u32 @!p1 $0x1FF8, s6;
	s8 =	sadd.s32 @!p1 $0x80, s6  }
0x316: {  	s6 =	sand.u32 @!p1 $0x7, s6;
	s7 =	sadd.s32 @!p1 s1, s7;
	s8 =	sand.u32 @!p1 $0x3FF8, s8  }
0x317: {  	[hbm4b:s7+s6] =	stream.linear.scatter @!p1 [tilespmem:s0], [sflag:$0x5], $0x80, $0x38;
	[tilespmem:$0x1E668] =	vst v63  }
0x318: {  	s5 =	sadd.s32 s5, s9;
	s7 =	sadd.s32 @!p1 $0x80, s0;
	s8 =	sadd.s32 @!p1 s1, s8  }
.LBB3_44:
0x319: {  	[hbm4b:s8+s6] =	stream.linear.scatter @!p1 [tilespmem:s7], [sflag:$0x5], $0x80, $0x38;
	[tilespmem:$0x1E668] =	vst v63  }
0x31a: {  	s0 =	sshrl.u32 s5, $0x2  }
.LBB3_45:
0x31b: {  	s1 =	simm.s32 $0x5  }
0x31c: {  	_ =	swait.ge [sflag:s1], s0  }
0x31d: {  	s29 =	ssub.s32 $0x0, s0;
	[sflag:s1] =	ssyncset.done $0x0  }
0x31e: {  	[sflag:s1] =	ssyncadd.s32 s29  }
0x31f: {  	[sflag:s1] =	ssyncpa.u1 $0x1  }
0x320: {  	s30 =	simm.s32 $0x1;
	_ =	sfence  }
0x321: {  	[sflag:s30] =	ssyncpa.u1 $0x1  }
0x322: {  	_ =	strace $0x90000062  }
0x323: {  	[bflag:$0x2] =	sbarrier.arrive $0xFFFF  }
0x324: {  	s31 =	rddreg [dreg:$0x1]  }
0x325: {  	s0 =	sadd.s32 $0x100000, s31  }
0x326: {  	[sflag:s0] =	ssyncadd.tile.s32 $0x1;
	_ =	shalt  }
.Lfunc_end3:
_tile_overlayer_lowered:
.L_overlay_start_3:
0x327: {  	(tag) =	ssettag $0x3  }
0x328: {  	s0 =	rddreg [dreg:$0x0];
	s2 =	stileid.u32  }
0x329: {  	s1 =	rddreg [dreg:$0x1];
	p0 =	sne.s32 s2, $0x0  }
0x32a: {  	s3 =	rddreg [dreg:$0x2];
	[bflag:$0x3] =	sbarrier.arrive $0xFFFF;
	s2 =	simm.s32 @!p0 $0x1C01  }
0x32b: {  	[timem:s3], [sflag:s2] =	dma.local @!p0 [hbm:s0], s1  }
0x32c: {  	s0 =	simm.s32 @!p0 $0x1  }
0x32d: {  	_ =	swait.ge @!p0 [sflag:s0], s1  }
0x32e: {  	s1 =	ssub.s32 @!p0 $0x0, s1;
	[sflag:s0] =	ssyncset.done @!p0 $0x0  }
0x32f: {  	[sflag:s0] =	ssyncadd.s32 @!p0 s1  }
0x330: {  	[bflag:$0x3] =	sbarrier.arrive $0xFFFF  }
0x331: {  	_ =	shalt  }

// kernel: scatter_offload_async_start.3
scs
__scs_entry_jumppad:
0x0: {  	(pc) =	sbr.rel $0x88, $3  }
0x1: {  	(tag) =	ssettag $0x0;
	lr =	simm.s32 $0x1  }
0x2: {  	[smem:$0x3F2E] =	sst lr;
	_ =	strace $0xD0000000  }
0x3: {  	_ = 	snop  }
0x4: {  	_ = 	snop  }
0x5: {  	_ = 	snop  }
0x6: {  	_ = 	snop  }
0x7: {  	_ = 	snop  }
__scs_overlays_trampoline_lowered:
0x8: {  	[smem:$0x3F3D] =	sst s0  }
0x9: {  	[smem:$0x3F3E] =	sst s1  }
0xa: {  	[smem:$0x3F3F] =	sst s2  }
0xb: {  	[smem:$0x3F40] =	sst s3  }
0xc: {  	[smem:$0x3F41] =	sst s4  }
0xd: {  	[smem:$0x3F42] =	sst s5  }
0xe: {  	[smem:$0x3F43] =	sst s6  }
0xf: {  	[smem:$0x3F44] =	sst s7  }
0x10: {  	[smem:$0x3F45] =	sst s8  }
0x11: {  	[smem:$0x3F46] =	sst s9;
	s0 =	simm.s32 @!p0 $0x0  }
0x12: {  	s1 =	sld [smem:$0x3F2C];
	s0 =	simm.s32 @p0 $0x1  }
0x13: {  	[smem:$0x3F47] =	sst s0;
	s0 =	simm.s32 @!p1 $0x0  }
0x14: {  	s2 =	sld [smem:$0x3F2B];
	s0 =	simm.s32 @p1 $0x1  }
0x15: {  	[smem:$0x3F48] =	sst s0;
	s0 =	simm.s32 @!p2 $0x0  }
0x16: {  	s3 =	sld [smem:$0x3FDB];
	s0 =	simm.s32 @p2 $0x1  }
0x17: {  	s4 =	simm.s32 $0x1BF5;
	[smem:$0x3F4A] =	sst s0  }
0x18: {  	s0 =	sld [smem:$0x3F2D];
	_ =	swait.ge [sflag:s4], $0x0  }
0x19: {  	s7 =	sld [smem:$0x3F2E]  }
0x1a: {  	s8 =	sadd.s32 $0xFFFFE003, lr  }
0x1b: {  	s9 =	sadd.s32 $0xFFFFFEF7, lr;
	s5 =	simm.s32 $0xFFFFFFFF;
	p2 =	slt.u32 s8, $0xFFFFF086  }
0x1c: {  	p1 =	slt.u32 s9, $0xF7A;
	s5 =	simm.s32 @!p2 $0x0  }
0x1d: {  	s5 =	simm.s32 @p1 $0x1;
	p0 =	seq.s32 s7, s2  }
0x1e: {  	s7 =	smul.u32 @!p0 $0xF7A, s2;
	p2 =	seq.s32 @!p0 s5, $0x0  }
0x1f: {  	s9 =	smul.u32 $0xF7A, s1;
	s8 =	simm.s32 @!p0 $0x1BF5;
	p2 =	por !p2, p0  }
0x20: {  	[sflag:s8] =	ssyncset.s32 @!p0 $0xFFFFF086;
	s6 =	sadd.s32 @!p0 s3, s7;
	s7 =	simm.s32 @!p0 $0x108  }
0x21: {  	s3 =	sadd.s32 s3, s9;
	s6 =	sadd.s32 @!p0 $0x88, s6;
	s7 =	simm.s32 @p2 $0x1082  }
0x22: {  	[simem:s7], [sflag:s8] =	dma.local @!p0 [hbm:s6], $0xF7A  }
0x23: {  	s9 =	sor.u32 $0xD0000000, s2;
	s6 =	simm.s32 $0x108;
	_ =	swait.ge @!p0 [sflag:s8], $0x0  }
0x24: {  	s3 =	sadd.s32 $0x88, s3;
	s6 =	simm.s32 @!p1 $0x1082;
	[sflag:s4] =	ssyncset.s32 $0xFFFFF086  }
0x25: {  	[simem:s6], [sflag:s4] =	dma.local [hbm:s3], $0xF7A  }
0x26: {  	[smem:$0x3F2E] =	sst s1;
	(tag) =	ssettag s2;
	_ =	strace s9  }
0x27: {  	s1 =	sld [smem:$0x3F3E]  }
0x28: {  	s2 =	sld [smem:$0x3F3F]  }
0x29: {  	s4 =	sld [smem:$0x3F41]  }
0x2a: {  	p0 =	seq.s32 s5, $0x0;
	s5 =	sld [smem:$0x3F42]  }
0x2b: {  	s6 =	sld [smem:$0x3F43]  }
0x2c: {  	s7 =	sld [smem:$0x3F44]  }
0x2d: {  	s3 =	simm.s32 $0x108;
	s8 =	sld [smem:$0x3F45]  }
0x2e: {  	s3 =	simm.s32 @!p0 $0x1082;
	s9 =	sld [smem:$0x3F46]  }
0x2f: {  	lr =	sadd.s32 s0, s3;
	s0 =	sld [smem:$0x3F3D]  }
0x30: {  	s3 =	sld [smem:$0x3F40]  }
0x31: {  	[smem:$0x3F49] =	sst s10  }
0x32: {  	s10 =	sld [smem:$0x3F47];
	_ =	sdelay $0x3  }
0x33: {  	p0 =	seq.s32 s10, $0x1;
	s10 =	sld [smem:$0x3F49];
	_ =	sdelay $0x3  }
0x34: {  	[smem:$0x3F49] =	sst s10  }
0x35: {  	s10 =	sld [smem:$0x3F48];
	_ =	sdelay $0x3  }
0x36: {  	p1 =	seq.s32 s10, $0x1;
	s10 =	sld [smem:$0x3F49];
	_ =	sdelay $0x3  }
0x37: {  	[smem:$0x3F49] =	sst s10  }
0x38: {  	s10 =	sld [smem:$0x3F4A]  }
0x39: {  	_ = 	snop;
	(pc) =	sbr.ind lr, $3  }
0x3a: {  	_ = 	snop  }
0x3b: {  	_ = 	snop  }
0x3c: {  	p2 =	seq.s32 s10, $0x1;
	s10 =	sld [smem:$0x3F49]  }
0x3d: {  	_ =	shalt  }
0x3e: {  	_ =	shalt  }
0x3f: {  	_ =	shalt  }
0x40: {  	_ =	shalt  }
0x41: {  	_ =	shalt  }
0x42: {  	_ =	shalt  }
0x43: {  	_ =	shalt  }
0x44: {  	_ =	shalt  }
0x45: {  	_ =	shalt  }
0x46: {  	_ =	shalt  }
0x47: {  	_ =	shalt  }
0x48: {  	_ =	shalt  }
0x49: {  	_ =	shalt  }
0x4a: {  	_ =	shalt  }
0x4b: {  	_ =	shalt  }
0x4c: {  	_ =	shalt  }
0x4d: {  	_ =	shalt  }
0x4e: {  	_ =	shalt  }
0x4f: {  	_ =	shalt  }
0x50: {  	_ =	shalt  }
0x51: {  	_ =	shalt  }
0x52: {  	_ =	shalt  }
0x53: {  	_ =	shalt  }
0x54: {  	_ =	shalt  }
0x55: {  	_ =	shalt  }
0x56: {  	_ =	shalt  }
0x57: {  	_ =	shalt  }
0x58: {  	_ =	shalt  }
0x59: {  	_ =	shalt  }
0x5a: {  	_ =	shalt  }
0x5b: {  	_ =	shalt  }
0x5c: {  	_ =	shalt  }
0x5d: {  	_ =	shalt  }
0x5e: {  	_ =	shalt  }
0x5f: {  	_ =	shalt  }
0x60: {  	_ =	shalt  }
0x61: {  	_ =	shalt  }
0x62: {  	_ =	shalt  }
0x63: {  	_ =	shalt  }
0x64: {  	_ =	shalt  }
0x65: {  	_ =	shalt  }
0x66: {  	_ =	shalt  }
0x67: {  	_ =	shalt  }
0x68: {  	_ =	shalt  }
0x69: {  	_ =	shalt  }
0x6a: {  	_ =	shalt  }
0x6b: {  	_ =	shalt  }
0x6c: {  	_ =	shalt  }
0x6d: {  	_ =	shalt  }
0x6e: {  	_ =	shalt  }
0x6f: {  	_ =	shalt  }
0x70: {  	_ =	shalt  }
0x71: {  	_ =	shalt  }
0x72: {  	_ =	shalt  }
0x73: {  	_ =	shalt  }
0x74: {  	_ =	shalt  }
0x75: {  	_ =	shalt  }
0x76: {  	_ =	shalt  }
0x77: {  	_ =	shalt  }
0x78: {  	_ =	shalt  }
0x79: {  	_ =	shalt  }
0x7a: {  	_ =	shalt  }
0x7b: {  	_ =	shalt  }
0x7c: {  	_ =	shalt  }
0x7d: {  	_ =	shalt  }
0x7e: {  	_ =	shalt  }
0x7f: {  	_ =	shalt  }
0x80: {  	_ =	shalt  }
0x81: {  	_ =	shalt  }
0x82: {  	_ =	shalt  }
0x83: {  	_ =	shalt  }
0x84: {  	_ =	shalt  }
0x85: {  	_ =	shalt  }
0x86: {  	_ =	shalt  }
0x87: {  	_ =	shalt  }
.Lfunc_end0:
.L_simem_size_0:
called_computation.3_lowered:
.L_overlay_start_0:
0x88: {  	s2 =	sld [smem:$0x3FD9]  }
0x89: {  	s3 =	sld [smem:$0x3FFE];
	_ =	sdelay $0x1  }
0x8a: {  	s1 =	srdreg.scid  }
0x8b: {  	s0 =	sand.u32 $0x1, s1  }
0x8c: {  	s12 =	sshll.u32 s0, $0xA;
	s2 =	sadd.s32 s3, s2  }
0x8d: {  	s2 =	sadd.s32 s2, s12  }
0x8e: {  	[smem:$0x3F55] =	sst s2  }
0x8f: {  	_ = 	snop  }
0x90: {  	(tm) =	ssettm $0x1  }
0x91: {  	s13 =	sld [smem:$0x3FFB];
	_ =	sdelay $0x3  }
0x92: {  	_ =	strace s13  }
0x93: {  	s2 =	sld [smem:$0x3FFC];
	_ =	sdelay $0x3  }
0x94: {  	_ =	strace s2  }
0x95: {  	s2 =	sld [smem:$0x3FFD];
	_ =	sdelay $0x3  }
0x96: {  	_ =	strace s2  }
0x97: {  	_ =	strace $0x8FFFFFFF  }
0x98: {  	s14 =	sld [smem:$0x3FDB];
	_ =	sdelay $0x1  }
0x99: {  	s15 =	simm.s32 $_scs_section_size  }
0x9a: {  	s4 =	simm.s32 $_size__tile_overlayer_lowered;
	s5 =	simm.s32 $_tile_overlayer_lowered  }
0x9b: {  	s19 =	simm.s32 $0x1BFF;
	s17 =	sshll.u32 s5, $0x1;
	s6 =	sadd.s32 s15, s14  }
0x9c: {  	s20 =	simm.s32 $0x0;
	s16 =	sshll.u32 s4, $0x1;
	s18 =	sadd.s32 s17, s6  }
0x9d: {  	[timem:s20], [sflag:s19] =	dma.local [hbm:s18], s16  }
0x9e: {  	_ =	swait.ge [sflag:s19], s16  }
0x9f: {  	s3 =	ssub.s32 $0x0, s16;
	[sflag:s19] =	ssyncset.done $0x0  }
0xa0: {  	[sflag:s19] =	ssyncadd.s32 s3;
	_ =	sdelay $0x1  }
0xa1: {  	s21 =	simm.s32 $0x1B8B  }
0xa2: {  	_ =	swait.ge [sflag:s21], $0x1  }
0xa3: {  	[sflag:s21] =	ssyncset.done $0x0  }
0xa4: {  	[sflag:s21] =	ssyncadd.s32 $0xFFFFFFFF  }
0xa5: {  	s3 =	sld [smem:$0x0]  }
0xa6: {  	s4 =	sand.u32 $0xFFFFFFFE, s1  }
0xa7: {  	p0 =	sne.s32 s1, s4  }
0xa8: {  	s4 =	sshll.u32 @p0 s4, $0xE  }
0xa9: {  	s5 =	sadd.s32 @p0 $0x11B8D, s4;
	s7 =	sshll.u32 @p0 s3, $0x11  }
0xaa: {  	s5 =	sor.u32 @p0 s7, s5  }
0xab: {  	[sflag:s5] =	ssyncadd.remote.s32 @p0 $0x1;
	_ =	sdelay $0x1  }
0xac: {  	s5 =	simm.s32 @p0 $0x1B8D  }
0xad: {  	_ =	swait.eq @p0 [sflag:s5], $0x1  }
0xae: {  	[sflag:s5] =	ssyncadd.s32 @p0 $0xFFFFFFFF  }
0xaf: {  	s7 =	sshll.u32 @!p0 s1, $0xE  }
0xb0: {  	s7 =	sor.u32 @!p0 $0x4000, s7;
	s5 =	simm.s32 @!p0 $0x1B8D  }
0xb1: {  	s9 =	sshll.u32 @!p0 s3, $0x11;
	s8 =	sadd.s32 @!p0 $0x11B8D, s7;
	_ =	swait.eq @!p0 [sflag:s5], $0x1  }
0xb2: {  	[sflag:s5] =	ssyncadd.s32 @!p0 $0xFFFFFFFF;
	s5 =	sor.u32 @!p0 s9, s8  }
0xb3: {  	s23 =	simm.s32 $0x1B8E;
	s22 =	sld [smem:$0x3FFE];
	[sflag:s5] =	ssyncadd.remote.s32 @!p0 $0x1  }
0xb4: {  	s24 =	simm.s32 $execute0_lowered;
	[smem:$0x3FD2] =	sst s23  }
0xb5: {  	s8 =	sshll.u32 s24, $0x1;
	_ =	strace $0x80000064;
	[dreg:$0x1] =	wrdreg $0xFFFFFFFF  }
0xb6: {  	s25 =	simm.s32 $_size_execute0_lowered;
	s8 =	sadd.s32 s6, s8;
	[dreg:$0x0] =	wrdreg $0x0  }
0xb7: {  	s9 =	sshll.u32 s25, $0x1;
	[dreg:$0x2] =	wrdreg s8  }
0xb8: {  	[dreg:$0x3] =	wrdreg s9  }
0xb9: {  	[dreg:$0x4] =	wrdreg $0xC0  }
0xba: {  	s26 =	simm.s32 $execute1_lowered;
	_ =	task [dreg:s20], $0x5FFFF  }
0xbb: {  	s8 =	sshll.u32 s26, $0x1;
	[dreg:$0x1] =	wrdreg $0xFFFFFFFF  }
0xbc: {  	s6 =	sadd.s32 s6, s8;
	[dreg:$0x0] =	wrdreg $0x60  }
0xbd: {  	[dreg:$0x2] =	wrdreg s6  }
0xbe: {  	[dreg:$0x3] =	wrdreg s22  }
0xbf: {  	[dreg:$0x4] =	wrdreg $0xB  }
0xc0: {  	_ =	task.clear_ibuf [dreg:s20], $0x5FFFF;
	_ =	strace $0x90000064  }
0xc1: {  	s28 =	simm.s32 $0xB;
	_ =	strace $0x80000066  }
0xc2: {  	_ =	swait.ge [sflag:s28], $0x1  }
0xc3: {  	[sflag:s28] =	ssyncadd.s32 $0xFFFFFFFF  }
0xc4: {  	_ =	strace $0x90000066  }
0xc5: {  	s6 =	sld [smem:$0x0];
	_ =	sdelay $0x3  }
0xc6: {  	s4 =	sadd.s32 @p0 $0x11BF3, s4;
	s8 =	sshll.u32 @p0 s6, $0x11  }
0xc7: {  	s4 =	sor.u32 @p0 s8, s4  }
0xc8: {  	[sflag:s4] =	ssyncadd.remote.s32 @p0 $0x1;
	_ =	sdelay $0x1  }
0xc9: {  	s4 =	simm.s32 @p0 $0x1BF3  }
0xca: {  	_ =	swait.eq @p0 [sflag:s4], $0x1  }
0xcb: {  	[sflag:s4] =	ssyncadd.s32 @p0 $0xFFFFFFFF;
	_ =	sdelay $0x1  }
0xcc: {  	s4 =	simm.s32 @!p0 $0x1BF3  }
0xcd: {  	s7 =	sadd.s32 @!p0 $0x11BF3, s7;
	s6 =	sshll.u32 @!p0 s6, $0x11;
	_ =	swait.eq @!p0 [sflag:s4], $0x1  }
0xce: {  	[sflag:s4] =	ssyncadd.s32 @!p0 $0xFFFFFFFF;
	s4 =	sor.u32 @!p0 s6, s7  }
0xcf: {  	[sflag:s4] =	ssyncadd.remote.s32 @!p0 $0x1  }
0xd0: {  	_ =	strace $0x80000067;
	[dreg:$0x1] =	wrdreg $0xFFFFFFFF  }
0xd1: {  	[dreg:$0x0] =	wrdreg $0x2030  }
0xd2: {  	[dreg:$0x2] =	wrdreg s22  }
0xd3: {  	[dreg:$0x3] =	wrdreg s1  }
0xd4: {  	[dreg:$0x4] =	wrdreg s3  }
0xd5: {  	[dreg:$0x5] =	wrdreg $0xC  }
0xd6: {  	_ =	task.clear_ibuf [dreg:s20], $0x6FFFF;
	_ =	strace $0x90000067  }
0xd7: {  	s29 =	simm.s32 $0xC;
	_ =	strace $0x80000069  }
0xd8: {  	_ =	swait.ge [sflag:s29], $0x1  }
0xd9: {  	[sflag:s29] =	ssyncadd.s32 $0xFFFFFFFF  }
0xda: {  	_ =	strace $0x90000069  }
0xdb: {  	_ =	sfence  }
0xdc: {  	s30 =	sld [smem:$0x0];
	_ =	sdelay $0x2  }
0xdd: {  	s31 =	sshll.u32 s1, $0xD;
	s1 =	sshrl.u32 s1, $0x2  }
0xde: {  	s4 =	sand.u32 $0x4000, s31;
	s1 =	sadd.s32 s1, s30  }
0xdf: {  	s0 =	sor.u32 s4, s0;
	s1 =	sshll.u32 s1, $0x11  }
0xe0: {  	s0 =	sor.u32 s1, s0  }
0xe1: {  	s0 =	sadd.s32 $0x8F2B, s0  }
0xe2: {  	[sflag:s0] =	ssyncadd.remote.s32 $0x1  }
0xe3: {  	_ =	sfence.sel $0xFFFF  }
0xe4: {  	[dreg:$0x0] =	wrdreg $0xFFFFFFFF;
	(pc) =	sbr.abs _section_cstart, $3  }
0xe5: {  	[dreg:$0x1] =	wrdreg $0xFFFFFFFF  }
0xe6: {  	_ =	task.clear_ibuf [dreg:s20], $0x2FFFF;
	_ =	strace $0x9FFFFFFF  }
0xe7: {  	(tm) =	ssettm $0x7FFFFFFF  }
tec
execute0_lowered:
.L_overlay_start_1:
0x0: {  	(tag) =	ssettag $0x1  }
0x1: {  	s2 =	rddreg [dreg:$0x0]  }
0x2: {  	s4 =	rddreg [dreg:$0x1]  }
0x3: {  	s0 =	rddreg [dreg:$0x2];
	s3 =	stileid.u32;
	[bflag:$0x3] =	sbarrier.arrive $0xFFFF  }
0x4: {  	s1 =	simm.s32 $_size_execute1_lowered;
	s29 =	srdreg.scid;
	p0 =	sne.s32 s3, $0x0  }
0x5: {  	s1 =	sshll.u32 s1, $0x1;
	s5 =	simm.s32 @!p0 $0x1C3F;
	s6 =	simm.s32 @!p0 $0x4060  }
0x6: {  	[timem:s6], [sflag:s5] =	dma.local @!p0 [hbm:s2], s1  }
0x7: {  	s2 =	sshll.u32 s29, $0x3  }
0x8: {  	s3 =	sshll.u32 s3, $0x4;
	s2 =	sand.u32 $0x8, s2  }
0x9: {  	s31 =	simm.s32 $0x2;
	s8 =	simm.s32 $0x0;
	s2 =	sor.u32 s3, s2  }
0xa: {  	s10 =	simm.s32 $0x0;
	s9 =	simm.s32 $0x0;
	s5 =	sshll.u32 s2, $0x5  }
0xb: {  	p1 =	slt.u32 s3, $0xC0;
	s6 =	ssub.s32 $0xB9, s2;
	s3 =	sadd.s32 $0xFFFFE800, s5  }
0xc: {  	_ =	strace $0x80000065;
	s3 =	smov.u32 @p1 s5;
	p1 =	sgt.s32 s6, $0x0  }
.Ltmp0:
0xd: {  	s5 =	simm.s32 $0x1;
	s7 =	sadd.s32 s3, s4;
	(pc) =	sbr.rel .LBB2_1-.Ltmp0, $4  }
0xe: {  	s3 =	simm.s32 $0x1;
	s6 =	simm.s32 @!p1 $0x0;
	s4 =	sadd.s32 $0x20400, s4  }
0xf: {  	[sflag:s3] =	ssyncpa.u1 $0x0;
	s30 =	sand.u32 $0xF9, s6;
	s6 =	simm.s32 $0x3  }
0x10: {  	s7 =	sadd.s32 $0x22000, s7;
	p1 =	sne.s32 s30, $0x0;
	[sflag:s31] =	ssyncpa.u1 $0x0  }
0x11: {  	s5 =	simm.s32 @!p1 $0x0;
	s6 =	simm.s32 @!p1 $0x2;
	p1 =	por $0x0, $0x0  }
.LBB2_4:
0x12: {  	_ =	sdelay $0x3  }
0x13: {  	[tilespmem:v0+s12+$0xFFFFFFD0 ss:$0x1] =	vst.idx.msk $0xffff, v2  }
0x14: {  	v48 =	vld.idx.msk [tilespmem:v1+s13+$0x30 ss:$0x1], $0xffff;
	[tilespmem:v0+s12+$0xFFFFFFE0 ss:$0x1] =	vst.idx.msk $0xffff, v3  }
0x15: {  	v49 =	vld.idx.msk [tilespmem:v1+s13+$0xFFFFFBC0 ss:$0x1], $0xffff;
	[tilespmem:v0+s12+$0xFFFFFFF0 ss:$0x1] =	vst.idx.msk $0xffff, v4  }
0x16: {  	v50 =	vld.idx.msk [tilespmem:v1+s13+$0xFFFFFBD0 ss:$0x1], $0xffff;
	[tilespmem:v0+s12+$0x0 ss:$0x1] =	vst.idx.msk $0xffff, v5  }
0x17: {  	v51 =	vld.idx.msk [tilespmem:v1+s13+$0xFFFFFBE0 ss:$0x1], $0xffff;
	[tilespmem:v0+s12+$0x10 ss:$0x1] =	vst.idx.msk $0xffff, v6  }
0x18: {  	v52 =	vld.idx.msk [tilespmem:v1+s13+$0xFFFFFBF0 ss:$0x1], $0xffff;
	[tilespmem:v0+s12+$0x20 ss:$0x1] =	vst.idx.msk $0xffff, v7  }
0x19: {  	v53 =	vld.idx.msk [tilespmem:v1+s13+$0xFFFFFC00 ss:$0x1], $0xffff;
	[tilespmem:v0+s13+$0x30 ss:$0x1] =	vst.idx.msk $0xffff, v48  }
0x1a: {  	v54 =	vld.idx.msk [tilespmem:v1+s13+$0xFFFFFC10 ss:$0x1], $0xffff;
	[tilespmem:v0+s13+$0xFFFFFBC0 ss:$0x1] =	vst.idx.msk $0xffff, v49  }
0x1b: {  	v55 =	vld.idx.msk [tilespmem:v1+s13+$0xFFFFFC20 ss:$0x1], $0xffff;
	[tilespmem:v0+s13+$0xFFFFFBD0 ss:$0x1] =	vst.idx.msk $0xffff, v50  }
0x1c: {  	v56 =	vld.idx.msk [tilespmem:v1+s13+$0xFFFFFC30 ss:$0x1], $0xffff;
	[tilespmem:v0+s13+$0xFFFFFBE0 ss:$0x1] =	vst.idx.msk $0xffff, v51  }
0x1d: {  	v57 =	vld.idx.msk [tilespmem:v1+s13+$0xFFFFFFC0 ss:$0x1], $0xffff;
	[tilespmem:v0+s13+$0xFFFFFBF0 ss:$0x1] =	vst.idx.msk $0xffff, v52  }
0x1e: {  	v58 =	vld.idx.msk [tilespmem:v1+s13+$0xFFFFFFD0 ss:$0x1], $0xffff;
	s29 =	sshll.u32 s10, $0x8;
	s14 =	sshll.u32 s10, $0x7;
	[tilespmem:v0+s13+$0xFFFFFC00 ss:$0x1] =	vst.idx.msk $0xffff, v53  }
0x1f: {  	v59 =	vld.idx.msk [tilespmem:v1+s13+$0xFFFFFFE0 ss:$0x1], $0xffff;
	s12 =	sand.u32 $0x7FFFF800, s29;
	s14 =	sand.u32 $0x300, s14;
	[tilespmem:v0+s13+$0xFFFFFC10 ss:$0x1] =	vst.idx.msk $0xffff, v54  }
0x20: {  	v60 =	vld.idx.msk [tilespmem:v1+s13+$0xFFFFFFF0 ss:$0x1], $0xffff;
	s12 =	sor.u32 s14, s12;
	[tilespmem:v0+s13+$0xFFFFFC20 ss:$0x1] =	vst.idx.msk $0xffff, v55  }
0x21: {  	v61 =	vld.idx.msk [tilespmem:v1+s13+$0x0 ss:$0x1], $0xffff;
	s12 =	sshrl.u32 s12, $0x8;
	[tilespmem:v0+s13+$0xFFFFFC30 ss:$0x1] =	vst.idx.msk $0xffff, v56  }
0x22: {  	v62 =	vld.idx.msk [tilespmem:v1+s13+$0x10 ss:$0x1], $0xffff;
	s30 =	smulhi.u32 $0x1555556, s12;
	[tilespmem:v0+s13+$0xFFFFFFC0 ss:$0x1] =	vst.idx.msk $0xffff, v57  }
0x23: {  	v63 =	vld.idx.msk [tilespmem:v1+s13+$0x20 ss:$0x1], $0xffff;
	[tilespmem:v0+s13+$0xFFFFFFD0 ss:$0x1] =	vst.idx.msk $0xffff, v58  }
0x24: {  	[tilespmem:v0+s13+$0xFFFFFFE0 ss:$0x1] =	vst.idx.msk $0xffff, v59;
	s14 =	smul.u32 $0xC0, s30  }
0x25: {  	s31 =	sshll.u32 s10, $0x4;
	[tilespmem:v0+s13+$0xFFFFFFF0 ss:$0x1] =	vst.idx.msk $0xffff, v60  }
0x26: {  	s10 =	sand.u32 $0x10, s31;
	[tilespmem:v0+s13+$0x0 ss:$0x1] =	vst.idx.msk $0xffff, v61;
	s12 =	ssub.s32 s12, s14  }
0x27: {  	s10 =	sadd.s32 s4, s10;
	[tilespmem:v0+s13+$0x10 ss:$0x1] =	vst.idx.msk $0xffff, v62;
	s12 =	sshll.u32 s12, $0x5  }
0x28: {  	[tilespmem:v0+s13+$0x20 ss:$0x1] =	vst.idx.msk $0xffff, v63;
	s10 =	sadd.s32 s12, s10  }
0x29: {  	[hbm4b:s10+s8] =	stream.linear.scatter [tilespmem:s11], [sflag:$0x2], $0x800, $0x38;
	[tilespmem:$0x2000] =	vst v63  }
.LBB2_5:
0x2a: {  	p2 =	slt.u32 s9, $0x2;
	s9 =	sadd.s32 $0x1, s9  }
0x2b: {  	p3 =	sne.s32 s9, s6  }
.Ltmp1:
0x2c: {  	_ = 	snop;
	(pc) =	sbr.rel @!p3 .LBB2_6-.Ltmp1, $4  }
0x2d: {  	s10 =	simm.s32 @!p2 $0x2  }
0x2e: {  	_ =	swait.ge @!p2 [sflag:s10], $0x800  }
0x2f: {  	[sflag:s10] =	ssyncset.done @!p2 $0x0  }
0x30: {  	p1 =	por !p1, !p1;
	[sflag:s10] =	ssyncadd.s32 @!p2 $0xFFFFF800;
	s10 =	smov.u32 s2  }
.LBB2_1:
0x31: {  	p2 =	sge.u32 s9, s5  }
0x32: {  	s31 =	sadd.s32 $0xFFFFFFFF, s9;
	s11 =	simm.s32 @!p2 $0x0;
	s12 =	simm.s32 @!p2 $0x800  }
0x33: {  	[tilespmem:s12], [sflag:$0x1] =	stream.linear.gather @!p2 [hbm4b:s7+s11], $0x800, $0x38;
	[tilespmem:$0x2000] =	vst v63  }
0x34: {  	p2 =	sge.u32 s31, s5  }
.Ltmp2:
0x35: {  	_ = 	snop;
	(pc) =	sbr.rel @p2 .LBB2_5-.Ltmp2, $1  }
0x36: {  	_ =	sdelay $0x3  }
0x37: {  	s11 =	simm.s32 $0x1  }
0x38: {  	s11 =	simm.s32 @!p1 $0x0  }
0x39: {  	s11 =	sshll.u32 s11, $0xB  }
0x3a: {  	s12 =	sor.u32 $0x400, s11  }
0x3b: {  	v1 =	vmov s12;
	_ =	sdelay $0x1  }
0x3c: {  	_ =	swait.ge [sflag:s3], $0x800  }
0x3d: {  	[sflag:s3] =	ssyncset.done $0x0  }
0x3e: {  	[sflag:s3] =	ssyncadd.s32 $0xFFFFF800;
	s12 =	simm.s32 $0x40  }
0x3f: {  	s11 =	sor.u32 $0x1400, s11;
	v2 =	vld.idx.msk [tilespmem:v1+s12+$0x30 ss:$0x1], $0xffff  }
0x40: {  	v0 =	vmov s11;
	v3 =	vld.idx.msk [tilespmem:v1+s12+$0xFFFFFBC0 ss:$0x1], $0xffff  }
0x41: {  	v4 =	vld.idx.msk [tilespmem:v1+s12+$0xFFFFFBD0 ss:$0x1], $0xffff  }
0x42: {  	v5 =	vld.idx.msk [tilespmem:v1+s12+$0xFFFFFBE0 ss:$0x1], $0xffff  }
0x43: {  	v6 =	vld.idx.msk [tilespmem:v1+s12+$0xFFFFFBF0 ss:$0x1], $0xffff  }
0x44: {  	v7 =	vld.idx.msk [tilespmem:v1+s12+$0xFFFFFC00 ss:$0x1], $0xffff  }
0x45: {  	v8 =	vld.idx.msk [tilespmem:v1+s12+$0xFFFFFC10 ss:$0x1], $0xffff;
	[tilespmem:v0+s12+$0x30 ss:$0x1] =	vst.idx.msk $0xffff, v2  }
0x46: {  	v9 =	vld.idx.msk [tilespmem:v1+s12+$0xFFFFFC20 ss:$0x1], $0xffff;
	[tilespmem:v0+s12+$0xFFFFFBC0 ss:$0x1] =	vst.idx.msk $0xffff, v3  }
0x47: {  	v10 =	vld.idx.msk [tilespmem:v1+s12+$0xFFFFFC30 ss:$0x1], $0xffff;
	[tilespmem:v0+s12+$0xFFFFFBD0 ss:$0x1] =	vst.idx.msk $0xffff, v4  }
0x48: {  	v11 =	vld.idx.msk [tilespmem:v1+s12+$0xFFFFFFC0 ss:$0x1], $0xffff;
	[tilespmem:v0+s12+$0xFFFFFBE0 ss:$0x1] =	vst.idx.msk $0xffff, v5  }
0x49: {  	[tilespmem:v0+s12+$0xFFFFFBF0 ss:$0x1] =	vst.idx.msk $0xffff, v6;
	v2 =	vld.idx.msk [tilespmem:v1+s12+$0xFFFFFFD0 ss:$0x1], $0xffff  }
0x4a: {  	[tilespmem:v0+s12+$0xFFFFFC00 ss:$0x1] =	vst.idx.msk $0xffff, v7;
	v3 =	vld.idx.msk [tilespmem:v1+s12+$0xFFFFFFE0 ss:$0x1], $0xffff  }
0x4b: {  	[tilespmem:v0+s12+$0xFFFFFC10 ss:$0x1] =	vst.idx.msk $0xffff, v8;
	v4 =	vld.idx.msk [tilespmem:v1+s12+$0xFFFFFFF0 ss:$0x1], $0xffff  }
0x4c: {  	s31 =	sshll.u32 s9, $0xB;
	[tilespmem:v0+s12+$0xFFFFFC20 ss:$0x1] =	vst.idx.msk $0xffff, v9;
	v5 =	vld.idx.msk [tilespmem:v1+s12+$0x0 ss:$0x1], $0xffff  }
0x4d: {  	s11 =	sand.u32 $0x800, s31;
	[tilespmem:v0+s12+$0xFFFFFC30 ss:$0x1] =	vst.idx.msk $0xffff, v10;
	v6 =	vld.idx.msk [tilespmem:v1+s12+$0x10 ss:$0x1], $0xffff  }
0x4e: {  	s13 =	simm.s32 $0xC0;
	s14 =	simm.s32 $0x500;
	s11 =	sor.u32 $0x1000, s11;
	[tilespmem:v0+s12+$0xFFFFFFC0 ss:$0x1] =	vst.idx.msk $0xffff, v11;
	v7 =	vld.idx.msk [tilespmem:v1+s12+$0x20 ss:$0x1], $0xffff  }
.LBB2_3:
0x4f: {  	p2 =	sne.s32 s14, $0xF00;
	v8 =	vld.idx.msk [tilespmem:v1+s13+$0x30 ss:$0x1], $0xffff;
	[tilespmem:v0+s12+$0xFFFFFFD0 ss:$0x1] =	vst.idx.msk $0xffff, v2  }
0x50: {  	v2 =	vld.idx.msk [tilespmem:v1+s13+$0xFFFFFBC0 ss:$0x1], $0xffff;
	[tilespmem:v0+s12+$0xFFFFFFE0 ss:$0x1] =	vst.idx.msk $0xffff, v3  }
0x51: {  	v3 =	vld.idx.msk [tilespmem:v1+s13+$0xFFFFFBD0 ss:$0x1], $0xffff;
	[tilespmem:v0+s12+$0xFFFFFFF0 ss:$0x1] =	vst.idx.msk $0xffff, v4  }
0x52: {  	v4 =	vld.idx.msk [tilespmem:v1+s13+$0xFFFFFBE0 ss:$0x1], $0xffff;
	[tilespmem:v0+s12+$0x0 ss:$0x1] =	vst.idx.msk $0xffff, v5  }
0x53: {  	v5 =	vld.idx.msk [tilespmem:v1+s13+$0xFFFFFBF0 ss:$0x1], $0xffff;
	[tilespmem:v0+s12+$0x10 ss:$0x1] =	vst.idx.msk $0xffff, v6  }
0x54: {  	v6 =	vld.idx.msk [tilespmem:v1+s13+$0xFFFFFC00 ss:$0x1], $0xffff;
	[tilespmem:v0+s12+$0x20 ss:$0x1] =	vst.idx.msk $0xffff, v7;
	s12 =	smov.u32 s13  }
0x55: {  	v7 =	vld.idx.msk [tilespmem:v1+s12+$0xFFFFFC10 ss:$0x1], $0xffff;
	[tilespmem:v0+s12+$0x30 ss:$0x1] =	vst.idx.msk $0xffff, v8  }
0x56: {  	[tilespmem:v0+s12+$0xFFFFFBC0 ss:$0x1] =	vst.idx.msk $0xffff, v2;
	v8 =	vld.idx.msk [tilespmem:v1+s12+$0xFFFFFC20 ss:$0x1], $0xffff  }
0x57: {  	[tilespmem:v0+s12+$0xFFFFFBD0 ss:$0x1] =	vst.idx.msk $0xffff, v3;
	v9 =	vld.idx.msk [tilespmem:v1+s12+$0xFFFFFC30 ss:$0x1], $0xffff  }
0x58: {  	[tilespmem:v0+s12+$0xFFFFFBE0 ss:$0x1] =	vst.idx.msk $0xffff, v4;
	v10 =	vld.idx.msk [tilespmem:v1+s12+$0xFFFFFFC0 ss:$0x1], $0xffff  }
0x59: {  	[tilespmem:v0+s12+$0xFFFFFBF0 ss:$0x1] =	vst.idx.msk $0xffff, v5;
	v2 =	vld.idx.msk [tilespmem:v1+s12+$0xFFFFFFD0 ss:$0x1], $0xffff  }
.Ltmp3:
0x5a: {  	[tilespmem:v0+s12+$0xFFFFFC00 ss:$0x1] =	vst.idx.msk $0xffff, v6;
	v3 =	vld.idx.msk [tilespmem:v1+s12+$0xFFFFFFE0 ss:$0x1], $0xffff;
	(pc) =	sbr.rel @p2 .LBB2_3-.Ltmp3, $4  }
0x5b: {  	[tilespmem:v0+s12+$0xFFFFFC10 ss:$0x1] =	vst.idx.msk $0xffff, v7;
	v4 =	vld.idx.msk [tilespmem:v1+s12+$0xFFFFFFF0 ss:$0x1], $0xffff  }
0x5c: {  	[tilespmem:v0+s12+$0xFFFFFC20 ss:$0x1] =	vst.idx.msk $0xffff, v8;
	v5 =	vld.idx.msk [tilespmem:v1+s12+$0x0 ss:$0x1], $0xffff  }
0x5d: {  	[tilespmem:v0+s12+$0xFFFFFC30 ss:$0x1] =	vst.idx.msk $0xffff, v9;
	v6 =	vld.idx.msk [tilespmem:v1+s12+$0x10 ss:$0x1], $0xffff  }
0x5e: {  	s13 =	sshra.s32 s14, $0x2;
	s14 =	sadd.s32 $0x200, s14;
	[tilespmem:v0+s12+$0xFFFFFFC0 ss:$0x1] =	vst.idx.msk $0xffff, v10;
	v7 =	vld.idx.msk [tilespmem:v1+s12+$0x20 ss:$0x1], $0xffff  }
.Ltmp4:
0x5f: {  	_ = 	snop;
	(pc) =	sbr.rel .LBB2_4-.Ltmp4, $1  }
0x60: {  	_ =	sdelay $0x3  }
.LBB2_6:
0x61: {  	_ =	sfence.sel $0x180000  }
0x62: {  	s2 =	simm.s32 $0x1;
	[bflag:$0x0] =	sbarrier.arrive $0xFFFF  }
0x63: {  	s31 =	simm.s32 $0x2;
	[sflag:s2] =	ssyncpa.u1 $0x1  }
0x64: {  	[sflag:s31] =	ssyncpa.u1 $0x1  }
0x65: {  	_ =	strace $0x90000065  }
0x66: {  	s0 =	sadd.s32 @!p0 $0x100000, s0;
	[bflag:$0x2] =	sbarrier.arrive $0xFFFF  }
0x67: {  	[sflag:s0] =	ssyncadd.tile.s32 @!p0 $0x1;
	s0 =	simm.s32 @!p0 $0x3F  }
0x68: {  	_ =	swait.ge @!p0 [sflag:s0], s1  }
0x69: {  	s1 =	ssub.s32 @!p0 $0x0, s1;
	[sflag:s0] =	ssyncset.done @!p0 $0x0  }
0x6a: {  	[sflag:s0] =	ssyncadd.s32 @!p0 s1  }
0x6b: {  	[bflag:$0x3] =	sbarrier.arrive $0xFFFF  }
0x6c: {  	_ =	shalt  }
.Lfunc_end2:
execute1_lowered:
.L_overlay_start_2:
0x6d: {  	(tag) =	ssettag $0x2  }
0x6e: {  	s2 =	rddreg [dreg:$0x0]  }
0x6f: {  	s3 =	rddreg [dreg:$0x1];
	_ =	strace $0x80000068;
	s0 =	simm.s32 $0x1  }
0x70: {  	s5 =	simm.s32 $0x208;
	v0 =	vimm.s32 $0x0;
	[sflag:s0] =	ssyncpa.u1 $0x0  }
0x71: {  	[tilespmem:s5+$0x70] =	vst v0  }
0x72: {  	[tilespmem:s5+$0x60] =	vst v0  }
0x73: {  	[tilespmem:s5+$0x50] =	vst v0  }
0x74: {  	[tilespmem:s5+$0x40] =	vst v0  }
0x75: {  	[tilespmem:s5+$0x30] =	vst v0  }
0x76: {  	s1 =	sadd.s32 $0x20400, s2;
	s0 =	sadd.s32 $0x23800, s2;
	s6 =	sadd.s32 $0x29600, s2;
	[tilespmem:s5+$0x20] =	vst v0  }
0x77: {  	s4 =	sadd.s32 $0x23C00, s2;
	s10 =	sand.u32 $0x1, s3;
	s2 =	simm.s32 $0x40;
	[tilespmem:s5+$0x10] =	vst v0  }
.LBB3_1:
0x78: {  	s2 =	sadd.s32 $0x40, s2;
	[tilespmem:s5+$0x0] =	vst v0;
	s5 =	sadd.s32 $0x80, s5  }
0x79: {  	p0 =	slt.u32 s2, $0x3880;
	[tilespmem:s5+$0x70] =	vst v0  }
0x7a: {  	[tilespmem:s5+$0x60] =	vst v0  }
.Ltmp5:
0x7b: {  	[tilespmem:s5+$0x50] =	vst v0;
	(pc) =	sbr.rel @p0 .LBB3_1-.Ltmp5, $4  }
0x7c: {  	[tilespmem:s5+$0x40] =	vst v0  }
0x7d: {  	[tilespmem:s5+$0x30] =	vst v0  }
0x7e: {  	[tilespmem:s5+$0x20] =	vst v0  }
0x7f: {  	[tilespmem:s5+$0x10] =	vst v0  }
0x80: {  	s11 =	stileid.u32  }
0x81: {  	s2 =	smin.u32 s11, $0xB  }
0x82: {  	s2 =	sadd.s32 s11, s2  }
0x83: {  	p0 =	slt.u32 s11, $0xB;
	s20 =	smul.u32 $0x70, s2;
	s2 =	simm.s32 $0xE0  }
0x84: {  	s2 =	simm.s32 @!p0 $0x70  }
0x85: {  	s2 =	sadd.s32 s2, s20  }
0x86: {  	s8 =	smin.u32 s2, $0xB90  }
0x87: {  	s2 =	ssub.s32 s8, s20  }
0x88: {  	p0 =	sgt.s32 s2, $0x0  }
0x89: {  	s26 =	simm.s32 $0x2;
	s2 =	simm.s32 @!p0 $0x0  }
0x8a: {  	s9 =	simm.s32 $0x9;
	s29 =	simm.s32 $0xA;
	s3 =	sand.u32 $0xFFF0, s2  }
0x8b: {  	s30 =	simm.s32 $0xB;
	s31 =	smul.u32 $0x172, s10;
	s3 =	sshrl.u32 s3, $0x4  }
0x8c: {  	[dreg:$0x4] =	wrdreg s10;
	s12 =	simm.s32 $0x1;
	s3 =	smul.u32 $0x2493, s3  }
0x8d: {  	p1 =	por $0x0, $0x0;
	s18 =	simm.s32 $0x80;
	s19 =	simm.s32 $0x400  }
0x8e: {  	s17 =	simm.s32 $0xC;
	s21 =	simm.s32 $0x0;
	s3 =	sshrl.u32 s3, $0x10  }
0x8f: {  	[tilespmem:s5+$0x0] =	vst v0;
	v0 =	vimm.s32 $0xFFFFFFFF;
	s23 =	simm.s32 $0x0;
	[sflag:s26] =	ssyncpa.u1 $0x0;
	s28 =	smul.u32 $0x70, s3  }
.Ltmp6:
0x90: {  	s16 =	sshll.u32 s11, $0x9;
	[tilespmem:$0xE408] =	vst v0;
	[sflag:s9] =	ssyncpa.u1 $0x0;
	(pc) =	sbr.rel .LBB3_3-.Ltmp6, $4  }
0x91: {  	s14 =	sadd.s32 s31, s4;
	p0 =	sne.s32 s2, s28;
	s2 =	simm.s32 $0x1  }
0x92: {  	s15 =	sadd.s32 s31, s0;
	[sflag:s29] =	ssyncpa.u1 $0x0;
	s2 =	simm.s32 @!p0 $0x0  }
0x93: {  	s0 =	simm.s32 $0x0;
	[sflag:s30] =	ssyncpa.u1 $0x0;
	s13 =	sadd.s32 s3, s2  }
0x94: {  	v0 =	vlaneseq.u32;
	s22 =	smov.u32 s20;
	p0 =	por $0x1, $0x1;
	s11 =	sadd.s32 $0x1, s13  }
.LBB3_24:
0x95: {  	s0 =	sshrl.u32 s0, $0x2  }
.LBB3_26:
0x96: {  	_ =	swait.ge [sflag:s17], s0  }
0x97: {  	s31 =	ssub.s32 $0x0, s0;
	v1 =	vmov s28;
	vm0 =	veq.s32 v0, $0x0;
	[sflag:s17] =	ssyncset.done $0x0  }
0x98: {  	vm15 =	veq.s32 v0, $0x2;
	v1 =	vsel vm0, s4, v1;
	[sflag:s17] =	ssyncadd.s32 s31  }
0x99: {  	v1 =	vsel vm15, s24, v1;
	[sflag:s17] =	ssyncpa.u1 $0x1  }
0x9a: {  	[tilespmem:$0xE408] =	vst v1  }
.LBB3_27:
0x9b: {  	s2 =	sadd.s32 $0x70, s22  }
0x9c: {  	s3 =	smov.u32 s20;
	p2 =	slt.s32 s2, s8  }
0x9d: {  	s3 =	smov.u32 @p2 s2;
	p2 =	sne.s32 s23, s11  }
.Ltmp7:
0x9e: {  	_ = 	snop;
	(pc) =	sbr.rel @!p2 .LBB3_28-.Ltmp7, $4  }
0x9f: {  	_ = 	snop  }
0xa0: {  	s0 =	smov.u32 s21  }
0xa1: {  	s31 =	sadd.s32 $0x1, s23;
	s21 =	smov.u32 s22;
	p0 =	por !p0, !p0  }
0xa2: {  	p1 =	por !p1, !p1;
	s23 =	smov.u32 s31;
	s22 =	smov.u32 s3  }
.LBB3_3:
0xa3: {  	p2 =	sge.u32 s23, s13  }
0xa4: {  	s2 =	smulhi.u32 @!p2 $0xAAAAAAAB, s23  }
0xa5: {  	s3 =	smov.u32 s22;
	p3 =	sgt.s32 @!p2 s22, $0xB20  }
0xa6: {  	s4 =	sshra.s32 @!p2 s22, $0x1F;
	p3 =	por !p3, p2;
	s2 =	sshrl.u32 @!p2 s2, $0x1  }
0xa7: {  	s4 =	sand.u32 @!p2 s4, s22;
	s3 =	simm.s32 @p3 $0xB20;
	s2 =	smul.u32 @!p2 $0x3, s2  }
0xa8: {  	s3 =	ssub.s32 @!p2 s3, s4  }
0xa9: {  	s3 =	sadd.s32 @!p2 $0xFFFFF4E0, s3;
	s2 =	ssub.s32 @!p2 s23, s2  }
0xaa: {  	s4 =	sshll.u32 @!p2 s3, $0x2;
	p3 =	sgt.s32 @!p2 s3, $0x6F;
	s2 =	smul.u32 @!p2 $0x1C0, s2  }
0xab: {  	s5 =	sand.u32 @!p2 $0x7, s22;
	s3 =	ssub.s32 @!p2 $0x1C0, s4;
	p3 =	por !p3, p2  }
0xac: {  	s4 =	sshrl.u32 @!p2 s22, $0x3;
	s3 =	sshrl.u32 @!p2 s3, $0x2;
	s2 =	sshrl.u32 @!p2 s2, $0x2  }
0xad: {  	s4 =	sadd.s32 @!p2 s4, s14;
	s3 =	simm.s32 @!p3 $0x0;
	s2 =	sadd.s32 @!p2 $0x10448, s2  }
0xae: {  	[tilespmem:s2], [sflag:$0xA] =	stream.linear.gather @!p2 [hbm4b:s4+s5], s3, $0x38;
	[tilespmem:$0x1E678] =	vst v63  }
0xaf: {  	s2 =	sadd.s32 $0xFFFFFFFF, s23  }
0xb0: {  	p2 =	sge.u32 s2, s13  }
0xb1: {  	p3 =	sgt.s32 @!p2 s21, $0xB20  }
0xb2: {  	s3 =	smov.u32 s21;
	s4 =	sshra.s32 @!p2 s21, $0x1F;
	p3 =	por !p3, p2  }
0xb3: {  	s4 =	sand.u32 @!p2 s4, s21;
	s3 =	simm.s32 @p3 $0xB20  }
0xb4: {  	s3 =	ssub.s32 @!p2 s3, s4  }
0xb5: {  	s3 =	sadd.s32 @!p2 $0xFFFFF4E0, s3  }
0xb6: {  	s4 =	sshll.u32 @!p2 s3, $0x2  }
0xb7: {  	p3 =	sgt.s32 @!p2 s3, $0x6F;
	s3 =	ssub.s32 @!p2 $0x1C0, s4  }
0xb8: {  	p3 =	por !p3, p2;
	s3 =	sshrl.u32 @!p2 s3, $0x2  }
0xb9: {  	s5 =	simm.s32 @!p2 $0xA;
	s4 =	sand.u32 @!p2 $0x1, s2;
	s3 =	simm.s32 @!p3 $0x0  }
0xba: {  	s4 =	smul.u32 @!p2 $0x1C0, s4;
	_ =	swait.ge @!p2 [sflag:s5], s3  }
0xbb: {  	s9 =	ssub.s32 @!p2 $0x0, s3;
	[sflag:s5] =	ssyncset.done @!p2 $0x0  }
0xbc: {  	s4 =	sshrl.u32 @!p2 s4, $0x2;
	[sflag:s5] =	ssyncadd.s32 @!p2 s9;
	s5 =	sshrl.u32 @!p2 s21, $0x3  }
0xbd: {  	s4 =	sadd.s32 @!p2 $0x10598, s4;
	s9 =	sand.u32 @!p2 $0x7, s21;
	s5 =	sadd.s32 @!p2 s5, s15  }
0xbe: {  	[tilespmem:s4], [sflag:$0xB] =	stream.linear.gather @!p2 [hbm4b:s5+s9], s3, $0x38;
	[tilespmem:$0x1E678] =	vst v63  }
0xbf: {  	s4 =	ssub.s32 @!p2 $0xB90, s21  }
0xc0: {  	p3 =	slt.s32 @!p2 s4, $0x1  }
0xc1: {  	p3 =	por p2, p3  }
.Ltmp8:
0xc2: {  	_ = 	snop;
	(pc) =	sbr.rel @p3 .LBB3_9-.Ltmp8, $1  }
0xc3: {  	_ =	sdelay $0x3  }
0xc4: {  	s3 =	smulhi.u32 $0xAAAAAAAB, s2;
	_ =	sdelay $0x1  }
0xc5: {  	s3 =	sshrl.u32 s3, $0x1  }
0xc6: {  	s3 =	smul.u32 $0x3, s3;
	_ =	sdelay $0x1  }
0xc7: {  	s30 =	ssub.s32 s2, s3  }
0xc8: {  	s5 =	simm.s32 $0x1;
	s2 =	smul.u32 $0x1C0, s30  }
.Ltmp9:
0xc9: {  	s5 =	simm.s32 @!p0 $0x0;
	(pc) =	sbr.rel .LBB3_6-.Ltmp9, $4  }
0xca: {  	s31 =	smul.u32 $0x1C000, s5  }
0xcb: {  	p3 =	slt.s32 @!p2 s4, $0x70;
	s2 =	sshrl.u32 s2, $0x2  }
0xcc: {  	p2 =	por !p3, p2;
	s3 =	sshrl.u32 s31, $0x2;
	s9 =	sadd.s32 $0x10448, s2  }
0xcd: {  	s4 =	simm.s32 @p2 $0x70;
	s5 =	sor.u32 $0x10678, s3;
	s2 =	simm.s32 $0x0;
	v1 =	vmov s9  }
.LBB3_5:
0xce: {  	p2 =	sge.s32 s2, s4  }
.Ltmp10:
0xcf: {  	_ = 	snop;
	(pc) =	sbr.rel @p2 .LBB3_9-.Ltmp10, $2  }
0xd0: {  	_ =	sdelay $0x2  }
0xd1: {  	s5 =	sadd.s32 $0x1000, s5  }
.LBB3_6:
0xd2: {  	p2 =	sle.s32 s4, s2  }
.Ltmp11:
0xd3: {  	_ = 	snop;
	(pc) =	sbr.rel @p2 .LBB3_5-.Ltmp11, $2  }
0xd4: {  	_ =	sdelay $0x2  }
0xd5: {  	s24 =	smov.u32 s2;
	s2 =	sadd.s32 $0x10, s2  }
0xd6: {  	s3 =	ssub.s32 s4, s24  }
0xd7: {  	p2 =	slt.s32 s3, $0x10  }
0xd8: {  	s3 =	simm.s32 @!p2 $0x10  }
0xd9: {  	v2 =	vmov s3  }
0xda: {  	vm0 =	vgt.s32 v2, v0;
	_ =	sdelay $0x5  }
0xdb: {  	v2 =	vld.idx.msk [tilespmem:v1+s24+$0x0 ss:$0x1], vm0;
	_ =	sdelay $0x2  }
0xdc: {  	p2 =	slt.s32 s2, s4;
	s3 =	smov.u32 s4  }
0xdd: {  	s9 =	smov.u32 s5;
	s25 =	simm.s32 $0x0;
	s3 =	smov.u32 @p2 s2  }
.LBB3_8:
0xde: {  	(v2sf) =	vpush v2, s25;
	_ =	sdelay $0xe  }
0xdf: {  	s25 =	sadd.s32 $0x1, s25;
	s10 =	spop (v2sf)  }
0xe0: {  	s31 =	sadd.s32 s25, s24;
	s26 =	sshll.u32 s10, $0x8;
	s10 =	sshll.u32 s10, $0x7  }
0xe1: {  	p2 =	slt.s32 s31, s3;
	s26 =	sand.u32 $0xFFFFF800, s26;
	s10 =	sand.u32 $0x380, s10  }
.Ltmp12:
0xe2: {  	s10 =	sor.u32 s10, s26;
	(pc) =	sbr.rel @p2 .LBB3_8-.Ltmp12, $4  }
0xe3: {  	s10 =	sshrl.u32 s10, $0x3  }
0xe4: {  	s10 =	sadd.s32 s6, s10  }
0xe5: {  	[tilespmem:s9], [sflag:$0x9] =	stream.strided.gather [hbm4b:s10+s18], $0x100, s19, s18, $0x38;
	[tilespmem:$0x1E678] =	vst v63  }
0xe6: {  	s9 =	sadd.s32 $0x100, s9  }
.Ltmp13:
0xe7: {  	_ = 	snop;
	(pc) =	sbr.rel .LBB3_5-.Ltmp13, $1  }
0xe8: {  	_ =	sdelay $0x3  }
.LBB3_9:
0xe9: {  	p2 =	slt.u32 s23, $0x2  }
.Ltmp14:
0xea: {  	_ = 	snop;
	(pc) =	sbr.rel @p2 .LBB3_27-.Ltmp14, $1  }
0xeb: {  	_ =	sdelay $0x3  }
0xec: {  	p2 =	sgt.s32 s0, $0xB20  }
0xed: {  	s2 =	smov.u32 s0;
	s3 =	sshra.s32 s0, $0x1F;
	s4 =	ssub.s32 $0xB90, s0  }
0xee: {  	s2 =	simm.s32 @!p2 $0xB20;
	s3 =	sand.u32 s3, s0;
	p2 =	slt.s32 s4, $0x70  }
0xef: {  	s2 =	ssub.s32 s2, s3;
	s4 =	simm.s32 @!p2 $0x70  }
0xf0: {  	s2 =	sadd.s32 $0xFFFFF4E0, s2;
	s25 =	sshll.u32 s4, $0x8  }
0xf1: {  	s29 =	simm.s32 $0x9;
	s26 =	sshll.u32 s2, $0x2;
	s3 =	sand.u32 $0x3FFFFF00, s25  }
0xf2: {  	p2 =	sgt.s32 s2, $0x6F;
	s28 =	ssub.s32 $0x1C0, s26;
	_ =	swait.ge [sflag:s29], s3  }
0xf3: {  	s3 =	ssub.s32 $0x0, s3;
	[sflag:s29] =	ssyncset.done $0x0;
	s2 =	sshrl.u32 s28, $0x2  }
0xf4: {  	s30 =	simm.s32 $0xB;
	[sflag:s29] =	ssyncadd.s32 s3;
	s2 =	simm.s32 @p2 $0x0  }
0xf5: {  	_ =	swait.ge [sflag:s30], s2  }
0xf6: {  	s2 =	ssub.s32 $0x0, s2;
	[sflag:s30] =	ssyncset.done $0x0  }
0xf7: {  	[sflag:s30] =	ssyncadd.s32 s2  }
0xf8: {  	v1 =	vld [tilespmem:$0xE408];
	_ =	sdelay $0x4  }
0xf9: {  	(v2sf) =	vpush v1, $0x0  }
0xfa: {  	(v2sf) =	vpush v1, $0x1  }
0xfb: {  	(v2sf) =	vpush v1, $0x2;
	_ =	sdelay $0x3  }
0xfc: {  	s2 =	sadd.s32 $0x70, s0  }
0xfd: {  	s3 =	ssub.s32 $0x1720, s0;
	p2 =	slt.s32 s8, s2  }
0xfe: {  	s2 =	smov.u32 @p2 s8;
	p2 =	sgt.s32 s3, $0x0  }
0xff: {  	s25 =	ssub.s32 s2, s0;
	s3 =	simm.s32 @!p2 $0x0  }
0x100: {  	p2 =	slt.s32 s3, s25  }
0x101: {  	s25 =	smov.u32 @p2 s3  }
0x102: {  	s4 =	simm.s32 $0x1;
	p2 =	slt.s32 s25, $0x1  }
.Ltmp15:
0x103: {  	s4 =	simm.s32 @!p1 $0x0;
	(pc) =	sbr.rel @p2 .LBB3_14-.Ltmp15, $4  }
0x104: {  	s31 =	smul.u32 $0x1C0, s4  }
0x105: {  	s0 =	spop (v2sf)  }
0x106: {  	s2 =	sshrl.u32 s31, $0x2;
	s5 =	spop (v2sf)  }
0x107: {  	s26 =	sadd.s32 $0x10598, s2;
	s24 =	spop (v2sf)  }
0x108: {  	s2 =	smin.u32 s25, $0x10  }
0x109: {  	v1 =	vmov s2  }
0x10a: {  	vm1 =	vgt.u32 v1, v0  }
0x10b: {  	p3 =	sgt.s32 s25, $0x10  }
.Ltmp16:
0x10c: {  	_ = 	snop;
	(pc) =	sbr.rel @!p3 .LBB3_13-.Ltmp16, $2  }
0x10d: {  	_ =	sdelay $0x2  }
0x10e: {  	s28 =	simm.s32 $0x10;
	s29 =	sadd.s32 $0xFFFFFFF0, s25;
	s2 =	smov.u32 s26;
	vm0 =	vmmov vm1;
	v1 =	vld.msk [tilespmem:s26+$0x0 ss:$0x1], vm1  }
.LBB3_12:
0x10f: {  	s3 =	smin.u32 s29, $0x10;
	s28 =	sadd.s32 $0x10, s28  }
0x110: {  	v2 =	vmov s3;
	p3 =	slt.s32 s28, s25  }
0x111: {  	vm1 =	vgt.u32 v2, v0;
	_ =	sdelay $0x1  }
0x112: {  	v2 =	vshll.u32 v1, $0x5;
	v1 =	vshll.u32 v1, $0x4  }
.Ltmp17:
0x113: {  	v2 =	vand.u32 $0xFFFFFF00, v2;
	v1 =	vand.u32 $0x70, v1;
	(pc) =	sbr.rel @p3 .LBB3_12-.Ltmp17, $4  }
0x114: {  	v1 =	vor.u32 v1, v2  }
0x115: {  	[tilespmem:s2+$0x0] =	vst.msk vm0, v1;
	s2 =	sadd.s32 $0x10, s2;
	vm0 =	vmmov vm1  }
0x116: {  	v1 =	vld.msk [tilespmem:s2+$0x0 ss:$0x1], vm1  }
0x117: {  	s29 =	sadd.s32 $0xFFFFFFF0, s29  }
.LBB3_13:
0x118: {  	_ =	sdelay $0x3  }
0x119: {  	v2 =	vshll.u32 v1, $0x5;
	v1 =	vshll.u32 v1, $0x4  }
0x11a: {  	v2 =	vand.u32 $0xFFFFFF00, v2;
	v1 =	vand.u32 $0x70, v1  }
0x11b: {  	v1 =	vor.u32 v1, v2  }
0x11c: {  	[tilespmem:s2+$0x0] =	vst.msk vm0, v1  }
.LBB3_14:
0x11d: {  	s2 =	sand.u32 $0x1, s23  }
0x11e: {  	s3 =	smul.u32 $0x7000, s2  }
0x11f: {  	p3 =	sne.s32 s5, $0xFFFFFFFF  }
0x120: {  	v1 =	vld @!p3 [tilespmem:s3+$0x10678];
	_ =	sdelay $0x2  }
0x121: {  	s2 =	smul.u32 $0x70, s2;
	_ =	sdelay $0x1  }
0x122: {  	v2 =	vld.msk @!p3 [tilespmem:s2+$0x10598], $0x1;
	[tilespmem:$0x208] =	vst @!p3 v1  }
0x123: {  	v1 =	vld @!p3 [tilespmem:s3+$0x10688];
	_ =	sdelay $0x4  }
0x124: {  	[tilespmem:$0x218] =	vst @!p3 v1  }
0x125: {  	v1 =	vld @!p3 [tilespmem:s3+$0x10698];
	_ =	sdelay $0x4  }
0x126: {  	[tilespmem:$0x228] =	vst @!p3 v1  }
0x127: {  	v1 =	vld @!p3 [tilespmem:s3+$0x106A8];
	_ =	sdelay $0x4  }
0x128: {  	[tilespmem:$0x238] =	vst @!p3 v1  }
0x129: {  	v1 =	vld @!p3 [tilespmem:s3+$0x106B8];
	_ =	sdelay $0x4  }
0x12a: {  	[tilespmem:$0x248] =	vst @!p3 v1  }
0x12b: {  	v1 =	vld @!p3 [tilespmem:s3+$0x106C8];
	_ =	sdelay $0x4  }
0x12c: {  	[tilespmem:$0x258] =	vst @!p3 v1  }
0x12d: {  	v1 =	vld @!p3 [tilespmem:s3+$0x106D8];
	_ =	sdelay $0x4  }
0x12e: {  	[tilespmem:$0x268] =	vst @!p3 v1  }
0x12f: {  	v1 =	vld @!p3 [tilespmem:s3+$0x106E8];
	_ =	sdelay $0x4  }
0x130: {  	[tilespmem:$0x278] =	vst @!p3 v1  }
0x131: {  	v1 =	vld @!p3 [tilespmem:s3+$0x106F8];
	_ =	sdelay $0x4  }
0x132: {  	[tilespmem:$0x288] =	vst @!p3 v1  }
0x133: {  	v1 =	vld @!p3 [tilespmem:s3+$0x10708];
	_ =	sdelay $0x4  }
0x134: {  	[tilespmem:$0x298] =	vst @!p3 v1  }
0x135: {  	v1 =	vld @!p3 [tilespmem:s3+$0x10718];
	_ =	sdelay $0x4  }
0x136: {  	[tilespmem:$0x2A8] =	vst @!p3 v1  }
0x137: {  	v1 =	vld @!p3 [tilespmem:s3+$0x10728];
	_ =	sdelay $0x4  }
0x138: {  	[tilespmem:$0x2B8] =	vst @!p3 v1  }
0x139: {  	v1 =	vld @!p3 [tilespmem:s3+$0x10738];
	_ =	sdelay $0x4  }
0x13a: {  	[tilespmem:$0x2C8] =	vst @!p3 v1  }
0x13b: {  	(v2sf) =	vpush @!p3 v2, $0x0;
	v1 =	vld @!p3 [tilespmem:s3+$0x10748];
	_ =	sdelay $0x4  }
0x13c: {  	[tilespmem:$0x2D8] =	vst @!p3 v1  }
0x13d: {  	v1 =	vld @!p3 [tilespmem:s3+$0x10758];
	_ =	sdelay $0x4  }
0x13e: {  	[tilespmem:$0x2E8] =	vst @!p3 v1  }
0x13f: {  	v1 =	vld @!p3 [tilespmem:s3+$0x10768]  }
.Ltmp18:
0x140: {  	_ = 	snop;
	(pc) =	sbr.rel @p2 .LBB3_25-.Ltmp18, $4  }
0x141: {  	_ = 	snop  }
0x142: {  	s31 =	spop @!p3 (v2sf)  }
0x143: {  	s24 =	simm.s32 @!p3 $0x0;
	s28 =	smov.u32 s31  }
0x144: {  	s31 =	smov.u32 @p3 s0;
	s28 =	smov.u32 @p3 s5;
	[tilespmem:$0x2F8] =	vst @!p3 v1;
	[sflag:s17] =	ssyncpa.u1 $0x0  }
0x145: {  	v1 =	vld.msk [tilespmem:s26+$0x0], $0x1;
	_ =	sdelay $0x4  }
0x146: {  	(v2sf) =	vpush v1, $0x0;
	_ =	sdelay $0xe  }
0x147: {  	s5 =	spop (v2sf)  }
0x148: {  	s7 =	smov.u32 s11;
	s0 =	smul.u32 $0x1C000, s4;
	p2 =	seq.s32 s31, s5  }
0x149: {  	s17 =	smov.u32 s15;
	s2 =	smov.u32 s31;
	p3 =	sgt.s32 @!p2 s31, $0x0  }
0x14a: {  	s30 =	simm.s32 $0x0;
	s0 =	sshrl.u32 s0, $0x2;
	p3 =	por !p3, p2  }
0x14b: {  	s29 =	sor.u32 $0x106F8, s0;
	s0 =	sadd.s32 $0xFFFFFFFF, s25;
	s2 =	simm.s32 @p3 $0x0  }
0x14c: {  	s4 =	simm.s32 @!p2 $0x7308;
	p3 =	sne.s32 s0, $0x0;
	s3 =	smin.u32 @!p2 s2, $0x1770  }
.Ltmp19:
0x14d: {  	s2 =	simm.s32 @!p2 $0x1;
	s9 =	sand.u32 @!p2 $0x1FF8, s3;
	(pc) =	sbr.rel @!p3 .LBB3_17-.Ltmp19, $4  }
0x14e: {  	s10 =	sadd.s32 @!p2 $0x80, s3;
	s11 =	sadd.s32 @!p2 s1, s9;
	s9 =	sand.u32 @!p2 $0x7, s3  }
0x14f: {  	[tilespmem:s4], [sflag:$0x2] =	stream.linear.gather @!p2 [hbm4b:s11+s9], $0x80, $0x38;
	[tilespmem:$0x1E678] =	vst v63  }
0x150: {  	s15 =	smov.u32 s14;
	s2 =	smov.u32 @p2 s30;
	s4 =	sand.u32 @!p2 $0x3FF8, s10  }
0x151: {  	s3 =	simm.s32 @!p2 $0x7388;
	s10 =	sadd.s32 @!p2 s1, s4;
	s4 =	sadd.s32 $0x1, s26  }
.LBB3_16:
0x152: {  	s11 =	smov.u32 s2  }
0x153: {  	[tilespmem:s3], [sflag:$0x2] =	stream.linear.gather @!p2 [hbm4b:s10+s9], $0x80, $0x38;
	[tilespmem:$0x1E678] =	vst v63  }
0x154: {  	s0 =	sadd.s32 $0xFFFFFFFF, s0;
	s9 =	smov.u32 s5;
	v1 =	vld.msk [tilespmem:s4+$0x0], $0x1  }
0x155: {  	p3 =	sne.s32 s0, $0x0;
	_ =	sdelay $0x3  }
0x156: {  	(v2sf) =	vpush v1, $0x0;
	_ =	sdelay $0xe  }
0x157: {  	s5 =	spop (v2sf)  }
0x158: {  	p2 =	seq.s32 s9, s5  }
0x159: {  	p4 =	sgt.s32 @!p2 s9, $0x0;
	s3 =	sshll.u32 @!p2 s2, $0xA;
	s2 =	sadd.s32 @!p2 $0x1, s2  }
0x15a: {  	p4 =	por !p4, p2;
	s3 =	sshra.s32 @!p2 s3, $0x2;
	s2 =	smov.u32 @p2 s11  }
0x15b: {  	s9 =	simm.s32 @p4 $0x0;
	s10 =	sadd.s32 @!p2 $0x7308, s3;
	s3 =	sadd.s32 @!p2 $0x7388, s3  }
.Ltmp20:
0x15c: {  	s9 =	smin.u32 @!p2 s9, $0x1770;
	(pc) =	sbr.rel @p3 .LBB3_16-.Ltmp20, $4  }
0x15d: {  	s11 =	sand.u32 @!p2 $0x1FF8, s9;
	s14 =	sadd.s32 @!p2 $0x80, s9  }
0x15e: {  	s9 =	sand.u32 @!p2 $0x7, s9;
	s11 =	sadd.s32 @!p2 s1, s11;
	s14 =	sand.u32 @!p2 $0x3FF8, s14  }
0x15f: {  	[tilespmem:s10], [sflag:$0x2] =	stream.linear.gather @!p2 [hbm4b:s11+s9], $0x80, $0x38;
	[tilespmem:$0x1E678] =	vst v63  }
0x160: {  	s4 =	sadd.s32 $0x1, s4;
	s10 =	sadd.s32 @!p2 s1, s14  }
.LBB3_17:
0x161: {  	[tilespmem:s3], [sflag:$0x2] =	stream.linear.gather @!p2 [hbm4b:s10+s9], $0x80, $0x38;
	[tilespmem:$0x1E678] =	vst v63  }
0x162: {  	s0 =	sshll.u32 s2, $0x8  }
.Ltmp21:
0x163: {  	s14 =	simm.s32 $0x2;
	s0 =	sand.u32 $0x3FFFFF00, s0;
	(pc) =	sbr.rel .LBB3_18-.Ltmp21, $4  }
0x164: {  	_ =	swait.ge [sflag:s14], s0  }
0x165: {  	s0 =	ssub.s32 $0x0, s0;
	[sflag:s14] =	ssyncset.done $0x0  }
0x166: {  	s11 =	smov.u32 s7;
	[sflag:s14] =	ssyncadd.s32 s0;
	s0 =	simm.s32 $0x0  }
0x167: {  	s14 =	smov.u32 s15;
	s15 =	smov.u32 s17;
	s17 =	simm.s32 $0xC  }
.LBB3_19:
0x168: {  	v1 =	vld [tilespmem:s29+$0xFFFFFF80]  }
0x169: {  	v2 =	vld [tilespmem:s5+$0x208];
	_ =	sdelay $0x4  }
0x16a: {  	v1 =	vmax.f32 v1, v2  }
0x16b: {  	v2 =	vld [tilespmem:s5+$0x218];
	[tilespmem:s5+$0x208] =	vst v1  }
0x16c: {  	v1 =	vld [tilespmem:s29+$0xFFFFFF90];
	_ =	sdelay $0x4  }
0x16d: {  	v1 =	vmax.f32 v1, v2  }
0x16e: {  	v2 =	vld [tilespmem:s5+$0x228];
	[tilespmem:s5+$0x218] =	vst v1  }
0x16f: {  	v1 =	vld [tilespmem:s29+$0xFFFFFFA0];
	_ =	sdelay $0x4  }
0x170: {  	v1 =	vmax.f32 v1, v2  }
0x171: {  	v2 =	vld [tilespmem:s5+$0x238];
	[tilespmem:s5+$0x228] =	vst v1  }
0x172: {  	v1 =	vld [tilespmem:s29+$0xFFFFFFB0];
	_ =	sdelay $0x4  }
0x173: {  	v1 =	vmax.f32 v1, v2  }
0x174: {  	v2 =	vld [tilespmem:s5+$0x248];
	[tilespmem:s5+$0x238] =	vst v1  }
0x175: {  	v1 =	vld [tilespmem:s29+$0xFFFFFFC0];
	_ =	sdelay $0x4  }
0x176: {  	v1 =	vmax.f32 v1, v2  }
0x177: {  	v2 =	vld [tilespmem:s5+$0x258];
	[tilespmem:s5+$0x248] =	vst v1  }
0x178: {  	v1 =	vld [tilespmem:s29+$0xFFFFFFD0];
	_ =	sdelay $0x4  }
0x179: {  	v1 =	vmax.f32 v1, v2  }
0x17a: {  	v2 =	vld [tilespmem:s5+$0x268];
	[tilespmem:s5+$0x258] =	vst v1  }
0x17b: {  	v1 =	vld [tilespmem:s29+$0xFFFFFFE0];
	_ =	sdelay $0x4  }
0x17c: {  	v1 =	vmax.f32 v1, v2  }
0x17d: {  	v2 =	vld [tilespmem:s5+$0x278];
	[tilespmem:s5+$0x268] =	vst v1  }
0x17e: {  	v1 =	vld [tilespmem:s29+$0xFFFFFFF0];
	_ =	sdelay $0x4  }
0x17f: {  	v1 =	vmax.f32 v1, v2  }
0x180: {  	v2 =	vld [tilespmem:s5+$0x288];
	[tilespmem:s5+$0x278] =	vst v1  }
0x181: {  	v1 =	vld [tilespmem:s29+$0x0];
	_ =	sdelay $0x4  }
0x182: {  	v1 =	vmax.f32 v1, v2  }
0x183: {  	v2 =	vld [tilespmem:s5+$0x298];
	[tilespmem:s5+$0x288] =	vst v1  }
0x184: {  	v1 =	vld [tilespmem:s29+$0x10];
	_ =	sdelay $0x4  }
0x185: {  	v1 =	vmax.f32 v1, v2  }
0x186: {  	v2 =	vld [tilespmem:s5+$0x2A8];
	[tilespmem:s5+$0x298] =	vst v1  }
0x187: {  	v1 =	vld [tilespmem:s29+$0x20];
	_ =	sdelay $0x4  }
0x188: {  	v1 =	vmax.f32 v1, v2  }
0x189: {  	v2 =	vld [tilespmem:s5+$0x2B8];
	[tilespmem:s5+$0x2A8] =	vst v1  }
0x18a: {  	v1 =	vld [tilespmem:s29+$0x30];
	_ =	sdelay $0x4  }
0x18b: {  	v1 =	vmax.f32 v1, v2  }
0x18c: {  	v2 =	vld [tilespmem:s5+$0x2C8];
	[tilespmem:s5+$0x2B8] =	vst v1  }
0x18d: {  	v1 =	vld [tilespmem:s29+$0x40];
	_ =	sdelay $0x4  }
0x18e: {  	v1 =	vmax.f32 v1, v2  }
0x18f: {  	v2 =	vld [tilespmem:s5+$0x2D8];
	[tilespmem:s5+$0x2C8] =	vst v1  }
0x190: {  	v1 =	vld [tilespmem:s29+$0x50];
	_ =	sdelay $0x4  }
0x191: {  	v1 =	vmax.f32 v1, v2  }
0x192: {  	v2 =	vld [tilespmem:s5+$0x2E8];
	[tilespmem:s5+$0x2D8] =	vst v1  }
0x193: {  	v1 =	vld [tilespmem:s29+$0x60];
	_ =	sdelay $0x4  }
0x194: {  	v1 =	vmax.f32 v1, v2  }
0x195: {  	v2 =	vld [tilespmem:s5+$0x2F8];
	[tilespmem:s5+$0x2E8] =	vst v1  }
0x196: {  	v1 =	vld [tilespmem:s29+$0x70];
	_ =	sdelay $0x4  }
0x197: {  	v1 =	vmax.f32 v1, v2  }
0x198: {  	[tilespmem:s5+$0x2F8] =	vst v1  }
.LBB3_23:
0x199: {  	s25 =	sadd.s32 $0xFFFFFFFF, s25  }
0x19a: {  	p2 =	sne.s32 s25, $0x0  }
.Ltmp22:
0x19b: {  	_ = 	snop;
	(pc) =	sbr.rel @!p2 .LBB3_24-.Ltmp22, $2  }
0x19c: {  	_ =	sdelay $0x2  }
0x19d: {  	s26 =	sadd.s32 $0x1, s26;
	s29 =	sadd.s32 $0x100, s29;
	s31 =	smov.u32 s4  }
.LBB3_18:
0x19e: {  	v1 =	vld.msk [tilespmem:s26+$0x0], $0x1;
	_ =	sdelay $0x4  }
0x19f: {  	(v2sf) =	vpush v1, $0x0;
	_ =	sdelay $0xe  }
0x1a0: {  	s4 =	spop (v2sf)  }
0x1a1: {  	p2 =	sne.s32 s31, s4  }
.Ltmp23:
0x1a2: {  	_ = 	snop;
	(pc) =	sbr.rel @!p2 .LBB3_19-.Ltmp23, $3  }
0x1a3: {  	_ =	sdelay $0x1  }
0x1a4: {  	s2 =	sshll.u32 s24, $0xA  }
0x1a5: {  	s5 =	sshra.s32 s2, $0x2  }
0x1a6: {  	p2 =	seq.s32 s31, s28  }
.Ltmp24:
0x1a7: {  	_ = 	snop;
	(pc) =	sbr.rel @!p2 .LBB3_21-.Ltmp24, $1  }
0x1a8: {  	_ =	sdelay $0x3  }
.Ltmp25:
0x1a9: {  	s2 =	sadd.s32 $0x208, s5;
	(pc) =	sbr.rel .LBB3_22-.Ltmp25, $4  }
0x1aa: {  	[spmem:s16] =	stream.linear.scatter [tilespmem:s2], [sflag:$0x1], $0x100, $0x38;
	[tilespmem:$0x1E678] =	vst v63  }
0x1ab: {  	_ =	swait.ge [sflag:s12], $0x100  }
0x1ac: {  	[sflag:s12] =	ssyncset.done $0x0  }
0x1ad: {  	[sflag:s12] =	ssyncadd.s32 $0xFFFFFF00  }
.LBB3_21:
0x1ae: {  	s2 =	sshll.u32 s30, $0xA  }
0x1af: {  	v2 =	vld [tilespmem:s5+$0x208];
	s2 =	sshra.s32 s2, $0x2  }
0x1b0: {  	v1 =	vld [tilespmem:s2+$0x7308];
	_ =	sdelay $0x4  }
0x1b1: {  	v1 =	vmax.f32 v1, v2  }
0x1b2: {  	v2 =	vld [tilespmem:s5+$0x218];
	[tilespmem:s5+$0x208] =	vst v1  }
0x1b3: {  	v1 =	vld [tilespmem:s2+$0x7318];
	_ =	sdelay $0x4  }
0x1b4: {  	v1 =	vmax.f32 v1, v2  }
0x1b5: {  	v2 =	vld [tilespmem:s5+$0x228];
	[tilespmem:s5+$0x218] =	vst v1  }
0x1b6: {  	v1 =	vld [tilespmem:s2+$0x7328];
	_ =	sdelay $0x4  }
0x1b7: {  	v1 =	vmax.f32 v1, v2  }
0x1b8: {  	v2 =	vld [tilespmem:s5+$0x238];
	[tilespmem:s5+$0x228] =	vst v1  }
0x1b9: {  	v1 =	vld [tilespmem:s2+$0x7338];
	_ =	sdelay $0x4  }
0x1ba: {  	v1 =	vmax.f32 v1, v2  }
0x1bb: {  	v2 =	vld [tilespmem:s5+$0x248];
	[tilespmem:s5+$0x238] =	vst v1  }
0x1bc: {  	v1 =	vld [tilespmem:s2+$0x7348];
	_ =	sdelay $0x4  }
0x1bd: {  	v1 =	vmax.f32 v1, v2  }
0x1be: {  	v2 =	vld [tilespmem:s5+$0x258];
	[tilespmem:s5+$0x248] =	vst v1  }
0x1bf: {  	v1 =	vld [tilespmem:s2+$0x7358];
	_ =	sdelay $0x4  }
0x1c0: {  	v1 =	vmax.f32 v1, v2  }
0x1c1: {  	v2 =	vld [tilespmem:s5+$0x268];
	[tilespmem:s5+$0x258] =	vst v1  }
0x1c2: {  	v1 =	vld [tilespmem:s2+$0x7368];
	_ =	sdelay $0x4  }
0x1c3: {  	v1 =	vmax.f32 v1, v2  }
0x1c4: {  	v2 =	vld [tilespmem:s5+$0x278];
	[tilespmem:s5+$0x268] =	vst v1  }
0x1c5: {  	v1 =	vld [tilespmem:s2+$0x7378];
	_ =	sdelay $0x4  }
0x1c6: {  	v1 =	vmax.f32 v1, v2  }
0x1c7: {  	v2 =	vld [tilespmem:s5+$0x288];
	[tilespmem:s5+$0x278] =	vst v1  }
0x1c8: {  	v1 =	vld [tilespmem:s2+$0x7388];
	_ =	sdelay $0x4  }
0x1c9: {  	v1 =	vmax.f32 v1, v2  }
0x1ca: {  	v2 =	vld [tilespmem:s5+$0x298];
	[tilespmem:s5+$0x288] =	vst v1  }
0x1cb: {  	v1 =	vld [tilespmem:s2+$0x7398];
	_ =	sdelay $0x4  }
0x1cc: {  	v1 =	vmax.f32 v1, v2  }
0x1cd: {  	v2 =	vld [tilespmem:s5+$0x2A8];
	[tilespmem:s5+$0x298] =	vst v1  }
0x1ce: {  	v1 =	vld [tilespmem:s2+$0x73A8];
	_ =	sdelay $0x4  }
0x1cf: {  	v1 =	vmax.f32 v1, v2  }
0x1d0: {  	v2 =	vld [tilespmem:s5+$0x2B8];
	[tilespmem:s5+$0x2A8] =	vst v1  }
0x1d1: {  	v1 =	vld [tilespmem:s2+$0x73B8];
	_ =	sdelay $0x4  }
0x1d2: {  	v1 =	vmax.f32 v1, v2  }
0x1d3: {  	v2 =	vld [tilespmem:s5+$0x2C8];
	[tilespmem:s5+$0x2B8] =	vst v1  }
0x1d4: {  	v1 =	vld [tilespmem:s2+$0x73C8];
	_ =	sdelay $0x4  }
0x1d5: {  	v1 =	vmax.f32 v1, v2  }
0x1d6: {  	v2 =	vld [tilespmem:s5+$0x2D8];
	[tilespmem:s5+$0x2C8] =	vst v1  }
0x1d7: {  	v1 =	vld [tilespmem:s2+$0x73D8];
	_ =	sdelay $0x4  }
0x1d8: {  	v1 =	vmax.f32 v1, v2  }
0x1d9: {  	v2 =	vld [tilespmem:s5+$0x2E8];
	[tilespmem:s5+$0x2D8] =	vst v1  }
0x1da: {  	v1 =	vld [tilespmem:s2+$0x73E8];
	_ =	sdelay $0x4  }
0x1db: {  	v1 =	vmax.f32 v1, v2  }
0x1dc: {  	v2 =	vld [tilespmem:s5+$0x2F8];
	[tilespmem:s5+$0x2E8] =	vst v1  }
0x1dd: {  	v1 =	vld [tilespmem:s2+$0x73F8];
	_ =	sdelay $0x3  }
0x1de: {  	p2 =	sgt.u32 s31, $0x1770  }
0x1df: {  	s2 =	sand.u32 @!p2 $0x1FF8, s31;
	v1 =	vmax.f32 v1, v2  }
0x1e0: {  	s3 =	sadd.s32 $0x208, s5;
	s9 =	sand.u32 @!p2 $0x7, s31;
	s2 =	sadd.s32 @!p2 s1, s2;
	[tilespmem:s5+$0x2F8] =	vst v1  }
0x1e1: {  	[hbm4b:s2+s9] =	stream.linear.scatter @!p2 [tilespmem:s3], [sflag:$0xC], $0x80, $0x38;
	[tilespmem:$0x1E678] =	vst v63  }
0x1e2: {  	s2 =	sadd.s32 @!p2 $0x80, s31  }
0x1e3: {  	s2 =	sand.u32 @!p2 $0x3FF8, s2  }
0x1e4: {  	s3 =	sadd.s32 $0x288, s5;
	s2 =	sadd.s32 @!p2 s1, s2  }
0x1e5: {  	[hbm4b:s2+s9] =	stream.linear.scatter @!p2 [tilespmem:s3], [sflag:$0xC], $0x80, $0x38;
	[tilespmem:$0x1E678] =	vst v63  }
0x1e6: {  	s2 =	simm.s32 $0x0  }
0x1e7: {  	s2 =	simm.s32 @!p2 $0x400  }
0x1e8: {  	s0 =	sadd.s32 s2, s0  }
.LBB3_22:
0x1e9: {  	s2 =	sadd.s32 $0x1, s24  }
0x1ea: {  	s3 =	sshrl.u32 s2, $0x4  }
0x1eb: {  	s3 =	smulhi.u32 $0x24924925, s3  }
0x1ec: {  	v1 =	vld [tilespmem:s29+$0xFFFFFF80]  }
0x1ed: {  	s3 =	smul.u32 $0x70, s3;
	_ =	sdelay $0x1  }
0x1ee: {  	s24 =	ssub.s32 s2, s3  }
0x1ef: {  	s2 =	sshll.u32 s24, $0x8  }
0x1f0: {  	[tilespmem:s2+$0x208] =	vst v1  }
0x1f1: {  	v1 =	vld [tilespmem:s29+$0xFFFFFF90];
	_ =	sdelay $0x4  }
0x1f2: {  	[tilespmem:s2+$0x218] =	vst v1  }
0x1f3: {  	v1 =	vld [tilespmem:s29+$0xFFFFFFA0];
	_ =	sdelay $0x4  }
0x1f4: {  	[tilespmem:s2+$0x228] =	vst v1  }
0x1f5: {  	v1 =	vld [tilespmem:s29+$0xFFFFFFB0];
	_ =	sdelay $0x4  }
0x1f6: {  	[tilespmem:s2+$0x238] =	vst v1  }
0x1f7: {  	v1 =	vld [tilespmem:s29+$0xFFFFFFC0];
	_ =	sdelay $0x4  }
0x1f8: {  	[tilespmem:s2+$0x248] =	vst v1  }
0x1f9: {  	v1 =	vld [tilespmem:s29+$0xFFFFFFD0];
	_ =	sdelay $0x4  }
0x1fa: {  	[tilespmem:s2+$0x258] =	vst v1  }
0x1fb: {  	v1 =	vld [tilespmem:s29+$0xFFFFFFE0];
	_ =	sdelay $0x4  }
0x1fc: {  	[tilespmem:s2+$0x268] =	vst v1  }
0x1fd: {  	v1 =	vld [tilespmem:s29+$0xFFFFFFF0];
	_ =	sdelay $0x4  }
0x1fe: {  	[tilespmem:s2+$0x278] =	vst v1  }
0x1ff: {  	v1 =	vld [tilespmem:s29+$0x0];
	_ =	sdelay $0x4  }
0x200: {  	[tilespmem:s2+$0x288] =	vst v1  }
0x201: {  	v1 =	vld [tilespmem:s29+$0x10];
	_ =	sdelay $0x4  }
0x202: {  	[tilespmem:s2+$0x298] =	vst v1  }
0x203: {  	v1 =	vld [tilespmem:s29+$0x20];
	_ =	sdelay $0x4  }
0x204: {  	[tilespmem:s2+$0x2A8] =	vst v1  }
0x205: {  	v1 =	vld [tilespmem:s29+$0x30];
	_ =	sdelay $0x4  }
0x206: {  	[tilespmem:s2+$0x2B8] =	vst v1  }
0x207: {  	v1 =	vld [tilespmem:s29+$0x40];
	_ =	sdelay $0x4  }
0x208: {  	[tilespmem:s2+$0x2C8] =	vst v1  }
0x209: {  	v1 =	vld [tilespmem:s29+$0x50];
	_ =	sdelay $0x4  }
0x20a: {  	[tilespmem:s2+$0x2D8] =	vst v1  }
0x20b: {  	v1 =	vld [tilespmem:s29+$0x60];
	_ =	sdelay $0x4  }
0x20c: {  	[tilespmem:s2+$0x2E8] =	vst v1  }
0x20d: {  	v1 =	vld [tilespmem:s29+$0x70]  }
.Ltmp26:
0x20e: {  	_ = 	snop;
	(pc) =	sbr.rel .LBB3_23-.Ltmp26, $2  }
0x20f: {  	_ =	sdelay $0x2  }
0x210: {  	s30 =	sadd.s32 $0x1, s30;
	[tilespmem:s2+$0x2F8] =	vst v1  }
.LBB3_25:
.Ltmp27:
0x211: {  	(pc) =	sbr.rel .LBB3_26-.Ltmp27, $4  }
0x212: {  	_ = 	snop  }
0x213: {  	s0 =	simm.s32 $0x2  }
0x214: {  	_ =	swait.ge [sflag:s0], $0x0  }
0x215: {  	s4 =	smov.u32 s31;
	[sflag:s0] =	ssyncset.done $0x0;
	s0 =	simm.s32 $0x0  }
.LBB3_28:
0x216: {  	_ =	sfence.sel $0x180000  }
0x217: {  	s0 =	simm.s32 $0x9;
	[bflag:$0x0] =	sbarrier.arrive $0xFFFF  }
0x218: {  	s24 =	simm.s32 $0xA;
	[sflag:s0] =	ssyncpa.u1 $0x1  }
0x219: {  	s25 =	simm.s32 $0xB;
	[sflag:s24] =	ssyncpa.u1 $0x1  }
0x21a: {  	s26 =	simm.s32 $0x2;
	[sflag:s25] =	ssyncpa.u1 $0x1  }
0x21b: {  	[sflag:s26] =	ssyncpa.u1 $0x1  }
0x21c: {  	v0 =	vld [tilespmem:$0xE408];
	_ =	sdelay $0x4  }
0x21d: {  	(v2sf) =	vpush v0, $0x0  }
0x21e: {  	(v2sf) =	vpush v0, $0x1;
	_ =	sdelay $0x1  }
0x21f: {  	(v2sf) =	vpush v0, $0x2;
	_ =	sdelay $0xb  }
0x220: {  	s0 =	spop (v2sf)  }
0x221: {  	s2 =	spop (v2sf)  }
0x222: {  	s3 =	smov.u32 s0;
	p0 =	sne.s32 s0, s2  }
0x223: {  	s4 =	spop (v2sf);
	s3 =	simm.s32 @!p0 $0xFFFFFFFF  }
0x224: {  	v2 =	vimm.s32 $0x1;
	v3 =	vlaneseq.u32;
	p0 =	seq.s32 s4, $0xFFFFFFFF;
	v1 =	vmov s3  }
0x225: {  	s15 =	stileid.u32;
	v0 =	vperm.xlane v0, v2;
	p1 =	sne.s32 @!p0 s0, s2;
	v1 =	vperm.xlane v1, v3  }
0x226: {  	vm0 =	vcmask $0x3F04;
	s6 =	simm.s32 $0xE408;
	s0 =	simm.s32 @!p0 $0x1;
	p1 =	por !p1, p0  }
0x227: {  	s3 =	sshll.u32 s15, $0x1;
	s2 =	sshll.u32 @!p0 s4, $0xA;
	s0 =	simm.s32 @p1 $0x0;
	v0 =	vsel vm0, v1, v0  }
0x228: {  	s5 =	sor.u32 $0x2000, s3;
	s2 =	sshra.s32 @!p0 s2, $0x2;
	s0 =	sor.u32 @!p0 s0, s3;
	[tilespmem:$0xE408] =	vst v0  }
0x229: {  	[spmem:s5] =	stream.linear.scatter [tilespmem:s6], [sflag:$0x1], $0x2, $0x38;
	[tilespmem:$0x1E678] =	vst v63  }
0x22a: {  	s2 =	sadd.s32 @!p0 $0x208, s2;
	s0 =	sshll.u32 @!p0 s0, $0x8  }
0x22b: {  	[spmem:s0] =	stream.linear.scatter @!p0 [tilespmem:s2], [sflag:$0x1], $0x100, $0x38;
	[tilespmem:$0x1E678] =	vst v63  }
0x22c: {  	s0 =	simm.s32 @!p0 $0x102  }
0x22d: {  	s28 =	simm.s32 $0x1;
	s0 =	simm.s32 @p0 $0x2  }
0x22e: {  	_ =	swait.ge [sflag:s28], s0  }
0x22f: {  	s0 =	ssub.s32 $0x0, s0;
	[sflag:s28] =	ssyncset.done $0x0  }
0x230: {  	p0 =	sne.s32 s15, $0x0;
	[sflag:s28] =	ssyncadd.s32 s0  }
.Ltmp28:
0x231: {  	_ =	sfence.stream.spmem;
	(pc) =	sbr.rel @p0 .LBB3_48-.Ltmp28, $4  }
0x232: {  	s29 =	simm.s32 $0x3;
	[bflag:$0x0] =	sbarrier.arrive $0xFFFF  }
0x233: {  	s30 =	simm.s32 $0x4;
	[sflag:s29] =	ssyncpa.u1 $0x1  }
0x234: {  	s31 =	simm.s32 $0x3C;
	[sflag:s30] =	ssyncpa.u1 $0x1  }
0x235: {  	s14 =	rddreg [dreg:$0x4];
	[sflag:s31] =	ssyncpa.u1 $0x1  }
0x236: {  	_ =	sfence.stream.spmem;
	s0 =	simm.s32 $0x5  }
0x237: {  	s2 =	simm.s32 $0x2000;
	s3 =	simm.s32 $0xE418;
	[sflag:s0] =	ssyncpa.u1 $0x0  }
0x238: {  	[tilespmem:s3], [sflag:$0x5] =	stream.linear.gather [spmem:s2], $0x20, $0x38;
	[tilespmem:$0x1E678] =	vst v63  }
0x239: {  	s26 =	simm.s32 $0x0;
	s28 =	simm.s32 $0xE438  }
0x23a: {  	[tilespmem:s28], [sflag:$0x5] =	stream.linear.gather [spmem:s26], $0x2000, $0x38;
	[tilespmem:$0x1E678] =	vst v63  }
0x23b: {  	_ =	swait.ge [sflag:s0], $0x2020  }
0x23c: {  	[sflag:s0] =	ssyncset.done $0x0  }
0x23d: {  	s29 =	simm.s32 $0x0;
	[sflag:s0] =	ssyncadd.s32 $0xFFFFDFE0  }
0x23e: {  	v0 =	vld.msk [tilespmem:s29+$0xE418], $0x1;
	_ =	sdelay $0x1  }
0x23f: {  	s30 =	simm.s32 $0x1  }
0x240: {  	v1 =	vld.msk [tilespmem:s30+$0xE418], $0x1;
	_ =	sdelay $0x1  }
0x241: {  	(v2sf) =	vpush v0, $0x0;
	_ =	sdelay $0x2  }
0x242: {  	(v2sf) =	vpush v1, $0x0;
	_ =	sdelay $0x2  }
0x243: {  	s31 =	simm.s32 $0x2  }
0x244: {  	v0 =	vld.msk [tilespmem:s31+$0xE418], $0x1;
	_ =	sdelay $0x2  }
0x245: {  	s2 =	simm.s32 $0xFFFFFFFF;
	s3 =	simm.s32 $0xFFFFFFFF;
	s0 =	simm.s32 $0xC  }
.LBB3_30:
0x246: {  	s4 =	smov.u32 s3;
	s5 =	smov.u32 s2  }
0x247: {  	s2 =	sshra.s32 s0, $0x2;
	p1 =	sne.s32 s0, $0x7C;
	s0 =	sadd.s32 $0x4, s0;
	(v2sf) =	vpush v0, $0x0  }
0x248: {  	v0 =	vld.msk [tilespmem:s2+$0xE418], $0x1  }
.Ltmp29:
0x249: {  	(pc) =	sbr.rel @p1 .LBB3_30-.Ltmp29, $4  }
0x24a: {  	s3 =	spop (v2sf)  }
0x24b: {  	p2 =	sne.s32 s5, $0xFFFFFFFF;
	s2 =	smov.u32 s3  }
0x24c: {  	p3 =	seq.s32 s3, $0xFFFFFFFF;
	s2 =	smov.u32 @p2 s5  }
0x24d: {  	s3 =	smov.u32 @p3 s4;
	s2 =	smov.u32 @p3 s5  }
0x24e: {  	(v2sf) =	vpush v0, $0x0;
	_ =	sdelay $0x8  }
0x24f: {  	s0 =	spop (v2sf)  }
0x250: {  	p1 =	sne.s32 s2, $0xFFFFFFFF;
	s9 =	simm.s32 $0x6;
	s4 =	smov.u32 s0  }
0x251: {  	s6 =	simm.s32 $0x0;
	p2 =	seq.s32 s0, $0xFFFFFFFF;
	s4 =	smov.u32 @p1 s2  }
0x252: {  	s10 =	simm.s32 $0xE308;
	s4 =	smov.u32 @p2 s2;
	s2 =	spop (v2sf)  }
0x253: {  	s0 =	smov.u32 @p2 s3;
	p1 =	sne.s32 s4, $0xFFFFFFFF;
	s5 =	smov.u32 s2  }
.Ltmp30:
0x254: {  	p2 =	seq.s32 s2, $0xFFFFFFFF;
	s5 =	smov.u32 @p1 s4;
	(pc) =	sbr.rel .LBB3_32-.Ltmp30, $4  }
0x255: {  	s11 =	simm.s32 $0xE388;
	s5 =	smov.u32 @p2 s4;
	s7 =	spop (v2sf)  }
0x256: {  	s12 =	simm.s32 $0x0;
	p1 =	sne.s32 s5, $0xFFFFFFFF;
	s8 =	smov.u32 s7  }
0x257: {  	s2 =	smov.u32 @p2 s0;
	p2 =	seq.s32 s7, $0xFFFFFFFF;
	s8 =	smov.u32 @p1 s5  }
0x258: {  	[sflag:s9] =	ssyncpa.u1 $0x0;
	s7 =	smov.u32 @p2 s2;
	s8 =	smov.u32 @p2 s5  }
.LBB3_37:
0x259: {  	s0 =	sshll.u32 s12, $0x8  }
0x25a: {  	s31 =	sshll.u32 s5, $0xA;
	s4 =	sand.u32 $0x3FFFFF00, s0  }
0x25b: {  	s0 =	sshra.s32 s31, $0x2;
	v0 =	vld [tilespmem:s4+$0xE438]  }
0x25c: {  	v1 =	vld [tilespmem:s0+$0xE438];
	_ =	sdelay $0x4  }
0x25d: {  	v0 =	vmax.f32 v0, v1  }
0x25e: {  	v49 =	vld [tilespmem:s0+$0xE448];
	[tilespmem:s0+$0xE438] =	vst v0  }
0x25f: {  	v0 =	vld [tilespmem:s4+$0xE448];
	_ =	sdelay $0x4  }
0x260: {  	v0 =	vmax.f32 v0, v49  }
0x261: {  	v50 =	vld [tilespmem:s0+$0xE458];
	[tilespmem:s0+$0xE448] =	vst v0  }
0x262: {  	v0 =	vld [tilespmem:s4+$0xE458];
	_ =	sdelay $0x4  }
0x263: {  	v0 =	vmax.f32 v0, v50  }
0x264: {  	v51 =	vld [tilespmem:s0+$0xE468];
	[tilespmem:s0+$0xE458] =	vst v0  }
0x265: {  	v0 =	vld [tilespmem:s4+$0xE468];
	_ =	sdelay $0x4  }
0x266: {  	v0 =	vmax.f32 v0, v51  }
0x267: {  	v52 =	vld [tilespmem:s0+$0xE478];
	[tilespmem:s0+$0xE468] =	vst v0  }
0x268: {  	v0 =	vld [tilespmem:s4+$0xE478];
	_ =	sdelay $0x4  }
0x269: {  	v0 =	vmax.f32 v0, v52  }
0x26a: {  	v53 =	vld [tilespmem:s0+$0xE488];
	[tilespmem:s0+$0xE478] =	vst v0  }
0x26b: {  	v0 =	vld [tilespmem:s4+$0xE488];
	_ =	sdelay $0x4  }
0x26c: {  	v0 =	vmax.f32 v0, v53  }
0x26d: {  	v54 =	vld [tilespmem:s0+$0xE498];
	[tilespmem:s0+$0xE488] =	vst v0  }
0x26e: {  	v0 =	vld [tilespmem:s4+$0xE498];
	_ =	sdelay $0x4  }
0x26f: {  	v0 =	vmax.f32 v0, v54  }
0x270: {  	v55 =	vld [tilespmem:s0+$0xE4A8];
	[tilespmem:s0+$0xE498] =	vst v0  }
0x271: {  	v0 =	vld [tilespmem:s4+$0xE4A8];
	_ =	sdelay $0x4  }
0x272: {  	v0 =	vmax.f32 v0, v55  }
0x273: {  	v56 =	vld [tilespmem:s0+$0xE4B8];
	[tilespmem:s0+$0xE4A8] =	vst v0  }
0x274: {  	v0 =	vld [tilespmem:s4+$0xE4B8];
	_ =	sdelay $0x4  }
0x275: {  	v0 =	vmax.f32 v0, v56  }
0x276: {  	v57 =	vld [tilespmem:s0+$0xE4C8];
	[tilespmem:s0+$0xE4B8] =	vst v0  }
0x277: {  	v0 =	vld [tilespmem:s4+$0xE4C8];
	_ =	sdelay $0x4  }
0x278: {  	v0 =	vmax.f32 v0, v57  }
0x279: {  	v58 =	vld [tilespmem:s0+$0xE4D8];
	[tilespmem:s0+$0xE4C8] =	vst v0  }
0x27a: {  	v0 =	vld [tilespmem:s4+$0xE4D8];
	_ =	sdelay $0x4  }
0x27b: {  	v0 =	vmax.f32 v0, v58  }
0x27c: {  	v59 =	vld [tilespmem:s0+$0xE4E8];
	[tilespmem:s0+$0xE4D8] =	vst v0  }
0x27d: {  	v0 =	vld [tilespmem:s4+$0xE4E8];
	_ =	sdelay $0x4  }
0x27e: {  	v0 =	vmax.f32 v0, v59  }
0x27f: {  	v60 =	vld [tilespmem:s0+$0xE4F8];
	[tilespmem:s0+$0xE4E8] =	vst v0  }
0x280: {  	v0 =	vld [tilespmem:s4+$0xE4F8];
	_ =	sdelay $0x4  }
0x281: {  	v0 =	vmax.f32 v0, v60  }
0x282: {  	v61 =	vld [tilespmem:s0+$0xE508];
	[tilespmem:s0+$0xE4F8] =	vst v0  }
0x283: {  	v0 =	vld [tilespmem:s4+$0xE508];
	_ =	sdelay $0x4  }
0x284: {  	v0 =	vmax.f32 v0, v61  }
0x285: {  	v62 =	vld [tilespmem:s0+$0xE518];
	[tilespmem:s0+$0xE508] =	vst v0  }
0x286: {  	v0 =	vld [tilespmem:s4+$0xE518];
	_ =	sdelay $0x4  }
0x287: {  	v0 =	vmax.f32 v0, v62  }
0x288: {  	v63 =	vld [tilespmem:s0+$0xE528];
	[tilespmem:s0+$0xE518] =	vst v0  }
0x289: {  	v0 =	vld [tilespmem:s4+$0xE528];
	_ =	sdelay $0x4  }
0x28a: {  	v0 =	vmax.f32 v0, v63  }
0x28b: {  	[tilespmem:s0+$0xE528] =	vst v0  }
.LBB3_42:
0x28c: {  	s12 =	sadd.s32 $0x1, s12  }
0x28d: {  	p1 =	sne.s32 s12, $0x20  }
.Ltmp31:
0x28e: {  	_ = 	snop;
	(pc) =	sbr.rel @!p1 .LBB3_43-.Ltmp31, $1  }
0x28f: {  	_ =	sdelay $0x3  }
.LBB3_32:
0x290: {  	v0 =	vld.msk [tilespmem:s12+$0xE418], $0x1;
	_ =	sdelay $0x4  }
0x291: {  	(v2sf) =	vpush v0, $0x0;
	_ =	sdelay $0xe  }
0x292: {  	s0 =	spop (v2sf)  }
0x293: {  	p1 =	seq.s32 s0, $0xFFFFFFFF  }
.Ltmp32:
0x294: {  	_ = 	snop;
	(pc) =	sbr.rel @p1 .LBB3_42-.Ltmp32, $1  }
0x295: {  	_ =	sdelay $0x3  }
0x296: {  	p1 =	slt.s32 s6, $0x1  }
.Ltmp33:
0x297: {  	_ = 	snop;
	(pc) =	sbr.rel @p1 .LBB3_38-.Ltmp33, $1  }
0x298: {  	_ =	sdelay $0x3  }
0x299: {  	s4 =	simm.s32 $0xE418;
	p1 =	por $0x0, $0x0  }
0x29a: {  	v1 =	vld.msk @!p1 [tilespmem:s4+$0x0], $0x1;
	_ =	sdelay $0x4  }
0x29b: {  	(v2sf) =	vpush @!p1 v1, $0x0;
	_ =	sdelay $0xd  }
0x29c: {  	p3 =	sne.s32 s6, $0x1  }
.Ltmp34:
0x29d: {  	s2 =	spop @!p1 (v2sf);
	(pc) =	sbr.rel @!p3 .LBB3_36-.Ltmp34, $4  }
0x29e: {  	p2 =	seq.s32 @!p1 s0, s2  }
0x29f: {  	s5 =	simm.s32 $0x0;
	p2 =	por !p2, p1  }
0x2a0: {  	s2 =	simm.s32 $0xFFFFFFFF;
	s5 =	simm.s32 @p2 $0xFFFFFFFF  }
0x2a1: {  	s13 =	simm.s32 $0x1;
	s5 =	smov.u32 @p1 s2  }
.LBB3_35:
0x2a2: {  	s2 =	smov.u32 s5;
	p1 =	sne.s32 s5, $0xFFFFFFFF  }
0x2a3: {  	s4 =	sadd.s32 $0x1, s4;
	s5 =	smov.u32 s13;
	s13 =	sadd.s32 $0x1, s13  }
0x2a4: {  	p2 =	sne.s32 s6, s13;
	v1 =	vld.msk @!p1 [tilespmem:s4+$0x0], $0x1;
	_ =	sdelay $0x4  }
0x2a5: {  	(v2sf) =	vpush @!p1 v1, $0x0;
	_ =	sdelay $0xe  }
.Ltmp35:
0x2a6: {  	s3 =	spop @!p1 (v2sf);
	(pc) =	sbr.rel @p2 .LBB3_35-.Ltmp35, $4  }
0x2a7: {  	p3 =	seq.s32 @!p1 s0, s3  }
0x2a8: {  	p3 =	por !p3, p1  }
0x2a9: {  	s5 =	simm.s32 @p3 $0xFFFFFFFF  }
0x2aa: {  	s5 =	smov.u32 @p1 s2  }
.LBB3_36:
0x2ab: {  	p1 =	seq.s32 s5, $0xFFFFFFFF  }
.Ltmp36:
0x2ac: {  	_ = 	snop;
	(pc) =	sbr.rel @!p1 .LBB3_37-.Ltmp36, $1  }
0x2ad: {  	_ =	sdelay $0x3  }
.LBB3_38:
0x2ae: {  	p1 =	sgt.u32 s0, $0x1770  }
0x2af: {  	p2 =	seq.s32 @!p1 s0, s8  }
0x2b0: {  	p1 =	por p1, p2  }
0x2b1: {  	p2 =	sne.s32 @!p1 s0, s7  }
0x2b2: {  	p1 =	por p1, !p2  }
.Ltmp37:
0x2b3: {  	_ = 	snop;
	(pc) =	sbr.rel @p1 .LBB3_39-.Ltmp37, $1  }
0x2b4: {  	_ =	sdelay $0x3  }
0x2b5: {  	s2 =	sand.u32 $0x1FF8, s0;
	s31 =	sadd.s32 $0x80, s0  }
0x2b6: {  	s3 =	sand.u32 $0x7, s0;
	s2 =	sadd.s32 s1, s2;
	s0 =	sand.u32 $0x3FF8, s31  }
0x2b7: {  	[tilespmem:s10], [sflag:$0x6] =	stream.linear.gather [hbm4b:s2+s3], $0x80, $0x38;
	[tilespmem:$0x1E678] =	vst v63  }
0x2b8: {  	s0 =	sadd.s32 s1, s0  }
0x2b9: {  	[tilespmem:s11], [sflag:$0x6] =	stream.linear.gather [hbm4b:s0+s3], $0x80, $0x38;
	[tilespmem:$0x1E678] =	vst v63  }
0x2ba: {  	_ =	swait.ge [sflag:s9], $0x100  }
0x2bb: {  	[sflag:s9] =	ssyncset.done $0x0  }
0x2bc: {  	s0 =	sshll.u32 s12, $0xA;
	[sflag:s9] =	ssyncadd.s32 $0xFFFFFF00  }
0x2bd: {  	s4 =	sshrl.u32 s0, $0x2;
	v1 =	vld [tilespmem:$0xE308]  }
0x2be: {  	v2 =	vld [tilespmem:s4+$0xE438];
	_ =	sdelay $0x4  }
0x2bf: {  	v1 =	vmax.f32 v1, v2  }
0x2c0: {  	v2 =	vld [tilespmem:s4+$0xE448];
	[tilespmem:s4+$0xE438] =	vst v1  }
0x2c1: {  	v1 =	vld [tilespmem:$0xE318];
	_ =	sdelay $0x4  }
0x2c2: {  	v1 =	vmax.f32 v1, v2  }
0x2c3: {  	v2 =	vld [tilespmem:s4+$0xE458];
	[tilespmem:s4+$0xE448] =	vst v1  }
0x2c4: {  	v1 =	vld [tilespmem:$0xE328];
	_ =	sdelay $0x4  }
0x2c5: {  	v1 =	vmax.f32 v1, v2  }
0x2c6: {  	v2 =	vld [tilespmem:s4+$0xE468];
	[tilespmem:s4+$0xE458] =	vst v1  }
0x2c7: {  	v1 =	vld [tilespmem:$0xE338];
	_ =	sdelay $0x4  }
0x2c8: {  	v1 =	vmax.f32 v1, v2  }
0x2c9: {  	v2 =	vld [tilespmem:s4+$0xE478];
	[tilespmem:s4+$0xE468] =	vst v1  }
0x2ca: {  	v1 =	vld [tilespmem:$0xE348];
	_ =	sdelay $0x4  }
0x2cb: {  	v1 =	vmax.f32 v1, v2  }
0x2cc: {  	v2 =	vld [tilespmem:s4+$0xE488];
	[tilespmem:s4+$0xE478] =	vst v1  }
0x2cd: {  	v1 =	vld [tilespmem:$0xE358];
	_ =	sdelay $0x4  }
0x2ce: {  	v1 =	vmax.f32 v1, v2  }
0x2cf: {  	v2 =	vld [tilespmem:s4+$0xE498];
	[tilespmem:s4+$0xE488] =	vst v1  }
0x2d0: {  	v1 =	vld [tilespmem:$0xE368];
	_ =	sdelay $0x4  }
0x2d1: {  	v1 =	vmax.f32 v1, v2  }
0x2d2: {  	v2 =	vld [tilespmem:s4+$0xE4A8];
	[tilespmem:s4+$0xE498] =	vst v1  }
0x2d3: {  	v1 =	vld [tilespmem:$0xE378];
	_ =	sdelay $0x4  }
0x2d4: {  	v1 =	vmax.f32 v1, v2  }
0x2d5: {  	v2 =	vld [tilespmem:s4+$0xE4B8];
	[tilespmem:s4+$0xE4A8] =	vst v1  }
0x2d6: {  	v1 =	vld [tilespmem:$0xE388];
	_ =	sdelay $0x4  }
0x2d7: {  	v1 =	vmax.f32 v1, v2  }
0x2d8: {  	v2 =	vld [tilespmem:s4+$0xE4C8];
	[tilespmem:s4+$0xE4B8] =	vst v1  }
0x2d9: {  	v1 =	vld [tilespmem:$0xE398];
	_ =	sdelay $0x4  }
0x2da: {  	v1 =	vmax.f32 v1, v2  }
0x2db: {  	v2 =	vld [tilespmem:s4+$0xE4D8];
	[tilespmem:s4+$0xE4C8] =	vst v1  }
0x2dc: {  	v1 =	vld [tilespmem:$0xE3A8];
	_ =	sdelay $0x4  }
0x2dd: {  	v1 =	vmax.f32 v1, v2  }
0x2de: {  	v2 =	vld [tilespmem:s4+$0xE4E8];
	[tilespmem:s4+$0xE4D8] =	vst v1  }
0x2df: {  	v1 =	vld [tilespmem:$0xE3B8];
	_ =	sdelay $0x4  }
0x2e0: {  	v1 =	vmax.f32 v1, v2  }
0x2e1: {  	v2 =	vld [tilespmem:s4+$0xE4F8];
	[tilespmem:s4+$0xE4E8] =	vst v1  }
0x2e2: {  	v1 =	vld [tilespmem:$0xE3C8];
	_ =	sdelay $0x4  }
0x2e3: {  	v1 =	vmax.f32 v1, v2  }
0x2e4: {  	v2 =	vld [tilespmem:s4+$0xE508];
	[tilespmem:s4+$0xE4F8] =	vst v1  }
0x2e5: {  	v1 =	vld [tilespmem:$0xE3D8];
	_ =	sdelay $0x4  }
0x2e6: {  	v1 =	vmax.f32 v1, v2  }
0x2e7: {  	v2 =	vld [tilespmem:s4+$0xE518];
	[tilespmem:s4+$0xE508] =	vst v1  }
0x2e8: {  	v1 =	vld [tilespmem:$0xE3E8];
	_ =	sdelay $0x4  }
0x2e9: {  	v1 =	vmax.f32 v1, v2  }
0x2ea: {  	v2 =	vld [tilespmem:s4+$0xE528];
	[tilespmem:s4+$0xE518] =	vst v1  }
0x2eb: {  	v1 =	vld [tilespmem:$0xE3F8];
	_ =	sdelay $0x4  }
0x2ec: {  	v1 =	vmax.f32 v1, v2  }
0x2ed: {  	[tilespmem:s4+$0xE528] =	vst v1  }
.LBB3_41:
0x2ee: {  	[tilespmem:s6+$0xE418] =	vst.msk $0x1, v0;
	s0 =	sshrl.u32 s0, $0x2  }
0x2ef: {  	v0 =	vld [tilespmem:s0+$0xE438];
	_ =	sdelay $0x2  }
0x2f0: {  	s2 =	sshll.u32 s6, $0xA  }
0x2f1: {  	s2 =	sshra.s32 s2, $0x2  }
0x2f2: {  	[tilespmem:s2+$0xE438] =	vst v0  }
0x2f3: {  	v0 =	vld [tilespmem:s0+$0xE448];
	_ =	sdelay $0x4  }
0x2f4: {  	[tilespmem:s2+$0xE448] =	vst v0  }
0x2f5: {  	v0 =	vld [tilespmem:s0+$0xE458];
	_ =	sdelay $0x4  }
0x2f6: {  	[tilespmem:s2+$0xE458] =	vst v0  }
0x2f7: {  	v0 =	vld [tilespmem:s0+$0xE468];
	_ =	sdelay $0x4  }
0x2f8: {  	[tilespmem:s2+$0xE468] =	vst v0  }
0x2f9: {  	v0 =	vld [tilespmem:s0+$0xE478];
	_ =	sdelay $0x4  }
0x2fa: {  	[tilespmem:s2+$0xE478] =	vst v0  }
0x2fb: {  	v0 =	vld [tilespmem:s0+$0xE488];
	_ =	sdelay $0x4  }
0x2fc: {  	[tilespmem:s2+$0xE488] =	vst v0  }
0x2fd: {  	v0 =	vld [tilespmem:s0+$0xE498];
	_ =	sdelay $0x4  }
0x2fe: {  	[tilespmem:s2+$0xE498] =	vst v0  }
0x2ff: {  	v0 =	vld [tilespmem:s0+$0xE4A8];
	_ =	sdelay $0x4  }
0x300: {  	[tilespmem:s2+$0xE4A8] =	vst v0  }
0x301: {  	v0 =	vld [tilespmem:s0+$0xE4B8];
	_ =	sdelay $0x4  }
0x302: {  	[tilespmem:s2+$0xE4B8] =	vst v0  }
0x303: {  	v0 =	vld [tilespmem:s0+$0xE4C8];
	_ =	sdelay $0x4  }
0x304: {  	[tilespmem:s2+$0xE4C8] =	vst v0  }
0x305: {  	v0 =	vld [tilespmem:s0+$0xE4D8];
	_ =	sdelay $0x4  }
0x306: {  	[tilespmem:s2+$0xE4D8] =	vst v0  }
0x307: {  	v0 =	vld [tilespmem:s0+$0xE4E8];
	_ =	sdelay $0x4  }
0x308: {  	[tilespmem:s2+$0xE4E8] =	vst v0  }
0x309: {  	v0 =	vld [tilespmem:s0+$0xE4F8];
	_ =	sdelay $0x4  }
0x30a: {  	[tilespmem:s2+$0xE4F8] =	vst v0  }
0x30b: {  	v0 =	vld [tilespmem:s0+$0xE508];
	_ =	sdelay $0x4  }
0x30c: {  	[tilespmem:s2+$0xE508] =	vst v0  }
0x30d: {  	v0 =	vld [tilespmem:s0+$0xE518];
	_ =	sdelay $0x4  }
0x30e: {  	[tilespmem:s2+$0xE518] =	vst v0  }
0x30f: {  	v0 =	vld [tilespmem:s0+$0xE528]  }
.Ltmp38:
0x310: {  	_ = 	snop;
	(pc) =	sbr.rel .LBB3_42-.Ltmp38, $2  }
0x311: {  	_ =	sdelay $0x2  }
0x312: {  	s6 =	sadd.s32 $0x1, s6;
	[tilespmem:s2+$0xE528] =	vst v0  }
.LBB3_39:
.Ltmp39:
0x313: {  	(pc) =	sbr.rel .LBB3_41-.Ltmp39, $2  }
0x314: {  	_ =	sdelay $0x2  }
0x315: {  	s0 =	sshll.u32 s12, $0xA  }
.LBB3_43:
0x316: {  	s0 =	simm.s32 $0x6;
	p1 =	seq.s32 s6, $0x0  }
0x317: {  	[sflag:s0] =	ssyncpa.u1 $0x1;
	v0 =	vimm.s32 @p1 $0xFFFFFFFF  }
0x318: {  	s0 =	sadd.s32 $0xFFFFFFFF, s6;
	[tilespmem:$0x10438] =	vst @p1 v0  }
0x319: {  	v0 =	vld.msk @!p1 [tilespmem:s0+$0xE418], $0x1;
	_ =	sdelay $0x1  }
0x31a: {  	v1 =	vld.msk @!p1 [tilespmem:$0xE418], $0x1;
	_ =	sdelay $0x2  }
0x31b: {  	p2 =	seq.s32 @!p1 s0, $0x0;
	v0 =	vbroadcast @!p1 v0, $0x0  }
0x31c: {  	vm0 =	vmmov @!p1 $0x1;
	p2 =	por !p2, p1  }
0x31d: {  	v1 =	vnsel @!p1 vm0, $0xFFFFFFFF, v1;
	vm0 =	vcmask @!p1 $0x308;
	v0 =	vpsel !p2, $0xFFFFFFFF, v0  }
0x31e: {  	p2 =	sne.s32 @!p1 s8, s7;
	v0 =	vsel @!p1 vm0, v1, v0  }
0x31f: {  	s2 =	simm.s32 @!p1 $0xE438;
	s3 =	simm.s32 @!p1 $0x0;
	p3 =	por !p2, p1;
	[tilespmem:$0x10438] =	vst @!p1 v0  }
0x320: {  	[spmem:s3] =	stream.linear.scatter @!p1 [tilespmem:s2], [sflag:$0x1], $0x100, $0x38;
	[tilespmem:$0x1E678] =	vst v63  }
0x321: {  	s2 =	sshll.u32 @!p3 s0, $0xA  }
0x322: {  	s2 =	sshra.s32 @!p3 s2, $0x2  }
0x323: {  	s3 =	simm.s32 @!p3 $0x100;
	s2 =	sadd.s32 @!p3 $0xE438, s2  }
0x324: {  	[spmem:s3] =	stream.linear.scatter @!p3 [tilespmem:s2], [sflag:$0x1], $0x100, $0x38;
	[tilespmem:$0x1E678] =	vst v63  }
0x325: {  	s2 =	simm.s32 @!p3 $0x1  }
0x326: {  	_ =	swait.ge @!p3 [sflag:s2], $0x200  }
0x327: {  	p1 =	por p2, p1;
	[sflag:s2] =	ssyncset.done @!p3 $0x0  }
0x328: {  	[sflag:s2] =	ssyncadd.s32 @!p3 $0xFFFFFE00;
	s2 =	simm.s32 @!p1 $0x1  }
0x329: {  	_ =	swait.ge @!p1 [sflag:s2], $0x100  }
0x32a: {  	s29 =	simm.s32 $0x10438;
	[sflag:s2] =	ssyncset.done @!p1 $0x0  }
0x32b: {  	s30 =	simm.s32 $0x2000;
	s31 =	simm.s32 $0x1;
	[sflag:s2] =	ssyncadd.s32 @!p1 $0xFFFFFF00  }
0x32c: {  	[spmem:s30] =	stream.linear.scatter [tilespmem:s29], [sflag:$0x1], $0x10, $0x38;
	[tilespmem:$0x1E678] =	vst v63  }
0x32d: {  	_ =	swait.ge [sflag:s31], $0x10  }
0x32e: {  	[sflag:s31] =	ssyncset.done $0x0  }
0x32f: {  	p1 =	seq.s32 s14, $0x0;
	s9 =	rddreg [dreg:$0x1];
	[sflag:s31] =	ssyncadd.s32 $0xFFFFFFF0  }
0x330: {  	s3 =	sshll.u32 @p1 s9, $0xE;
	s8 =	rddreg [dreg:$0x2]  }
0x331: {  	s2 =	sadd.s32 @p1 $0x15C3C, s3;
	s3 =	sshll.u32 @p1 s8, $0x11  }
0x332: {  	_ =	sfence.stream.spmem;
	s2 =	sor.u32 @p1 s3, s2  }
0x333: {  	[sflag:s2] =	ssyncadd.remote.s32 @p1 $0x1;
	s2 =	simm.s32 @p1 $0x4  }
0x334: {  	s4 =	simm.s32 @!p1 $0x3C;
	s3 =	sand.u32 $0xFFFFFFFE, s9;
	_ =	swait.ge @p1 [sflag:s2], $0x42  }
0x335: {  	s5 =	simm.s32 @!p1 $0x0;
	s3 =	sadd.s32 @!p1 $0x4, s3;
	[sflag:s2] =	ssyncset.done @p1 $0x0  }
0x336: {  	s7 =	simm.s32 @!p1 $0x200;
	[sflag:s2] =	ssyncadd.s32 @p1 $0xFFFFFFBE;
	s2 =	sshll.u32 @!p1 s3, $0x1A  }
0x337: {  	s3 =	sshll.u32 @!p1 s3, $0xD;
	s2 =	sor.u32 @!p1 s2, s8;
	_ =	swait.eq @!p1 [sflag:s4], $0x1  }
0x338: {  	s3 =	sor.u32 @!p1 $0x1C04, s3;
	s4 =	simm.s32 @!p1 $0x1C03;
	s2 =	sor.u32 @!p1 $0x80004000, s2  }
0x339: {  	[spmem:s7], [sflag:s3] =	dma.general @!p1 [spmem:s5], [sflag:s4], length:$0x40, [dreg:$0x0], stride_count:$0x0, ici_dest:s2, dma_misc:DstOpCode:WRITE  }
0x33a: {  	p2 =	slt.s32 s0, $0x2;
	s5 =	simm.s32 @!p1 $0x400;
	s7 =	simm.s32 @!p1 $0x402  }
0x33b: {  	[spmem:s7], [sflag:s3] =	dma.general @!p1 [spmem:s5], [sflag:s4], length:$0x2, [dreg:$0x0], stride_count:$0x0, ici_dest:s2, dma_misc:DstOpCode:WRITE  }
.Ltmp40:
0x33c: {  	s2 =	simm.s32 @!p1 $0x3;
	(pc) =	sbr.rel @p2 .LBB3_47-.Ltmp40, $4  }
0x33d: {  	s3 =	sshll.u32 @!p1 s9, $0xE;
	_ =	swait.ge @!p1 [sflag:s2], $0x42  }
0x33e: {  	s4 =	sshll.u32 @!p1 s8, $0x11;
	s3 =	sadd.s32 @!p1 $0x11C3C, s3;
	[sflag:s2] =	ssyncset.done @!p1 $0x0  }
0x33f: {  	[sflag:s2] =	ssyncadd.s32 @!p1 $0xFFFFFFBE;
	s2 =	sor.u32 @!p1 s4, s3  }
0x340: {  	s0 =	simm.s32 $0x0;
	[sflag:s2] =	ssyncadd.remote.s32 @!p1 $0xFFFFFFFF  }
0x341: {  	s0 =	simm.s32 $0xE419  }
0x342: {  	v0 =	vld.msk [tilespmem:s0+$0x0], $0x1;
	_ =	sdelay $0x4  }
0x343: {  	(v2sf) =	vpush v0, $0x0;
	_ =	sdelay $0xd  }
0x344: {  	s31 =	sadd.s32 $0xFFFFFFFE, s6  }
0x345: {  	s6 =	simm.s32 $0x0;
	s0 =	sadd.s32 $0xFFFFFFFF, s31;
	s2 =	spop (v2sf)  }
0x346: {  	s3 =	simm.s32 $0xE538;
	p1 =	sne.s32 s0, $0x0;
	p2 =	sgt.u32 s2, $0x1770  }
.Ltmp41:
0x347: {  	s4 =	simm.s32 $0xE638;
	s5 =	sand.u32 @!p2 $0x1FF8, s2;
	(pc) =	sbr.rel @!p1 .LBB3_46-.Ltmp41, $4  }
0x348: {  	s7 =	sadd.s32 @!p2 $0x80, s2;
	s2 =	sand.u32 @!p2 $0x7, s2;
	s6 =	simm.s32 @!p2 $0x400  }
0x349: {  	s5 =	sadd.s32 @!p2 s1, s5;
	s7 =	sand.u32 @!p2 $0x3FF8, s7;
	s6 =	sadd.s32 $0x0, s6  }
0x34a: {  	[hbm4b:s5+s2] =	stream.linear.scatter @!p2 [tilespmem:s3], [sflag:$0x5], $0x80, $0x38;
	[tilespmem:$0x1E678] =	vst v63  }
0x34b: {  	s5 =	simm.s32 $0xE41A;
	s3 =	simm.s32 @!p2 $0xE5B8;
	s7 =	sadd.s32 @!p2 s1, s7  }
.LBB3_45:
0x34c: {  	[hbm4b:s7+s2] =	stream.linear.scatter @!p2 [tilespmem:s3], [sflag:$0x5], $0x80, $0x38;
	[tilespmem:$0x1E678] =	vst v63  }
0x34d: {  	s0 =	sadd.s32 $0xFFFFFFFF, s0;
	s3 =	smov.u32 s4;
	v0 =	vld.msk [tilespmem:s5+$0x0], $0x1  }
0x34e: {  	p1 =	sne.s32 s0, $0x0;
	_ =	sdelay $0x3  }
0x34f: {  	(v2sf) =	vpush v0, $0x0;
	_ =	sdelay $0xe  }
0x350: {  	s4 =	sadd.s32 $0x100, s4;
	s8 =	simm.s32 $0x0;
	s2 =	spop (v2sf)  }
.Ltmp42:
0x351: {  	s5 =	sadd.s32 $0x1, s5;
	p2 =	sgt.u32 s2, $0x1770;
	(pc) =	sbr.rel @p1 .LBB3_45-.Ltmp42, $4  }
0x352: {  	s8 =	simm.s32 @!p2 $0x400;
	s7 =	sand.u32 @!p2 $0x1FF8, s2;
	s9 =	sadd.s32 @!p2 $0x80, s2  }
0x353: {  	s2 =	sand.u32 @!p2 $0x7, s2;
	s7 =	sadd.s32 @!p2 s1, s7;
	s9 =	sand.u32 @!p2 $0x3FF8, s9  }
0x354: {  	[hbm4b:s7+s2] =	stream.linear.scatter @!p2 [tilespmem:s3], [sflag:$0x5], $0x80, $0x38;
	[tilespmem:$0x1E678] =	vst v63  }
0x355: {  	s6 =	sadd.s32 s6, s8;
	s3 =	sadd.s32 @!p2 $0x80, s3;
	s7 =	sadd.s32 @!p2 s1, s9  }
.LBB3_46:
0x356: {  	[hbm4b:s7+s2] =	stream.linear.scatter @!p2 [tilespmem:s3], [sflag:$0x5], $0x80, $0x38;
	[tilespmem:$0x1E678] =	vst v63  }
0x357: {  	s0 =	sshrl.u32 s6, $0x2  }
.LBB3_47:
0x358: {  	s2 =	simm.s32 $0x5  }
0x359: {  	_ =	swait.ge [sflag:s2], s0  }
0x35a: {  	s31 =	ssub.s32 $0x0, s0;
	[sflag:s2] =	ssyncset.done $0x0  }
0x35b: {  	[sflag:s2] =	ssyncadd.s32 s31  }
0x35c: {  	[sflag:s2] =	ssyncpa.u1 $0x1  }
.LBB3_48:
0x35d: {  	s0 =	sor.u32 s14, s15  }
0x35e: {  	p1 =	sne.s32 s0, $0x0  }
.Ltmp43:
0x35f: {  	_ = 	snop;
	(pc) =	sbr.rel @p1 .LBB3_66-.Ltmp43, $3  }
0x360: {  	_ =	sdelay $0x1  }
0x361: {  	[bflag:$0x0] =	sbarrier.arrive $0xFFFF  }
0x362: {  	_ =	sfence  }
0x363: {  	s0 =	simm.s32 $0x7  }
0x364: {  	s2 =	simm.s32 $0x2000;
	s3 =	simm.s32 $0xE418;
	[sflag:s0] =	ssyncpa.u1 $0x0  }
0x365: {  	[tilespmem:s3], [sflag:$0x7] =	stream.linear.gather [spmem:s2], $0x20, $0x38;
	[tilespmem:$0x1E678] =	vst v63  }
0x366: {  	s31 =	simm.s32 $0xE438;
	s2 =	simm.s32 $0x0  }
0x367: {  	[tilespmem:s31], [sflag:$0x7] =	stream.linear.gather [spmem:s2], $0x2000, $0x38;
	[tilespmem:$0x1E678] =	vst v63  }
.Ltmp44:
0x368: {  	_ = 	snop;
	(pc) =	sbr.rel .LBB3_50-.Ltmp44, $4  }
0x369: {  	_ =	swait.ge [sflag:s0], $0x2020  }
0x36a: {  	[sflag:s0] =	ssyncset.done $0x0  }
0x36b: {  	s4 =	simm.s32 $0xE308;
	s3 =	simm.s32 $0x8;
	[sflag:s0] =	ssyncadd.s32 $0xFFFFDFE0  }
0x36c: {  	s5 =	simm.s32 $0xE388;
	s6 =	simm.s32 $0x0;
	[sflag:s3] =	ssyncpa.u1 $0x0  }
.LBB3_58:
0x36d: {  	s7 =	sand.u32 $0x1FF8, s0;
	s30 =	sadd.s32 $0x80, s0  }
0x36e: {  	s8 =	sand.u32 $0x7, s0;
	s7 =	sadd.s32 s1, s7;
	s0 =	sand.u32 $0x3FF8, s30  }
0x36f: {  	[tilespmem:s4], [sflag:$0x8] =	stream.linear.gather [hbm4b:s7+s8], $0x80, $0x38;
	[tilespmem:$0x1E678] =	vst v63  }
0x370: {  	s0 =	sadd.s32 s1, s0  }
0x371: {  	[tilespmem:s5], [sflag:$0x8] =	stream.linear.gather [hbm4b:s0+s8], $0x80, $0x38;
	[tilespmem:$0x1E678] =	vst v63  }
0x372: {  	_ =	swait.ge [sflag:s3], $0x100  }
0x373: {  	[sflag:s3] =	ssyncset.done $0x0  }
0x374: {  	s0 =	sshll.u32 s6, $0xA;
	[sflag:s3] =	ssyncadd.s32 $0xFFFFFF00  }
0x375: {  	s31 =	sshrl.u32 s0, $0x2;
	v1 =	vld [tilespmem:$0xE308]  }
0x376: {  	v2 =	vld [tilespmem:s31+$0xE438];
	_ =	sdelay $0x4  }
0x377: {  	v1 =	vmax.f32 v1, v2  }
0x378: {  	v2 =	vld [tilespmem:s31+$0xE448];
	[tilespmem:s31+$0xE438] =	vst v1  }
0x379: {  	v1 =	vld [tilespmem:$0xE318];
	_ =	sdelay $0x4  }
0x37a: {  	v1 =	vmax.f32 v1, v2  }
0x37b: {  	v2 =	vld [tilespmem:s31+$0xE458];
	[tilespmem:s31+$0xE448] =	vst v1  }
0x37c: {  	v1 =	vld [tilespmem:$0xE328];
	_ =	sdelay $0x4  }
0x37d: {  	v1 =	vmax.f32 v1, v2  }
0x37e: {  	v2 =	vld [tilespmem:s31+$0xE468];
	[tilespmem:s31+$0xE458] =	vst v1  }
0x37f: {  	v1 =	vld [tilespmem:$0xE338];
	_ =	sdelay $0x4  }
0x380: {  	v1 =	vmax.f32 v1, v2  }
0x381: {  	v2 =	vld [tilespmem:s31+$0xE478];
	[tilespmem:s31+$0xE468] =	vst v1  }
0x382: {  	v1 =	vld [tilespmem:$0xE348];
	_ =	sdelay $0x4  }
0x383: {  	v1 =	vmax.f32 v1, v2  }
0x384: {  	v2 =	vld [tilespmem:s31+$0xE488];
	[tilespmem:s31+$0xE478] =	vst v1  }
0x385: {  	v1 =	vld [tilespmem:$0xE358];
	_ =	sdelay $0x4  }
0x386: {  	v1 =	vmax.f32 v1, v2  }
0x387: {  	v2 =	vld [tilespmem:s31+$0xE498];
	[tilespmem:s31+$0xE488] =	vst v1  }
0x388: {  	v1 =	vld [tilespmem:$0xE368];
	_ =	sdelay $0x4  }
0x389: {  	v1 =	vmax.f32 v1, v2  }
0x38a: {  	v2 =	vld [tilespmem:s31+$0xE4A8];
	[tilespmem:s31+$0xE498] =	vst v1  }
0x38b: {  	v1 =	vld [tilespmem:$0xE378];
	_ =	sdelay $0x4  }
0x38c: {  	v1 =	vmax.f32 v1, v2  }
0x38d: {  	v2 =	vld [tilespmem:s31+$0xE4B8];
	[tilespmem:s31+$0xE4A8] =	vst v1  }
0x38e: {  	v1 =	vld [tilespmem:$0xE388];
	_ =	sdelay $0x4  }
0x38f: {  	v1 =	vmax.f32 v1, v2  }
0x390: {  	v2 =	vld [tilespmem:s31+$0xE4C8];
	[tilespmem:s31+$0xE4B8] =	vst v1  }
0x391: {  	v1 =	vld [tilespmem:$0xE398];
	_ =	sdelay $0x4  }
0x392: {  	v1 =	vmax.f32 v1, v2  }
0x393: {  	v2 =	vld [tilespmem:s31+$0xE4D8];
	[tilespmem:s31+$0xE4C8] =	vst v1  }
0x394: {  	v1 =	vld [tilespmem:$0xE3A8];
	_ =	sdelay $0x4  }
0x395: {  	v1 =	vmax.f32 v1, v2  }
0x396: {  	v2 =	vld [tilespmem:s31+$0xE4E8];
	[tilespmem:s31+$0xE4D8] =	vst v1  }
0x397: {  	v1 =	vld [tilespmem:$0xE3B8];
	_ =	sdelay $0x4  }
0x398: {  	v1 =	vmax.f32 v1, v2  }
0x399: {  	v2 =	vld [tilespmem:s31+$0xE4F8];
	[tilespmem:s31+$0xE4E8] =	vst v1  }
0x39a: {  	v1 =	vld [tilespmem:$0xE3C8];
	_ =	sdelay $0x4  }
0x39b: {  	v1 =	vmax.f32 v1, v2  }
0x39c: {  	v2 =	vld [tilespmem:s31+$0xE508];
	[tilespmem:s31+$0xE4F8] =	vst v1  }
0x39d: {  	v1 =	vld [tilespmem:$0xE3D8];
	_ =	sdelay $0x4  }
0x39e: {  	v1 =	vmax.f32 v1, v2  }
0x39f: {  	v2 =	vld [tilespmem:s31+$0xE518];
	[tilespmem:s31+$0xE508] =	vst v1  }
0x3a0: {  	v1 =	vld [tilespmem:$0xE3E8];
	_ =	sdelay $0x4  }
0x3a1: {  	v1 =	vmax.f32 v1, v2  }
0x3a2: {  	v2 =	vld [tilespmem:s31+$0xE528];
	[tilespmem:s31+$0xE518] =	vst v1  }
0x3a3: {  	v1 =	vld [tilespmem:$0xE3F8];
	_ =	sdelay $0x4  }
0x3a4: {  	v1 =	vmax.f32 v1, v2  }
0x3a5: {  	[tilespmem:s31+$0xE528] =	vst v1  }
.LBB3_59:
0x3a6: {  	[tilespmem:s2+$0xE418] =	vst.msk $0x1, v0;
	s0 =	sshrl.u32 s0, $0x2  }
0x3a7: {  	v0 =	vld [tilespmem:s0+$0xE438];
	_ =	sdelay $0x2  }
0x3a8: {  	s7 =	sshll.u32 s2, $0xA  }
0x3a9: {  	s7 =	sshra.s32 s7, $0x2  }
0x3aa: {  	[tilespmem:s7+$0xE438] =	vst v0  }
0x3ab: {  	v0 =	vld [tilespmem:s0+$0xE448];
	_ =	sdelay $0x4  }
0x3ac: {  	[tilespmem:s7+$0xE448] =	vst v0  }
0x3ad: {  	v0 =	vld [tilespmem:s0+$0xE458];
	_ =	sdelay $0x4  }
0x3ae: {  	[tilespmem:s7+$0xE458] =	vst v0  }
0x3af: {  	v0 =	vld [tilespmem:s0+$0xE468];
	_ =	sdelay $0x4  }
0x3b0: {  	[tilespmem:s7+$0xE468] =	vst v0  }
0x3b1: {  	v0 =	vld [tilespmem:s0+$0xE478];
	_ =	sdelay $0x4  }
0x3b2: {  	[tilespmem:s7+$0xE478] =	vst v0  }
0x3b3: {  	v0 =	vld [tilespmem:s0+$0xE488];
	_ =	sdelay $0x4  }
0x3b4: {  	[tilespmem:s7+$0xE488] =	vst v0  }
0x3b5: {  	v0 =	vld [tilespmem:s0+$0xE498];
	_ =	sdelay $0x4  }
0x3b6: {  	[tilespmem:s7+$0xE498] =	vst v0  }
0x3b7: {  	v0 =	vld [tilespmem:s0+$0xE4A8];
	_ =	sdelay $0x4  }
0x3b8: {  	[tilespmem:s7+$0xE4A8] =	vst v0  }
0x3b9: {  	v0 =	vld [tilespmem:s0+$0xE4B8];
	_ =	sdelay $0x4  }
0x3ba: {  	[tilespmem:s7+$0xE4B8] =	vst v0  }
0x3bb: {  	v0 =	vld [tilespmem:s0+$0xE4C8];
	_ =	sdelay $0x4  }
0x3bc: {  	[tilespmem:s7+$0xE4C8] =	vst v0  }
0x3bd: {  	v0 =	vld [tilespmem:s0+$0xE4D8];
	_ =	sdelay $0x4  }
0x3be: {  	[tilespmem:s7+$0xE4D8] =	vst v0  }
0x3bf: {  	v0 =	vld [tilespmem:s0+$0xE4E8];
	_ =	sdelay $0x4  }
0x3c0: {  	[tilespmem:s7+$0xE4E8] =	vst v0  }
0x3c1: {  	v0 =	vld [tilespmem:s0+$0xE4F8];
	_ =	sdelay $0x4  }
0x3c2: {  	[tilespmem:s7+$0xE4F8] =	vst v0  }
0x3c3: {  	v0 =	vld [tilespmem:s0+$0xE508];
	_ =	sdelay $0x4  }
0x3c4: {  	[tilespmem:s7+$0xE508] =	vst v0  }
0x3c5: {  	v0 =	vld [tilespmem:s0+$0xE518];
	_ =	sdelay $0x4  }
0x3c6: {  	[tilespmem:s7+$0xE518] =	vst v0  }
0x3c7: {  	v0 =	vld [tilespmem:s0+$0xE528];
	_ =	sdelay $0x4  }
0x3c8: {  	s2 =	sadd.s32 $0x1, s2;
	[tilespmem:s7+$0xE528] =	vst v0  }
.LBB3_60:
0x3c9: {  	s6 =	sadd.s32 $0x1, s6  }
0x3ca: {  	p1 =	sne.s32 s6, $0x20  }
.Ltmp45:
0x3cb: {  	_ = 	snop;
	(pc) =	sbr.rel @!p1 .LBB3_61-.Ltmp45, $1  }
0x3cc: {  	_ =	sdelay $0x3  }
.LBB3_50:
0x3cd: {  	v0 =	vld.msk [tilespmem:s6+$0xE418], $0x1;
	_ =	sdelay $0x4  }
0x3ce: {  	(v2sf) =	vpush v0, $0x0;
	_ =	sdelay $0xe  }
0x3cf: {  	s0 =	spop (v2sf)  }
0x3d0: {  	p1 =	seq.s32 s0, $0xFFFFFFFF  }
.Ltmp46:
0x3d1: {  	_ = 	snop;
	(pc) =	sbr.rel @p1 .LBB3_60-.Ltmp46, $1  }
0x3d2: {  	_ =	sdelay $0x3  }
0x3d3: {  	p1 =	slt.s32 s2, $0x1  }
.Ltmp47:
0x3d4: {  	_ = 	snop;
	(pc) =	sbr.rel @p1 .LBB3_56-.Ltmp47, $1  }
0x3d5: {  	_ =	sdelay $0x3  }
0x3d6: {  	s7 =	simm.s32 $0xE418;
	p1 =	por $0x0, $0x0  }
0x3d7: {  	v1 =	vld.msk @!p1 [tilespmem:s7+$0x0], $0x1;
	_ =	sdelay $0x4  }
0x3d8: {  	(v2sf) =	vpush @!p1 v1, $0x0;
	_ =	sdelay $0xd  }
0x3d9: {  	p3 =	sne.s32 s2, $0x1  }
.Ltmp48:
0x3da: {  	s8 =	spop @!p1 (v2sf);
	(pc) =	sbr.rel @!p3 .LBB3_54-.Ltmp48, $4  }
0x3db: {  	p2 =	seq.s32 @!p1 s0, s8  }
0x3dc: {  	s8 =	simm.s32 $0x0;
	p2 =	por !p2, p1  }
0x3dd: {  	s10 =	simm.s32 $0xFFFFFFFF;
	s8 =	simm.s32 @p2 $0xFFFFFFFF  }
0x3de: {  	s9 =	simm.s32 $0x1;
	s8 =	smov.u32 @p1 s10  }
.LBB3_53:
0x3df: {  	s10 =	smov.u32 s8;
	p1 =	sne.s32 s8, $0xFFFFFFFF  }
0x3e0: {  	s7 =	sadd.s32 $0x1, s7;
	s8 =	smov.u32 s9;
	s9 =	sadd.s32 $0x1, s9  }
0x3e1: {  	p2 =	sne.s32 s2, s9;
	v1 =	vld.msk @!p1 [tilespmem:s7+$0x0], $0x1;
	_ =	sdelay $0x4  }
0x3e2: {  	(v2sf) =	vpush @!p1 v1, $0x0;
	_ =	sdelay $0xe  }
.Ltmp49:
0x3e3: {  	s11 =	spop @!p1 (v2sf);
	(pc) =	sbr.rel @p2 .LBB3_53-.Ltmp49, $4  }
0x3e4: {  	p3 =	seq.s32 @!p1 s0, s11  }
0x3e5: {  	p3 =	por !p3, p1  }
0x3e6: {  	s8 =	simm.s32 @p3 $0xFFFFFFFF  }
0x3e7: {  	s8 =	smov.u32 @p1 s10  }
.LBB3_54:
0x3e8: {  	p1 =	seq.s32 s8, $0xFFFFFFFF  }
.Ltmp50:
0x3e9: {  	_ = 	snop;
	(pc) =	sbr.rel @p1 .LBB3_56-.Ltmp50, $1  }
0x3ea: {  	_ =	sdelay $0x3  }
0x3eb: {  	s0 =	sshll.u32 s6, $0x8  }
0x3ec: {  	s31 =	sshll.u32 s8, $0xA;
	s7 =	sand.u32 $0x3FFFFF00, s0  }
0x3ed: {  	s0 =	sshra.s32 s31, $0x2;
	v0 =	vld [tilespmem:s7+$0xE438]  }
0x3ee: {  	v1 =	vld [tilespmem:s0+$0xE438];
	_ =	sdelay $0x4  }
0x3ef: {  	v0 =	vmax.f32 v0, v1  }
0x3f0: {  	v49 =	vld [tilespmem:s0+$0xE448];
	[tilespmem:s0+$0xE438] =	vst v0  }
0x3f1: {  	v0 =	vld [tilespmem:s7+$0xE448];
	_ =	sdelay $0x4  }
0x3f2: {  	v0 =	vmax.f32 v0, v49  }
0x3f3: {  	v50 =	vld [tilespmem:s0+$0xE458];
	[tilespmem:s0+$0xE448] =	vst v0  }
0x3f4: {  	v0 =	vld [tilespmem:s7+$0xE458];
	_ =	sdelay $0x4  }
0x3f5: {  	v0 =	vmax.f32 v0, v50  }
0x3f6: {  	v51 =	vld [tilespmem:s0+$0xE468];
	[tilespmem:s0+$0xE458] =	vst v0  }
0x3f7: {  	v0 =	vld [tilespmem:s7+$0xE468];
	_ =	sdelay $0x4  }
0x3f8: {  	v0 =	vmax.f32 v0, v51  }
0x3f9: {  	v52 =	vld [tilespmem:s0+$0xE478];
	[tilespmem:s0+$0xE468] =	vst v0  }
0x3fa: {  	v0 =	vld [tilespmem:s7+$0xE478];
	_ =	sdelay $0x4  }
0x3fb: {  	v0 =	vmax.f32 v0, v52  }
0x3fc: {  	v53 =	vld [tilespmem:s0+$0xE488];
	[tilespmem:s0+$0xE478] =	vst v0  }
0x3fd: {  	v0 =	vld [tilespmem:s7+$0xE488];
	_ =	sdelay $0x4  }
0x3fe: {  	v0 =	vmax.f32 v0, v53  }
0x3ff: {  	v54 =	vld [tilespmem:s0+$0xE498];
	[tilespmem:s0+$0xE488] =	vst v0  }
0x400: {  	v0 =	vld [tilespmem:s7+$0xE498];
	_ =	sdelay $0x4  }
0x401: {  	v0 =	vmax.f32 v0, v54  }
0x402: {  	v55 =	vld [tilespmem:s0+$0xE4A8];
	[tilespmem:s0+$0xE498] =	vst v0  }
0x403: {  	v0 =	vld [tilespmem:s7+$0xE4A8];
	_ =	sdelay $0x4  }
0x404: {  	v0 =	vmax.f32 v0, v55  }
0x405: {  	v56 =	vld [tilespmem:s0+$0xE4B8];
	[tilespmem:s0+$0xE4A8] =	vst v0  }
0x406: {  	v0 =	vld [tilespmem:s7+$0xE4B8];
	_ =	sdelay $0x4  }
0x407: {  	v0 =	vmax.f32 v0, v56  }
0x408: {  	v57 =	vld [tilespmem:s0+$0xE4C8];
	[tilespmem:s0+$0xE4B8] =	vst v0  }
0x409: {  	v0 =	vld [tilespmem:s7+$0xE4C8];
	_ =	sdelay $0x4  }
0x40a: {  	v0 =	vmax.f32 v0, v57  }
0x40b: {  	v58 =	vld [tilespmem:s0+$0xE4D8];
	[tilespmem:s0+$0xE4C8] =	vst v0  }
0x40c: {  	v0 =	vld [tilespmem:s7+$0xE4D8];
	_ =	sdelay $0x4  }
0x40d: {  	v0 =	vmax.f32 v0, v58  }
0x40e: {  	v59 =	vld [tilespmem:s0+$0xE4E8];
	[tilespmem:s0+$0xE4D8] =	vst v0  }
0x40f: {  	v0 =	vld [tilespmem:s7+$0xE4E8];
	_ =	sdelay $0x4  }
0x410: {  	v0 =	vmax.f32 v0, v59  }
0x411: {  	v60 =	vld [tilespmem:s0+$0xE4F8];
	[tilespmem:s0+$0xE4E8] =	vst v0  }
0x412: {  	v0 =	vld [tilespmem:s7+$0xE4F8];
	_ =	sdelay $0x4  }
0x413: {  	v0 =	vmax.f32 v0, v60  }
0x414: {  	v61 =	vld [tilespmem:s0+$0xE508];
	[tilespmem:s0+$0xE4F8] =	vst v0  }
0x415: {  	v0 =	vld [tilespmem:s7+$0xE508];
	_ =	sdelay $0x4  }
0x416: {  	v0 =	vmax.f32 v0, v61  }
0x417: {  	v62 =	vld [tilespmem:s0+$0xE518];
	[tilespmem:s0+$0xE508] =	vst v0  }
0x418: {  	v0 =	vld [tilespmem:s7+$0xE518];
	_ =	sdelay $0x4  }
0x419: {  	v0 =	vmax.f32 v0, v62  }
0x41a: {  	v63 =	vld [tilespmem:s0+$0xE528];
	[tilespmem:s0+$0xE518] =	vst v0  }
0x41b: {  	v0 =	vld [tilespmem:s7+$0xE528];
	_ =	sdelay $0x1  }
.Ltmp51:
0x41c: {  	_ = 	snop;
	(pc) =	sbr.rel .LBB3_60-.Ltmp51, $3  }
0x41d: {  	_ =	sdelay $0x1  }
0x41e: {  	v0 =	vmax.f32 v0, v63  }
0x41f: {  	[tilespmem:s0+$0xE528] =	vst v0  }
.LBB3_56:
0x420: {  	p1 =	slt.u32 s0, $0x1771  }
.Ltmp52:
0x421: {  	_ = 	snop;
	(pc) =	sbr.rel @p1 .LBB3_58-.Ltmp52, $1  }
0x422: {  	_ =	sdelay $0x3  }
.Ltmp53:
0x423: {  	(pc) =	sbr.rel .LBB3_59-.Ltmp53, $2  }
0x424: {  	_ =	sdelay $0x2  }
0x425: {  	s0 =	sshll.u32 s6, $0xA  }
.LBB3_61:
0x426: {  	p1 =	slt.s32 s2, $0x1  }
.Ltmp54:
0x427: {  	_ = 	snop;
	(pc) =	sbr.rel @p1 .LBB3_65-.Ltmp54, $3  }
0x428: {  	_ =	sdelay $0x1  }
0x429: {  	s0 =	simm.s32 $0x8  }
0x42a: {  	s4 =	simm.s32 $0x0;
	[sflag:s0] =	ssyncpa.u1 $0x1  }
0x42b: {  	s0 =	simm.s32 $0xE418  }
0x42c: {  	v0 =	vld.msk [tilespmem:s0+$0x0], $0x1;
	_ =	sdelay $0x4  }
0x42d: {  	(v2sf) =	vpush v0, $0x0;
	_ =	sdelay $0xe  }
0x42e: {  	s0 =	sadd.s32 $0xFFFFFFFF, s2;
	s3 =	spop (v2sf)  }
0x42f: {  	s6 =	simm.s32 $0xE438;
	p1 =	sne.s32 s0, $0x0;
	p2 =	sgt.u32 s3, $0x1770  }
.Ltmp55:
0x430: {  	s2 =	simm.s32 $0xE538;
	s5 =	sand.u32 @!p2 $0x1FF8, s3;
	(pc) =	sbr.rel @!p1 .LBB3_64-.Ltmp55, $4  }
0x431: {  	s7 =	sadd.s32 @!p2 $0x80, s3;
	s4 =	simm.s32 @!p2 $0x400;
	s8 =	sadd.s32 @!p2 s1, s5  }
0x432: {  	s5 =	sand.u32 @!p2 $0x7, s3;
	s3 =	simm.s32 $0xE419;
	s7 =	sand.u32 @!p2 $0x3FF8, s7  }
0x433: {  	[hbm4b:s8+s5] =	stream.linear.scatter @!p2 [tilespmem:s6], [sflag:$0x7], $0x80, $0x38;
	[tilespmem:$0x1E678] =	vst v63  }
0x434: {  	s4 =	sadd.s32 $0x0, s4;
	s6 =	simm.s32 @!p2 $0xE4B8;
	s7 =	sadd.s32 @!p2 s1, s7  }
.LBB3_63:
0x435: {  	[hbm4b:s7+s5] =	stream.linear.scatter @!p2 [tilespmem:s6], [sflag:$0x7], $0x80, $0x38;
	[tilespmem:$0x1E678] =	vst v63  }
0x436: {  	s0 =	sadd.s32 $0xFFFFFFFF, s0;
	s6 =	smov.u32 s2;
	v0 =	vld.msk [tilespmem:s3+$0x0], $0x1  }
0x437: {  	p1 =	sne.s32 s0, $0x0;
	_ =	sdelay $0x3  }
0x438: {  	(v2sf) =	vpush v0, $0x0;
	_ =	sdelay $0xe  }
0x439: {  	s2 =	sadd.s32 $0x100, s2;
	s8 =	simm.s32 $0x0;
	s5 =	spop (v2sf)  }
.Ltmp56:
0x43a: {  	s3 =	sadd.s32 $0x1, s3;
	p2 =	sgt.u32 s5, $0x1770;
	(pc) =	sbr.rel @p1 .LBB3_63-.Ltmp56, $4  }
0x43b: {  	s8 =	simm.s32 @!p2 $0x400;
	s7 =	sand.u32 @!p2 $0x1FF8, s5;
	s9 =	sadd.s32 @!p2 $0x80, s5  }
0x43c: {  	s5 =	sand.u32 @!p2 $0x7, s5;
	s7 =	sadd.s32 @!p2 s1, s7;
	s9 =	sand.u32 @!p2 $0x3FF8, s9  }
0x43d: {  	[hbm4b:s7+s5] =	stream.linear.scatter @!p2 [tilespmem:s6], [sflag:$0x7], $0x80, $0x38;
	[tilespmem:$0x1E678] =	vst v63  }
0x43e: {  	s4 =	sadd.s32 s4, s8;
	s6 =	sadd.s32 @!p2 $0x80, s6;
	s7 =	sadd.s32 @!p2 s1, s9  }
.LBB3_64:
0x43f: {  	[hbm4b:s7+s5] =	stream.linear.scatter @!p2 [tilespmem:s6], [sflag:$0x7], $0x80, $0x38;
	[tilespmem:$0x1E678] =	vst v63  }
0x440: {  	s4 =	sshrl.u32 s4, $0x2  }
.LBB3_65:
0x441: {  	s0 =	simm.s32 $0x7  }
0x442: {  	_ =	swait.ge [sflag:s0], s4  }
0x443: {  	s1 =	ssub.s32 $0x0, s4;
	[sflag:s0] =	ssyncset.done $0x0  }
0x444: {  	[sflag:s0] =	ssyncadd.s32 s1  }
0x445: {  	[sflag:s0] =	ssyncpa.u1 $0x1  }
.LBB3_66:
0x446: {  	_ =	sfence;
	s0 =	simm.s32 $0x1  }
0x447: {  	[sflag:s0] =	ssyncpa.u1 $0x1  }
0x448: {  	_ =	strace $0x90000068  }
0x449: {  	[bflag:$0x2] =	sbarrier.arrive $0xFFFF  }
0x44a: {  	s0 =	rddreg [dreg:$0x3]  }
0x44b: {  	s0 =	sadd.s32 @!p0 $0x100000, s0  }
0x44c: {  	[sflag:s0] =	ssyncadd.tile.s32 @!p0 $0x1;
	_ =	shalt  }
.Lfunc_end3:
_tile_overlayer_lowered:
.L_overlay_start_3:
0x44d: {  	(tag) =	ssettag $0x3  }
0x44e: {  	s0 =	rddreg [dreg:$0x0];
	s2 =	stileid.u32  }
0x44f: {  	s1 =	rddreg [dreg:$0x1];
	p0 =	sne.s32 s2, $0x0  }
0x450: {  	s3 =	rddreg [dreg:$0x2];
	[bflag:$0x3] =	sbarrier.arrive $0xFFFF;
	s2 =	simm.s32 @!p0 $0x1C01  }
0x451: {  	[timem:s3], [sflag:s2] =	dma.local @!p0 [hbm:s0], s1  }
0x452: {  	s0 =	simm.s32 @!p0 $0x1  }
0x453: {  	_ =	swait.ge @!p0 [sflag:s0], s1  }
0x454: {  	s1 =	ssub.s32 @!p0 $0x0, s1;
	[sflag:s0] =	ssyncset.done @!p0 $0x0  }
0x455: {  	[sflag:s0] =	ssyncadd.s32 @!p0 s1  }
0x456: {  	[bflag:$0x3] =	sbarrier.arrive $0xFFFF  }
0x457: {  	_ =	shalt  }

// kernel: scatter_offload_async_start
scs
__scs_entry_jumppad:
0x0: {  	(pc) =	sbr.rel $0x88, $3  }
0x1: {  	(tag) =	ssettag $0x0;
	lr =	simm.s32 $0x1  }
0x2: {  	[smem:$0x3F2E] =	sst lr;
	_ =	strace $0xD0000000  }
0x3: {  	_ = 	snop  }
0x4: {  	_ = 	snop  }
0x5: {  	_ = 	snop  }
0x6: {  	_ = 	snop  }
0x7: {  	_ = 	snop  }
__scs_overlays_trampoline_lowered:
0x8: {  	[smem:$0x3F3D] =	sst s0  }
0x9: {  	[smem:$0x3F3E] =	sst s1  }
0xa: {  	[smem:$0x3F3F] =	sst s2  }
0xb: {  	[smem:$0x3F40] =	sst s3  }
0xc: {  	[smem:$0x3F41] =	sst s4  }
0xd: {  	[smem:$0x3F42] =	sst s5  }
0xe: {  	[smem:$0x3F43] =	sst s6  }
0xf: {  	[smem:$0x3F44] =	sst s7  }
0x10: {  	[smem:$0x3F45] =	sst s8  }
0x11: {  	[smem:$0x3F46] =	sst s9;
	s0 =	simm.s32 @!p0 $0x0  }
0x12: {  	s1 =	sld [smem:$0x3F2C];
	s0 =	simm.s32 @p0 $0x1  }
0x13: {  	[smem:$0x3F47] =	sst s0;
	s0 =	simm.s32 @!p1 $0x0  }
0x14: {  	s2 =	sld [smem:$0x3F2B];
	s0 =	simm.s32 @p1 $0x1  }
0x15: {  	[smem:$0x3F48] =	sst s0;
	s0 =	simm.s32 @!p2 $0x0  }
0x16: {  	s3 =	sld [smem:$0x3FDB];
	s0 =	simm.s32 @p2 $0x1  }
0x17: {  	s4 =	simm.s32 $0x1BF5;
	[smem:$0x3F4A] =	sst s0  }
0x18: {  	s0 =	sld [smem:$0x3F2D];
	_ =	swait.ge [sflag:s4], $0x0  }
0x19: {  	s7 =	sld [smem:$0x3F2E]  }
0x1a: {  	s8 =	sadd.s32 $0xFFFFE003, lr  }
0x1b: {  	s9 =	sadd.s32 $0xFFFFFEF7, lr;
	s5 =	simm.s32 $0xFFFFFFFF;
	p2 =	slt.u32 s8, $0xFFFFF086  }
0x1c: {  	p1 =	slt.u32 s9, $0xF7A;
	s5 =	simm.s32 @!p2 $0x0  }
0x1d: {  	s5 =	simm.s32 @p1 $0x1;
	p0 =	seq.s32 s7, s2  }
0x1e: {  	s7 =	smul.u32 @!p0 $0xF7A, s2;
	p2 =	seq.s32 @!p0 s5, $0x0  }
0x1f: {  	s9 =	smul.u32 $0xF7A, s1;
	s8 =	simm.s32 @!p0 $0x1BF5;
	p2 =	por !p2, p0  }
0x20: {  	[sflag:s8] =	ssyncset.s32 @!p0 $0xFFFFF086;
	s6 =	sadd.s32 @!p0 s3, s7;
	s7 =	simm.s32 @!p0 $0x108  }
0x21: {  	s3 =	sadd.s32 s3, s9;
	s6 =	sadd.s32 @!p0 $0x88, s6;
	s7 =	simm.s32 @p2 $0x1082  }
0x22: {  	[simem:s7], [sflag:s8] =	dma.local @!p0 [hbm:s6], $0xF7A  }
0x23: {  	s9 =	sor.u32 $0xD0000000, s2;
	s6 =	simm.s32 $0x108;
	_ =	swait.ge @!p0 [sflag:s8], $0x0  }
0x24: {  	s3 =	sadd.s32 $0x88, s3;
	s6 =	simm.s32 @!p1 $0x1082;
	[sflag:s4] =	ssyncset.s32 $0xFFFFF086  }
0x25: {  	[simem:s6], [sflag:s4] =	dma.local [hbm:s3], $0xF7A  }
0x26: {  	[smem:$0x3F2E] =	sst s1;
	(tag) =	ssettag s2;
	_ =	strace s9  }
0x27: {  	s1 =	sld [smem:$0x3F3E]  }
0x28: {  	s2 =	sld [smem:$0x3F3F]  }
0x29: {  	s4 =	sld [smem:$0x3F41]  }
0x2a: {  	p0 =	seq.s32 s5, $0x0;
	s5 =	sld [smem:$0x3F42]  }
0x2b: {  	s6 =	sld [smem:$0x3F43]  }
0x2c: {  	s7 =	sld [smem:$0x3F44]  }
0x2d: {  	s3 =	simm.s32 $0x108;
	s8 =	sld [smem:$0x3F45]  }
0x2e: {  	s3 =	simm.s32 @!p0 $0x1082;
	s9 =	sld [smem:$0x3F46]  }
0x2f: {  	lr =	sadd.s32 s0, s3;
	s0 =	sld [smem:$0x3F3D]  }
0x30: {  	s3 =	sld [smem:$0x3F40]  }
0x31: {  	[smem:$0x3F49] =	sst s10  }
0x32: {  	s10 =	sld [smem:$0x3F47];
	_ =	sdelay $0x3  }
0x33: {  	p0 =	seq.s32 s10, $0x1;
	s10 =	sld [smem:$0x3F49];
	_ =	sdelay $0x3  }
0x34: {  	[smem:$0x3F49] =	sst s10  }
0x35: {  	s10 =	sld [smem:$0x3F48];
	_ =	sdelay $0x3  }
0x36: {  	p1 =	seq.s32 s10, $0x1;
	s10 =	sld [smem:$0x3F49];
	_ =	sdelay $0x3  }
0x37: {  	[smem:$0x3F49] =	sst s10  }
0x38: {  	s10 =	sld [smem:$0x3F4A]  }
0x39: {  	_ = 	snop;
	(pc) =	sbr.ind lr, $3  }
0x3a: {  	_ = 	snop  }
0x3b: {  	_ = 	snop  }
0x3c: {  	p2 =	seq.s32 s10, $0x1;
	s10 =	sld [smem:$0x3F49]  }
0x3d: {  	_ =	shalt  }
0x3e: {  	_ =	shalt  }
0x3f: {  	_ =	shalt  }
0x40: {  	_ =	shalt  }
0x41: {  	_ =	shalt  }
0x42: {  	_ =	shalt  }
0x43: {  	_ =	shalt  }
0x44: {  	_ =	shalt  }
0x45: {  	_ =	shalt  }
0x46: {  	_ =	shalt  }
0x47: {  	_ =	shalt  }
0x48: {  	_ =	shalt  }
0x49: {  	_ =	shalt  }
0x4a: {  	_ =	shalt  }
0x4b: {  	_ =	shalt  }
0x4c: {  	_ =	shalt  }
0x4d: {  	_ =	shalt  }
0x4e: {  	_ =	shalt  }
0x4f: {  	_ =	shalt  }
0x50: {  	_ =	shalt  }
0x51: {  	_ =	shalt  }
0x52: {  	_ =	shalt  }
0x53: {  	_ =	shalt  }
0x54: {  	_ =	shalt  }
0x55: {  	_ =	shalt  }
0x56: {  	_ =	shalt  }
0x57: {  	_ =	shalt  }
0x58: {  	_ =	shalt  }
0x59: {  	_ =	shalt  }
0x5a: {  	_ =	shalt  }
0x5b: {  	_ =	shalt  }
0x5c: {  	_ =	shalt  }
0x5d: {  	_ =	shalt  }
0x5e: {  	_ =	shalt  }
0x5f: {  	_ =	shalt  }
0x60: {  	_ =	shalt  }
0x61: {  	_ =	shalt  }
0x62: {  	_ =	shalt  }
0x63: {  	_ =	shalt  }
0x64: {  	_ =	shalt  }
0x65: {  	_ =	shalt  }
0x66: {  	_ =	shalt  }
0x67: {  	_ =	shalt  }
0x68: {  	_ =	shalt  }
0x69: {  	_ =	shalt  }
0x6a: {  	_ =	shalt  }
0x6b: {  	_ =	shalt  }
0x6c: {  	_ =	shalt  }
0x6d: {  	_ =	shalt  }
0x6e: {  	_ =	shalt  }
0x6f: {  	_ =	shalt  }
0x70: {  	_ =	shalt  }
0x71: {  	_ =	shalt  }
0x72: {  	_ =	shalt  }
0x73: {  	_ =	shalt  }
0x74: {  	_ =	shalt  }
0x75: {  	_ =	shalt  }
0x76: {  	_ =	shalt  }
0x77: {  	_ =	shalt  }
0x78: {  	_ =	shalt  }
0x79: {  	_ =	shalt  }
0x7a: {  	_ =	shalt  }
0x7b: {  	_ =	shalt  }
0x7c: {  	_ =	shalt  }
0x7d: {  	_ =	shalt  }
0x7e: {  	_ =	shalt  }
0x7f: {  	_ =	shalt  }
0x80: {  	_ =	shalt  }
0x81: {  	_ =	shalt  }
0x82: {  	_ =	shalt  }
0x83: {  	_ =	shalt  }
0x84: {  	_ =	shalt  }
0x85: {  	_ =	shalt  }
0x86: {  	_ =	shalt  }
0x87: {  	_ =	shalt  }
.Lfunc_end0:
.L_simem_size_0:
called_computation_lowered:
.L_overlay_start_0:
0x88: {  	s0 =	sld [smem:$0x3FD9]  }
0x89: {  	s1 =	sld [smem:$0x3FFE];
	_ =	sdelay $0x3  }
0x8a: {  	s0 =	sadd.s32 s1, s0  }
0x8b: {  	[smem:$0x3F55] =	sst s0  }
0x8c: {  	_ = 	snop  }
0x8d: {  	(tm) =	ssettm $0x1  }
0x8e: {  	s14 =	sld [smem:$0x3FFB];
	_ =	sdelay $0x3  }
0x8f: {  	_ =	strace s14  }
0x90: {  	s0 =	sld [smem:$0x3FFC];
	_ =	sdelay $0x3  }
0x91: {  	_ =	strace s0  }
0x92: {  	s0 =	sld [smem:$0x3FFD];
	_ =	sdelay $0x3  }
0x93: {  	_ =	strace s0  }
0x94: {  	_ =	strace $0x8FFFFFFF  }
0x95: {  	s15 =	sld [smem:$0x3FDB];
	_ =	sdelay $0x1  }
0x96: {  	s16 =	simm.s32 $_scs_section_size  }
0x97: {  	s2 =	simm.s32 $_size__tile_overlayer_lowered;
	s3 =	simm.s32 $_tile_overlayer_lowered  }
0x98: {  	s4 =	simm.s32 $0x1BFF;
	s17 =	sshll.u32 s3, $0x1;
	s1 =	sadd.s32 s16, s15  }
0x99: {  	s18 =	simm.s32 $0x0;
	s2 =	sshll.u32 s2, $0x1;
	s3 =	sadd.s32 s17, s1  }
0x9a: {  	[timem:s18], [sflag:s4] =	dma.local [hbm:s3], s2  }
0x9b: {  	_ =	swait.ge [sflag:s4], s2  }
0x9c: {  	s2 =	ssub.s32 $0x0, s2;
	[sflag:s4] =	ssyncset.done $0x0  }
0x9d: {  	[sflag:s4] =	ssyncadd.s32 s2;
	_ =	sdelay $0x1  }
0x9e: {  	s19 =	simm.s32 $0x1B8B  }
0x9f: {  	_ =	swait.ge [sflag:s19], $0x1  }
0xa0: {  	[sflag:s19] =	ssyncset.done $0x0  }
0xa1: {  	s21 =	simm.s32 $0x1B8E;
	s20 =	sld [smem:$0x3FFE];
	[sflag:s19] =	ssyncadd.s32 $0xFFFFFFFF  }
0xa2: {  	s22 =	simm.s32 $execute0_lowered;
	[smem:$0x3FD2] =	sst s21  }
0xa3: {  	s3 =	sshll.u32 s22, $0x1;
	_ =	strace $0x8000004C;
	[dreg:$0x1] =	wrdreg $0xFFFFFFFF  }
0xa4: {  	s23 =	simm.s32 $_size_execute0_lowered;
	s3 =	sadd.s32 s1, s3;
	[dreg:$0x0] =	wrdreg $0x0  }
0xa5: {  	s4 =	sshll.u32 s23, $0x1;
	[dreg:$0x2] =	wrdreg s3  }
0xa6: {  	[dreg:$0x3] =	wrdreg s4  }
0xa7: {  	[dreg:$0x4] =	wrdreg $0xC0  }
0xa8: {  	s24 =	simm.s32 $execute1_lowered;
	_ =	task [dreg:s18], $0x5FFFF  }
0xa9: {  	s3 =	sshll.u32 s24, $0x1;
	[dreg:$0x1] =	wrdreg $0xFFFFFFFF  }
0xaa: {  	s1 =	sadd.s32 s1, s3;
	[dreg:$0x0] =	wrdreg $0x60  }
0xab: {  	[dreg:$0x2] =	wrdreg s1  }
0xac: {  	[dreg:$0x3] =	wrdreg s20  }
0xad: {  	[dreg:$0x4] =	wrdreg $0x9  }
0xae: {  	_ =	task.clear_ibuf [dreg:s18], $0x5FFFF;
	_ =	strace $0x9000004C  }
0xaf: {  	s25 =	simm.s32 $0x9;
	_ =	strace $0x8000004E  }
0xb0: {  	_ =	swait.ge [sflag:s25], $0x1  }
0xb1: {  	[sflag:s25] =	ssyncadd.s32 $0xFFFFFFFF  }
0xb2: {  	_ =	strace $0x9000004E  }
0xb3: {  	_ =	strace $0x8000004F;
	[dreg:$0x1] =	wrdreg $0xFFFFFFFF  }
0xb4: {  	[dreg:$0x0] =	wrdreg $0x2030  }
0xb5: {  	[dreg:$0x2] =	wrdreg s20  }
0xb6: {  	[dreg:$0x3] =	wrdreg $0xA  }
0xb7: {  	_ =	task.clear_ibuf [dreg:s18], $0x4FFFF;
	_ =	strace $0x9000004F  }
0xb8: {  	s26 =	simm.s32 $0xA;
	_ =	strace $0x80000051  }
0xb9: {  	_ =	swait.ge [sflag:s26], $0x1  }
0xba: {  	[sflag:s26] =	ssyncadd.s32 $0xFFFFFFFF  }
0xbb: {  	_ =	strace $0x90000051  }
0xbc: {  	_ =	sfence  }
0xbd: {  	s28 =	sld [smem:$0x0];
	_ =	sdelay $0x1  }
0xbe: {  	s29 =	srdreg.scid  }
0xbf: {  	s30 =	sshll.u32 s29, $0xD;
	s31 =	sshrl.u32 s29, $0x2  }
0xc0: {  	s2 =	sand.u32 $0x1, s29;
	s3 =	sand.u32 $0x4000, s30;
	s1 =	sadd.s32 s31, s28  }
0xc1: {  	s2 =	sor.u32 s3, s2;
	s1 =	sshll.u32 s1, $0x11  }
0xc2: {  	s1 =	sor.u32 s1, s2  }
0xc3: {  	s1 =	sadd.s32 $0x8F2B, s1  }
0xc4: {  	[sflag:s1] =	ssyncadd.remote.s32 $0x1  }
0xc5: {  	_ =	sfence.sel $0xFFFF  }
0xc6: {  	[dreg:$0x0] =	wrdreg $0xFFFFFFFF;
	(pc) =	sbr.abs _section_cstart, $3  }
0xc7: {  	[dreg:$0x1] =	wrdreg $0xFFFFFFFF  }
0xc8: {  	_ =	task.clear_ibuf [dreg:s18], $0x2FFFF;
	_ =	strace $0x9FFFFFFF  }
0xc9: {  	(tm) =	ssettm $0x7FFFFFFF  }
tec
execute0_lowered:
.L_overlay_start_1:
0x0: {  	(tag) =	ssettag $0x1  }
0x1: {  	s2 =	rddreg [dreg:$0x0]  }
0x2: {  	s5 =	rddreg [dreg:$0x1]  }
0x3: {  	s0 =	rddreg [dreg:$0x2];
	s3 =	stileid.u32  }
0x4: {  	[bflag:$0x3] =	sbarrier.arrive $0xFFFF;
	s1 =	simm.s32 $_size_execute1_lowered;
	s31 =	simm.s32 $0x2  }
0x5: {  	s13 =	simm.s32 $0x0;
	s8 =	simm.s32 $0x40;
	s9 =	simm.s32 $0x80  }
0x6: {  	s11 =	simm.s32 $0x0;
	s12 =	simm.s32 $0x0;
	p0 =	sne.s32 s3, $0x0  }
0x7: {  	s1 =	sshll.u32 s1, $0x1;
	s3 =	sshll.u32 s3, $0x6;
	s4 =	simm.s32 @!p0 $0x1C3F  }
.Ltmp0:
0x8: {  	s6 =	simm.s32 @!p0 $0x4060;
	s7 =	ssub.s32 $0x4C0, s3;
	(pc) =	sbr.rel .LBB2_1-.Ltmp0, $4  }
0x9: {  	[timem:s6], [sflag:s4] =	dma.local @!p0 [hbm:s2], s1  }
0xa: {  	s10 =	smov.u32 s3;
	s4 =	simm.s32 $0x1;
	_ =	strace $0x8000004D  }
0xb: {  	s2 =	sadd.s32 $0x9F800, s5;
	s6 =	sshrl.u32 s7, $0xA;
	[sflag:s4] =	ssyncpa.u1 $0x0  }
0xc: {  	s5 =	sadd.s32 $0xA4600, s5;
	s7 =	sor.u32 $0x2, s6;
	[sflag:s31] =	ssyncpa.u1 $0x0  }
.LBB2_5:
0xd: {  	_ =	sdelay $0x3  }
0xe: {  	[tilespmem:v3+s18+$0x0 ss:$0x1] =	vst.idx.msk $0xffff, v1  }
0xf: {  	[tilespmem:v3+s17+$0x0 ss:$0x1] =	vst.idx.msk $0xffff, v2  }
0x10: {  	[tilespmem:v3+s16+$0x0 ss:$0x1] =	vst.idx.msk $0xffff, v4  }
0x11: {  	[tilespmem:v3+s19+$0x0 ss:$0x1] =	vst.idx.msk $0xffff, v5  }
.LBB2_6:
0x12: {  	s16 =	sand.u32 $0x1FFFFFF, s11  }
0x13: {  	s17 =	smulhi.u32 $0x3531DED, s16;
	_ =	sdelay $0x1  }
0x14: {  	s17 =	sshrl.u32 s17, $0x4  }
0x15: {  	s17 =	smul.u32 $0x4D0, s17;
	_ =	sdelay $0x1  }
0x16: {  	s16 =	ssub.s32 s16, s17  }
0x17: {  	s16 =	sshll.u32 s16, $0x4  }
0x18: {  	s16 =	sadd.s32 s5, s16  }
0x19: {  	[hbm4b:s16+s8] =	stream.strided.scatter [tilespmem:s15], [sflag:$0x2], s14, s9, s8, $0x38;
	[tilespmem:$0x4000] =	vst v63  }
.LBB2_7:
0x1a: {  	p1 =	slt.u32 s12, $0x2  }
0x1b: {  	p2 =	sgt.s32 @!p1 s13, $0x490  }
0x1c: {  	s14 =	smov.u32 s13;
	s15 =	sshra.s32 @!p1 s13, $0x1F;
	p2 =	por !p2, p1  }
0x1d: {  	s13 =	sand.u32 @!p1 s15, s13;
	s14 =	simm.s32 @p2 $0x490  }
0x1e: {  	s13 =	ssub.s32 @!p1 s14, s13  }
0x1f: {  	s13 =	sadd.s32 @!p1 $0xFFFFFB70, s13  }
0x20: {  	s14 =	sshll.u32 @!p1 s13, $0x8  }
0x21: {  	p2 =	sgt.s32 @!p1 s13, $0x3F;
	s13 =	ssub.s32 @!p1 $0x4000, s14  }
0x22: {  	s15 =	sadd.s32 $0x400, s10;
	p2 =	por !p2, p1;
	s13 =	sshrl.u32 @!p1 s13, $0x2  }
0x23: {  	s13 =	simm.s32 @!p2 $0x0;
	p2 =	sgt.s32 s15, $0x4CC  }
0x24: {  	s15 =	smov.u32 @p2 s3;
	p2 =	sne.s32 s12, s7  }
.Ltmp1:
0x25: {  	_ = 	snop;
	(pc) =	sbr.rel @!p2 .LBB2_8-.Ltmp1, $4  }
0x26: {  	s14 =	simm.s32 @!p1 $0x2  }
0x27: {  	_ =	swait.ge @!p1 [sflag:s14], s13;
	s16 =	ssub.s32 @!p1 $0x0, s13  }
0x28: {  	s13 =	smov.u32 s11;
	s12 =	sadd.s32 $0x1, s12;
	[sflag:s14] =	ssyncset.done @!p1 $0x0  }
0x29: {  	s11 =	smov.u32 s10;
	s10 =	smov.u32 s15;
	[sflag:s14] =	ssyncadd.s32 @!p1 s16  }
.LBB2_1:
0x2a: {  	p1 =	sgt.u32 s12, s6  }
0x2b: {  	s15 =	smov.u32 s10;
	p2 =	sgt.s32 @!p1 s10, $0x490  }
0x2c: {  	s14 =	sand.u32 @!p1 $0x1FFFFFF, s10;
	s16 =	sshra.s32 @!p1 s10, $0x1F;
	p2 =	por !p2, p1  }
0x2d: {  	s17 =	smulhi.u32 @!p1 $0x3531DED, s14;
	s16 =	sand.u32 @!p1 s16, s10;
	s15 =	simm.s32 @p2 $0x490  }
0x2e: {  	s15 =	ssub.s32 @!p1 s15, s16  }
0x2f: {  	s16 =	sshrl.u32 @!p1 s17, $0x4;
	s15 =	sadd.s32 @!p1 $0xFFFFFB70, s15  }
0x30: {  	s17 =	sxor.u32 @!p1 $0xFFFFFFFF, s12;
	s16 =	smul.u32 @!p1 $0x4D0, s16;
	s18 =	sshll.u32 @!p1 s15, $0x8  }
0x31: {  	s17 =	sshll.u32 @!p1 s17, $0xC;
	p2 =	sgt.s32 @!p1 s15, $0x3F;
	s15 =	ssub.s32 @!p1 $0x4000, s18  }
0x32: {  	s14 =	ssub.s32 @!p1 s14, s16;
	p2 =	por !p2, p1;
	s16 =	sand.u32 @!p1 $0x1000, s17  }
0x33: {  	s17 =	simm.s32 @!p1 $0x40;
	s15 =	sshrl.u32 @!p1 s15, $0x2;
	s14 =	sshll.u32 @!p1 s14, $0x4  }
0x34: {  	s18 =	simm.s32 @!p1 $0x80;
	s15 =	simm.s32 @!p2 $0x0;
	s14 =	sadd.s32 @!p1 s2, s14  }
0x35: {  	[tilespmem:s16], [sflag:$0x1] =	stream.strided.gather @!p1 [hbm4b:s14+s17], s15, s18, s17, $0x38;
	[tilespmem:$0x4000] =	vst v63  }
0x36: {  	p1 =	seq.s32 s12, $0x0  }
0x37: {  	p2 =	sge.u32 @!p1 s12, s7  }
0x38: {  	p1 =	por p1, p2  }
.Ltmp2:
0x39: {  	_ = 	snop;
	(pc) =	sbr.rel @p1 .LBB2_7-.Ltmp2, $1  }
0x3a: {  	_ =	sdelay $0x3  }
0x3b: {  	p1 =	sgt.s32 s11, $0x490;
	s14 =	smov.u32 s11;
	s15 =	sshra.s32 s11, $0x1F  }
0x3c: {  	s14 =	simm.s32 @!p1 $0x490;
	s15 =	sand.u32 s15, s11  }
0x3d: {  	s14 =	ssub.s32 s14, s15  }
0x3e: {  	s14 =	sadd.s32 $0xFFFFFB70, s14  }
0x3f: {  	s31 =	sshll.u32 s14, $0x8  }
0x40: {  	s15 =	ssub.s32 $0x4000, s31  }
0x41: {  	p1 =	sgt.s32 s14, $0x3F;
	s14 =	sshrl.u32 s15, $0x2;
	s15 =	sadd.s32 $0x40, s11  }
0x42: {  	s14 =	simm.s32 @p1 $0x0;
	p1 =	slt.s32 s15, $0x4CD  }
0x43: {  	s15 =	simm.s32 @!p1 $0x4CD  }
0x44: {  	s20 =	ssub.s32 s15, s11  }
0x45: {  	p1 =	slt.s32 s20, $0x1  }
.Ltmp3:
0x46: {  	_ = 	snop;
	(pc) =	sbr.rel @p1 .LBB2_6-.Ltmp3, $4  }
0x47: {  	_ = 	snop  }
0x48: {  	s16 =	sshll.u32 s12, $0xC;
	_ =	swait.ge [sflag:s4], s14  }
0x49: {  	s16 =	sand.u32 $0x1000, s16;
	s17 =	ssub.s32 $0x0, s14;
	[sflag:s4] =	ssyncset.done $0x0  }
0x4a: {  	s15 =	sor.u32 $0x2000, s16;
	[sflag:s4] =	ssyncadd.s32 s17  }
0x4b: {  	v0 =	vmov s16;
	_ =	sdelay $0x2  }
0x4c: {  	s31 =	simm.s32 $0x0;
	p1 =	sne.s32 s20, $0x1  }
.Ltmp4:
0x4d: {  	s18 =	sand.u32 $0xFC0, s31;
	(pc) =	sbr.rel @!p1 .LBB2_5-.Ltmp4, $4  }
0x4e: {  	s17 =	sor.u32 $0x30, s18;
	v1 =	vld.idx.msk [tilespmem:v0+s18+$0x0 ss:$0x1], $0xffff  }
0x4f: {  	v3 =	vmov s15;
	s16 =	sor.u32 $0x10, s18;
	v2 =	vld.idx.msk [tilespmem:v0+s17+$0x0 ss:$0x1], $0xffff  }
0x50: {  	s19 =	sor.u32 $0x20, s18;
	v4 =	vld.idx.msk [tilespmem:v0+s16+$0x0 ss:$0x1], $0xffff  }
0x51: {  	s20 =	sadd.s32 $0xFFFFFFFF, s20;
	s21 =	simm.s32 $0x40;
	v5 =	vld.idx.msk [tilespmem:v0+s19+$0x0 ss:$0x1], $0xffff  }
.LBB2_4:
0x52: {  	s22 =	sand.u32 $0xFC0, s21  }
0x53: {  	p1 =	sne.s32 s20, $0x1;
	s20 =	sadd.s32 $0xFFFFFFFF, s20;
	s23 =	sor.u32 $0x10, s22  }
.Ltmp5:
0x54: {  	s24 =	sor.u32 $0x20, s22;
	s25 =	sor.u32 $0x30, s22;
	[tilespmem:v3+s18+$0x0 ss:$0x1] =	vst.idx.msk $0xffff, v1;
	v1 =	vld.idx.msk [tilespmem:v0+s22+$0x0 ss:$0x1], $0xffff;
	(pc) =	sbr.rel @p1 .LBB2_4-.Ltmp5, $4  }
0x55: {  	s18 =	smov.u32 s22;
	[tilespmem:v3+s17+$0x0 ss:$0x1] =	vst.idx.msk $0xffff, v2;
	v2 =	vld.idx.msk [tilespmem:v0+s25+$0x0 ss:$0x1], $0xffff;
	s17 =	smov.u32 s25  }
0x56: {  	[tilespmem:v3+s16+$0x0 ss:$0x1] =	vst.idx.msk $0xffff, v4;
	v4 =	vld.idx.msk [tilespmem:v0+s23+$0x0 ss:$0x1], $0xffff;
	s16 =	smov.u32 s23  }
0x57: {  	[tilespmem:v3+s19+$0x0 ss:$0x1] =	vst.idx.msk $0xffff, v5;
	v5 =	vld.idx.msk [tilespmem:v0+s24+$0x0 ss:$0x1], $0xffff;
	s19 =	smov.u32 s24  }
0x58: {  	s21 =	sadd.s32 $0x40, s21  }
.Ltmp6:
0x59: {  	_ = 	snop;
	(pc) =	sbr.rel .LBB2_5-.Ltmp6, $1  }
0x5a: {  	_ =	sdelay $0x3  }
.LBB2_8:
0x5b: {  	_ =	sfence.sel $0x180000  }
0x5c: {  	s2 =	simm.s32 $0x1;
	[bflag:$0x0] =	sbarrier.arrive $0xFFFF  }
0x5d: {  	s31 =	simm.s32 $0x2;
	[sflag:s2] =	ssyncpa.u1 $0x1  }
0x5e: {  	[sflag:s31] =	ssyncpa.u1 $0x1  }
0x5f: {  	_ =	strace $0x9000004D  }
0x60: {  	s0 =	sadd.s32 @!p0 $0x100000, s0;
	[bflag:$0x2] =	sbarrier.arrive $0xFFFF  }
0x61: {  	[sflag:s0] =	ssyncadd.tile.s32 @!p0 $0x1;
	s0 =	simm.s32 @!p0 $0x3F  }
0x62: {  	_ =	swait.ge @!p0 [sflag:s0], s1  }
0x63: {  	s1 =	ssub.s32 @!p0 $0x0, s1;
	[sflag:s0] =	ssyncset.done @!p0 $0x0  }
0x64: {  	[sflag:s0] =	ssyncadd.s32 @!p0 s1  }
0x65: {  	[bflag:$0x3] =	sbarrier.arrive $0xFFFF  }
0x66: {  	_ =	shalt  }
.Lfunc_end2:
execute1_lowered:
.L_overlay_start_2:
0x67: {  	(tag) =	ssettag $0x2  }
0x68: {  	s0 =	rddreg [dreg:$0x0];
	_ =	strace $0x80000050;
	s1 =	simm.s32 $0x1  }
0x69: {  	s8 =	simm.s32 $0x88;
	v0 =	vimm.s32 $0x0;
	[sflag:s1] =	ssyncpa.u1 $0x0  }
0x6a: {  	[tilespmem:s8+$0x30] =	vst v0  }
0x6b: {  	s1 =	sadd.s32 $0xA4600, s0;
	s3 =	sadd.s32 $0x20400, s0;
	[tilespmem:s8+$0x20] =	vst v0  }
0x6c: {  	s4 =	sadd.s32 $0x30C00, s0;
	s5 =	sadd.s32 $0x20E00, s0;
	s0 =	simm.s32 $0x40;
	[tilespmem:s8+$0x10] =	vst v0  }
.LBB3_1:
0x6d: {  	s0 =	sadd.s32 $0x40, s0  }
0x6e: {  	[tilespmem:s8+$0x0] =	vst v0;
	s8 =	sadd.s32 $0x40, s8;
	p0 =	slt.u32 s0, $0x5040  }
.Ltmp7:
0x6f: {  	(pc) =	sbr.rel @p0 .LBB3_1-.Ltmp7, $4  }
0x70: {  	_ = 	snop  }
0x71: {  	[tilespmem:s8+$0x30] =	vst v0  }
0x72: {  	[tilespmem:s8+$0x20] =	vst v0  }
0x73: {  	[tilespmem:s8+$0x10] =	vst v0  }
0x74: {  	s9 =	stileid.u32  }
0x75: {  	s0 =	smul.u32 $0x3, s9  }
0x76: {  	s2 =	smin.u32 s9, $0xE  }
0x77: {  	s0 =	sadd.s32 s2, s0  }
0x78: {  	p0 =	slt.u32 s9, $0xE;
	s6 =	smul.u32 $0x140, s0;
	s0 =	simm.s32 $0x500  }
0x79: {  	s0 =	simm.s32 @!p0 $0x3C0  }
0x7a: {  	s0 =	sadd.s32 s0, s6  }
0x7b: {  	s7 =	smin.u32 s0, $0x4CD0  }
0x7c: {  	s0 =	ssub.s32 s7, s6  }
0x7d: {  	p0 =	sgt.s32 s0, $0x0  }
0x7e: {  	s0 =	simm.s32 @!p0 $0x0  }
0x7f: {  	s29 =	simm.s32 $0x2;
	s10 =	simm.s32 $0x7;
	s28 =	smul.u32 $0xCCCD, s0  }
0x80: {  	s31 =	simm.s32 $0x8;
	s11 =	simm.s32 $0x1;
	s15 =	simm.s32 $0x0  }
0x81: {  	p1 =	por $0x0, $0x0;
	s16 =	simm.s32 $0xA;
	s2 =	sshrl.u32 s28, $0x18  }
0x82: {  	s20 =	simm.s32 $0x0;
	s17 =	simm.s32 $0x0;
	s30 =	smul.u32 $0x140, s2  }
.Ltmp8:
0x83: {  	[tilespmem:s8+$0x0] =	vst v0;
	v0 =	vimm.s32 $0xFFFFFFFF;
	s19 =	simm.s32 $0x0;
	[sflag:s29] =	ssyncpa.u1 $0x0;
	(pc) =	sbr.rel .LBB3_3-.Ltmp8, $4  }
0x84: {  	[tilespmem:$0xA108] =	vst v0;
	[sflag:s10] =	ssyncpa.u1 $0x0;
	p0 =	sne.s32 s0, s30;
	s0 =	simm.s32 $0x1  }
0x85: {  	s10 =	simm.s32 $0x9;
	[sflag:s31] =	ssyncpa.u1 $0x0;
	s0 =	simm.s32 @!p0 $0x0  }
0x86: {  	s13 =	sshll.u32 s9, $0x7;
	[sflag:s10] =	ssyncpa.u1 $0x0;
	s12 =	sadd.s32 s2, s0  }
0x87: {  	v0 =	vlaneseq.u32;
	s18 =	smov.u32 s6;
	p0 =	por $0x1, $0x1;
	s14 =	sadd.s32 $0x1, s12  }
.LBB3_24:
0x88: {  	s0 =	sshrl.u32 s29, $0x2  }
.LBB3_26:
0x89: {  	_ =	swait.ge [sflag:s16], s0  }
0x8a: {  	s31 =	ssub.s32 $0x0, s0;
	v1 =	vmov s22;
	vm0 =	veq.s32 v0, $0x0;
	[sflag:s16] =	ssyncset.done $0x0  }
0x8b: {  	vm15 =	veq.s32 v0, $0x2;
	v1 =	vsel vm0, s28, v1;
	[sflag:s16] =	ssyncadd.s32 s31  }
0x8c: {  	v1 =	vsel vm15, s20, v1;
	[sflag:s16] =	ssyncpa.u1 $0x1  }
0x8d: {  	[tilespmem:$0xA108] =	vst v1  }
.LBB3_27:
0x8e: {  	s0 =	sadd.s32 $0x140, s18  }
0x8f: {  	s2 =	smov.u32 s6;
	p2 =	slt.s32 s0, s7  }
0x90: {  	s2 =	smov.u32 @p2 s0;
	p2 =	sne.s32 s19, s14  }
.Ltmp9:
0x91: {  	_ = 	snop;
	(pc) =	sbr.rel @!p2 .LBB3_28-.Ltmp9, $4  }
0x92: {  	_ = 	snop  }
0x93: {  	s20 =	smov.u32 s17  }
0x94: {  	s31 =	sadd.s32 $0x1, s19;
	s17 =	smov.u32 s18;
	p0 =	por !p0, !p0  }
0x95: {  	p1 =	por !p1, !p1;
	s19 =	smov.u32 s31;
	s18 =	smov.u32 s2  }
.LBB3_3:
0x96: {  	p2 =	sge.u32 s19, s12  }
0x97: {  	s0 =	smulhi.u32 @!p2 $0xAAAAAAAB, s19  }
0x98: {  	s2 =	smov.u32 s18;
	p3 =	sgt.s32 @!p2 s18, $0x4B90  }
0x99: {  	s8 =	sshra.s32 @!p2 s18, $0x1F;
	p3 =	por !p3, p2;
	s0 =	sshrl.u32 @!p2 s0, $0x1  }
0x9a: {  	s8 =	sand.u32 @!p2 s8, s18;
	s2 =	simm.s32 @p3 $0x4B90;
	s0 =	smul.u32 @!p2 $0x3, s0  }
0x9b: {  	s2 =	ssub.s32 @!p2 s2, s8  }
0x9c: {  	s22 =	sadd.s32 $0xFFFFFFFF, s19;
	s2 =	sadd.s32 @!p2 $0xFFFFB470, s2;
	s0 =	ssub.s32 @!p2 s19, s0  }
0x9d: {  	s8 =	sshll.u32 @!p2 s2, $0x2;
	p3 =	sgt.s32 @!p2 s2, $0x13F;
	s0 =	smul.u32 @!p2 $0x500, s0  }
0x9e: {  	s21 =	sand.u32 @!p2 $0x7, s18;
	s2 =	ssub.s32 @!p2 $0x500, s8;
	p3 =	por !p3, p2  }
0x9f: {  	s8 =	sshrl.u32 @!p2 s18, $0x3;
	s2 =	sshrl.u32 @!p2 s2, $0x2;
	s0 =	sshrl.u32 @!p2 s0, $0x2  }
0xa0: {  	s8 =	sadd.s32 @!p2 s5, s8;
	s2 =	simm.s32 @!p3 $0x0;
	s0 =	sadd.s32 @!p2 $0xA938, s0  }
0xa1: {  	[tilespmem:s0], [sflag:$0x8] =	stream.linear.gather @!p2 [hbm4b:s8+s21], s2, $0x38;
	[tilespmem:$0x1EF78] =	vst v63  }
0xa2: {  	p2 =	sge.u32 s22, s12  }
0xa3: {  	p3 =	sgt.s32 @!p2 s17, $0x4B90  }
0xa4: {  	s0 =	smov.u32 s17;
	s2 =	sshra.s32 @!p2 s17, $0x1F;
	p3 =	por !p3, p2  }
0xa5: {  	s2 =	sand.u32 @!p2 s2, s17;
	s0 =	simm.s32 @p3 $0x4B90  }
0xa6: {  	s0 =	ssub.s32 @!p2 s0, s2  }
0xa7: {  	s0 =	sadd.s32 @!p2 $0xFFFFB470, s0  }
0xa8: {  	s2 =	sshll.u32 @!p2 s0, $0x2  }
0xa9: {  	p3 =	sgt.s32 @!p2 s0, $0x13F;
	s0 =	ssub.s32 @!p2 $0x500, s2  }
0xaa: {  	p3 =	por !p3, p2;
	s0 =	sshrl.u32 @!p2 s0, $0x2  }
0xab: {  	s8 =	simm.s32 @!p2 $0x8;
	s2 =	sand.u32 @!p2 $0x1, s22;
	s0 =	simm.s32 @!p3 $0x0  }
0xac: {  	s2 =	smul.u32 @!p2 $0x500, s2;
	_ =	swait.ge @!p2 [sflag:s8], s0  }
0xad: {  	s21 =	ssub.s32 @!p2 $0x0, s0;
	[sflag:s8] =	ssyncset.done @!p2 $0x0  }
0xae: {  	s2 =	sshrl.u32 @!p2 s2, $0x2;
	[sflag:s8] =	ssyncadd.s32 @!p2 s21;
	s8 =	sshrl.u32 @!p2 s17, $0x3  }
0xaf: {  	s2 =	sadd.s32 @!p2 $0xACF8, s2;
	s21 =	sand.u32 @!p2 $0x7, s17;
	s8 =	sadd.s32 @!p2 s3, s8  }
0xb0: {  	[tilespmem:s2], [sflag:$0x9] =	stream.linear.gather @!p2 [hbm4b:s8+s21], s0, $0x38;
	[tilespmem:$0x1EF78] =	vst v63  }
0xb1: {  	s21 =	ssub.s32 @!p2 $0x4CD0, s17  }
0xb2: {  	p3 =	slt.s32 @!p2 s21, $0x1  }
0xb3: {  	p3 =	por p2, p3  }
.Ltmp10:
0xb4: {  	_ = 	snop;
	(pc) =	sbr.rel @p3 .LBB3_9-.Ltmp10, $1  }
0xb5: {  	_ =	sdelay $0x3  }
0xb6: {  	s0 =	smulhi.u32 $0xAAAAAAAB, s22;
	_ =	sdelay $0x1  }
0xb7: {  	s0 =	sshrl.u32 s0, $0x1  }
0xb8: {  	s0 =	smul.u32 $0x3, s0;
	_ =	sdelay $0x1  }
0xb9: {  	s0 =	ssub.s32 s22, s0  }
0xba: {  	s2 =	simm.s32 $0x1;
	s0 =	smul.u32 $0x500, s0  }
.Ltmp11:
0xbb: {  	s2 =	simm.s32 @!p0 $0x0;
	(pc) =	sbr.rel .LBB3_6-.Ltmp11, $4  }
0xbc: {  	s2 =	smul.u32 $0x28000, s2  }
0xbd: {  	p3 =	slt.s32 @!p2 s21, $0x140;
	s0 =	sshrl.u32 s0, $0x2  }
0xbe: {  	p2 =	por !p3, p2;
	s2 =	sshrl.u32 s2, $0x2;
	s0 =	sadd.s32 $0xA938, s0  }
0xbf: {  	s23 =	simm.s32 $0x0;
	s21 =	simm.s32 @p2 $0x140;
	s22 =	sadd.s32 $0xAF78, s2;
	v1 =	vmov s0  }
.LBB3_5:
0xc0: {  	p2 =	sge.s32 s23, s21  }
.Ltmp12:
0xc1: {  	_ = 	snop;
	(pc) =	sbr.rel @p2 .LBB3_9-.Ltmp12, $2  }
0xc2: {  	_ =	sdelay $0x2  }
0xc3: {  	s22 =	sadd.s32 $0x800, s22  }
.LBB3_6:
0xc4: {  	p2 =	sle.s32 s21, s23  }
.Ltmp13:
0xc5: {  	_ = 	snop;
	(pc) =	sbr.rel @p2 .LBB3_5-.Ltmp13, $2  }
0xc6: {  	_ =	sdelay $0x2  }
0xc7: {  	s24 =	smov.u32 s23;
	s23 =	sadd.s32 $0x10, s23  }
0xc8: {  	s0 =	ssub.s32 s21, s24  }
0xc9: {  	p2 =	slt.s32 s0, $0x10  }
0xca: {  	s0 =	simm.s32 @!p2 $0x10  }
0xcb: {  	v2 =	vmov s0  }
0xcc: {  	vm0 =	vgt.s32 v2, v0;
	_ =	sdelay $0x5  }
0xcd: {  	v2 =	vld.idx.msk [tilespmem:v1+s24+$0x0 ss:$0x1], vm0;
	_ =	sdelay $0x2  }
0xce: {  	p2 =	slt.s32 s23, s21;
	s0 =	smov.u32 s21  }
0xcf: {  	s2 =	smov.u32 s22;
	s25 =	simm.s32 $0x0;
	s0 =	smov.u32 @p2 s23  }
.LBB3_8:
0xd0: {  	(v2sf) =	vpush v2, s25;
	_ =	sdelay $0xc  }
0xd1: {  	s25 =	sadd.s32 $0x1, s25  }
0xd2: {  	s31 =	sadd.s32 s25, s24  }
0xd3: {  	p2 =	slt.s32 s31, s0;
	s8 =	spop (v2sf)  }
.Ltmp14:
0xd4: {  	s8 =	sshll.u32 s8, $0x4;
	(pc) =	sbr.rel @p2 .LBB3_8-.Ltmp14, $4  }
0xd5: {  	s8 =	sand.u32 $0x1FFFFFF0, s8  }
0xd6: {  	s8 =	sadd.s32 s4, s8  }
0xd7: {  	[tilespmem:s2], [sflag:$0x7] =	stream.linear.gather [hbm4b:s8+s15], $0x40, $0x38;
	[tilespmem:$0x1EF78] =	vst v63  }
0xd8: {  	s2 =	sadd.s32 $0x80, s2  }
.Ltmp15:
0xd9: {  	_ = 	snop;
	(pc) =	sbr.rel .LBB3_5-.Ltmp15, $1  }
0xda: {  	_ =	sdelay $0x3  }
.LBB3_9:
0xdb: {  	p2 =	slt.u32 s19, $0x2  }
.Ltmp16:
0xdc: {  	_ = 	snop;
	(pc) =	sbr.rel @p2 .LBB3_27-.Ltmp16, $1  }
0xdd: {  	_ =	sdelay $0x3  }
0xde: {  	p2 =	sgt.s32 s20, $0x4B90;
	s0 =	smov.u32 s20  }
0xdf: {  	s2 =	sshra.s32 s20, $0x1F;
	s8 =	ssub.s32 $0x4CD0, s20;
	s0 =	simm.s32 @!p2 $0x4B90  }
0xe0: {  	s2 =	sand.u32 s2, s20;
	p2 =	slt.s32 s8, $0x140;
	s21 =	smov.u32 s8  }
0xe1: {  	s0 =	ssub.s32 s0, s2;
	s21 =	simm.s32 @!p2 $0x140  }
0xe2: {  	s0 =	sadd.s32 $0xFFFFB470, s0;
	s26 =	sshll.u32 s21, $0x6  }
0xe3: {  	s9 =	simm.s32 $0x7;
	s29 =	sshll.u32 s0, $0x2;
	s2 =	sand.u32 $0x3FFFFFC0, s26  }
0xe4: {  	p2 =	sgt.s32 s0, $0x13F;
	s30 =	ssub.s32 $0x500, s29;
	_ =	swait.ge [sflag:s9], s2  }
0xe5: {  	s2 =	ssub.s32 $0x0, s2;
	[sflag:s9] =	ssyncset.done $0x0;
	s0 =	sshrl.u32 s30, $0x2  }
0xe6: {  	[sflag:s9] =	ssyncadd.s32 s2;
	s0 =	simm.s32 @p2 $0x0  }
0xe7: {  	_ =	swait.ge [sflag:s10], s0  }
0xe8: {  	s0 =	ssub.s32 $0x0, s0;
	[sflag:s10] =	ssyncset.done $0x0  }
0xe9: {  	[sflag:s10] =	ssyncadd.s32 s0  }
0xea: {  	v1 =	vld [tilespmem:$0xA108];
	_ =	sdelay $0x4  }
0xeb: {  	(v2sf) =	vpush v1, $0x0  }
0xec: {  	(v2sf) =	vpush v1, $0x1  }
0xed: {  	(v2sf) =	vpush v1, $0x2;
	_ =	sdelay $0x3  }
0xee: {  	s0 =	sadd.s32 $0x140, s20  }
0xef: {  	p2 =	slt.s32 s7, s0  }
0xf0: {  	s0 =	smov.u32 @p2 s7;
	p2 =	sgt.s32 s8, $0x0  }
0xf1: {  	s24 =	ssub.s32 s0, s20;
	s8 =	simm.s32 @!p2 $0x0  }
0xf2: {  	p2 =	slt.s32 s8, s24  }
0xf3: {  	s24 =	smov.u32 @p2 s8  }
0xf4: {  	s23 =	simm.s32 $0x1;
	p2 =	slt.s32 s24, $0x1  }
.Ltmp17:
0xf5: {  	s23 =	simm.s32 @!p1 $0x0;
	(pc) =	sbr.rel @p2 .LBB3_14-.Ltmp17, $4  }
0xf6: {  	s31 =	smul.u32 $0x500, s23  }
0xf7: {  	s25 =	spop (v2sf)  }
0xf8: {  	s0 =	sshrl.u32 s31, $0x2;
	s28 =	spop (v2sf)  }
0xf9: {  	s21 =	sadd.s32 $0xACF8, s0;
	s20 =	spop (v2sf)  }
0xfa: {  	s0 =	smin.u32 s24, $0x10  }
0xfb: {  	v1 =	vmov s0  }
0xfc: {  	p3 =	sgt.s32 s24, $0x10;
	vm1 =	vgt.u32 v1, v0  }
.Ltmp18:
0xfd: {  	_ = 	snop;
	(pc) =	sbr.rel @!p3 .LBB3_13-.Ltmp18, $2  }
0xfe: {  	_ =	sdelay $0x2  }
0xff: {  	s26 =	simm.s32 $0x10;
	s29 =	sadd.s32 $0xFFFFFFF0, s24;
	s22 =	smov.u32 s21;
	vm0 =	vmmov vm1  }
.LBB3_12:
0x100: {  	s0 =	smin.u32 s29, $0x10;
	s26 =	sadd.s32 $0x10, s26;
	v1 =	vld.msk [tilespmem:s22+$0x0 ss:$0x1], vm1  }
0x101: {  	v2 =	vmov s0;
	p3 =	slt.s32 s26, s24  }
0x102: {  	vm1 =	vgt.u32 v2, v0  }
.Ltmp19:
0x103: {  	(pc) =	sbr.rel @p3 .LBB3_12-.Ltmp19, $3  }
0x104: {  	_ =	sdelay $0x1  }
0x105: {  	v1 =	vshll.u32 v1, $0x4  }
0x106: {  	s29 =	sadd.s32 $0xFFFFFFF0, s29;
	[tilespmem:s22+$0x0] =	vst.msk vm0, v1;
	s22 =	sadd.s32 $0x10, s22;
	vm0 =	vmmov vm1  }
.LBB3_13:
0x107: {  	_ =	sdelay $0x4  }
0x108: {  	v1 =	vld.msk [tilespmem:s22+$0x0 ss:$0x1], vm1;
	_ =	sdelay $0x4  }
0x109: {  	v1 =	vshll.u32 v1, $0x4  }
0x10a: {  	[tilespmem:s22+$0x0] =	vst.msk vm0, v1  }
.LBB3_14:
0x10b: {  	s0 =	sand.u32 $0x1, s19  }
0x10c: {  	s2 =	smul.u32 $0xA000, s0  }
0x10d: {  	p3 =	sne.s32 s28, $0xFFFFFFFF;
	s0 =	smul.u32 $0x140, s0  }
0x10e: {  	v1 =	vld @!p3 [tilespmem:s2+$0xAF78]  }
0x10f: {  	v2 =	vld.msk @!p3 [tilespmem:s0+$0xACF8], $0x1;
	_ =	sdelay $0x3  }
0x110: {  	[tilespmem:$0x88] =	vst @!p3 v1  }
0x111: {  	(v2sf) =	vpush @!p3 v2, $0x0;
	v1 =	vld @!p3 [tilespmem:s2+$0xAF88];
	_ =	sdelay $0x4  }
0x112: {  	[tilespmem:$0x98] =	vst @!p3 v1  }
0x113: {  	v1 =	vld @!p3 [tilespmem:s2+$0xAF98];
	_ =	sdelay $0x4  }
0x114: {  	[tilespmem:$0xA8] =	vst @!p3 v1  }
0x115: {  	v1 =	vld @!p3 [tilespmem:s2+$0xAFA8]  }
.Ltmp20:
0x116: {  	_ = 	snop;
	(pc) =	sbr.rel @p2 .LBB3_25-.Ltmp20, $4  }
0x117: {  	_ = 	snop  }
0x118: {  	s26 =	spop @!p3 (v2sf)  }
0x119: {  	s20 =	simm.s32 @!p3 $0x0;
	s22 =	smov.u32 s26  }
0x11a: {  	s26 =	smov.u32 @p3 s25;
	s22 =	smov.u32 @p3 s28;
	[tilespmem:$0xB8] =	vst @!p3 v1;
	[sflag:s16] =	ssyncpa.u1 $0x0  }
0x11b: {  	v1 =	vld.msk [tilespmem:s21+$0x0], $0x1;
	_ =	sdelay $0x4  }
0x11c: {  	(v2sf) =	vpush v1, $0x0;
	_ =	sdelay $0xe  }
0x11d: {  	s0 =	smul.u32 $0x28000, s23;
	s30 =	spop (v2sf)  }
0x11e: {  	s24 =	ssub.s32 $0x0, s24;
	p2 =	seq.s32 s26, s30  }
0x11f: {  	s28 =	sadd.s32 $0x1, s24;
	s0 =	sshrl.u32 s0, $0x2;
	p3 =	sgt.s32 @!p2 s26, $0x0  }
0x120: {  	s23 =	sadd.s32 $0xAF98, s0;
	s0 =	smov.u32 s26;
	p3 =	por !p3, p2  }
0x121: {  	s0 =	simm.s32 @p3 $0x0;
	p3 =	seq.s32 s28, $0x0  }
.Ltmp21:
0x122: {  	_ = 	snop;
	(pc) =	sbr.rel @p3 .LBB3_17-.Ltmp21, $4  }
0x123: {  	_ = 	snop  }
0x124: {  	s25 =	simm.s32 $0x0;
	s31 =	simm.s32 @!p2 $0x1;
	s2 =	smin.u32 @!p2 s0, $0x4CF8  }
0x125: {  	s29 =	sadd.s32 $0x1, s21;
	s31 =	smov.u32 @p2 s25;
	s8 =	sand.u32 @!p2 $0x7FF8, s2  }
0x126: {  	s0 =	simm.s32 @!p2 $0x50C8;
	s2 =	sand.u32 @!p2 $0x7, s2;
	s8 =	sadd.s32 @!p2 s1, s8  }
.LBB3_16:
0x127: {  	s9 =	smov.u32 s31  }
0x128: {  	[tilespmem:s0], [sflag:$0x2] =	stream.linear.gather @!p2 [hbm4b:s8+s2], $0x40, $0x38;
	[tilespmem:$0x1EF78] =	vst v63  }
0x129: {  	s28 =	sadd.s32 $0x1, s28;
	s2 =	smov.u32 s30;
	v1 =	vld.msk [tilespmem:s29+$0x0], $0x1  }
0x12a: {  	p3 =	seq.s32 s28, $0x0;
	_ =	sdelay $0x3  }
0x12b: {  	(v2sf) =	vpush v1, $0x0;
	_ =	sdelay $0xe  }
0x12c: {  	s30 =	spop (v2sf)  }
0x12d: {  	p2 =	seq.s32 s2, s30  }
0x12e: {  	p4 =	sgt.s32 @!p2 s2, $0x0;
	s0 =	sshll.u32 @!p2 s31, $0x8;
	s31 =	sadd.s32 @!p2 $0x1, s31  }
.Ltmp22:
0x12f: {  	p4 =	por !p4, p2;
	s0 =	sshra.s32 @!p2 s0, $0x2;
	(pc) =	sbr.rel @!p3 .LBB3_16-.Ltmp22, $4  }
0x130: {  	s31 =	smov.u32 @p2 s9;
	s2 =	simm.s32 @p4 $0x0;
	s0 =	sadd.s32 @!p2 $0x50C8, s0  }
0x131: {  	s2 =	smin.u32 @!p2 s2, $0x4CF8  }
0x132: {  	s8 =	sand.u32 @!p2 $0x7FF8, s2;
	s2 =	sand.u32 @!p2 $0x7, s2  }
0x133: {  	s29 =	sadd.s32 $0x1, s29;
	s8 =	sadd.s32 @!p2 s1, s8  }
.LBB3_17:
0x134: {  	[tilespmem:s0], [sflag:$0x2] =	stream.linear.gather @!p2 [hbm4b:s8+s2], $0x40, $0x38;
	[tilespmem:$0x1EF78] =	vst v63  }
.Ltmp23:
0x135: {  	s30 =	sshll.u32 s31, $0x6;
	(pc) =	sbr.rel .LBB3_18-.Ltmp23, $4  }
0x136: {  	s31 =	simm.s32 $0x2;
	s0 =	sand.u32 $0x3FFFFFC0, s30  }
0x137: {  	_ =	swait.ge [sflag:s31], s0  }
0x138: {  	s0 =	ssub.s32 $0x0, s0;
	[sflag:s31] =	ssyncset.done $0x0  }
0x139: {  	s29 =	simm.s32 $0x0;
	[sflag:s31] =	ssyncadd.s32 s0  }
.LBB3_19:
0x13a: {  	v1 =	vld [tilespmem:s23+$0xFFFFFFE0]  }
0x13b: {  	v2 =	vld [tilespmem:s30+$0x88];
	_ =	sdelay $0x4  }
0x13c: {  	v1 =	vmax.f32 v1, v2  }
0x13d: {  	v2 =	vld [tilespmem:s30+$0x98];
	[tilespmem:s30+$0x88] =	vst v1  }
0x13e: {  	v1 =	vld [tilespmem:s23+$0xFFFFFFF0];
	_ =	sdelay $0x4  }
0x13f: {  	v1 =	vmax.f32 v1, v2  }
0x140: {  	v2 =	vld [tilespmem:s30+$0xA8];
	[tilespmem:s30+$0x98] =	vst v1  }
0x141: {  	v1 =	vld [tilespmem:s23+$0x0];
	_ =	sdelay $0x4  }
0x142: {  	v1 =	vmax.f32 v1, v2  }
0x143: {  	v2 =	vld [tilespmem:s30+$0xB8];
	[tilespmem:s30+$0xA8] =	vst v1  }
0x144: {  	v1 =	vld [tilespmem:s23+$0x10];
	_ =	sdelay $0x4  }
0x145: {  	v1 =	vmax.f32 v1, v2  }
0x146: {  	[tilespmem:s30+$0xB8] =	vst v1  }
.LBB3_23:
0x147: {  	s24 =	sadd.s32 $0x1, s24  }
0x148: {  	p2 =	seq.s32 s24, $0x0  }
.Ltmp24:
0x149: {  	_ = 	snop;
	(pc) =	sbr.rel @p2 .LBB3_24-.Ltmp24, $2  }
0x14a: {  	_ =	sdelay $0x2  }
0x14b: {  	s23 =	sadd.s32 $0x80, s23;
	s21 =	sadd.s32 $0x1, s21;
	s26 =	smov.u32 s28  }
.LBB3_18:
0x14c: {  	v1 =	vld.msk [tilespmem:s21+$0x0], $0x1;
	_ =	sdelay $0x4  }
0x14d: {  	(v2sf) =	vpush v1, $0x0;
	_ =	sdelay $0xe  }
0x14e: {  	s28 =	spop (v2sf)  }
0x14f: {  	p2 =	sne.s32 s26, s28  }
.Ltmp25:
0x150: {  	_ = 	snop;
	(pc) =	sbr.rel @!p2 .LBB3_19-.Ltmp25, $3  }
0x151: {  	_ =	sdelay $0x1  }
0x152: {  	s0 =	sshll.u32 s20, $0x8  }
0x153: {  	s30 =	sshra.s32 s0, $0x2  }
0x154: {  	p2 =	seq.s32 s26, s22  }
.Ltmp26:
0x155: {  	_ = 	snop;
	(pc) =	sbr.rel @!p2 .LBB3_21-.Ltmp26, $1  }
0x156: {  	_ =	sdelay $0x3  }
.Ltmp27:
0x157: {  	s0 =	sadd.s32 $0x88, s30;
	(pc) =	sbr.rel .LBB3_22-.Ltmp27, $4  }
0x158: {  	[spmem:s13] =	stream.linear.scatter [tilespmem:s0], [sflag:$0x1], $0x40, $0x38;
	[tilespmem:$0x1EF78] =	vst v63  }
0x159: {  	_ =	swait.ge [sflag:s11], $0x40  }
0x15a: {  	[sflag:s11] =	ssyncset.done $0x0  }
0x15b: {  	[sflag:s11] =	ssyncadd.s32 $0xFFFFFFC0  }
.LBB3_21:
0x15c: {  	s0 =	sshll.u32 s25, $0x8  }
0x15d: {  	v2 =	vld [tilespmem:s30+$0x88];
	s0 =	sshra.s32 s0, $0x2  }
0x15e: {  	v1 =	vld [tilespmem:s0+$0x50C8];
	_ =	sdelay $0x4  }
0x15f: {  	v1 =	vmax.f32 v1, v2  }
0x160: {  	v2 =	vld [tilespmem:s30+$0x98];
	[tilespmem:s30+$0x88] =	vst v1  }
0x161: {  	v1 =	vld [tilespmem:s0+$0x50D8];
	_ =	sdelay $0x4  }
0x162: {  	v1 =	vmax.f32 v1, v2  }
0x163: {  	v2 =	vld [tilespmem:s30+$0xA8];
	[tilespmem:s30+$0x98] =	vst v1  }
0x164: {  	v1 =	vld [tilespmem:s0+$0x50E8];
	_ =	sdelay $0x4  }
0x165: {  	v1 =	vmax.f32 v1, v2  }
0x166: {  	v2 =	vld [tilespmem:s30+$0xB8];
	[tilespmem:s30+$0xA8] =	vst v1  }
0x167: {  	v1 =	vld [tilespmem:s0+$0x50F8];
	_ =	sdelay $0x3  }
0x168: {  	p2 =	sgt.u32 s26, $0x4CF8  }
0x169: {  	s0 =	sand.u32 @!p2 $0x7FF8, s26;
	v1 =	vmax.f32 v1, v2  }
0x16a: {  	s2 =	sadd.s32 $0x88, s30;
	s8 =	sand.u32 @!p2 $0x7, s26;
	s0 =	sadd.s32 @!p2 s1, s0;
	[tilespmem:s30+$0xB8] =	vst v1  }
0x16b: {  	[hbm4b:s0+s8] =	stream.linear.scatter @!p2 [tilespmem:s2], [sflag:$0xA], $0x40, $0x38;
	[tilespmem:$0x1EF78] =	vst v63  }
0x16c: {  	s0 =	simm.s32 $0x0  }
0x16d: {  	s0 =	simm.s32 @!p2 $0x100  }
0x16e: {  	s29 =	sadd.s32 s0, s29  }
.LBB3_22:
0x16f: {  	s0 =	sadd.s32 $0x1, s20  }
0x170: {  	s2 =	smulhi.u32 $0xCCCCCCCD, s0;
	_ =	sdelay $0x1  }
0x171: {  	v1 =	vld [tilespmem:s23+$0xFFFFFFE0];
	s2 =	sshrl.u32 s2, $0x8  }
0x172: {  	s2 =	smul.u32 $0x140, s2;
	_ =	sdelay $0x1  }
0x173: {  	s20 =	ssub.s32 s0, s2  }
0x174: {  	s0 =	sshll.u32 s20, $0x6  }
0x175: {  	[tilespmem:s0+$0x88] =	vst v1  }
0x176: {  	v1 =	vld [tilespmem:s23+$0xFFFFFFF0];
	_ =	sdelay $0x4  }
0x177: {  	[tilespmem:s0+$0x98] =	vst v1  }
0x178: {  	v1 =	vld [tilespmem:s23+$0x0];
	_ =	sdelay $0x4  }
0x179: {  	[tilespmem:s0+$0xA8] =	vst v1  }
0x17a: {  	v1 =	vld [tilespmem:s23+$0x10]  }
.Ltmp28:
0x17b: {  	_ = 	snop;
	(pc) =	sbr.rel .LBB3_23-.Ltmp28, $2  }
0x17c: {  	_ =	sdelay $0x2  }
0x17d: {  	s25 =	sadd.s32 $0x1, s25;
	[tilespmem:s0+$0xB8] =	vst v1  }
.LBB3_25:
.Ltmp29:
0x17e: {  	(pc) =	sbr.rel .LBB3_26-.Ltmp29, $4  }
0x17f: {  	_ = 	snop  }
0x180: {  	s0 =	simm.s32 $0x2  }
0x181: {  	_ =	swait.ge [sflag:s0], $0x0  }
0x182: {  	s28 =	smov.u32 s26;
	[sflag:s0] =	ssyncset.done $0x0;
	s0 =	simm.s32 $0x0  }
.LBB3_28:
0x183: {  	_ =	sfence.sel $0x180000  }
0x184: {  	s0 =	simm.s32 $0x7;
	[bflag:$0x0] =	sbarrier.arrive $0xFFFF  }
0x185: {  	s25 =	simm.s32 $0x8;
	[sflag:s0] =	ssyncpa.u1 $0x1  }
0x186: {  	s26 =	simm.s32 $0x9;
	[sflag:s25] =	ssyncpa.u1 $0x1  }
0x187: {  	s28 =	simm.s32 $0x2;
	[sflag:s26] =	ssyncpa.u1 $0x1  }
0x188: {  	[sflag:s28] =	ssyncpa.u1 $0x1  }
0x189: {  	v0 =	vld [tilespmem:$0xA108];
	_ =	sdelay $0x4  }
0x18a: {  	(v2sf) =	vpush v0, $0x0  }
0x18b: {  	(v2sf) =	vpush v0, $0x1;
	_ =	sdelay $0x1  }
0x18c: {  	(v2sf) =	vpush v0, $0x2;
	_ =	sdelay $0xb  }
0x18d: {  	s0 =	spop (v2sf)  }
0x18e: {  	s2 =	spop (v2sf)  }
0x18f: {  	s3 =	smov.u32 s0;
	p0 =	sne.s32 s0, s2  }
0x190: {  	s4 =	spop (v2sf);
	s3 =	simm.s32 @!p0 $0xFFFFFFFF  }
0x191: {  	v2 =	vimm.s32 $0x1;
	v3 =	vlaneseq.u32;
	p0 =	seq.s32 s4, $0xFFFFFFFF;
	v1 =	vmov s3  }
0x192: {  	s7 =	stileid.u32;
	v0 =	vperm.xlane v0, v2;
	p1 =	sne.s32 @!p0 s0, s2;
	v1 =	vperm.xlane v1, v3  }
0x193: {  	vm0 =	vcmask $0x3F04;
	s6 =	simm.s32 $0xA108;
	s0 =	simm.s32 @!p0 $0x1;
	p1 =	por !p1, p0  }
0x194: {  	s3 =	sshll.u32 s7, $0x1;
	s2 =	sshll.u32 @!p0 s4, $0x8;
	s0 =	simm.s32 @p1 $0x0;
	v0 =	vsel vm0, v1, v0  }
0x195: {  	s5 =	sor.u32 $0x800, s3;
	s2 =	sshra.s32 @!p0 s2, $0x2;
	s0 =	sor.u32 @!p0 s0, s3;
	[tilespmem:$0xA108] =	vst v0  }
0x196: {  	[spmem:s5] =	stream.linear.scatter [tilespmem:s6], [sflag:$0x1], $0x2, $0x38;
	[tilespmem:$0x1EF78] =	vst v63  }
0x197: {  	s2 =	sadd.s32 @!p0 $0x88, s2;
	s0 =	sshll.u32 @!p0 s0, $0x6  }
0x198: {  	[spmem:s0] =	stream.linear.scatter @!p0 [tilespmem:s2], [sflag:$0x1], $0x40, $0x38;
	[tilespmem:$0x1EF78] =	vst v63  }
0x199: {  	s2 =	simm.s32 @!p0 $0x42  }
0x19a: {  	s0 =	simm.s32 $0x1;
	s2 =	simm.s32 @p0 $0x2  }
0x19b: {  	_ =	swait.ge [sflag:s0], s2  }
0x19c: {  	s2 =	ssub.s32 $0x0, s2;
	[sflag:s0] =	ssyncset.done $0x0  }
0x19d: {  	[sflag:s0] =	ssyncadd.s32 s2  }
0x19e: {  	_ =	sfence.stream.spmem  }
0x19f: {  	s29 =	simm.s32 $0x3;
	[bflag:$0x0] =	sbarrier.arrive $0xFFFF  }
0x1a0: {  	s30 =	simm.s32 $0x4;
	[sflag:s29] =	ssyncpa.u1 $0x1  }
0x1a1: {  	s31 =	simm.s32 $0x3C;
	[sflag:s30] =	ssyncpa.u1 $0x1  }
0x1a2: {  	p0 =	sne.s32 s7, $0x0;
	[sflag:s31] =	ssyncpa.u1 $0x1  }
0x1a3: {  	_ =	sfence @p0  }
0x1a4: {  	[sflag:s0] =	ssyncpa.u1 @p0 $0x1  }
0x1a5: {  	_ =	strace @p0 $0x90000050  }
0x1a6: {  	[bflag:$0x2] =	sbarrier.arrive @p0 $0xFFFF  }
0x1a7: {  	_ =	shalt @p0  }
.LBB3_29:
0x1a8: {  	_ =	sfence.stream.spmem;
	s0 =	simm.s32 $0x5  }
0x1a9: {  	s2 =	simm.s32 $0x800;
	s3 =	simm.s32 $0xA118;
	[sflag:s0] =	ssyncpa.u1 $0x0  }
0x1aa: {  	[tilespmem:s3], [sflag:$0x5] =	stream.linear.gather [spmem:s2], $0x20, $0x38;
	[tilespmem:$0x1EF78] =	vst v63  }
0x1ab: {  	s30 =	simm.s32 $0xA138;
	s2 =	simm.s32 $0x0  }
0x1ac: {  	[tilespmem:s30], [sflag:$0x5] =	stream.linear.gather [spmem:s2], $0x800, $0x38;
	[tilespmem:$0x1EF78] =	vst v63  }
.Ltmp30:
0x1ad: {  	_ = 	snop;
	(pc) =	sbr.rel .LBB3_30-.Ltmp30, $4  }
0x1ae: {  	_ =	swait.ge [sflag:s0], $0x820  }
0x1af: {  	[sflag:s0] =	ssyncset.done $0x0  }
0x1b0: {  	s31 =	simm.s32 $0x6;
	[sflag:s0] =	ssyncadd.s32 $0xFFFFF7E0  }
0x1b1: {  	s3 =	simm.s32 $0x0;
	[sflag:s31] =	ssyncpa.u1 $0x0  }
.LBB3_36:
0x1b2: {  	p0 =	slt.u32 s4, $0x4CF9  }
0x1b3: {  	s0 =	sand.u32 @p0 $0x7FF8, s4  }
0x1b4: {  	s4 =	sand.u32 @p0 $0x7, s4;
	s5 =	simm.s32 @p0 $0xA0C8;
	s0 =	sadd.s32 @p0 s1, s0  }
0x1b5: {  	[tilespmem:s5], [sflag:$0x6] =	stream.linear.gather @p0 [hbm4b:s0+s4], $0x40, $0x38;
	[tilespmem:$0x1EF78] =	vst v63  }
0x1b6: {  	s0 =	simm.s32 @p0 $0x6  }
0x1b7: {  	_ =	swait.ge @p0 [sflag:s0], $0x40  }
0x1b8: {  	[sflag:s0] =	ssyncset.done @p0 $0x0  }
0x1b9: {  	[sflag:s0] =	ssyncadd.s32 @p0 $0xFFFFFFC0;
	s0 =	sshll.u32 @p0 s3, $0x8  }
0x1ba: {  	s4 =	sshrl.u32 @p0 s0, $0x2;
	v1 =	vld @p0 [tilespmem:$0xA0C8]  }
0x1bb: {  	v2 =	vld @p0 [tilespmem:s4+$0xA138];
	_ =	sdelay $0x4  }
0x1bc: {  	v1 =	vmax.f32 @p0 v1, v2  }
0x1bd: {  	v2 =	vld @p0 [tilespmem:s4+$0xA148];
	[tilespmem:s4+$0xA138] =	vst @p0 v1  }
0x1be: {  	v1 =	vld @p0 [tilespmem:$0xA0D8];
	_ =	sdelay $0x4  }
0x1bf: {  	v1 =	vmax.f32 @p0 v1, v2  }
0x1c0: {  	v2 =	vld @p0 [tilespmem:s4+$0xA158];
	[tilespmem:s4+$0xA148] =	vst @p0 v1  }
0x1c1: {  	v1 =	vld @p0 [tilespmem:$0xA0E8];
	_ =	sdelay $0x4  }
0x1c2: {  	v1 =	vmax.f32 @p0 v1, v2  }
0x1c3: {  	v2 =	vld @p0 [tilespmem:s4+$0xA168];
	[tilespmem:s4+$0xA158] =	vst @p0 v1  }
0x1c4: {  	v1 =	vld @p0 [tilespmem:$0xA0F8];
	_ =	sdelay $0x4  }
0x1c5: {  	s5 =	sshll.u32 @!p0 s3, $0x8;
	v1 =	vmax.f32 @p0 v1, v2  }
0x1c6: {  	s5 =	smov.u32 @p0 s0;
	[tilespmem:s4+$0xA168] =	vst @p0 v1  }
0x1c7: {  	s0 =	sshrl.u32 s5, $0x2;
	[tilespmem:s2+$0xA118] =	vst.msk $0x1, v0  }
0x1c8: {  	v0 =	vld [tilespmem:s0+$0xA138];
	_ =	sdelay $0x2  }
0x1c9: {  	s31 =	sshll.u32 s2, $0x8  }
0x1ca: {  	s4 =	sshra.s32 s31, $0x2  }
0x1cb: {  	[tilespmem:s4+$0xA138] =	vst v0  }
0x1cc: {  	v0 =	vld [tilespmem:s0+$0xA148];
	_ =	sdelay $0x4  }
0x1cd: {  	[tilespmem:s4+$0xA148] =	vst v0  }
0x1ce: {  	v0 =	vld [tilespmem:s0+$0xA158];
	_ =	sdelay $0x4  }
0x1cf: {  	[tilespmem:s4+$0xA158] =	vst v0  }
0x1d0: {  	v0 =	vld [tilespmem:s0+$0xA168];
	_ =	sdelay $0x4  }
0x1d1: {  	s2 =	sadd.s32 $0x1, s2;
	[tilespmem:s4+$0xA168] =	vst v0  }
.LBB3_37:
0x1d2: {  	s3 =	sadd.s32 $0x1, s3  }
0x1d3: {  	p0 =	sne.s32 s3, $0x20  }
.Ltmp31:
0x1d4: {  	_ = 	snop;
	(pc) =	sbr.rel @!p0 .LBB3_38-.Ltmp31, $1  }
0x1d5: {  	_ =	sdelay $0x3  }
.LBB3_30:
0x1d6: {  	v0 =	vld.msk [tilespmem:s3+$0xA118], $0x1;
	_ =	sdelay $0x4  }
0x1d7: {  	(v2sf) =	vpush v0, $0x0;
	_ =	sdelay $0xe  }
0x1d8: {  	s4 =	spop (v2sf)  }
0x1d9: {  	p0 =	seq.s32 s4, $0xFFFFFFFF  }
.Ltmp32:
0x1da: {  	_ = 	snop;
	(pc) =	sbr.rel @p0 .LBB3_37-.Ltmp32, $1  }
0x1db: {  	_ =	sdelay $0x3  }
0x1dc: {  	p0 =	slt.s32 s2, $0x1  }
.Ltmp33:
0x1dd: {  	_ = 	snop;
	(pc) =	sbr.rel @p0 .LBB3_36-.Ltmp33, $1  }
0x1de: {  	_ =	sdelay $0x3  }
0x1df: {  	s5 =	simm.s32 $0xA118;
	p0 =	por $0x0, $0x0  }
0x1e0: {  	v1 =	vld.msk @!p0 [tilespmem:s5+$0x0], $0x1;
	_ =	sdelay $0x4  }
0x1e1: {  	(v2sf) =	vpush @!p0 v1, $0x0;
	_ =	sdelay $0xd  }
0x1e2: {  	p2 =	sne.s32 s2, $0x1  }
.Ltmp34:
0x1e3: {  	s0 =	spop @!p0 (v2sf);
	(pc) =	sbr.rel @!p2 .LBB3_34-.Ltmp34, $4  }
0x1e4: {  	p1 =	seq.s32 @!p0 s4, s0  }
0x1e5: {  	s6 =	simm.s32 $0x0;
	p1 =	por !p1, p0  }
0x1e6: {  	s0 =	simm.s32 $0xFFFFFFFF;
	s6 =	simm.s32 @p1 $0xFFFFFFFF  }
0x1e7: {  	s7 =	simm.s32 $0x1;
	s6 =	smov.u32 @p0 s0  }
.LBB3_33:
0x1e8: {  	s0 =	smov.u32 s6;
	p0 =	sne.s32 s6, $0xFFFFFFFF  }
0x1e9: {  	s5 =	sadd.s32 $0x1, s5;
	s6 =	smov.u32 s7;
	s7 =	sadd.s32 $0x1, s7  }
0x1ea: {  	p1 =	sne.s32 s2, s7;
	v1 =	vld.msk @!p0 [tilespmem:s5+$0x0], $0x1;
	_ =	sdelay $0x4  }
0x1eb: {  	(v2sf) =	vpush @!p0 v1, $0x0;
	_ =	sdelay $0xe  }
.Ltmp35:
0x1ec: {  	s8 =	spop @!p0 (v2sf);
	(pc) =	sbr.rel @p1 .LBB3_33-.Ltmp35, $4  }
0x1ed: {  	p2 =	seq.s32 @!p0 s4, s8  }
0x1ee: {  	p2 =	por !p2, p0  }
0x1ef: {  	s6 =	simm.s32 @p2 $0xFFFFFFFF  }
0x1f0: {  	s6 =	smov.u32 @p0 s0  }
.LBB3_34:
0x1f1: {  	p0 =	seq.s32 s6, $0xFFFFFFFF  }
.Ltmp36:
0x1f2: {  	_ = 	snop;
	(pc) =	sbr.rel @p0 .LBB3_36-.Ltmp36, $1  }
0x1f3: {  	_ =	sdelay $0x3  }
0x1f4: {  	s0 =	sshll.u32 s3, $0x6  }
0x1f5: {  	s4 =	sshll.u32 s6, $0x8;
	s0 =	sand.u32 $0x3FFFFFC0, s0  }
0x1f6: {  	s4 =	sshra.s32 s4, $0x2;
	v0 =	vld [tilespmem:s0+$0xA138]  }
0x1f7: {  	v1 =	vld [tilespmem:s4+$0xA138];
	_ =	sdelay $0x4  }
0x1f8: {  	v0 =	vmax.f32 v0, v1  }
0x1f9: {  	v61 =	vld [tilespmem:s4+$0xA148];
	[tilespmem:s4+$0xA138] =	vst v0  }
0x1fa: {  	v0 =	vld [tilespmem:s0+$0xA148];
	_ =	sdelay $0x4  }
0x1fb: {  	v0 =	vmax.f32 v0, v61  }
0x1fc: {  	v62 =	vld [tilespmem:s4+$0xA158];
	[tilespmem:s4+$0xA148] =	vst v0  }
0x1fd: {  	v0 =	vld [tilespmem:s0+$0xA158];
	_ =	sdelay $0x4  }
0x1fe: {  	v0 =	vmax.f32 v0, v62  }
0x1ff: {  	v63 =	vld [tilespmem:s4+$0xA168];
	[tilespmem:s4+$0xA158] =	vst v0  }
0x200: {  	v0 =	vld [tilespmem:s0+$0xA168];
	_ =	sdelay $0x1  }
.Ltmp37:
0x201: {  	_ = 	snop;
	(pc) =	sbr.rel .LBB3_37-.Ltmp37, $3  }
0x202: {  	_ =	sdelay $0x1  }
0x203: {  	v0 =	vmax.f32 v0, v63  }
0x204: {  	[tilespmem:s4+$0xA168] =	vst v0  }
.LBB3_38:
0x205: {  	p0 =	slt.s32 s2, $0x1  }
.Ltmp38:
0x206: {  	_ = 	snop;
	(pc) =	sbr.rel @p0 .LBB3_42-.Ltmp38, $3  }
0x207: {  	_ =	sdelay $0x1  }
0x208: {  	s0 =	simm.s32 $0x6  }
0x209: {  	s3 =	simm.s32 $0x0;
	[sflag:s0] =	ssyncpa.u1 $0x1  }
0x20a: {  	s0 =	simm.s32 $0xA118  }
0x20b: {  	v0 =	vld.msk [tilespmem:s0+$0x0], $0x1;
	_ =	sdelay $0x4  }
0x20c: {  	(v2sf) =	vpush v0, $0x0;
	_ =	sdelay $0xe  }
0x20d: {  	s2 =	sadd.s32 $0xFFFFFFFF, s2;
	s0 =	spop (v2sf)  }
0x20e: {  	p1 =	sne.s32 s2, $0x0;
	p0 =	sgt.u32 s0, $0x4CF8  }
.Ltmp39:
0x20f: {  	s5 =	sand.u32 @!p0 $0x7FF8, s0;
	(pc) =	sbr.rel @!p1 .LBB3_41-.Ltmp39, $4  }
0x210: {  	s4 =	simm.s32 $0xA138;
	s0 =	sand.u32 @!p0 $0x7, s0;
	s5 =	sadd.s32 @!p0 s1, s5  }
0x211: {  	[hbm4b:s5+s0] =	stream.linear.scatter @!p0 [tilespmem:s4], [sflag:$0x5], $0x40, $0x38;
	[tilespmem:$0x1EF78] =	vst v63  }
0x212: {  	s0 =	simm.s32 $0x0  }
0x213: {  	s5 =	simm.s32 $0xA119;
	s0 =	simm.s32 @!p0 $0x100  }
.LBB3_40:
0x214: {  	v0 =	vld.msk [tilespmem:s5+$0x0], $0x1;
	s2 =	sadd.s32 $0xFFFFFFFF, s2;
	s3 =	sadd.s32 s3, s0  }
0x215: {  	p0 =	sne.s32 s2, $0x0;
	_ =	sdelay $0x3  }
0x216: {  	(v2sf) =	vpush v0, $0x0;
	_ =	sdelay $0xe  }
.Ltmp40:
0x217: {  	s6 =	spop (v2sf);
	(pc) =	sbr.rel @p0 .LBB3_40-.Ltmp40, $4  }
0x218: {  	s0 =	simm.s32 $0x0;
	p1 =	sgt.u32 s6, $0x4CF8  }
0x219: {  	s4 =	sadd.s32 $0x40, s4;
	s0 =	simm.s32 @!p1 $0x100;
	s7 =	sand.u32 @!p1 $0x7FF8, s6  }
0x21a: {  	s5 =	sadd.s32 $0x1, s5;
	s6 =	sand.u32 @!p1 $0x7, s6;
	s7 =	sadd.s32 @!p1 s1, s7  }
0x21b: {  	[hbm4b:s7+s6] =	stream.linear.scatter @!p1 [tilespmem:s4], [sflag:$0x5], $0x40, $0x38;
	[tilespmem:$0x1EF78] =	vst v63  }
.LBB3_41:
0x21c: {  	s0 =	sadd.s32 s3, s0  }
0x21d: {  	s3 =	sshrl.u32 s0, $0x2  }
.LBB3_42:
0x21e: {  	s0 =	simm.s32 $0x5  }
0x21f: {  	_ =	swait.ge [sflag:s0], s3  }
0x220: {  	s1 =	ssub.s32 $0x0, s3;
	[sflag:s0] =	ssyncset.done $0x0  }
0x221: {  	[sflag:s0] =	ssyncadd.s32 s1  }
0x222: {  	[sflag:s0] =	ssyncpa.u1 $0x1  }
0x223: {  	s30 =	simm.s32 $0x1;
	_ =	sfence  }
0x224: {  	[sflag:s30] =	ssyncpa.u1 $0x1  }
0x225: {  	_ =	strace $0x90000050  }
0x226: {  	[bflag:$0x2] =	sbarrier.arrive $0xFFFF  }
0x227: {  	s31 =	rddreg [dreg:$0x1]  }
0x228: {  	s0 =	sadd.s32 $0x100000, s31  }
0x229: {  	[sflag:s0] =	ssyncadd.tile.s32 $0x1;
	_ =	shalt  }
.Lfunc_end3:
_tile_overlayer_lowered:
.L_overlay_start_3:
0x22a: {  	(tag) =	ssettag $0x3  }
0x22b: {  	s0 =	rddreg [dreg:$0x0];
	s2 =	stileid.u32  }
0x22c: {  	s1 =	rddreg [dreg:$0x1];
	p0 =	sne.s32 s2, $0x0  }
0x22d: {  	s3 =	rddreg [dreg:$0x2];
	[bflag:$0x3] =	sbarrier.arrive $0xFFFF;
	s2 =	simm.s32 @!p0 $0x1C01  }
0x22e: {  	[timem:s3], [sflag:s2] =	dma.local @!p0 [hbm:s0], s1  }
0x22f: {  	s0 =	simm.s32 @!p0 $0x1  }
0x230: {  	_ =	swait.ge @!p0 [sflag:s0], s1  }
0x231: {  	s1 =	ssub.s32 @!p0 $0x0, s1;
	[sflag:s0] =	ssyncset.done @!p0 $0x0  }
0x232: {  	[sflag:s0] =	ssyncadd.s32 @!p0 s1  }
0x233: {  	[bflag:$0x3] =	sbarrier.arrive $0xFFFF  }
0x234: {  	_ =	shalt  }

</sc_bundles>
